<compile_context>
chip_gen: v7x
topology: tpu7x:2x2x1
jax: 0.10.2.dev20260603
libtpu: 0.0.44.dev20260713+nightly
codegen_flags: <defaults>
</compile_context>

<pallas_src>
import functools
import numpy as np
import jax
import jax.numpy as jnp
from jax import lax
from jax.experimental import pallas as pl
from jax.experimental.pallas import tpu as pltpu, tpu_sc as plsc

_G = 10000
_NG = 10
_K = 16
_L = 4
_XS = 128
_A = 8
_BB = 16
_RITER = 3
_DCC = 16
_NCLS = 10

_P = 625
_PPAD = 632
_NPAR_INT = 39
_NPAR_PAD = 48


def _static_tree_consts():
    lc = np.zeros((_PPAD, _K, 1), np.float32)
    rc = np.zeros((_PPAD, _K, 1), np.float32)
    j = np.arange(_K, dtype=np.float32)
    lc[:624, :, 0] = (15.0 - j) / 15.0
    rc[:624, :, 0] = j / 15.0
    lc[624, :15, 0] = (14.0 - j[:15]) / 14.0
    rc[624, :15, 0] = j[:15] / 14.0
    MLs = np.zeros((_NPAR_PAD, _PPAD), np.float32)
    MRs = np.zeros((_NPAR_PAD, _PPAD), np.float32)
    for p in range(_NPAR_INT):
        for jj in range(_K):
            c = _K * p + 1 + jj
            MLs[p, c] = (15.0 - jj) / 15.0
            MRs[p, c] = jj / 15.0
    return lc, rc, MLs, MRs


_LC, _RC, _MLS, _MRS = _static_tree_consts()

_E = np.zeros((_NCLS, _NCLS * _DCC), np.float32)
for _s in range(_NCLS):
    _E[_s, _s * _DCC:(_s + 1) * _DCC] = 1.0
_PSEL = np.zeros((_NCLS, 128), np.float32)
for _s in range(_NCLS):
    _PSEL[_s, _s] = 1.0
_I4 = np.eye(_L, dtype=np.float32)


_SC_INFO = plsc.get_sparse_core_info()
_NW = _SC_INFO.num_cores * _SC_INFO.num_subcores
_BPAD = 102400
_BPW = _BPAD // _NW
_CH = 160


def _sc_embed_gather(type_emb, token_emb, node_type, node_token):
    nchunks = _BPW // _CH

    @functools.partial(
        pl.kernel,
        mesh=plsc.VectorSubcoreMesh(core_axis_name="c", subcore_axis_name="s"),
        out_type=[
            jax.ShapeDtypeStruct((_BPAD, 128), jnp.float32),
            jax.ShapeDtypeStruct((_BPAD, 128), jnp.float32),
        ],
        scratch_types=[
            pltpu.VMEM((_CH,), jnp.int32),
            pltpu.VMEM((_CH,), jnp.int32),
            pltpu.VMEM((_CH, 128), jnp.float32),
            pltpu.VMEM((_CH, 128), jnp.float32),
            pltpu.SemaphoreType.DMA,
            pltpu.SemaphoreType.DMA,
        ],
    )
    def k(tab_t_hbm, tab_k_hbm, idx_t_hbm, idx_k_hbm, out_t_hbm, out_k_hbm,
          idx_t_v, idx_k_v, rows_t_v, rows_k_v, sem_t, sem_k):
        wid = lax.axis_index("s") * _SC_INFO.num_cores + lax.axis_index("c")
        base = wid * _BPW
        for c in range(nchunks):
            off = base + c * _CH
            pltpu.sync_copy(idx_t_hbm.at[pl.ds(off, _CH)], idx_t_v)
            pltpu.sync_copy(idx_k_hbm.at[pl.ds(off, _CH)], idx_k_v)
            cp_t = pltpu.async_copy(tab_t_hbm.at[idx_t_v], rows_t_v, sem_t)
            cp_k = pltpu.async_copy(tab_k_hbm.at[idx_k_v], rows_k_v, sem_k)
            cp_t.wait()
            pltpu.sync_copy(rows_t_v, out_t_hbm.at[pl.ds(off, _CH)])
            cp_k.wait()
            pltpu.sync_copy(rows_k_v, out_k_hbm.at[pl.ds(off, _CH)])

    idx_t = jnp.pad(node_type, (0, _BPAD - node_type.shape[0]))
    idx_k = jnp.pad(node_token, (0, _BPAD - node_token.shape[0]))
    tab_t = jnp.pad(type_emb, ((0, 0), (0, 128 - type_emb.shape[1])))
    tab_k = jnp.pad(token_emb, ((0, 0), (0, 128 - token_emb.shape[1])))
    h0t, h0k = k(tab_t, tab_k, idx_t, idx_k)
    n = node_type.shape[0]
    return jnp.concatenate([h0t[:n, :type_emb.shape[1]],
                            h0k[:n, :token_emb.shape[1]]], axis=1)


def _q(x):
    return x.astype(jnp.bfloat16).astype(jnp.float32)


def _norm_kernel(h0_ref, l2_ref):
    h0 = h0_ref[0]
    l2_ref[0] = 4.0 * jnp.sum(h0 * h0, axis=1, keepdims=True)


def _tree_kernel(h0i_ref, av_ref, lc_ref, rc_ref, mls_ref, mrs_ref,
                 wl_ref, wr_ref, wt_ref, b_ref, l2_ref, feats_ref):
    avq = _q(av_ref[0])
    SLb = jnp.sum(avq * lc_ref[...], axis=1)
    SRb = jnp.sum(avq * rc_ref[...], axis=1)
    h0iq = _q(h0i_ref[0])
    zpad = jnp.zeros((_PPAD - _NPAR_PAD, _XS), jnp.float32)
    h = h0i_ref[0]
    acc = jnp.zeros((_PPAD, 1), jnp.float32)
    for l in range(_L):
        hq = _q(h)
        dh = hq - h0iq
        dL = jnp.dot(mls_ref[...], dh, preferred_element_type=jnp.float32, precision=lax.Precision.HIGHEST)
        dR = jnp.dot(mrs_ref[...], dh, preferred_element_type=jnp.float32, precision=lax.Precision.HIGHEST)
        SL = SLb + jnp.concatenate([dL, zpad], axis=0)
        SR = SRb + jnp.concatenate([dR, zpad], axis=0)
        cs = (jnp.dot(SL, _q(wl_ref[l]), preferred_element_type=jnp.float32, precision=lax.Precision.HIGHEST)
              + jnp.dot(SR, _q(wr_ref[l]), preferred_element_type=jnp.float32, precision=lax.Precision.HIGHEST)
              + jnp.dot(hq, _q(wt_ref[l]), preferred_element_type=jnp.float32, precision=lax.Precision.HIGHEST)
              + b_ref[l])
        h = jnp.maximum(cs, 0.0)
        feats_ref[0, l] = h
        acc = acc + jnp.sum(h * h, axis=1, keepdims=True)
    l2_ref[0] = acc


def _routing_kernel(ut_ref, w_ref, e_ref, i4_ref, psel_ref, out_ref):
    uib = ut_ref[0].astype(jnp.bfloat16)
    vTb = uib[:, 0:_A * _XS]
    alpha = jnp.zeros((_BB * _XS, _A * _XS), jnp.float32)
    for _ in range(_RITER):
        alpha = alpha + lax.dot_general(
            uib, vTb, (((0,), (0,)), ((), ())),
            preferred_element_type=jnp.float32)
        m = jnp.max(alpha, axis=1, keepdims=True)
        e = jnp.exp(alpha - m)
        beta = e / jnp.sum(e, axis=1, keepdims=True)
        vT = lax.dot_general(uib, beta.astype(jnp.bfloat16), (((1,), (0,)), ((), ())),
                             preferred_element_type=jnp.float32)
        vTb = vT.astype(jnp.bfloat16)
    sq = jnp.sum(vT * vT, axis=0, keepdims=True)
    scale = sq / (1.0 + sq) / (jnp.sqrt(sq + 1e-10) + 1e-8)
    oT = vT * scale
    vj = _q(lax.dot_general(oT, i4_ref[...], (((0,), (0,)), ((), ())),
                            preferred_element_type=jnp.float32, precision=lax.Precision.HIGHEST))
    vmj = jnp.zeros((_A * _XS, _NCLS * _DCC), jnp.float32)
    for mm in range(_L):
        vmj = vmj + w_ref[mm] * vj[:, mm:mm + 1]
    vmjq = _q(vmj)
    delta = jnp.zeros((_A * _XS, _NCLS), jnp.float32)
    z = None
    for r in range(_RITER):
        dm = jnp.max(delta, axis=1, keepdims=True)
        de = jnp.exp(delta - dm)
        gamma = de / jnp.sum(de, axis=1, keepdims=True)
        ge = lax.dot_general(gamma.astype(jnp.bfloat16), e_ref[...].astype(jnp.bfloat16),
                             (((1,), (0,)), ((), ())),
                             preferred_element_type=jnp.float32)
        sJ = jnp.sum(ge * vmjq, axis=0, keepdims=True)
        sqs = lax.dot_general(sJ * sJ, e_ref[...], (((1,), (1,)), ((), ())),
                              preferred_element_type=jnp.float32, precision=lax.Precision.HIGHEST)
        sqe = lax.dot_general(sqs, e_ref[...], (((1,), (0,)), ((), ())),
                              preferred_element_type=jnp.float32, precision=lax.Precision.HIGHEST)
        zscale = sqe / (1.0 + sqe) / (jnp.sqrt(sqe + 1e-10) + 1e-8)
        z = sJ * zscale
        if r < _RITER - 1:
            dd = lax.dot_general(vmjq * _q(z), e_ref[...], (((1,), (1,)), ((), ())),
                                 preferred_element_type=jnp.float32, precision=lax.Precision.HIGHEST)
            delta = delta + dd
    zsq = lax.dot_general(z * z, e_ref[...], (((1,), (1,)), ((), ())),
                          preferred_element_type=jnp.float32, precision=lax.Precision.HIGHEST)
    logit = jnp.sqrt(zsq + 1e-10)
    padded = lax.dot_general(logit, psel_ref[...], (((1,), (0,)), ((), ())),
                             preferred_element_type=jnp.float32, precision=lax.Precision.HIGHEST)
    out_ref[0] = jnp.broadcast_to(padded, (8, 128))


def kernel(node_type, node_token, edge_index, edge_pos, type_emb, token_emb,
           W_left, W_right, W_top, b_conv, Wjm):
    del edge_index, edge_pos
    h0 = _sc_embed_gather(type_emb, token_emb, node_type, node_token)
    h0r = h0.reshape(_NG, _G, _XS)
    h0i = h0r[:, :_PPAD]
    child = jnp.pad(h0r[:, 1:_G], ((0, 0), (0, _PPAD * _K - (_G - 1)), (0, 0)))
    av = child.reshape(_NG, _PPAD, _K, _XS)

    grid = (_NG,)
    per_graph = lambda *shape: pl.BlockSpec((1,) + shape,
                                            lambda g: (g,) + (0,) * len(shape))
    whole = lambda *shape: pl.BlockSpec(shape, lambda g: (0,) * len(shape))

    l2x4 = pl.pallas_call(
        _norm_kernel,
        grid=grid,
        in_specs=[per_graph(_G, _XS)],
        out_specs=per_graph(_G, 1),
        out_shape=jax.ShapeDtypeStruct((_NG, _G, 1), jnp.float32),
    )(h0r)

    l2c, feats = pl.pallas_call(
        _tree_kernel,
        grid=grid,
        in_specs=[
            per_graph(_PPAD, _XS),
            per_graph(_PPAD, _K, _XS),
            whole(_PPAD, _K, 1),
            whole(_PPAD, _K, 1),
            whole(_NPAR_PAD, _PPAD),
            whole(_NPAR_PAD, _PPAD),
            whole(_L, _XS, _XS),
            whole(_L, _XS, _XS),
            whole(_L, _XS, _XS),
            whole(_L, 1, _XS),
        ],
        out_specs=[
            per_graph(_PPAD, 1),
            per_graph(_L, _PPAD, _XS),
        ],
        out_shape=[
            jax.ShapeDtypeStruct((_NG, _PPAD, 1), jnp.float32),
            jax.ShapeDtypeStruct((_NG, _L, _PPAD, _XS), jnp.float32),
        ],
    )(h0i, av, jnp.asarray(_LC), jnp.asarray(_RC), jnp.asarray(_MLS),
      jnp.asarray(_MRS), W_left, W_right, W_top, b_conv)

    l2v = jnp.concatenate([l2c[:, :_P, 0], l2x4[:, _P:, 0]], axis=1)
    _, topb = lax.top_k(l2v, _BB)
    gidx = jnp.arange(_NG)[:, None]
    idx_c = jnp.clip(topb, 0, _PPAD - 1)
    f_int = feats[gidx, :, idx_c, :]
    f_int = jnp.transpose(f_int, (0, 1, 3, 2))
    f_leaf = h0r[gidx, topb][..., None]
    sel = jnp.where((topb < _P)[:, :, None, None], f_int,
                    jnp.broadcast_to(f_leaf, f_int.shape))
    uT = jnp.transpose(sel.reshape(_NG, _BB * _XS, _L), (0, 2, 1))

    wre = jnp.transpose(Wjm, (3, 0, 2, 1)).reshape(_L, _A * _XS, _NCLS * _DCC)
    wre = wre.astype(jnp.bfloat16).astype(jnp.float32)

    out = pl.pallas_call(
        _routing_kernel,
        grid=grid,
        in_specs=[
            per_graph(_L, _BB * _XS),
            whole(_L, _A * _XS, _NCLS * _DCC),
            whole(_NCLS, _NCLS * _DCC),
            whole(_L, _L),
            whole(_NCLS, 128),
        ],
        out_specs=pl.BlockSpec((1, 8, 128), lambda g: (g, 0, 0)),
        out_shape=jax.ShapeDtypeStruct((_NG, 8, 128), jnp.float32),
    )(uT, wre, jnp.asarray(_E), jnp.asarray(_I4), jnp.asarray(_PSEL))

    logit = out[:, 0, :_NCLS]
    return (logit, logit)

# --- scband reference (transcript-rebuilt; emitter-appended) ---
"""Pipeline reference for scband-tree-caps-classifier-764504178785 (READ-ONLY COPY).

The authoritative reference and input builder live on the scoring server;
editing this copy changes nothing except your own understanding.
"""

import jax, jax.numpy as jnp
import numpy as np

G = 10000
NG = 10
K = 16
N = G * NG
L = 4
XS = 128
A = 8
BB = 16
RITER = 3
DCC = 16
NCLS = 10
TYPE_V = 100
TOK_V = 10000


def squash(x, axis=-1):
    sq = jnp.sum(x ** 2, axis=axis, keepdims=True)
    scale = sq / (1.0 + sq) / (jnp.sqrt(sq + 1e-10) + 1e-08)
    return scale * x


def setup_inputs(seed: int = 0):
    key = jax.random.key(seed)
    ks = jax.random.split(key, 10)
    i = np.arange(1, G)
    parent = (i - 1) // K
    pos = ((i - 1) % K).astype(np.int32)
    src = np.concatenate([i + g * G for g in range(NG)]).astype(np.int32)
    dst = np.concatenate([parent + g * G for g in range(NG)]).astype(np.int32)
    edge_index = jnp.asarray(np.stack([src, dst]))
    edge_pos = jnp.asarray(np.tile(pos, NG))
    node_type = jax.random.randint(ks[0], (N,), 0, TYPE_V, dtype=jnp.int32)
    node_token = jax.random.randint(ks[1], (N,), 0, TOK_V, dtype=jnp.int32)
    type_emb = jax.random.normal(ks[2], (TYPE_V, XS // 2), dtype=jnp.float32)
    token_emb = jax.random.normal(ks[3], (TOK_V, XS - XS // 2), dtype=jnp.float32)
    W_left = jax.random.uniform(ks[4], (L, XS, XS), dtype=jnp.float32, minval=-0.1, maxval=0.1)
    W_right = jax.random.uniform(ks[5], (L, XS, XS), dtype=jnp.float32, minval=-0.1, maxval=0.1)
    W_top = jax.random.uniform(ks[6], (L, XS, XS), dtype=jnp.float32, minval=-0.1, maxval=0.1)
    b_conv = jax.random.uniform(ks[7], (L, 1, XS), dtype=jnp.float32, minval=-0.1, maxval=0.1)
    Wjm = 0.01 * jax.random.normal(ks[8], (XS * A, DCC, NCLS, L), dtype=jnp.float32)
    return {'node_type': node_type, 'node_token': node_token, 'edge_index': edge_index, 'edge_pos': edge_pos,
            'type_emb': type_emb, 'token_emb': token_emb, 'W_left': W_left, 'W_right': W_right,
            'W_top': W_top, 'b_conv': b_conv, 'Wjm': Wjm}


def _forward(node_type, node_token, edge_index, edge_pos, type_emb, token_emb, W_left, W_right, W_top, b_conv, Wjm):
    src = edge_index[0]
    dst = edge_index[1]
    # initial node states: concat(type embedding, token embedding)
    h = jnp.concatenate([type_emb[node_type], token_emb[node_token]], axis=1)
    # in-degree (number of children) per node
    indeg = jax.ops.segment_sum(jnp.ones(src.shape[0], dtype=jnp.float32), dst, num_segments=N)
    n_e = indeg[dst]
    pos = edge_pos.astype(jnp.float32)
    denom = jnp.maximum(n_e - 1.0, 1.0)
    # child_nums == 1 -> only W_left path; else positional left/right interpolation
    left_c = jnp.where(n_e <= 1.0, 1.0, (n_e - 1.0 - pos) / denom)
    right_c = jnp.where(n_e <= 1.0, 0.0, pos / denom)
    has_children = (indeg > 0)[:, None]
    feats = []
    for i in range(L):
        hs = h[src]
        msg = (hs @ W_left[i]) * left_c[:, None] + (hs @ W_right[i]) * right_c[:, None]
        children_state = jax.ops.segment_sum(msg, dst, num_segments=N)
        h_new = jax.nn.relu(children_state + h @ W_top[i] + b_conv[i])
        # DGL only calls reduce on nodes with incoming edges; leaves keep old h
        h = jnp.where(has_children, h_new, h)
        feats.append(h)
    layer_feats = jnp.stack(feats, axis=-1)  # [N, h_size, L]
    # variable-to-static (vts) routing per graph
    out_SC = []
    for g in range(NG):
        uu = layer_feats[g * G:(g + 1) * G]  # [G, h_size, L]
        l2 = jnp.sum(uu.reshape(G, -1) ** 2, axis=1)
        _, topb = jax.lax.top_k(l2, BB)
        u_i = jax.lax.stop_gradient(uu[topb].reshape(-1, L))  # [BB*h_size, L]
        _, topa = jax.lax.top_k(l2, A)
        v_j = uu[topa].reshape(-1, L)  # [A*h_size, L]
        alpha = jnp.zeros((u_i.shape[0], v_j.shape[0]), dtype=uu.dtype)
        for _ in range(RITER):
            alpha = u_i @ v_j.T + alpha
            beta = jax.nn.softmax(alpha, axis=-1)
            v_j = beta.T @ u_i
        out_SC.append(squash(v_j))
    out_SC = jnp.stack(out_SC, axis=0)  # [NG, A*h_size, L]
    # dynamic routing to class capsules
    v_m_j = jnp.einsum('ncsm,bnm->bnsc', Wjm, out_SC)  # [NG, A*h_size, n_classes, Dcc]
    v_stop = jax.lax.stop_gradient(v_m_j)
    delta = jnp.zeros(v_m_j.shape[:3], dtype=v_m_j.dtype)
    z = None
    for r in range(RITER):
        gamma = jax.nn.softmax(delta, axis=-1)
        if r == RITER - 1:
            s_J = jnp.einsum('bns,bnsc->bsc', gamma, v_m_j)
            z = squash(s_J)
        else:
            s_J = jnp.einsum('bns,bnsc->bsc', gamma, v_stop)
            z = squash(s_J)
            delta = jnp.einsum('bnsc,bsc->bns', v_stop, z) + delta
    logit = jnp.sqrt(jnp.sum(z ** 2, axis=-1) + 1e-10)  # [NG, n_classes]
    return logit


def reference(node_type, node_token, edge_index, edge_pos, type_emb, token_emb, W_left, W_right, W_top, b_conv, Wjm):
    logit = _forward(node_type, node_token, edge_index, edge_pos, type_emb, token_emb, W_left, W_right, W_top, b_conv, Wjm)
    return (logit, logit)

if __name__ == "__main__":
    import jax
    _d = setup_inputs()
    print(jax.jit(kernel)(*tuple(_d.values())))

</pallas_src>

<mosaic_0001>
#map = affine_map<(d0, d1) -> (0, 0)>
#map1 = affine_map<(d0, d1) -> (0)>
module attributes {stable_mosaic.version = 14 : i64} {
  func.func @k(%arg0: i32, %arg1: i32, %arg2: memref<100x128xf32, #tpu.memory_space<hbm>>, %arg3: memref<10000x128xf32, #tpu.memory_space<hbm>>, %arg4: memref<102400xi32, #tpu.memory_space<hbm>>, %arg5: memref<102400xi32, #tpu.memory_space<hbm>>, %arg6: memref<102400x128xf32, #tpu.memory_space<hbm>>, %arg7: memref<102400x128xf32, #tpu.memory_space<hbm>>, %arg8: memref<160xi32, #tpu.memory_space<vmem>>, %arg9: memref<160xi32, #tpu.memory_space<vmem>>, %arg10: memref<160x128xf32, #tpu.memory_space<vmem>>, %arg11: memref<160x128xf32, #tpu.memory_space<vmem>>, %arg12: memref<!tpu.dma_semaphore, #tpu.memory_space<semaphore_mem>>, %arg13: memref<!tpu.dma_semaphore, #tpu.memory_space<semaphore_mem>>) attributes {dimension_semantics = [#tpu.dimension_semantics<core_parallel>, #tpu.dimension_semantics<subcore_parallel>], iteration_bounds = array<i64: 2, 16>, scalar_prefetch = 0 : i64, scratch_operands = 6 : i64, tpu.core_type = #tpu.core_type<sc_vector_subcore>, window_params = [{transform_indices = #map}, {transform_indices = #map}, {transform_indices = #map1}, {transform_indices = #map1}, {transform_indices = #map}, {transform_indices = #map}]} {
    %mul3A = arith.constant 2 : i32
    %mul3A_0 = arith.muli %arg1, %mul3A : i32
    %add3A = arith.addi %mul3A_0, %arg0 : i32
    %mul3A_1 = arith.constant 3200 : i32
    %mul3A_2 = arith.muli %add3A, %mul3A_1 : i32
    %add3A_3 = arith.constant 0 : i32
    %add3A_4 = arith.addi %mul3A_2, %add3A_3 : i32
    "tpu.region"() ({
      %run_scoped3A = tpu.sem_alloc : memref<!tpu.dma_semaphore, #tpu.memory_space<semaphore_mem>>
      %dma_start3A_281 = tpu.memref_slice %arg4[%add3A_4] : memref<102400xi32, #tpu.memory_space<hbm>> -> memref<160xi32, #tpu.memory_space<hbm>>
      %dma_start3A_282 = tpu.memref_slice %arg4[%add3A_4] : memref<102400xi32, #tpu.memory_space<hbm>> -> memref<160xi32, #tpu.memory_space<hbm>>
      tpu.enqueue_dma source(%dma_start3A_282 : memref<160xi32, #tpu.memory_space<hbm>>) target(%arg8 : memref<160xi32, #tpu.memory_space<vmem>>) target_semaphore(%run_scoped3A : memref<!tpu.dma_semaphore, #tpu.memory_space<semaphore_mem>>)
      %dma_wait3A_283 = tpu.memref_slice %arg4[%add3A_4] : memref<102400xi32, #tpu.memory_space<hbm>> -> memref<160xi32, #tpu.memory_space<hbm>>
      %dma_wait3A_284 = tpu.memref_slice %arg4[%add3A_4] : memref<102400xi32, #tpu.memory_space<hbm>> -> memref<160xi32, #tpu.memory_space<hbm>>
      tpu.wait_dma2 semaphore(%run_scoped3A : memref<!tpu.dma_semaphore, #tpu.memory_space<semaphore_mem>>) src(%dma_wait3A_284 : memref<160xi32, #tpu.memory_space<hbm>>) dst(%arg8 : memref<160xi32, #tpu.memory_space<vmem>>)
      tpu.yield
    }) : () -> ()
    "tpu.region"() ({
      %run_scoped3A = tpu.sem_alloc : memref<!tpu.dma_semaphore, #tpu.memory_space<semaphore_mem>>
      %dma_start3A_281 = tpu.memref_slice %arg5[%add3A_4] : memref<102400xi32, #tpu.memory_space<hbm>> -> memref<160xi32, #tpu.memory_space<hbm>>
      %dma_start3A_282 = tpu.memref_slice %arg5[%add3A_4] : memref<102400xi32, #tpu.memory_space<hbm>> -> memref<160xi32, #tpu.memory_space<hbm>>
      tpu.enqueue_dma source(%dma_start3A_282 : memref<160xi32, #tpu.memory_space<hbm>>) target(%arg9 : memref<160xi32, #tpu.memory_space<vmem>>) target_semaphore(%run_scoped3A : memref<!tpu.dma_semaphore, #tpu.memory_space<semaphore_mem>>)
      %dma_wait3A_283 = tpu.memref_slice %arg5[%add3A_4] : memref<102400xi32, #tpu.memory_space<hbm>> -> memref<160xi32, #tpu.memory_space<hbm>>
      %dma_wait3A_284 = tpu.memref_slice %arg5[%add3A_4] : memref<102400xi32, #tpu.memory_space<hbm>> -> memref<160xi32, #tpu.memory_space<hbm>>
      tpu.wait_dma2 semaphore(%run_scoped3A : memref<!tpu.dma_semaphore, #tpu.memory_space<semaphore_mem>>) src(%dma_wait3A_284 : memref<160xi32, #tpu.memory_space<hbm>>) dst(%arg9 : memref<160xi32, #tpu.memory_space<vmem>>)
      tpu.yield
    }) : () -> ()
    %dma_start3A = arith.constant 0 : i32
    %dma_start3A_5 = arith.constant 0 : i32
    %dma_start3A_6 = tpu.memref_slice %arg2[%dma_start3A, %dma_start3A_5] : memref<100x128xf32, #tpu.memory_space<hbm>> -> memref<100x128xf32, #tpu.memory_space<hbm>>
    tpu.enqueue_indirect_dma source(%dma_start3A_6 : memref<100x128xf32, #tpu.memory_space<hbm>>) target(%arg10 : memref<160x128xf32, #tpu.memory_space<vmem>>) offsets(%arg8 : memref<160xi32, #tpu.memory_space<vmem>>) semaphore(%arg12 : memref<!tpu.dma_semaphore, #tpu.memory_space<semaphore_mem>>)
    %dma_start3A_7 = arith.constant 0 : i32
    %dma_start3A_8 = arith.constant 0 : i32
    %dma_start3A_9 = tpu.memref_slice %arg3[%dma_start3A_7, %dma_start3A_8] : memref<10000x128xf32, #tpu.memory_space<hbm>> -> memref<10000x128xf32, #tpu.memory_space<hbm>>
    tpu.enqueue_indirect_dma source(%dma_start3A_9 : memref<10000x128xf32, #tpu.memory_space<hbm>>) target(%arg11 : memref<160x128xf32, #tpu.memory_space<vmem>>) offsets(%arg9 : memref<160xi32, #tpu.memory_space<vmem>>) semaphore(%arg13 : memref<!tpu.dma_semaphore, #tpu.memory_space<semaphore_mem>>)
    %dma_wait3A = arith.constant 0 : i32
    %dma_wait3A_10 = arith.constant 0 : i32
    %dma_wait3A_11 = tpu.memref_slice %arg2[%dma_wait3A, %dma_wait3A_10] : memref<100x128xf32, #tpu.memory_space<hbm>> -> memref<100x128xf32, #tpu.memory_space<hbm>>
    tpu.wait_indirect_dma semaphore(%arg12 : memref<!tpu.dma_semaphore, #tpu.memory_space<semaphore_mem>>) src(%dma_wait3A_11 : memref<100x128xf32, #tpu.memory_space<hbm>>) dst(%arg10 : memref<160x128xf32, #tpu.memory_space<vmem>>)
    "tpu.region"() ({
      %run_scoped3A = tpu.sem_alloc : memref<!tpu.dma_semaphore, #tpu.memory_space<semaphore_mem>>
      %dma_start3A_281 = arith.constant 0 : i32
      %dma_start3A_282 = tpu.memref_slice %arg6[%add3A_4, %dma_start3A_281] : memref<102400x128xf32, #tpu.memory_space<hbm>> -> memref<160x128xf32, #tpu.memory_space<hbm>>
      %dma_start3A_283 = arith.constant 0 : i32
      %dma_start3A_284 = tpu.memref_slice %arg6[%add3A_4, %dma_start3A_283] : memref<102400x128xf32, #tpu.memory_space<hbm>> -> memref<160x128xf32, #tpu.memory_space<hbm>>
      tpu.enqueue_dma source(%arg10 : memref<160x128xf32, #tpu.memory_space<vmem>>) target(%dma_start3A_284 : memref<160x128xf32, #tpu.memory_space<hbm>>) target_semaphore(%run_scoped3A : memref<!tpu.dma_semaphore, #tpu.memory_space<semaphore_mem>>)
      %dma_wait3A_285 = arith.constant 0 : i32
      %dma_wait3A_286 = tpu.memref_slice %arg6[%add3A_4, %dma_wait3A_285] : memref<102400x128xf32, #tpu.memory_space<hbm>> -> memref<160x128xf32, #tpu.memory_space<hbm>>
      %dma_wait3A_287 = arith.constant 0 : i32
      %dma_wait3A_288 = tpu.memref_slice %arg6[%add3A_4, %dma_wait3A_287] : memref<102400x128xf32, #tpu.memory_space<hbm>> -> memref<160x128xf32, #tpu.memory_space<hbm>>
      tpu.wait_dma2 semaphore(%run_scoped3A : memref<!tpu.dma_semaphore, #tpu.memory_space<semaphore_mem>>) src(%arg10 : memref<160x128xf32, #tpu.memory_space<vmem>>) dst(%dma_wait3A_288 : memref<160x128xf32, #tpu.memory_space<hbm>>)
      tpu.yield
    }) : () -> ()
    %dma_wait3A_12 = arith.constant 0 : i32
    %dma_wait3A_13 = arith.constant 0 : i32
    %dma_wait3A_14 = tpu.memref_slice %arg3[%dma_wait3A_12, %dma_wait3A_13] : memref<10000x128xf32, #tpu.memory_space<hbm>> -> memref<10000x128xf32, #tpu.memory_space<hbm>>
    tpu.wait_indirect_dma semaphore(%arg13 : memref<!tpu.dma_semaphore, #tpu.memory_space<semaphore_mem>>) src(%dma_wait3A_14 : memref<10000x128xf32, #tpu.memory_space<hbm>>) dst(%arg11 : memref<160x128xf32, #tpu.memory_space<vmem>>)
    "tpu.region"() ({
      %run_scoped3A = tpu.sem_alloc : memref<!tpu.dma_semaphore, #tpu.memory_space<semaphore_mem>>
      %dma_start3A_281 = arith.constant 0 : i32
      %dma_start3A_282 = tpu.memref_slice %arg7[%add3A_4, %dma_start3A_281] : memref<102400x128xf32, #tpu.memory_space<hbm>> -> memref<160x128xf32, #tpu.memory_space<hbm>>
      %dma_start3A_283 = arith.constant 0 : i32
      %dma_start3A_284 = tpu.memref_slice %arg7[%add3A_4, %dma_start3A_283] : memref<102400x128xf32, #tpu.memory_space<hbm>> -> memref<160x128xf32, #tpu.memory_space<hbm>>
      tpu.enqueue_dma source(%arg11 : memref<160x128xf32, #tpu.memory_space<vmem>>) target(%dma_start3A_284 : memref<160x128xf32, #tpu.memory_space<hbm>>) target_semaphore(%run_scoped3A : memref<!tpu.dma_semaphore, #tpu.memory_space<semaphore_mem>>)
      %dma_wait3A_285 = arith.constant 0 : i32
      %dma_wait3A_286 = tpu.memref_slice %arg7[%add3A_4, %dma_wait3A_285] : memref<102400x128xf32, #tpu.memory_space<hbm>> -> memref<160x128xf32, #tpu.memory_space<hbm>>
      %dma_wait3A_287 = arith.constant 0 : i32
      %dma_wait3A_288 = tpu.memref_slice %arg7[%add3A_4, %dma_wait3A_287] : memref<102400x128xf32, #tpu.memory_space<hbm>> -> memref<160x128xf32, #tpu.memory_space<hbm>>
      tpu.wait_dma2 semaphore(%run_scoped3A : memref<!tpu.dma_semaphore, #tpu.memory_space<semaphore_mem>>) src(%arg11 : memref<160x128xf32, #tpu.memory_space<vmem>>) dst(%dma_wait3A_288 : memref<160x128xf32, #tpu.memory_space<hbm>>)
      tpu.yield
    }) : () -> ()
    %add3A_15 = arith.constant 160 : i32
    %add3A_16 = arith.addi %mul3A_2, %add3A_15 : i32
    "tpu.region"() ({
      %run_scoped3A = tpu.sem_alloc : memref<!tpu.dma_semaphore, #tpu.memory_space<semaphore_mem>>
      %dma_start3A_281 = tpu.memref_slice %arg4[%add3A_16] : memref<102400xi32, #tpu.memory_space<hbm>> -> memref<160xi32, #tpu.memory_space<hbm>>
      %dma_start3A_282 = tpu.memref_slice %arg4[%add3A_16] : memref<102400xi32, #tpu.memory_space<hbm>> -> memref<160xi32, #tpu.memory_space<hbm>>
      tpu.enqueue_dma source(%dma_start3A_282 : memref<160xi32, #tpu.memory_space<hbm>>) target(%arg8 : memref<160xi32, #tpu.memory_space<vmem>>) target_semaphore(%run_scoped3A : memref<!tpu.dma_semaphore, #tpu.memory_space<semaphore_mem>>)
      %dma_wait3A_283 = tpu.memref_slice %arg4[%add3A_16] : memref<102400xi32, #tpu.memory_space<hbm>> -> memref<160xi32, #tpu.memory_space<hbm>>
      %dma_wait3A_284 = tpu.memref_slice %arg4[%add3A_16] : memref<102400xi32, #tpu.memory_space<hbm>> -> memref<160xi32, #tpu.memory_space<hbm>>
      tpu.wait_dma2 semaphore(%run_scoped3A : memref<!tpu.dma_semaphore, #tpu.memory_space<semaphore_mem>>) src(%dma_wait3A_284 : memref<160xi32, #tpu.memory_space<hbm>>) dst(%arg8 : memref<160xi32, #tpu.memory_space<vmem>>)
      tpu.yield
    }) : () -> ()
    "tpu.region"() ({
      %run_scoped3A = tpu.sem_alloc : memref<!tpu.dma_semaphore, #tpu.memory_space<semaphore_mem>>
      %dma_start3A_281 = tpu.memref_slice %arg5[%add3A_16] : memref<102400xi32, #tpu.memory_space<hbm>> -> memref<160xi32, #tpu.memory_space<hbm>>
      %dma_start3A_282 = tpu.memref_slice %arg5[%add3A_16] : memref<102400xi32, #tpu.memory_space<hbm>> -> memref<160xi32, #tpu.memory_space<hbm>>
      tpu.enqueue_dma source(%dma_start3A_282 : memref<160xi32, #tpu.memory_space<hbm>>) target(%arg9 : memref<160xi32, #tpu.memory_space<vmem>>) target_semaphore(%run_scoped3A : memref<!tpu.dma_semaphore, #tpu.memory_space<semaphore_mem>>)
      %dma_wait3A_283 = tpu.memref_slice %arg5[%add3A_16] : memref<102400xi32, #tpu.memory_space<hbm>> -> memref<160xi32, #tpu.memory_space<hbm>>
      %dma_wait3A_284 = tpu.memref_slice %arg5[%add3A_16] : memref<102400xi32, #tpu.memory_space<hbm>> -> memref<160xi32, #tpu.memory_space<hbm>>
      tpu.wait_dma2 semaphore(%run_scoped3A : memref<!tpu.dma_semaphore, #tpu.memory_space<semaphore_mem>>) src(%dma_wait3A_284 : memref<160xi32, #tpu.memory_space<hbm>>) dst(%arg9 : memref<160xi32, #tpu.memory_space<vmem>>)
      tpu.yield
    }) : () -> ()
    %dma_start3A_17 = arith.constant 0 : i32
    %dma_start3A_18 = arith.constant 0 : i32
    %dma_start3A_19 = tpu.memref_slice %arg2[%dma_start3A_17, %dma_start3A_18] : memref<100x128xf32, #tpu.memory_space<hbm>> -> memref<100x128xf32, #tpu.memory_space<hbm>>
    tpu.enqueue_indirect_dma source(%dma_start3A_19 : memref<100x128xf32, #tpu.memory_space<hbm>>) target(%arg10 : memref<160x128xf32, #tpu.memory_space<vmem>>) offsets(%arg8 : memref<160xi32, #tpu.memory_space<vmem>>) semaphore(%arg12 : memref<!tpu.dma_semaphore, #tpu.memory_space<semaphore_mem>>)
    %dma_start3A_20 = arith.constant 0 : i32
    %dma_start3A_21 = arith.constant 0 : i32
    %dma_start3A_22 = tpu.memref_slice %arg3[%dma_start3A_20, %dma_start3A_21] : memref<10000x128xf32, #tpu.memory_space<hbm>> -> memref<10000x128xf32, #tpu.memory_space<hbm>>
    tpu.enqueue_indirect_dma source(%dma_start3A_22 : memref<10000x128xf32, #tpu.memory_space<hbm>>) target(%arg11 : memref<160x128xf32, #tpu.memory_space<vmem>>) offsets(%arg9 : memref<160xi32, #tpu.memory_space<vmem>>) semaphore(%arg13 : memref<!tpu.dma_semaphore, #tpu.memory_space<semaphore_mem>>)
    %dma_wait3A_23 = arith.constant 0 : i32
    %dma_wait3A_24 = arith.constant 0 : i32
    %dma_wait3A_25 = tpu.memref_slice %arg2[%dma_wait3A_23, %dma_wait3A_24] : memref<100x128xf32, #tpu.memory_space<hbm>> -> memref<100x128xf32, #tpu.memory_space<hbm>>
    tpu.wait_indirect_dma semaphore(%arg12 : memref<!tpu.dma_semaphore, #tpu.memory_space<semaphore_mem>>) src(%dma_wait3A_25 : memref<100x128xf32, #tpu.memory_space<hbm>>) dst(%arg10 : memref<160x128xf32, #tpu.memory_space<vmem>>)
    "tpu.region"() ({
      %run_scoped3A = tpu.sem_alloc : memref<!tpu.dma_semaphore, #tpu.memory_space<semaphore_mem>>
      %dma_start3A_281 = arith.constant 0 : i32
      %dma_start3A_282 = tpu.memref_slice %arg6[%add3A_16, %dma_start3A_281] : memref<102400x128xf32, #tpu.memory_space<hbm>> -> memref<160x128xf32, #tpu.memory_space<hbm>>
      %dma_start3A_283 = arith.constant 0 : i32
      %dma_start3A_284 = tpu.memref_slice %arg6[%add3A_16, %dma_start3A_283] : memref<102400x128xf32, #tpu.memory_space<hbm>> -> memref<160x128xf32, #tpu.memory_space<hbm>>
      tpu.enqueue_dma source(%arg10 : memref<160x128xf32, #tpu.memory_space<vmem>>) target(%dma_start3A_284 : memref<160x128xf32, #tpu.memory_space<hbm>>) target_semaphore(%run_scoped3A : memref<!tpu.dma_semaphore, #tpu.memory_space<semaphore_mem>>)
      %dma_wait3A_285 = arith.constant 0 : i32
      %dma_wait3A_286 = tpu.memref_slice %arg6[%add3A_16, %dma_wait3A_285] : memref<102400x128xf32, #tpu.memory_space<hbm>> -> memref<160x128xf32, #tpu.memory_space<hbm>>
      %dma_wait3A_287 = arith.constant 0 : i32
      %dma_wait3A_288 = tpu.memref_slice %arg6[%add3A_16, %dma_wait3A_287] : memref<102400x128xf32, #tpu.memory_space<hbm>> -> memref<160x128xf32, #tpu.memory_space<hbm>>
      tpu.wait_dma2 semaphore(%run_scoped3A : memref<!tpu.dma_semaphore, #tpu.memory_space<semaphore_mem>>) src(%arg10 : memref<160x128xf32, #tpu.memory_space<vmem>>) dst(%dma_wait3A_288 : memref<160x128xf32, #tpu.memory_space<hbm>>)
      tpu.yield
    }) : () -> ()
    %dma_wait3A_26 = arith.constant 0 : i32
    %dma_wait3A_27 = arith.constant 0 : i32
    %dma_wait3A_28 = tpu.memref_slice %arg3[%dma_wait3A_26, %dma_wait3A_27] : memref<10000x128xf32, #tpu.memory_space<hbm>> -> memref<10000x128xf32, #tpu.memory_space<hbm>>
    tpu.wait_indirect_dma semaphore(%arg13 : memref<!tpu.dma_semaphore, #tpu.memory_space<semaphore_mem>>) src(%dma_wait3A_28 : memref<10000x128xf32, #tpu.memory_space<hbm>>) dst(%arg11 : memref<160x128xf32, #tpu.memory_space<vmem>>)
    "tpu.region"() ({
      %run_scoped3A = tpu.sem_alloc : memref<!tpu.dma_semaphore, #tpu.memory_space<semaphore_mem>>
      %dma_start3A_281 = arith.constant 0 : i32
      %dma_start3A_282 = tpu.memref_slice %arg7[%add3A_16, %dma_start3A_281] : memref<102400x128xf32, #tpu.memory_space<hbm>> -> memref<160x128xf32, #tpu.memory_space<hbm>>
      %dma_start3A_283 = arith.constant 0 : i32
      %dma_start3A_284 = tpu.memref_slice %arg7[%add3A_16, %dma_start3A_283] : memref<102400x128xf32, #tpu.memory_space<hbm>> -> memref<160x128xf32, #tpu.memory_space<hbm>>
      tpu.enqueue_dma source(%arg11 : memref<160x128xf32, #tpu.memory_space<vmem>>) target(%dma_start3A_284 : memref<160x128xf32, #tpu.memory_space<hbm>>) target_semaphore(%run_scoped3A : memref<!tpu.dma_semaphore, #tpu.memory_space<semaphore_mem>>)
      %dma_wait3A_285 = arith.constant 0 : i32
      %dma_wait3A_286 = tpu.memref_slice %arg7[%add3A_16, %dma_wait3A_285] : memref<102400x128xf32, #tpu.memory_space<hbm>> -> memref<160x128xf32, #tpu.memory_space<hbm>>
      %dma_wait3A_287 = arith.constant 0 : i32
      %dma_wait3A_288 = tpu.memref_slice %arg7[%add3A_16, %dma_wait3A_287] : memref<102400x128xf32, #tpu.memory_space<hbm>> -> memref<160x128xf32, #tpu.memory_space<hbm>>
      tpu.wait_dma2 semaphore(%run_scoped3A : memref<!tpu.dma_semaphore, #tpu.memory_space<semaphore_mem>>) src(%arg11 : memref<160x128xf32, #tpu.memory_space<vmem>>) dst(%dma_wait3A_288 : memref<160x128xf32, #tpu.memory_space<hbm>>)
      tpu.yield
    }) : () -> ()
    %add3A_29 = arith.constant 320 : i32
    %add3A_30 = arith.addi %mul3A_2, %add3A_29 : i32
    "tpu.region"() ({
      %run_scoped3A = tpu.sem_alloc : memref<!tpu.dma_semaphore, #tpu.memory_space<semaphore_mem>>
      %dma_start3A_281 = tpu.memref_slice %arg4[%add3A_30] : memref<102400xi32, #tpu.memory_space<hbm>> -> memref<160xi32, #tpu.memory_space<hbm>>
      %dma_start3A_282 = tpu.memref_slice %arg4[%add3A_30] : memref<102400xi32, #tpu.memory_space<hbm>> -> memref<160xi32, #tpu.memory_space<hbm>>
      tpu.enqueue_dma source(%dma_start3A_282 : memref<160xi32, #tpu.memory_space<hbm>>) target(%arg8 : memref<160xi32, #tpu.memory_space<vmem>>) target_semaphore(%run_scoped3A : memref<!tpu.dma_semaphore, #tpu.memory_space<semaphore_mem>>)
      %dma_wait3A_283 = tpu.memref_slice %arg4[%add3A_30] : memref<102400xi32, #tpu.memory_space<hbm>> -> memref<160xi32, #tpu.memory_space<hbm>>
      %dma_wait3A_284 = tpu.memref_slice %arg4[%add3A_30] : memref<102400xi32, #tpu.memory_space<hbm>> -> memref<160xi32, #tpu.memory_space<hbm>>
      tpu.wait_dma2 semaphore(%run_scoped3A : memref<!tpu.dma_semaphore, #tpu.memory_space<semaphore_mem>>) src(%dma_wait3A_284 : memref<160xi32, #tpu.memory_space<hbm>>) dst(%arg8 : memref<160xi32, #tpu.memory_space<vmem>>)
      tpu.yield
    }) : () -> ()
    "tpu.region"() ({
      %run_scoped3A = tpu.sem_alloc : memref<!tpu.dma_semaphore, #tpu.memory_space<semaphore_mem>>
      %dma_start3A_281 = tpu.memref_slice %arg5[%add3A_30] : memref<102400xi32, #tpu.memory_space<hbm>> -> memref<160xi32, #tpu.memory_space<hbm>>
      %dma_start3A_282 = tpu.memref_slice %arg5[%add3A_30] : memref<102400xi32, #tpu.memory_space<hbm>> -> memref<160xi32, #tpu.memory_space<hbm>>
      tpu.enqueue_dma source(%dma_start3A_282 : memref<160xi32, #tpu.memory_space<hbm>>) target(%arg9 : memref<160xi32, #tpu.memory_space<vmem>>) target_semaphore(%run_scoped3A : memref<!tpu.dma_semaphore, #tpu.memory_space<semaphore_mem>>)
      %dma_wait3A_283 = tpu.memref_slice %arg5[%add3A_30] : memref<102400xi32, #tpu.memory_space<hbm>> -> memref<160xi32, #tpu.memory_space<hbm>>
      %dma_wait3A_284 = tpu.memref_slice %arg5[%add3A_30] : memref<102400xi32, #tpu.memory_space<hbm>> -> memref<160xi32, #tpu.memory_space<hbm>>
      tpu.wait_dma2 semaphore(%run_scoped3A : memref<!tpu.dma_semaphore, #tpu.memory_space<semaphore_mem>>) src(%dma_wait3A_284 : memref<160xi32, #tpu.memory_space<hbm>>) dst(%arg9 : memref<160xi32, #tpu.memory_space<vmem>>)
      tpu.yield
    }) : () -> ()
    %dma_start3A_31 = arith.constant 0 : i32
    %dma_start3A_32 = arith.constant 0 : i32
    %dma_start3A_33 = tpu.memref_slice %arg2[%dma_start3A_31, %dma_start3A_32] : memref<100x128xf32, #tpu.memory_space<hbm>> -> memref<100x128xf32, #tpu.memory_space<hbm>>
    tpu.enqueue_indirect_dma source(%dma_start3A_33 : memref<100x128xf32, #tpu.memory_space<hbm>>) target(%arg10 : memref<160x128xf32, #tpu.memory_space<vmem>>) offsets(%arg8 : memref<160xi32, #tpu.memory_space<vmem>>) semaphore(%arg12 : memref<!tpu.dma_semaphore, #tpu.memory_space<semaphore_mem>>)
    %dma_start3A_34 = arith.constant 0 : i32
    %dma_start3A_35 = arith.constant 0 : i32
    %dma_start3A_36 = tpu.memref_slice %arg3[%dma_start3A_34, %dma_start3A_35] : memref<10000x128xf32, #tpu.memory_space<hbm>> -> memref<10000x128xf32, #tpu.memory_space<hbm>>
    tpu.enqueue_indirect_dma source(%dma_start3A_36 : memref<10000x128xf32, #tpu.memory_space<hbm>>) target(%arg11 : memref<160x128xf32, #tpu.memory_space<vmem>>) offsets(%arg9 : memref<160xi32, #tpu.memory_space<vmem>>) semaphore(%arg13 : memref<!tpu.dma_semaphore, #tpu.memory_space<semaphore_mem>>)
    %dma_wait3A_37 = arith.constant 0 : i32
    %dma_wait3A_38 = arith.constant 0 : i32
    %dma_wait3A_39 = tpu.memref_slice %arg2[%dma_wait3A_37, %dma_wait3A_38] : memref<100x128xf32, #tpu.memory_space<hbm>> -> memref<100x128xf32, #tpu.memory_space<hbm>>
    tpu.wait_indirect_dma semaphore(%arg12 : memref<!tpu.dma_semaphore, #tpu.memory_space<semaphore_mem>>) src(%dma_wait3A_39 : memref<100x128xf32, #tpu.memory_space<hbm>>) dst(%arg10 : memref<160x128xf32, #tpu.memory_space<vmem>>)
    "tpu.region"() ({
      %run_scoped3A = tpu.sem_alloc : memref<!tpu.dma_semaphore, #tpu.memory_space<semaphore_mem>>
      %dma_start3A_281 = arith.constant 0 : i32
      %dma_start3A_282 = tpu.memref_slice %arg6[%add3A_30, %dma_start3A_281] : memref<102400x128xf32, #tpu.memory_space<hbm>> -> memref<160x128xf32, #tpu.memory_space<hbm>>
      %dma_start3A_283 = arith.constant 0 : i32
      %dma_start3A_284 = tpu.memref_slice %arg6[%add3A_30, %dma_start3A_283] : memref<102400x128xf32, #tpu.memory_space<hbm>> -> memref<160x128xf32, #tpu.memory_space<hbm>>
      tpu.enqueue_dma source(%arg10 : memref<160x128xf32, #tpu.memory_space<vmem>>) target(%dma_start3A_284 : memref<160x128xf32, #tpu.memory_space<hbm>>) target_semaphore(%run_scoped3A : memref<!tpu.dma_semaphore, #tpu.memory_space<semaphore_mem>>)
      %dma_wait3A_285 = arith.constant 0 : i32
      %dma_wait3A_286 = tpu.memref_slice %arg6[%add3A_30, %dma_wait3A_285] : memref<102400x128xf32, #tpu.memory_space<hbm>> -> memref<160x128xf32, #tpu.memory_space<hbm>>
      %dma_wait3A_287 = arith.constant 0 : i32
      %dma_wait3A_288 = tpu.memref_slice %arg6[%add3A_30, %dma_wait3A_287] : memref<102400x128xf32, #tpu.memory_space<hbm>> -> memref<160x128xf32, #tpu.memory_space<hbm>>
      tpu.wait_dma2 semaphore(%run_scoped3A : memref<!tpu.dma_semaphore, #tpu.memory_space<semaphore_mem>>) src(%arg10 : memref<160x128xf32, #tpu.memory_space<vmem>>) dst(%dma_wait3A_288 : memref<160x128xf32, #tpu.memory_space<hbm>>)
      tpu.yield
    }) : () -> ()
    %dma_wait3A_40 = arith.constant 0 : i32
    %dma_wait3A_41 = arith.constant 0 : i32
    %dma_wait3A_42 = tpu.memref_slice %arg3[%dma_wait3A_40, %dma_wait3A_41] : memref<10000x128xf32, #tpu.memory_space<hbm>> -> memref<10000x128xf32, #tpu.memory_space<hbm>>
    tpu.wait_indirect_dma semaphore(%arg13 : memref<!tpu.dma_semaphore, #tpu.memory_space<semaphore_mem>>) src(%dma_wait3A_42 : memref<10000x128xf32, #tpu.memory_space<hbm>>) dst(%arg11 : memref<160x128xf32, #tpu.memory_space<vmem>>)
    "tpu.region"() ({
      %run_scoped3A = tpu.sem_alloc : memref<!tpu.dma_semaphore, #tpu.memory_space<semaphore_mem>>
      %dma_start3A_281 = arith.constant 0 : i32
      %dma_start3A_282 = tpu.memref_slice %arg7[%add3A_30, %dma_start3A_281] : memref<102400x128xf32, #tpu.memory_space<hbm>> -> memref<160x128xf32, #tpu.memory_space<hbm>>
      %dma_start3A_283 = arith.constant 0 : i32
      %dma_start3A_284 = tpu.memref_slice %arg7[%add3A_30, %dma_start3A_283] : memref<102400x128xf32, #tpu.memory_space<hbm>> -> memref<160x128xf32, #tpu.memory_space<hbm>>
      tpu.enqueue_dma source(%arg11 : memref<160x128xf32, #tpu.memory_space<vmem>>) target(%dma_start3A_284 : memref<160x128xf32, #tpu.memory_space<hbm>>) target_semaphore(%run_scoped3A : memref<!tpu.dma_semaphore, #tpu.memory_space<semaphore_mem>>)
      %dma_wait3A_285 = arith.constant 0 : i32
      %dma_wait3A_286 = tpu.memref_slice %arg7[%add3A_30, %dma_wait3A_285] : memref<102400x128xf32, #tpu.memory_space<hbm>> -> memref<160x128xf32, #tpu.memory_space<hbm>>
      %dma_wait3A_287 = arith.constant 0 : i32
      %dma_wait3A_288 = tpu.memref_slice %arg7[%add3A_30, %dma_wait3A_287] : memref<102400x128xf32, #tpu.memory_space<hbm>> -> memref<160x128xf32, #tpu.memory_space<hbm>>
      tpu.wait_dma2 semaphore(%run_scoped3A : memref<!tpu.dma_semaphore, #tpu.memory_space<semaphore_mem>>) src(%arg11 : memref<160x128xf32, #tpu.memory_space<vmem>>) dst(%dma_wait3A_288 : memref<160x128xf32, #tpu.memory_space<hbm>>)
      tpu.yield
    }) : () -> ()
    %add3A_43 = arith.constant 480 : i32
    %add3A_44 = arith.addi %mul3A_2, %add3A_43 : i32
    "tpu.region"() ({
      %run_scoped3A = tpu.sem_alloc : memref<!tpu.dma_semaphore, #tpu.memory_space<semaphore_mem>>
      %dma_start3A_281 = tpu.memref_slice %arg4[%add3A_44] : memref<102400xi32, #tpu.memory_space<hbm>> -> memref<160xi32, #tpu.memory_space<hbm>>
      %dma_start3A_282 = tpu.memref_slice %arg4[%add3A_44] : memref<102400xi32, #tpu.memory_space<hbm>> -> memref<160xi32, #tpu.memory_space<hbm>>
      tpu.enqueue_dma source(%dma_start3A_282 : memref<160xi32, #tpu.memory_space<hbm>>) target(%arg8 : memref<160xi32, #tpu.memory_space<vmem>>) target_semaphore(%run_scoped3A : memref<!tpu.dma_semaphore, #tpu.memory_space<semaphore_mem>>)
      %dma_wait3A_283 = tpu.memref_slice %arg4[%add3A_44] : memref<102400xi32, #tpu.memory_space<hbm>> -> memref<160xi32, #tpu.memory_space<hbm>>
      %dma_wait3A_284 = tpu.memref_slice %arg4[%add3A_44] : memref<102400xi32, #tpu.memory_space<hbm>> -> memref<160xi32, #tpu.memory_space<hbm>>
      tpu.wait_dma2 semaphore(%run_scoped3A : memref<!tpu.dma_semaphore, #tpu.memory_space<semaphore_mem>>) src(%dma_wait3A_284 : memref<160xi32, #tpu.memory_space<hbm>>) dst(%arg8 : memref<160xi32, #tpu.memory_space<vmem>>)
      tpu.yield
    }) : () -> ()
    "tpu.region"() ({
      %run_scoped3A = tpu.sem_alloc : memref<!tpu.dma_semaphore, #tpu.memory_space<semaphore_mem>>
      %dma_start3A_281 = tpu.memref_slice %arg5[%add3A_44] : memref<102400xi32, #tpu.memory_space<hbm>> -> memref<160xi32, #tpu.memory_space<hbm>>
      %dma_start3A_282 = tpu.memref_slice %arg5[%add3A_44] : memref<102400xi32, #tpu.memory_space<hbm>> -> memref<160xi32, #tpu.memory_space<hbm>>
      tpu.enqueue_dma source(%dma_start3A_282 : memref<160xi32, #tpu.memory_space<hbm>>) target(%arg9 : memref<160xi32, #tpu.memory_space<vmem>>) target_semaphore(%run_scoped3A : memref<!tpu.dma_semaphore, #tpu.memory_space<semaphore_mem>>)
      %dma_wait3A_283 = tpu.memref_slice %arg5[%add3A_44] : memref<102400xi32, #tpu.memory_space<hbm>> -> memref<160xi32, #tpu.memory_space<hbm>>
      %dma_wait3A_284 = tpu.memref_slice %arg5[%add3A_44] : memref<102400xi32, #tpu.memory_space<hbm>> -> memref<160xi32, #tpu.memory_space<hbm>>
      tpu.wait_dma2 semaphore(%run_scoped3A : memref<!tpu.dma_semaphore, #tpu.memory_space<semaphore_mem>>) src(%dma_wait3A_284 : memref<160xi32, #tpu.memory_space<hbm>>) dst(%arg9 : memref<160xi32, #tpu.memory_space<vmem>>)
      tpu.yield
    }) : () -> ()
    %dma_start3A_45 = arith.constant 0 : i32
    %dma_start3A_46 = arith.constant 0 : i32
    %dma_start3A_47 = tpu.memref_slice %arg2[%dma_start3A_45, %dma_start3A_46] : memref<100x128xf32, #tpu.memory_space<hbm>> -> memref<100x128xf32, #tpu.memory_space<hbm>>
    tpu.enqueue_indirect_dma source(%dma_start3A_47 : memref<100x128xf32, #tpu.memory_space<hbm>>) target(%arg10 : memref<160x128xf32, #tpu.memory_space<vmem>>) offsets(%arg8 : memref<160xi32, #tpu.memory_space<vmem>>) semaphore(%arg12 : memref<!tpu.dma_semaphore, #tpu.memory_space<semaphore_mem>>)
    %dma_start3A_48 = arith.constant 0 : i32
    %dma_start3A_49 = arith.constant 0 : i32
    %dma_start3A_50 = tpu.memref_slice %arg3[%dma_start3A_48, %dma_start3A_49] : memref<10000x128xf32, #tpu.memory_space<hbm>> -> memref<10000x128xf32, #tpu.memory_space<hbm>>
    tpu.enqueue_indirect_dma source(%dma_start3A_50 : memref<10000x128xf32, #tpu.memory_space<hbm>>) target(%arg11 : memref<160x128xf32, #tpu.memory_space<vmem>>) offsets(%arg9 : memref<160xi32, #tpu.memory_space<vmem>>) semaphore(%arg13 : memref<!tpu.dma_semaphore, #tpu.memory_space<semaphore_mem>>)
    %dma_wait3A_51 = arith.constant 0 : i32
    %dma_wait3A_52 = arith.constant 0 : i32
    %dma_wait3A_53 = tpu.memref_slice %arg2[%dma_wait3A_51, %dma_wait3A_52] : memref<100x128xf32, #tpu.memory_space<hbm>> -> memref<100x128xf32, #tpu.memory_space<hbm>>
    tpu.wait_indirect_dma semaphore(%arg12 : memref<!tpu.dma_semaphore, #tpu.memory_space<semaphore_mem>>) src(%dma_wait3A_53 : memref<100x128xf32, #tpu.memory_space<hbm>>) dst(%arg10 : memref<160x128xf32, #tpu.memory_space<vmem>>)
    "tpu.region"() ({
      %run_scoped3A = tpu.sem_alloc : memref<!tpu.dma_semaphore, #tpu.memory_space<semaphore_mem>>
      %dma_start3A_281 = arith.constant 0 : i32
      %dma_start3A_282 = tpu.memref_slice %arg6[%add3A_44, %dma_start3A_281] : memref<102400x128xf32, #tpu.memory_space<hbm>> -> memref<160x128xf32, #tpu.memory_space<hbm>>
      %dma_start3A_283 = arith.constant 0 : i32
      %dma_start3A_284 = tpu.memref_slice %arg6[%add3A_44, %dma_start3A_283] : memref<102400x128xf32, #tpu.memory_space<hbm>> -> memref<160x128xf32, #tpu.memory_space<hbm>>
      tpu.enqueue_dma source(%arg10 : memref<160x128xf32, #tpu.memory_space<vmem>>) target(%dma_start3A_284 : memref<160x128xf32, #tpu.memory_space<hbm>>) target_semaphore(%run_scoped3A : memref<!tpu.dma_semaphore, #tpu.memory_space<semaphore_mem>>)
      %dma_wait3A_285 = arith.constant 0 : i32
      %dma_wait3A_286 = tpu.memref_slice %arg6[%add3A_44, %dma_wait3A_285] : memref<102400x128xf32, #tpu.memory_space<hbm>> -> memref<160x128xf32, #tpu.memory_space<hbm>>
      %dma_wait3A_287 = arith.constant 0 : i32
      %dma_wait3A_288 = tpu.memref_slice %arg6[%add3A_44, %dma_wait3A_287] : memref<102400x128xf32, #tpu.memory_space<hbm>> -> memref<160x128xf32, #tpu.memory_space<hbm>>
      tpu.wait_dma2 semaphore(%run_scoped3A : memref<!tpu.dma_semaphore, #tpu.memory_space<semaphore_mem>>) src(%arg10 : memref<160x128xf32, #tpu.memory_space<vmem>>) dst(%dma_wait3A_288 : memref<160x128xf32, #tpu.memory_space<hbm>>)
      tpu.yield
    }) : () -> ()
    %dma_wait3A_54 = arith.constant 0 : i32
    %dma_wait3A_55 = arith.constant 0 : i32
    %dma_wait3A_56 = tpu.memref_slice %arg3[%dma_wait3A_54, %dma_wait3A_55] : memref<10000x128xf32, #tpu.memory_space<hbm>> -> memref<10000x128xf32, #tpu.memory_space<hbm>>
    tpu.wait_indirect_dma semaphore(%arg13 : memref<!tpu.dma_semaphore, #tpu.memory_space<semaphore_mem>>) src(%dma_wait3A_56 : memref<10000x128xf32, #tpu.memory_space<hbm>>) dst(%arg11 : memref<160x128xf32, #tpu.memory_space<vmem>>)
    "tpu.region"() ({
      %run_scoped3A = tpu.sem_alloc : memref<!tpu.dma_semaphore, #tpu.memory_space<semaphore_mem>>
      %dma_start3A_281 = arith.constant 0 : i32
      %dma_start3A_282 = tpu.memref_slice %arg7[%add3A_44, %dma_start3A_281] : memref<102400x128xf32, #tpu.memory_space<hbm>> -> memref<160x128xf32, #tpu.memory_space<hbm>>
      %dma_start3A_283 = arith.constant 0 : i32
      %dma_start3A_284 = tpu.memref_slice %arg7[%add3A_44, %dma_start3A_283] : memref<102400x128xf32, #tpu.memory_space<hbm>> -> memref<160x128xf32, #tpu.memory_space<hbm>>
      tpu.enqueue_dma source(%arg11 : memref<160x128xf32, #tpu.memory_space<vmem>>) target(%dma_start3A_284 : memref<160x128xf32, #tpu.memory_space<hbm>>) target_semaphore(%run_scoped3A : memref<!tpu.dma_semaphore, #tpu.memory_space<semaphore_mem>>)
      %dma_wait3A_285 = arith.constant 0 : i32
      %dma_wait3A_286 = tpu.memref_slice %arg7[%add3A_44, %dma_wait3A_285] : memref<102400x128xf32, #tpu.memory_space<hbm>> -> memref<160x128xf32, #tpu.memory_space<hbm>>
      %dma_wait3A_287 = arith.constant 0 : i32
      %dma_wait3A_288 = tpu.memref_slice %arg7[%add3A_44, %dma_wait3A_287] : memref<102400x128xf32, #tpu.memory_space<hbm>> -> memref<160x128xf32, #tpu.memory_space<hbm>>
      tpu.wait_dma2 semaphore(%run_scoped3A : memref<!tpu.dma_semaphore, #tpu.memory_space<semaphore_mem>>) src(%arg11 : memref<160x128xf32, #tpu.memory_space<vmem>>) dst(%dma_wait3A_288 : memref<160x128xf32, #tpu.memory_space<hbm>>)
      tpu.yield
    }) : () -> ()
    %add3A_57 = arith.constant 640 : i32
    %add3A_58 = arith.addi %mul3A_2, %add3A_57 : i32
    "tpu.region"() ({
      %run_scoped3A = tpu.sem_alloc : memref<!tpu.dma_semaphore, #tpu.memory_space<semaphore_mem>>
      %dma_start3A_281 = tpu.memref_slice %arg4[%add3A_58] : memref<102400xi32, #tpu.memory_space<hbm>> -> memref<160xi32, #tpu.memory_space<hbm>>
      %dma_start3A_282 = tpu.memref_slice %arg4[%add3A_58] : memref<102400xi32, #tpu.memory_space<hbm>> -> memref<160xi32, #tpu.memory_space<hbm>>
      tpu.enqueue_dma source(%dma_start3A_282 : memref<160xi32, #tpu.memory_space<hbm>>) target(%arg8 : memref<160xi32, #tpu.memory_space<vmem>>) target_semaphore(%run_scoped3A : memref<!tpu.dma_semaphore, #tpu.memory_space<semaphore_mem>>)
      %dma_wait3A_283 = tpu.memref_slice %arg4[%add3A_58] : memref<102400xi32, #tpu.memory_space<hbm>> -> memref<160xi32, #tpu.memory_space<hbm>>
      %dma_wait3A_284 = tpu.memref_slice %arg4[%add3A_58] : memref<102400xi32, #tpu.memory_space<hbm>> -> memref<160xi32, #tpu.memory_space<hbm>>
      tpu.wait_dma2 semaphore(%run_scoped3A : memref<!tpu.dma_semaphore, #tpu.memory_space<semaphore_mem>>) src(%dma_wait3A_284 : memref<160xi32, #tpu.memory_space<hbm>>) dst(%arg8 : memref<160xi32, #tpu.memory_space<vmem>>)
      tpu.yield
    }) : () -> ()
    "tpu.region"() ({
      %run_scoped3A = tpu.sem_alloc : memref<!tpu.dma_semaphore, #tpu.memory_space<semaphore_mem>>
      %dma_start3A_281 = tpu.memref_slice %arg5[%add3A_58] : memref<102400xi32, #tpu.memory_space<hbm>> -> memref<160xi32, #tpu.memory_space<hbm>>
      %dma_start3A_282 = tpu.memref_slice %arg5[%add3A_58] : memref<102400xi32, #tpu.memory_space<hbm>> -> memref<160xi32, #tpu.memory_space<hbm>>
      tpu.enqueue_dma source(%dma_start3A_282 : memref<160xi32, #tpu.memory_space<hbm>>) target(%arg9 : memref<160xi32, #tpu.memory_space<vmem>>) target_semaphore(%run_scoped3A : memref<!tpu.dma_semaphore, #tpu.memory_space<semaphore_mem>>)
      %dma_wait3A_283 = tpu.memref_slice %arg5[%add3A_58] : memref<102400xi32, #tpu.memory_space<hbm>> -> memref<160xi32, #tpu.memory_space<hbm>>
      %dma_wait3A_284 = tpu.memref_slice %arg5[%add3A_58] : memref<102400xi32, #tpu.memory_space<hbm>> -> memref<160xi32, #tpu.memory_space<hbm>>
      tpu.wait_dma2 semaphore(%run_scoped3A : memref<!tpu.dma_semaphore, #tpu.memory_space<semaphore_mem>>) src(%dma_wait3A_284 : memref<160xi32, #tpu.memory_space<hbm>>) dst(%arg9 : memref<160xi32, #tpu.memory_space<vmem>>)
      tpu.yield
    }) : () -> ()
    %dma_start3A_59 = arith.constant 0 : i32
    %dma_start3A_60 = arith.constant 0 : i32
    %dma_start3A_61 = tpu.memref_slice %arg2[%dma_start3A_59, %dma_start3A_60] : memref<100x128xf32, #tpu.memory_space<hbm>> -> memref<100x128xf32, #tpu.memory_space<hbm>>
    tpu.enqueue_indirect_dma source(%dma_start3A_61 : memref<100x128xf32, #tpu.memory_space<hbm>>) target(%arg10 : memref<160x128xf32, #tpu.memory_space<vmem>>) offsets(%arg8 : memref<160xi32, #tpu.memory_space<vmem>>) semaphore(%arg12 : memref<!tpu.dma_semaphore, #tpu.memory_space<semaphore_mem>>)
    %dma_start3A_62 = arith.constant 0 : i32
    %dma_start3A_63 = arith.constant 0 : i32
    %dma_start3A_64 = tpu.memref_slice %arg3[%dma_start3A_62, %dma_start3A_63] : memref<10000x128xf32, #tpu.memory_space<hbm>> -> memref<10000x128xf32, #tpu.memory_space<hbm>>
    tpu.enqueue_indirect_dma source(%dma_start3A_64 : memref<10000x128xf32, #tpu.memory_space<hbm>>) target(%arg11 : memref<160x128xf32, #tpu.memory_space<vmem>>) offsets(%arg9 : memref<160xi32, #tpu.memory_space<vmem>>) semaphore(%arg13 : memref<!tpu.dma_semaphore, #tpu.memory_space<semaphore_mem>>)
    %dma_wait3A_65 = arith.constant 0 : i32
    %dma_wait3A_66 = arith.constant 0 : i32
    %dma_wait3A_67 = tpu.memref_slice %arg2[%dma_wait3A_65, %dma_wait3A_66] : memref<100x128xf32, #tpu.memory_space<hbm>> -> memref<100x128xf32, #tpu.memory_space<hbm>>
    tpu.wait_indirect_dma semaphore(%arg12 : memref<!tpu.dma_semaphore, #tpu.memory_space<semaphore_mem>>) src(%dma_wait3A_67 : memref<100x128xf32, #tpu.memory_space<hbm>>) dst(%arg10 : memref<160x128xf32, #tpu.memory_space<vmem>>)
    "tpu.region"() ({
      %run_scoped3A = tpu.sem_alloc : memref<!tpu.dma_semaphore, #tpu.memory_space<semaphore_mem>>
      %dma_start3A_281 = arith.constant 0 : i32
      %dma_start3A_282 = tpu.memref_slice %arg6[%add3A_58, %dma_start3A_281] : memref<102400x128xf32, #tpu.memory_space<hbm>> -> memref<160x128xf32, #tpu.memory_space<hbm>>
      %dma_start3A_283 = arith.constant 0 : i32
      %dma_start3A_284 = tpu.memref_slice %arg6[%add3A_58, %dma_start3A_283] : memref<102400x128xf32, #tpu.memory_space<hbm>> -> memref<160x128xf32, #tpu.memory_space<hbm>>
      tpu.enqueue_dma source(%arg10 : memref<160x128xf32, #tpu.memory_space<vmem>>) target(%dma_start3A_284 : memref<160x128xf32, #tpu.memory_space<hbm>>) target_semaphore(%run_scoped3A : memref<!tpu.dma_semaphore, #tpu.memory_space<semaphore_mem>>)
      %dma_wait3A_285 = arith.constant 0 : i32
      %dma_wait3A_286 = tpu.memref_slice %arg6[%add3A_58, %dma_wait3A_285] : memref<102400x128xf32, #tpu.memory_space<hbm>> -> memref<160x128xf32, #tpu.memory_space<hbm>>
      %dma_wait3A_287 = arith.constant 0 : i32
      %dma_wait3A_288 = tpu.memref_slice %arg6[%add3A_58, %dma_wait3A_287] : memref<102400x128xf32, #tpu.memory_space<hbm>> -> memref<160x128xf32, #tpu.memory_space<hbm>>
      tpu.wait_dma2 semaphore(%run_scoped3A : memref<!tpu.dma_semaphore, #tpu.memory_space<semaphore_mem>>) src(%arg10 : memref<160x128xf32, #tpu.memory_space<vmem>>) dst(%dma_wait3A_288 : memref<160x128xf32, #tpu.memory_space<hbm>>)
      tpu.yield
    }) : () -> ()
    %dma_wait3A_68 = arith.constant 0 : i32
    %dma_wait3A_69 = arith.constant 0 : i32
    %dma_wait3A_70 = tpu.memref_slice %arg3[%dma_wait3A_68, %dma_wait3A_69] : memref<10000x128xf32, #tpu.memory_space<hbm>> -> memref<10000x128xf32, #tpu.memory_space<hbm>>
    tpu.wait_indirect_dma semaphore(%arg13 : memref<!tpu.dma_semaphore, #tpu.memory_space<semaphore_mem>>) src(%dma_wait3A_70 : memref<10000x128xf32, #tpu.memory_space<hbm>>) dst(%arg11 : memref<160x128xf32, #tpu.memory_space<vmem>>)
    "tpu.region"() ({
      %run_scoped3A = tpu.sem_alloc : memref<!tpu.dma_semaphore, #tpu.memory_space<semaphore_mem>>
      %dma_start3A_281 = arith.constant 0 : i32
      %dma_start3A_282 = tpu.memref_slice %arg7[%add3A_58, %dma_start3A_281] : memref<102400x128xf32, #tpu.memory_space<hbm>> -> memref<160x128xf32, #tpu.memory_space<hbm>>
      %dma_start3A_283 = arith.constant 0 : i32
      %dma_start3A_284 = tpu.memref_slice %arg7[%add3A_58, %dma_start3A_283] : memref<102400x128xf32, #tpu.memory_space<hbm>> -> memref<160x128xf32, #tpu.memory_space<hbm>>
      tpu.enqueue_dma source(%arg11 : memref<160x128xf32, #tpu.memory_space<vmem>>) target(%dma_start3A_284 : memref<160x128xf32, #tpu.memory_space<hbm>>) target_semaphore(%run_scoped3A : memref<!tpu.dma_semaphore, #tpu.memory_space<semaphore_mem>>)
      %dma_wait3A_285 = arith.constant 0 : i32
      %dma_wait3A_286 = tpu.memref_slice %arg7[%add3A_58, %dma_wait3A_285] : memref<102400x128xf32, #tpu.memory_space<hbm>> -> memref<160x128xf32, #tpu.memory_space<hbm>>
      %dma_wait3A_287 = arith.constant 0 : i32
      %dma_wait3A_288 = tpu.memref_slice %arg7[%add3A_58, %dma_wait3A_287] : memref<102400x128xf32, #tpu.memory_space<hbm>> -> memref<160x128xf32, #tpu.memory_space<hbm>>
      tpu.wait_dma2 semaphore(%run_scoped3A : memref<!tpu.dma_semaphore, #tpu.memory_space<semaphore_mem>>) src(%arg11 : memref<160x128xf32, #tpu.memory_space<vmem>>) dst(%dma_wait3A_288 : memref<160x128xf32, #tpu.memory_space<hbm>>)
      tpu.yield
    }) : () -> ()
    %add3A_71 = arith.constant 800 : i32
    %add3A_72 = arith.addi %mul3A_2, %add3A_71 : i32
    "tpu.region"() ({
      %run_scoped3A = tpu.sem_alloc : memref<!tpu.dma_semaphore, #tpu.memory_space<semaphore_mem>>
      %dma_start3A_281 = tpu.memref_slice %arg4[%add3A_72] : memref<102400xi32, #tpu.memory_space<hbm>> -> memref<160xi32, #tpu.memory_space<hbm>>
      %dma_start3A_282 = tpu.memref_slice %arg4[%add3A_72] : memref<102400xi32, #tpu.memory_space<hbm>> -> memref<160xi32, #tpu.memory_space<hbm>>
      tpu.enqueue_dma source(%dma_start3A_282 : memref<160xi32, #tpu.memory_space<hbm>>) target(%arg8 : memref<160xi32, #tpu.memory_space<vmem>>) target_semaphore(%run_scoped3A : memref<!tpu.dma_semaphore, #tpu.memory_space<semaphore_mem>>)
      %dma_wait3A_283 = tpu.memref_slice %arg4[%add3A_72] : memref<102400xi32, #tpu.memory_space<hbm>> -> memref<160xi32, #tpu.memory_space<hbm>>
      %dma_wait3A_284 = tpu.memref_slice %arg4[%add3A_72] : memref<102400xi32, #tpu.memory_space<hbm>> -> memref<160xi32, #tpu.memory_space<hbm>>
      tpu.wait_dma2 semaphore(%run_scoped3A : memref<!tpu.dma_semaphore, #tpu.memory_space<semaphore_mem>>) src(%dma_wait3A_284 : memref<160xi32, #tpu.memory_space<hbm>>) dst(%arg8 : memref<160xi32, #tpu.memory_space<vmem>>)
      tpu.yield
    }) : () -> ()
    "tpu.region"() ({
      %run_scoped3A = tpu.sem_alloc : memref<!tpu.dma_semaphore, #tpu.memory_space<semaphore_mem>>
      %dma_start3A_281 = tpu.memref_slice %arg5[%add3A_72] : memref<102400xi32, #tpu.memory_space<hbm>> -> memref<160xi32, #tpu.memory_space<hbm>>
      %dma_start3A_282 = tpu.memref_slice %arg5[%add3A_72] : memref<102400xi32, #tpu.memory_space<hbm>> -> memref<160xi32, #tpu.memory_space<hbm>>
      tpu.enqueue_dma source(%dma_start3A_282 : memref<160xi32, #tpu.memory_space<hbm>>) target(%arg9 : memref<160xi32, #tpu.memory_space<vmem>>) target_semaphore(%run_scoped3A : memref<!tpu.dma_semaphore, #tpu.memory_space<semaphore_mem>>)
      %dma_wait3A_283 = tpu.memref_slice %arg5[%add3A_72] : memref<102400xi32, #tpu.memory_space<hbm>> -> memref<160xi32, #tpu.memory_space<hbm>>
      %dma_wait3A_284 = tpu.memref_slice %arg5[%add3A_72] : memref<102400xi32, #tpu.memory_space<hbm>> -> memref<160xi32, #tpu.memory_space<hbm>>
      tpu.wait_dma2 semaphore(%run_scoped3A : memref<!tpu.dma_semaphore, #tpu.memory_space<semaphore_mem>>) src(%dma_wait3A_284 : memref<160xi32, #tpu.memory_space<hbm>>) dst(%arg9 : memref<160xi32, #tpu.memory_space<vmem>>)
      tpu.yield
    }) : () -> ()
    %dma_start3A_73 = arith.constant 0 : i32
    %dma_start3A_74 = arith.constant 0 : i32
    %dma_start3A_75 = tpu.memref_slice %arg2[%dma_start3A_73, %dma_start3A_74] : memref<100x128xf32, #tpu.memory_space<hbm>> -> memref<100x128xf32, #tpu.memory_space<hbm>>
    tpu.enqueue_indirect_dma source(%dma_start3A_75 : memref<100x128xf32, #tpu.memory_space<hbm>>) target(%arg10 : memref<160x128xf32, #tpu.memory_space<vmem>>) offsets(%arg8 : memref<160xi32, #tpu.memory_space<vmem>>) semaphore(%arg12 : memref<!tpu.dma_semaphore, #tpu.memory_space<semaphore_mem>>)
    %dma_start3A_76 = arith.constant 0 : i32
    %dma_start3A_77 = arith.constant 0 : i32
    %dma_start3A_78 = tpu.memref_slice %arg3[%dma_start3A_76, %dma_start3A_77] : memref<10000x128xf32, #tpu.memory_space<hbm>> -> memref<10000x128xf32, #tpu.memory_space<hbm>>
    tpu.enqueue_indirect_dma source(%dma_start3A_78 : memref<10000x128xf32, #tpu.memory_space<hbm>>) target(%arg11 : memref<160x128xf32, #tpu.memory_space<vmem>>) offsets(%arg9 : memref<160xi32, #tpu.memory_space<vmem>>) semaphore(%arg13 : memref<!tpu.dma_semaphore, #tpu.memory_space<semaphore_mem>>)
    %dma_wait3A_79 = arith.constant 0 : i32
    %dma_wait3A_80 = arith.constant 0 : i32
    %dma_wait3A_81 = tpu.memref_slice %arg2[%dma_wait3A_79, %dma_wait3A_80] : memref<100x128xf32, #tpu.memory_space<hbm>> -> memref<100x128xf32, #tpu.memory_space<hbm>>
    tpu.wait_indirect_dma semaphore(%arg12 : memref<!tpu.dma_semaphore, #tpu.memory_space<semaphore_mem>>) src(%dma_wait3A_81 : memref<100x128xf32, #tpu.memory_space<hbm>>) dst(%arg10 : memref<160x128xf32, #tpu.memory_space<vmem>>)
    "tpu.region"() ({
      %run_scoped3A = tpu.sem_alloc : memref<!tpu.dma_semaphore, #tpu.memory_space<semaphore_mem>>
      %dma_start3A_281 = arith.constant 0 : i32
      %dma_start3A_282 = tpu.memref_slice %arg6[%add3A_72, %dma_start3A_281] : memref<102400x128xf32, #tpu.memory_space<hbm>> -> memref<160x128xf32, #tpu.memory_space<hbm>>
      %dma_start3A_283 = arith.constant 0 : i32
      %dma_start3A_284 = tpu.memref_slice %arg6[%add3A_72, %dma_start3A_283] : memref<102400x128xf32, #tpu.memory_space<hbm>> -> memref<160x128xf32, #tpu.memory_space<hbm>>
      tpu.enqueue_dma source(%arg10 : memref<160x128xf32, #tpu.memory_space<vmem>>) target(%dma_start3A_284 : memref<160x128xf32, #tpu.memory_space<hbm>>) target_semaphore(%run_scoped3A : memref<!tpu.dma_semaphore, #tpu.memory_space<semaphore_mem>>)
      %dma_wait3A_285 = arith.constant 0 : i32
      %dma_wait3A_286 = tpu.memref_slice %arg6[%add3A_72, %dma_wait3A_285] : memref<102400x128xf32, #tpu.memory_space<hbm>> -> memref<160x128xf32, #tpu.memory_space<hbm>>
      %dma_wait3A_287 = arith.constant 0 : i32
      %dma_wait3A_288 = tpu.memref_slice %arg6[%add3A_72, %dma_wait3A_287] : memref<102400x128xf32, #tpu.memory_space<hbm>> -> memref<160x128xf32, #tpu.memory_space<hbm>>
      tpu.wait_dma2 semaphore(%run_scoped3A : memref<!tpu.dma_semaphore, #tpu.memory_space<semaphore_mem>>) src(%arg10 : memref<160x128xf32, #tpu.memory_space<vmem>>) dst(%dma_wait3A_288 : memref<160x128xf32, #tpu.memory_space<hbm>>)
      tpu.yield
    }) : () -> ()
    %dma_wait3A_82 = arith.constant 0 : i32
    %dma_wait3A_83 = arith.constant 0 : i32
    %dma_wait3A_84 = tpu.memref_slice %arg3[%dma_wait3A_82, %dma_wait3A_83] : memref<10000x128xf32, #tpu.memory_space<hbm>> -> memref<10000x128xf32, #tpu.memory_space<hbm>>
    tpu.wait_indirect_dma semaphore(%arg13 : memref<!tpu.dma_semaphore, #tpu.memory_space<semaphore_mem>>) src(%dma_wait3A_84 : memref<10000x128xf32, #tpu.memory_space<hbm>>) dst(%arg11 : memref<160x128xf32, #tpu.memory_space<vmem>>)
    "tpu.region"() ({
      %run_scoped3A = tpu.sem_alloc : memref<!tpu.dma_semaphore, #tpu.memory_space<semaphore_mem>>
      %dma_start3A_281 = arith.constant 0 : i32
      %dma_start3A_282 = tpu.memref_slice %arg7[%add3A_72, %dma_start3A_281] : memref<102400x128xf32, #tpu.memory_space<hbm>> -> memref<160x128xf32, #tpu.memory_space<hbm>>
      %dma_start3A_283 = arith.constant 0 : i32
      %dma_start3A_284 = tpu.memref_slice %arg7[%add3A_72, %dma_start3A_283] : memref<102400x128xf32, #tpu.memory_space<hbm>> -> memref<160x128xf32, #tpu.memory_space<hbm>>
      tpu.enqueue_dma source(%arg11 : memref<160x128xf32, #tpu.memory_space<vmem>>) target(%dma_start3A_284 : memref<160x128xf32, #tpu.memory_space<hbm>>) target_semaphore(%run_scoped3A : memref<!tpu.dma_semaphore, #tpu.memory_space<semaphore_mem>>)
      %dma_wait3A_285 = arith.constant 0 : i32
      %dma_wait3A_286 = tpu.memref_slice %arg7[%add3A_72, %dma_wait3A_285] : memref<102400x128xf32, #tpu.memory_space<hbm>> -> memref<160x128xf32, #tpu.memory_space<hbm>>
      %dma_wait3A_287 = arith.constant 0 : i32
      %dma_wait3A_288 = tpu.memref_slice %arg7[%add3A_72, %dma_wait3A_287] : memref<102400x128xf32, #tpu.memory_space<hbm>> -> memref<160x128xf32, #tpu.memory_space<hbm>>
      tpu.wait_dma2 semaphore(%run_scoped3A : memref<!tpu.dma_semaphore, #tpu.memory_space<semaphore_mem>>) src(%arg11 : memref<160x128xf32, #tpu.memory_space<vmem>>) dst(%dma_wait3A_288 : memref<160x128xf32, #tpu.memory_space<hbm>>)
      tpu.yield
    }) : () -> ()
    %add3A_85 = arith.constant 960 : i32
    %add3A_86 = arith.addi %mul3A_2, %add3A_85 : i32
    "tpu.region"() ({
      %run_scoped3A = tpu.sem_alloc : memref<!tpu.dma_semaphore, #tpu.memory_space<semaphore_mem>>
      %dma_start3A_281 = tpu.memref_slice %arg4[%add3A_86] : memref<102400xi32, #tpu.memory_space<hbm>> -> memref<160xi32, #tpu.memory_space<hbm>>
      %dma_start3A_282 = tpu.memref_slice %arg4[%add3A_86] : memref<102400xi32, #tpu.memory_space<hbm>> -> memref<160xi32, #tpu.memory_space<hbm>>
      tpu.enqueue_dma source(%dma_start3A_282 : memref<160xi32, #tpu.memory_space<hbm>>) target(%arg8 : memref<160xi32, #tpu.memory_space<vmem>>) target_semaphore(%run_scoped3A : memref<!tpu.dma_semaphore, #tpu.memory_space<semaphore_mem>>)
      %dma_wait3A_283 = tpu.memref_slice %arg4[%add3A_86] : memref<102400xi32, #tpu.memory_space<hbm>> -> memref<160xi32, #tpu.memory_space<hbm>>
      %dma_wait3A_284 = tpu.memref_slice %arg4[%add3A_86] : memref<102400xi32, #tpu.memory_space<hbm>> -> memref<160xi32, #tpu.memory_space<hbm>>
      tpu.wait_dma2 semaphore(%run_scoped3A : memref<!tpu.dma_semaphore, #tpu.memory_space<semaphore_mem>>) src(%dma_wait3A_284 : memref<160xi32, #tpu.memory_space<hbm>>) dst(%arg8 : memref<160xi32, #tpu.memory_space<vmem>>)
      tpu.yield
    }) : () -> ()
    "tpu.region"() ({
      %run_scoped3A = tpu.sem_alloc : memref<!tpu.dma_semaphore, #tpu.memory_space<semaphore_mem>>
      %dma_start3A_281 = tpu.memref_slice %arg5[%add3A_86] : memref<102400xi32, #tpu.memory_space<hbm>> -> memref<160xi32, #tpu.memory_space<hbm>>
      %dma_start3A_282 = tpu.memref_slice %arg5[%add3A_86] : memref<102400xi32, #tpu.memory_space<hbm>> -> memref<160xi32, #tpu.memory_space<hbm>>
      tpu.enqueue_dma source(%dma_start3A_282 : memref<160xi32, #tpu.memory_space<hbm>>) target(%arg9 : memref<160xi32, #tpu.memory_space<vmem>>) target_semaphore(%run_scoped3A : memref<!tpu.dma_semaphore, #tpu.memory_space<semaphore_mem>>)
      %dma_wait3A_283 = tpu.memref_slice %arg5[%add3A_86] : memref<102400xi32, #tpu.memory_space<hbm>> -> memref<160xi32, #tpu.memory_space<hbm>>
      %dma_wait3A_284 = tpu.memref_slice %arg5[%add3A_86] : memref<102400xi32, #tpu.memory_space<hbm>> -> memref<160xi32, #tpu.memory_space<hbm>>
      tpu.wait_dma2 semaphore(%run_scoped3A : memref<!tpu.dma_semaphore, #tpu.memory_space<semaphore_mem>>) src(%dma_wait3A_284 : memref<160xi32, #tpu.memory_space<hbm>>) dst(%arg9 : memref<160xi32, #tpu.memory_space<vmem>>)
      tpu.yield
    }) : () -> ()
    %dma_start3A_87 = arith.constant 0 : i32
    %dma_start3A_88 = arith.constant 0 : i32
    %dma_start3A_89 = tpu.memref_slice %arg2[%dma_start3A_87, %dma_start3A_88] : memref<100x128xf32, #tpu.memory_space<hbm>> -> memref<100x128xf32, #tpu.memory_space<hbm>>
    tpu.enqueue_indirect_dma source(%dma_start3A_89 : memref<100x128xf32, #tpu.memory_space<hbm>>) target(%arg10 : memref<160x128xf32, #tpu.memory_space<vmem>>) offsets(%arg8 : memref<160xi32, #tpu.memory_space<vmem>>) semaphore(%arg12 : memref<!tpu.dma_semaphore, #tpu.memory_space<semaphore_mem>>)
    %dma_start3A_90 = arith.constant 0 : i32
    %dma_start3A_91 = arith.constant 0 : i32
    %dma_start3A_92 = tpu.memref_slice %arg3[%dma_start3A_90, %dma_start3A_91] : memref<10000x128xf32, #tpu.memory_space<hbm>> -> memref<10000x128xf32, #tpu.memory_space<hbm>>
    tpu.enqueue_indirect_dma source(%dma_start3A_92 : memref<10000x128xf32, #tpu.memory_space<hbm>>) target(%arg11 : memref<160x128xf32, #tpu.memory_space<vmem>>) offsets(%arg9 : memref<160xi32, #tpu.memory_space<vmem>>) semaphore(%arg13 : memref<!tpu.dma_semaphore, #tpu.memory_space<semaphore_mem>>)
    %dma_wait3A_93 = arith.constant 0 : i32
    %dma_wait3A_94 = arith.constant 0 : i32
    %dma_wait3A_95 = tpu.memref_slice %arg2[%dma_wait3A_93, %dma_wait3A_94] : memref<100x128xf32, #tpu.memory_space<hbm>> -> memref<100x128xf32, #tpu.memory_space<hbm>>
    tpu.wait_indirect_dma semaphore(%arg12 : memref<!tpu.dma_semaphore, #tpu.memory_space<semaphore_mem>>) src(%dma_wait3A_95 : memref<100x128xf32, #tpu.memory_space<hbm>>) dst(%arg10 : memref<160x128xf32, #tpu.memory_space<vmem>>)
    "tpu.region"() ({
      %run_scoped3A = tpu.sem_alloc : memref<!tpu.dma_semaphore, #tpu.memory_space<semaphore_mem>>
      %dma_start3A_281 = arith.constant 0 : i32
      %dma_start3A_282 = tpu.memref_slice %arg6[%add3A_86, %dma_start3A_281] : memref<102400x128xf32, #tpu.memory_space<hbm>> -> memref<160x128xf32, #tpu.memory_space<hbm>>
      %dma_start3A_283 = arith.constant 0 : i32
      %dma_start3A_284 = tpu.memref_slice %arg6[%add3A_86, %dma_start3A_283] : memref<102400x128xf32, #tpu.memory_space<hbm>> -> memref<160x128xf32, #tpu.memory_space<hbm>>
      tpu.enqueue_dma source(%arg10 : memref<160x128xf32, #tpu.memory_space<vmem>>) target(%dma_start3A_284 : memref<160x128xf32, #tpu.memory_space<hbm>>) target_semaphore(%run_scoped3A : memref<!tpu.dma_semaphore, #tpu.memory_space<semaphore_mem>>)
      %dma_wait3A_285 = arith.constant 0 : i32
      %dma_wait3A_286 = tpu.memref_slice %arg6[%add3A_86, %dma_wait3A_285] : memref<102400x128xf32, #tpu.memory_space<hbm>> -> memref<160x128xf32, #tpu.memory_space<hbm>>
      %dma_wait3A_287 = arith.constant 0 : i32
      %dma_wait3A_288 = tpu.memref_slice %arg6[%add3A_86, %dma_wait3A_287] : memref<102400x128xf32, #tpu.memory_space<hbm>> -> memref<160x128xf32, #tpu.memory_space<hbm>>
      tpu.wait_dma2 semaphore(%run_scoped3A : memref<!tpu.dma_semaphore, #tpu.memory_space<semaphore_mem>>) src(%arg10 : memref<160x128xf32, #tpu.memory_space<vmem>>) dst(%dma_wait3A_288 : memref<160x128xf32, #tpu.memory_space<hbm>>)
      tpu.yield
    }) : () -> ()
    %dma_wait3A_96 = arith.constant 0 : i32
    %dma_wait3A_97 = arith.constant 0 : i32
    %dma_wait3A_98 = tpu.memref_slice %arg3[%dma_wait3A_96, %dma_wait3A_97] : memref<10000x128xf32, #tpu.memory_space<hbm>> -> memref<10000x128xf32, #tpu.memory_space<hbm>>
    tpu.wait_indirect_dma semaphore(%arg13 : memref<!tpu.dma_semaphore, #tpu.memory_space<semaphore_mem>>) src(%dma_wait3A_98 : memref<10000x128xf32, #tpu.memory_space<hbm>>) dst(%arg11 : memref<160x128xf32, #tpu.memory_space<vmem>>)
    "tpu.region"() ({
      %run_scoped3A = tpu.sem_alloc : memref<!tpu.dma_semaphore, #tpu.memory_space<semaphore_mem>>
      %dma_start3A_281 = arith.constant 0 : i32
      %dma_start3A_282 = tpu.memref_slice %arg7[%add3A_86, %dma_start3A_281] : memref<102400x128xf32, #tpu.memory_space<hbm>> -> memref<160x128xf32, #tpu.memory_space<hbm>>
      %dma_start3A_283 = arith.constant 0 : i32
      %dma_start3A_284 = tpu.memref_slice %arg7[%add3A_86, %dma_start3A_283] : memref<102400x128xf32, #tpu.memory_space<hbm>> -> memref<160x128xf32, #tpu.memory_space<hbm>>
      tpu.enqueue_dma source(%arg11 : memref<160x128xf32, #tpu.memory_space<vmem>>) target(%dma_start3A_284 : memref<160x128xf32, #tpu.memory_space<hbm>>) target_semaphore(%run_scoped3A : memref<!tpu.dma_semaphore, #tpu.memory_space<semaphore_mem>>)
      %dma_wait3A_285 = arith.constant 0 : i32
      %dma_wait3A_286 = tpu.memref_slice %arg7[%add3A_86, %dma_wait3A_285] : memref<102400x128xf32, #tpu.memory_space<hbm>> -> memref<160x128xf32, #tpu.memory_space<hbm>>
      %dma_wait3A_287 = arith.constant 0 : i32
      %dma_wait3A_288 = tpu.memref_slice %arg7[%add3A_86, %dma_wait3A_287] : memref<102400x128xf32, #tpu.memory_space<hbm>> -> memref<160x128xf32, #tpu.memory_space<hbm>>
      tpu.wait_dma2 semaphore(%run_scoped3A : memref<!tpu.dma_semaphore, #tpu.memory_space<semaphore_mem>>) src(%arg11 : memref<160x128xf32, #tpu.memory_space<vmem>>) dst(%dma_wait3A_288 : memref<160x128xf32, #tpu.memory_space<hbm>>)
      tpu.yield
    }) : () -> ()
    %add3A_99 = arith.constant 1120 : i32
    %add3A_100 = arith.addi %mul3A_2, %add3A_99 : i32
    "tpu.region"() ({
      %run_scoped3A = tpu.sem_alloc : memref<!tpu.dma_semaphore, #tpu.memory_space<semaphore_mem>>
      %dma_start3A_281 = tpu.memref_slice %arg4[%add3A_100] : memref<102400xi32, #tpu.memory_space<hbm>> -> memref<160xi32, #tpu.memory_space<hbm>>
      %dma_start3A_282 = tpu.memref_slice %arg4[%add3A_100] : memref<102400xi32, #tpu.memory_space<hbm>> -> memref<160xi32, #tpu.memory_space<hbm>>
      tpu.enqueue_dma source(%dma_start3A_282 : memref<160xi32, #tpu.memory_space<hbm>>) target(%arg8 : memref<160xi32, #tpu.memory_space<vmem>>) target_semaphore(%run_scoped3A : memref<!tpu.dma_semaphore, #tpu.memory_space<semaphore_mem>>)
      %dma_wait3A_283 = tpu.memref_slice %arg4[%add3A_100] : memref<102400xi32, #tpu.memory_space<hbm>> -> memref<160xi32, #tpu.memory_space<hbm>>
      %dma_wait3A_284 = tpu.memref_slice %arg4[%add3A_100] : memref<102400xi32, #tpu.memory_space<hbm>> -> memref<160xi32, #tpu.memory_space<hbm>>
      tpu.wait_dma2 semaphore(%run_scoped3A : memref<!tpu.dma_semaphore, #tpu.memory_space<semaphore_mem>>) src(%dma_wait3A_284 : memref<160xi32, #tpu.memory_space<hbm>>) dst(%arg8 : memref<160xi32, #tpu.memory_space<vmem>>)
      tpu.yield
    }) : () -> ()
    "tpu.region"() ({
      %run_scoped3A = tpu.sem_alloc : memref<!tpu.dma_semaphore, #tpu.memory_space<semaphore_mem>>
      %dma_start3A_281 = tpu.memref_slice %arg5[%add3A_100] : memref<102400xi32, #tpu.memory_space<hbm>> -> memref<160xi32, #tpu.memory_space<hbm>>
      %dma_start3A_282 = tpu.memref_slice %arg5[%add3A_100] : memref<102400xi32, #tpu.memory_space<hbm>> -> memref<160xi32, #tpu.memory_space<hbm>>
      tpu.enqueue_dma source(%dma_start3A_282 : memref<160xi32, #tpu.memory_space<hbm>>) target(%arg9 : memref<160xi32, #tpu.memory_space<vmem>>) target_semaphore(%run_scoped3A : memref<!tpu.dma_semaphore, #tpu.memory_space<semaphore_mem>>)
      %dma_wait3A_283 = tpu.memref_slice %arg5[%add3A_100] : memref<102400xi32, #tpu.memory_space<hbm>> -> memref<160xi32, #tpu.memory_space<hbm>>
      %dma_wait3A_284 = tpu.memref_slice %arg5[%add3A_100] : memref<102400xi32, #tpu.memory_space<hbm>> -> memref<160xi32, #tpu.memory_space<hbm>>
      tpu.wait_dma2 semaphore(%run_scoped3A : memref<!tpu.dma_semaphore, #tpu.memory_space<semaphore_mem>>) src(%dma_wait3A_284 : memref<160xi32, #tpu.memory_space<hbm>>) dst(%arg9 : memref<160xi32, #tpu.memory_space<vmem>>)
      tpu.yield
    }) : () -> ()
    %dma_start3A_101 = arith.constant 0 : i32
    %dma_start3A_102 = arith.constant 0 : i32
    %dma_start3A_103 = tpu.memref_slice %arg2[%dma_start3A_101, %dma_start3A_102] : memref<100x128xf32, #tpu.memory_space<hbm>> -> memref<100x128xf32, #tpu.memory_space<hbm>>
    tpu.enqueue_indirect_dma source(%dma_start3A_103 : memref<100x128xf32, #tpu.memory_space<hbm>>) target(%arg10 : memref<160x128xf32, #tpu.memory_space<vmem>>) offsets(%arg8 : memref<160xi32, #tpu.memory_space<vmem>>) semaphore(%arg12 : memref<!tpu.dma_semaphore, #tpu.memory_space<semaphore_mem>>)
    %dma_start3A_104 = arith.constant 0 : i32
    %dma_start3A_105 = arith.constant 0 : i32
    %dma_start3A_106 = tpu.memref_slice %arg3[%dma_start3A_104, %dma_start3A_105] : memref<10000x128xf32, #tpu.memory_space<hbm>> -> memref<10000x128xf32, #tpu.memory_space<hbm>>
    tpu.enqueue_indirect_dma source(%dma_start3A_106 : memref<10000x128xf32, #tpu.memory_space<hbm>>) target(%arg11 : memref<160x128xf32, #tpu.memory_space<vmem>>) offsets(%arg9 : memref<160xi32, #tpu.memory_space<vmem>>) semaphore(%arg13 : memref<!tpu.dma_semaphore, #tpu.memory_space<semaphore_mem>>)
    %dma_wait3A_107 = arith.constant 0 : i32
    %dma_wait3A_108 = arith.constant 0 : i32
    %dma_wait3A_109 = tpu.memref_slice %arg2[%dma_wait3A_107, %dma_wait3A_108] : memref<100x128xf32, #tpu.memory_space<hbm>> -> memref<100x128xf32, #tpu.memory_space<hbm>>
    tpu.wait_indirect_dma semaphore(%arg12 : memref<!tpu.dma_semaphore, #tpu.memory_space<semaphore_mem>>) src(%dma_wait3A_109 : memref<100x128xf32, #tpu.memory_space<hbm>>) dst(%arg10 : memref<160x128xf32, #tpu.memory_space<vmem>>)
    "tpu.region"() ({
      %run_scoped3A = tpu.sem_alloc : memref<!tpu.dma_semaphore, #tpu.memory_space<semaphore_mem>>
      %dma_start3A_281 = arith.constant 0 : i32
      %dma_start3A_282 = tpu.memref_slice %arg6[%add3A_100, %dma_start3A_281] : memref<102400x128xf32, #tpu.memory_space<hbm>> -> memref<160x128xf32, #tpu.memory_space<hbm>>
      %dma_start3A_283 = arith.constant 0 : i32
      %dma_start3A_284 = tpu.memref_slice %arg6[%add3A_100, %dma_start3A_283] : memref<102400x128xf32, #tpu.memory_space<hbm>> -> memref<160x128xf32, #tpu.memory_space<hbm>>
      tpu.enqueue_dma source(%arg10 : memref<160x128xf32, #tpu.memory_space<vmem>>) target(%dma_start3A_284 : memref<160x128xf32, #tpu.memory_space<hbm>>) target_semaphore(%run_scoped3A : memref<!tpu.dma_semaphore, #tpu.memory_space<semaphore_mem>>)
      %dma_wait3A_285 = arith.constant 0 : i32
      %dma_wait3A_286 = tpu.memref_slice %arg6[%add3A_100, %dma_wait3A_285] : memref<102400x128xf32, #tpu.memory_space<hbm>> -> memref<160x128xf32, #tpu.memory_space<hbm>>
      %dma_wait3A_287 = arith.constant 0 : i32
      %dma_wait3A_288 = tpu.memref_slice %arg6[%add3A_100, %dma_wait3A_287] : memref<102400x128xf32, #tpu.memory_space<hbm>> -> memref<160x128xf32, #tpu.memory_space<hbm>>
      tpu.wait_dma2 semaphore(%run_scoped3A : memref<!tpu.dma_semaphore, #tpu.memory_space<semaphore_mem>>) src(%arg10 : memref<160x128xf32, #tpu.memory_space<vmem>>) dst(%dma_wait3A_288 : memref<160x128xf32, #tpu.memory_space<hbm>>)
      tpu.yield
    }) : () -> ()
    %dma_wait3A_110 = arith.constant 0 : i32
    %dma_wait3A_111 = arith.constant 0 : i32
    %dma_wait3A_112 = tpu.memref_slice %arg3[%dma_wait3A_110, %dma_wait3A_111] : memref<10000x128xf32, #tpu.memory_space<hbm>> -> memref<10000x128xf32, #tpu.memory_space<hbm>>
    tpu.wait_indirect_dma semaphore(%arg13 : memref<!tpu.dma_semaphore, #tpu.memory_space<semaphore_mem>>) src(%dma_wait3A_112 : memref<10000x128xf32, #tpu.memory_space<hbm>>) dst(%arg11 : memref<160x128xf32, #tpu.memory_space<vmem>>)
    "tpu.region"() ({
      %run_scoped3A = tpu.sem_alloc : memref<!tpu.dma_semaphore, #tpu.memory_space<semaphore_mem>>
      %dma_start3A_281 = arith.constant 0 : i32
      %dma_start3A_282 = tpu.memref_slice %arg7[%add3A_100, %dma_start3A_281] : memref<102400x128xf32, #tpu.memory_space<hbm>> -> memref<160x128xf32, #tpu.memory_space<hbm>>
      %dma_start3A_283 = arith.constant 0 : i32
      %dma_start3A_284 = tpu.memref_slice %arg7[%add3A_100, %dma_start3A_283] : memref<102400x128xf32, #tpu.memory_space<hbm>> -> memref<160x128xf32, #tpu.memory_space<hbm>>
      tpu.enqueue_dma source(%arg11 : memref<160x128xf32, #tpu.memory_space<vmem>>) target(%dma_start3A_284 : memref<160x128xf32, #tpu.memory_space<hbm>>) target_semaphore(%run_scoped3A : memref<!tpu.dma_semaphore, #tpu.memory_space<semaphore_mem>>)
      %dma_wait3A_285 = arith.constant 0 : i32
      %dma_wait3A_286 = tpu.memref_slice %arg7[%add3A_100, %dma_wait3A_285] : memref<102400x128xf32, #tpu.memory_space<hbm>> -> memref<160x128xf32, #tpu.memory_space<hbm>>
      %dma_wait3A_287 = arith.constant 0 : i32
      %dma_wait3A_288 = tpu.memref_slice %arg7[%add3A_100, %dma_wait3A_287] : memref<102400x128xf32, #tpu.memory_space<hbm>> -> memref<160x128xf32, #tpu.memory_space<hbm>>
      tpu.wait_dma2 semaphore(%run_scoped3A : memref<!tpu.dma_semaphore, #tpu.memory_space<semaphore_mem>>) src(%arg11 : memref<160x128xf32, #tpu.memory_space<vmem>>) dst(%dma_wait3A_288 : memref<160x128xf32, #tpu.memory_space<hbm>>)
      tpu.yield
    }) : () -> ()
    %add3A_113 = arith.constant 1280 : i32
    %add3A_114 = arith.addi %mul3A_2, %add3A_113 : i32
    "tpu.region"() ({
      %run_scoped3A = tpu.sem_alloc : memref<!tpu.dma_semaphore, #tpu.memory_space<semaphore_mem>>
      %dma_start3A_281 = tpu.memref_slice %arg4[%add3A_114] : memref<102400xi32, #tpu.memory_space<hbm>> -> memref<160xi32, #tpu.memory_space<hbm>>
      %dma_start3A_282 = tpu.memref_slice %arg4[%add3A_114] : memref<102400xi32, #tpu.memory_space<hbm>> -> memref<160xi32, #tpu.memory_space<hbm>>
      tpu.enqueue_dma source(%dma_start3A_282 : memref<160xi32, #tpu.memory_space<hbm>>) target(%arg8 : memref<160xi32, #tpu.memory_space<vmem>>) target_semaphore(%run_scoped3A : memref<!tpu.dma_semaphore, #tpu.memory_space<semaphore_mem>>)
      %dma_wait3A_283 = tpu.memref_slice %arg4[%add3A_114] : memref<102400xi32, #tpu.memory_space<hbm>> -> memref<160xi32, #tpu.memory_space<hbm>>
      %dma_wait3A_284 = tpu.memref_slice %arg4[%add3A_114] : memref<102400xi32, #tpu.memory_space<hbm>> -> memref<160xi32, #tpu.memory_space<hbm>>
      tpu.wait_dma2 semaphore(%run_scoped3A : memref<!tpu.dma_semaphore, #tpu.memory_space<semaphore_mem>>) src(%dma_wait3A_284 : memref<160xi32, #tpu.memory_space<hbm>>) dst(%arg8 : memref<160xi32, #tpu.memory_space<vmem>>)
      tpu.yield
    }) : () -> ()
    "tpu.region"() ({
      %run_scoped3A = tpu.sem_alloc : memref<!tpu.dma_semaphore, #tpu.memory_space<semaphore_mem>>
      %dma_start3A_281 = tpu.memref_slice %arg5[%add3A_114] : memref<102400xi32, #tpu.memory_space<hbm>> -> memref<160xi32, #tpu.memory_space<hbm>>
      %dma_start3A_282 = tpu.memref_slice %arg5[%add3A_114] : memref<102400xi32, #tpu.memory_space<hbm>> -> memref<160xi32, #tpu.memory_space<hbm>>
      tpu.enqueue_dma source(%dma_start3A_282 : memref<160xi32, #tpu.memory_space<hbm>>) target(%arg9 : memref<160xi32, #tpu.memory_space<vmem>>) target_semaphore(%run_scoped3A : memref<!tpu.dma_semaphore, #tpu.memory_space<semaphore_mem>>)
      %dma_wait3A_283 = tpu.memref_slice %arg5[%add3A_114] : memref<102400xi32, #tpu.memory_space<hbm>> -> memref<160xi32, #tpu.memory_space<hbm>>
      %dma_wait3A_284 = tpu.memref_slice %arg5[%add3A_114] : memref<102400xi32, #tpu.memory_space<hbm>> -> memref<160xi32, #tpu.memory_space<hbm>>
      tpu.wait_dma2 semaphore(%run_scoped3A : memref<!tpu.dma_semaphore, #tpu.memory_space<semaphore_mem>>) src(%dma_wait3A_284 : memref<160xi32, #tpu.memory_space<hbm>>) dst(%arg9 : memref<160xi32, #tpu.memory_space<vmem>>)
      tpu.yield
    }) : () -> ()
    %dma_start3A_115 = arith.constant 0 : i32
    %dma_start3A_116 = arith.constant 0 : i32
    %dma_start3A_117 = tpu.memref_slice %arg2[%dma_start3A_115, %dma_start3A_116] : memref<100x128xf32, #tpu.memory_space<hbm>> -> memref<100x128xf32, #tpu.memory_space<hbm>>
    tpu.enqueue_indirect_dma source(%dma_start3A_117 : memref<100x128xf32, #tpu.memory_space<hbm>>) target(%arg10 : memref<160x128xf32, #tpu.memory_space<vmem>>) offsets(%arg8 : memref<160xi32, #tpu.memory_space<vmem>>) semaphore(%arg12 : memref<!tpu.dma_semaphore, #tpu.memory_space<semaphore_mem>>)
    %dma_start3A_118 = arith.constant 0 : i32
    %dma_start3A_119 = arith.constant 0 : i32
    %dma_start3A_120 = tpu.memref_slice %arg3[%dma_start3A_118, %dma_start3A_119] : memref<10000x128xf32, #tpu.memory_space<hbm>> -> memref<10000x128xf32, #tpu.memory_space<hbm>>
    tpu.enqueue_indirect_dma source(%dma_start3A_120 : memref<10000x128xf32, #tpu.memory_space<hbm>>) target(%arg11 : memref<160x128xf32, #tpu.memory_space<vmem>>) offsets(%arg9 : memref<160xi32, #tpu.memory_space<vmem>>) semaphore(%arg13 : memref<!tpu.dma_semaphore, #tpu.memory_space<semaphore_mem>>)
    %dma_wait3A_121 = arith.constant 0 : i32
    %dma_wait3A_122 = arith.constant 0 : i32
    %dma_wait3A_123 = tpu.memref_slice %arg2[%dma_wait3A_121, %dma_wait3A_122] : memref<100x128xf32, #tpu.memory_space<hbm>> -> memref<100x128xf32, #tpu.memory_space<hbm>>
    tpu.wait_indirect_dma semaphore(%arg12 : memref<!tpu.dma_semaphore, #tpu.memory_space<semaphore_mem>>) src(%dma_wait3A_123 : memref<100x128xf32, #tpu.memory_space<hbm>>) dst(%arg10 : memref<160x128xf32, #tpu.memory_space<vmem>>)
    "tpu.region"() ({
      %run_scoped3A = tpu.sem_alloc : memref<!tpu.dma_semaphore, #tpu.memory_space<semaphore_mem>>
      %dma_start3A_281 = arith.constant 0 : i32
      %dma_start3A_282 = tpu.memref_slice %arg6[%add3A_114, %dma_start3A_281] : memref<102400x128xf32, #tpu.memory_space<hbm>> -> memref<160x128xf32, #tpu.memory_space<hbm>>
      %dma_start3A_283 = arith.constant 0 : i32
      %dma_start3A_284 = tpu.memref_slice %arg6[%add3A_114, %dma_start3A_283] : memref<102400x128xf32, #tpu.memory_space<hbm>> -> memref<160x128xf32, #tpu.memory_space<hbm>>
      tpu.enqueue_dma source(%arg10 : memref<160x128xf32, #tpu.memory_space<vmem>>) target(%dma_start3A_284 : memref<160x128xf32, #tpu.memory_space<hbm>>) target_semaphore(%run_scoped3A : memref<!tpu.dma_semaphore, #tpu.memory_space<semaphore_mem>>)
      %dma_wait3A_285 = arith.constant 0 : i32
      %dma_wait3A_286 = tpu.memref_slice %arg6[%add3A_114, %dma_wait3A_285] : memref<102400x128xf32, #tpu.memory_space<hbm>> -> memref<160x128xf32, #tpu.memory_space<hbm>>
      %dma_wait3A_287 = arith.constant 0 : i32
      %dma_wait3A_288 = tpu.memref_slice %arg6[%add3A_114, %dma_wait3A_287] : memref<102400x128xf32, #tpu.memory_space<hbm>> -> memref<160x128xf32, #tpu.memory_space<hbm>>
      tpu.wait_dma2 semaphore(%run_scoped3A : memref<!tpu.dma_semaphore, #tpu.memory_space<semaphore_mem>>) src(%arg10 : memref<160x128xf32, #tpu.memory_space<vmem>>) dst(%dma_wait3A_288 : memref<160x128xf32, #tpu.memory_space<hbm>>)
      tpu.yield
    }) : () -> ()
    %dma_wait3A_124 = arith.constant 0 : i32
    %dma_wait3A_125 = arith.constant 0 : i32
    %dma_wait3A_126 = tpu.memref_slice %arg3[%dma_wait3A_124, %dma_wait3A_125] : memref<10000x128xf32, #tpu.memory_space<hbm>> -> memref<10000x128xf32, #tpu.memory_space<hbm>>
    tpu.wait_indirect_dma semaphore(%arg13 : memref<!tpu.dma_semaphore, #tpu.memory_space<semaphore_mem>>) src(%dma_wait3A_126 : memref<10000x128xf32, #tpu.memory_space<hbm>>) dst(%arg11 : memref<160x128xf32, #tpu.memory_space<vmem>>)
    "tpu.region"() ({
      %run_scoped3A = tpu.sem_alloc : memref<!tpu.dma_semaphore, #tpu.memory_space<semaphore_mem>>
      %dma_start3A_281 = arith.constant 0 : i32
      %dma_start3A_282 = tpu.memref_slice %arg7[%add3A_114, %dma_start3A_281] : memref<102400x128xf32, #tpu.memory_space<hbm>> -> memref<160x128xf32, #tpu.memory_space<hbm>>
      %dma_start3A_283 = arith.constant 0 : i32
      %dma_start3A_284 = tpu.memref_slice %arg7[%add3A_114, %dma_start3A_283] : memref<102400x128xf32, #tpu.memory_space<hbm>> -> memref<160x128xf32, #tpu.memory_space<hbm>>
      tpu.enqueue_dma source(%arg11 : memref<160x128xf32, #tpu.memory_space<vmem>>) target(%dma_start3A_284 : memref<160x128xf32, #tpu.memory_space<hbm>>) target_semaphore(%run_scoped3A : memref<!tpu.dma_semaphore, #tpu.memory_space<semaphore_mem>>)
      %dma_wait3A_285 = arith.constant 0 : i32
      %dma_wait3A_286 = tpu.memref_slice %arg7[%add3A_114, %dma_wait3A_285] : memref<102400x128xf32, #tpu.memory_space<hbm>> -> memref<160x128xf32, #tpu.memory_space<hbm>>
      %dma_wait3A_287 = arith.constant 0 : i32
      %dma_wait3A_288 = tpu.memref_slice %arg7[%add3A_114, %dma_wait3A_287] : memref<102400x128xf32, #tpu.memory_space<hbm>> -> memref<160x128xf32, #tpu.memory_space<hbm>>
      tpu.wait_dma2 semaphore(%run_scoped3A : memref<!tpu.dma_semaphore, #tpu.memory_space<semaphore_mem>>) src(%arg11 : memref<160x128xf32, #tpu.memory_space<vmem>>) dst(%dma_wait3A_288 : memref<160x128xf32, #tpu.memory_space<hbm>>)
      tpu.yield
    }) : () -> ()
    %add3A_127 = arith.constant 1440 : i32
    %add3A_128 = arith.addi %mul3A_2, %add3A_127 : i32
    "tpu.region"() ({
      %run_scoped3A = tpu.sem_alloc : memref<!tpu.dma_semaphore, #tpu.memory_space<semaphore_mem>>
      %dma_start3A_281 = tpu.memref_slice %arg4[%add3A_128] : memref<102400xi32, #tpu.memory_space<hbm>> -> memref<160xi32, #tpu.memory_space<hbm>>
      %dma_start3A_282 = tpu.memref_slice %arg4[%add3A_128] : memref<102400xi32, #tpu.memory_space<hbm>> -> memref<160xi32, #tpu.memory_space<hbm>>
      tpu.enqueue_dma source(%dma_start3A_282 : memref<160xi32, #tpu.memory_space<hbm>>) target(%arg8 : memref<160xi32, #tpu.memory_space<vmem>>) target_semaphore(%run_scoped3A : memref<!tpu.dma_semaphore, #tpu.memory_space<semaphore_mem>>)
      %dma_wait3A_283 = tpu.memref_slice %arg4[%add3A_128] : memref<102400xi32, #tpu.memory_space<hbm>> -> memref<160xi32, #tpu.memory_space<hbm>>
      %dma_wait3A_284 = tpu.memref_slice %arg4[%add3A_128] : memref<102400xi32, #tpu.memory_space<hbm>> -> memref<160xi32, #tpu.memory_space<hbm>>
      tpu.wait_dma2 semaphore(%run_scoped3A : memref<!tpu.dma_semaphore, #tpu.memory_space<semaphore_mem>>) src(%dma_wait3A_284 : memref<160xi32, #tpu.memory_space<hbm>>) dst(%arg8 : memref<160xi32, #tpu.memory_space<vmem>>)
      tpu.yield
    }) : () -> ()
    "tpu.region"() ({
      %run_scoped3A = tpu.sem_alloc : memref<!tpu.dma_semaphore, #tpu.memory_space<semaphore_mem>>
      %dma_start3A_281 = tpu.memref_slice %arg5[%add3A_128] : memref<102400xi32, #tpu.memory_space<hbm>> -> memref<160xi32, #tpu.memory_space<hbm>>
      %dma_start3A_282 = tpu.memref_slice %arg5[%add3A_128] : memref<102400xi32, #tpu.memory_space<hbm>> -> memref<160xi32, #tpu.memory_space<hbm>>
      tpu.enqueue_dma source(%dma_start3A_282 : memref<160xi32, #tpu.memory_space<hbm>>) target(%arg9 : memref<160xi32, #tpu.memory_space<vmem>>) target_semaphore(%run_scoped3A : memref<!tpu.dma_semaphore, #tpu.memory_space<semaphore_mem>>)
      %dma_wait3A_283 = tpu.memref_slice %arg5[%add3A_128] : memref<102400xi32, #tpu.memory_space<hbm>> -> memref<160xi32, #tpu.memory_space<hbm>>
      %dma_wait3A_284 = tpu.memref_slice %arg5[%add3A_128] : memref<102400xi32, #tpu.memory_space<hbm>> -> memref<160xi32, #tpu.memory_space<hbm>>
      tpu.wait_dma2 semaphore(%run_scoped3A : memref<!tpu.dma_semaphore, #tpu.memory_space<semaphore_mem>>) src(%dma_wait3A_284 : memref<160xi32, #tpu.memory_space<hbm>>) dst(%arg9 : memref<160xi32, #tpu.memory_space<vmem>>)
      tpu.yield
    }) : () -> ()
    %dma_start3A_129 = arith.constant 0 : i32
    %dma_start3A_130 = arith.constant 0 : i32
    %dma_start3A_131 = tpu.memref_slice %arg2[%dma_start3A_129, %dma_start3A_130] : memref<100x128xf32, #tpu.memory_space<hbm>> -> memref<100x128xf32, #tpu.memory_space<hbm>>
    tpu.enqueue_indirect_dma source(%dma_start3A_131 : memref<100x128xf32, #tpu.memory_space<hbm>>) target(%arg10 : memref<160x128xf32, #tpu.memory_space<vmem>>) offsets(%arg8 : memref<160xi32, #tpu.memory_space<vmem>>) semaphore(%arg12 : memref<!tpu.dma_semaphore, #tpu.memory_space<semaphore_mem>>)
    %dma_start3A_132 = arith.constant 0 : i32
    %dma_start3A_133 = arith.constant 0 : i32
    %dma_start3A_134 = tpu.memref_slice %arg3[%dma_start3A_132, %dma_start3A_133] : memref<10000x128xf32, #tpu.memory_space<hbm>> -> memref<10000x128xf32, #tpu.memory_space<hbm>>
    tpu.enqueue_indirect_dma source(%dma_start3A_134 : memref<10000x128xf32, #tpu.memory_space<hbm>>) target(%arg11 : memref<160x128xf32, #tpu.memory_space<vmem>>) offsets(%arg9 : memref<160xi32, #tpu.memory_space<vmem>>) semaphore(%arg13 : memref<!tpu.dma_semaphore, #tpu.memory_space<semaphore_mem>>)
    %dma_wait3A_135 = arith.constant 0 : i32
    %dma_wait3A_136 = arith.constant 0 : i32
    %dma_wait3A_137 = tpu.memref_slice %arg2[%dma_wait3A_135, %dma_wait3A_136] : memref<100x128xf32, #tpu.memory_space<hbm>> -> memref<100x128xf32, #tpu.memory_space<hbm>>
    tpu.wait_indirect_dma semaphore(%arg12 : memref<!tpu.dma_semaphore, #tpu.memory_space<semaphore_mem>>) src(%dma_wait3A_137 : memref<100x128xf32, #tpu.memory_space<hbm>>) dst(%arg10 : memref<160x128xf32, #tpu.memory_space<vmem>>)
    "tpu.region"() ({
      %run_scoped3A = tpu.sem_alloc : memref<!tpu.dma_semaphore, #tpu.memory_space<semaphore_mem>>
      %dma_start3A_281 = arith.constant 0 : i32
      %dma_start3A_282 = tpu.memref_slice %arg6[%add3A_128, %dma_start3A_281] : memref<102400x128xf32, #tpu.memory_space<hbm>> -> memref<160x128xf32, #tpu.memory_space<hbm>>
      %dma_start3A_283 = arith.constant 0 : i32
      %dma_start3A_284 = tpu.memref_slice %arg6[%add3A_128, %dma_start3A_283] : memref<102400x128xf32, #tpu.memory_space<hbm>> -> memref<160x128xf32, #tpu.memory_space<hbm>>
      tpu.enqueue_dma source(%arg10 : memref<160x128xf32, #tpu.memory_space<vmem>>) target(%dma_start3A_284 : memref<160x128xf32, #tpu.memory_space<hbm>>) target_semaphore(%run_scoped3A : memref<!tpu.dma_semaphore, #tpu.memory_space<semaphore_mem>>)
      %dma_wait3A_285 = arith.constant 0 : i32
      %dma_wait3A_286 = tpu.memref_slice %arg6[%add3A_128, %dma_wait3A_285] : memref<102400x128xf32, #tpu.memory_space<hbm>> -> memref<160x128xf32, #tpu.memory_space<hbm>>
      %dma_wait3A_287 = arith.constant 0 : i32
      %dma_wait3A_288 = tpu.memref_slice %arg6[%add3A_128, %dma_wait3A_287] : memref<102400x128xf32, #tpu.memory_space<hbm>> -> memref<160x128xf32, #tpu.memory_space<hbm>>
      tpu.wait_dma2 semaphore(%run_scoped3A : memref<!tpu.dma_semaphore, #tpu.memory_space<semaphore_mem>>) src(%arg10 : memref<160x128xf32, #tpu.memory_space<vmem>>) dst(%dma_wait3A_288 : memref<160x128xf32, #tpu.memory_space<hbm>>)
      tpu.yield
    }) : () -> ()
    %dma_wait3A_138 = arith.constant 0 : i32
    %dma_wait3A_139 = arith.constant 0 : i32
    %dma_wait3A_140 = tpu.memref_slice %arg3[%dma_wait3A_138, %dma_wait3A_139] : memref<10000x128xf32, #tpu.memory_space<hbm>> -> memref<10000x128xf32, #tpu.memory_space<hbm>>
    tpu.wait_indirect_dma semaphore(%arg13 : memref<!tpu.dma_semaphore, #tpu.memory_space<semaphore_mem>>) src(%dma_wait3A_140 : memref<10000x128xf32, #tpu.memory_space<hbm>>) dst(%arg11 : memref<160x128xf32, #tpu.memory_space<vmem>>)
    "tpu.region"() ({
      %run_scoped3A = tpu.sem_alloc : memref<!tpu.dma_semaphore, #tpu.memory_space<semaphore_mem>>
      %dma_start3A_281 = arith.constant 0 : i32
      %dma_start3A_282 = tpu.memref_slice %arg7[%add3A_128, %dma_start3A_281] : memref<102400x128xf32, #tpu.memory_space<hbm>> -> memref<160x128xf32, #tpu.memory_space<hbm>>
      %dma_start3A_283 = arith.constant 0 : i32
      %dma_start3A_284 = tpu.memref_slice %arg7[%add3A_128, %dma_start3A_283] : memref<102400x128xf32, #tpu.memory_space<hbm>> -> memref<160x128xf32, #tpu.memory_space<hbm>>
      tpu.enqueue_dma source(%arg11 : memref<160x128xf32, #tpu.memory_space<vmem>>) target(%dma_start3A_284 : memref<160x128xf32, #tpu.memory_space<hbm>>) target_semaphore(%run_scoped3A : memref<!tpu.dma_semaphore, #tpu.memory_space<semaphore_mem>>)
      %dma_wait3A_285 = arith.constant 0 : i32
      %dma_wait3A_286 = tpu.memref_slice %arg7[%add3A_128, %dma_wait3A_285] : memref<102400x128xf32, #tpu.memory_space<hbm>> -> memref<160x128xf32, #tpu.memory_space<hbm>>
      %dma_wait3A_287 = arith.constant 0 : i32
      %dma_wait3A_288 = tpu.memref_slice %arg7[%add3A_128, %dma_wait3A_287] : memref<102400x128xf32, #tpu.memory_space<hbm>> -> memref<160x128xf32, #tpu.memory_space<hbm>>
      tpu.wait_dma2 semaphore(%run_scoped3A : memref<!tpu.dma_semaphore, #tpu.memory_space<semaphore_mem>>) src(%arg11 : memref<160x128xf32, #tpu.memory_space<vmem>>) dst(%dma_wait3A_288 : memref<160x128xf32, #tpu.memory_space<hbm>>)
      tpu.yield
    }) : () -> ()
    %add3A_141 = arith.constant 1600 : i32
    %add3A_142 = arith.addi %mul3A_2, %add3A_141 : i32
    "tpu.region"() ({
      %run_scoped3A = tpu.sem_alloc : memref<!tpu.dma_semaphore, #tpu.memory_space<semaphore_mem>>
      %dma_start3A_281 = tpu.memref_slice %arg4[%add3A_142] : memref<102400xi32, #tpu.memory_space<hbm>> -> memref<160xi32, #tpu.memory_space<hbm>>
      %dma_start3A_282 = tpu.memref_slice %arg4[%add3A_142] : memref<102400xi32, #tpu.memory_space<hbm>> -> memref<160xi32, #tpu.memory_space<hbm>>
      tpu.enqueue_dma source(%dma_start3A_282 : memref<160xi32, #tpu.memory_space<hbm>>) target(%arg8 : memref<160xi32, #tpu.memory_space<vmem>>) target_semaphore(%run_scoped3A : memref<!tpu.dma_semaphore, #tpu.memory_space<semaphore_mem>>)
      %dma_wait3A_283 = tpu.memref_slice %arg4[%add3A_142] : memref<102400xi32, #tpu.memory_space<hbm>> -> memref<160xi32, #tpu.memory_space<hbm>>
      %dma_wait3A_284 = tpu.memref_slice %arg4[%add3A_142] : memref<102400xi32, #tpu.memory_space<hbm>> -> memref<160xi32, #tpu.memory_space<hbm>>
      tpu.wait_dma2 semaphore(%run_scoped3A : memref<!tpu.dma_semaphore, #tpu.memory_space<semaphore_mem>>) src(%dma_wait3A_284 : memref<160xi32, #tpu.memory_space<hbm>>) dst(%arg8 : memref<160xi32, #tpu.memory_space<vmem>>)
      tpu.yield
    }) : () -> ()
    "tpu.region"() ({
      %run_scoped3A = tpu.sem_alloc : memref<!tpu.dma_semaphore, #tpu.memory_space<semaphore_mem>>
      %dma_start3A_281 = tpu.memref_slice %arg5[%add3A_142] : memref<102400xi32, #tpu.memory_space<hbm>> -> memref<160xi32, #tpu.memory_space<hbm>>
      %dma_start3A_282 = tpu.memref_slice %arg5[%add3A_142] : memref<102400xi32, #tpu.memory_space<hbm>> -> memref<160xi32, #tpu.memory_space<hbm>>
      tpu.enqueue_dma source(%dma_start3A_282 : memref<160xi32, #tpu.memory_space<hbm>>) target(%arg9 : memref<160xi32, #tpu.memory_space<vmem>>) target_semaphore(%run_scoped3A : memref<!tpu.dma_semaphore, #tpu.memory_space<semaphore_mem>>)
      %dma_wait3A_283 = tpu.memref_slice %arg5[%add3A_142] : memref<102400xi32, #tpu.memory_space<hbm>> -> memref<160xi32, #tpu.memory_space<hbm>>
      %dma_wait3A_284 = tpu.memref_slice %arg5[%add3A_142] : memref<102400xi32, #tpu.memory_space<hbm>> -> memref<160xi32, #tpu.memory_space<hbm>>
      tpu.wait_dma2 semaphore(%run_scoped3A : memref<!tpu.dma_semaphore, #tpu.memory_space<semaphore_mem>>) src(%dma_wait3A_284 : memref<160xi32, #tpu.memory_space<hbm>>) dst(%arg9 : memref<160xi32, #tpu.memory_space<vmem>>)
      tpu.yield
    }) : () -> ()
    %dma_start3A_143 = arith.constant 0 : i32
    %dma_start3A_144 = arith.constant 0 : i32
    %dma_start3A_145 = tpu.memref_slice %arg2[%dma_start3A_143, %dma_start3A_144] : memref<100x128xf32, #tpu.memory_space<hbm>> -> memref<100x128xf32, #tpu.memory_space<hbm>>
    tpu.enqueue_indirect_dma source(%dma_start3A_145 : memref<100x128xf32, #tpu.memory_space<hbm>>) target(%arg10 : memref<160x128xf32, #tpu.memory_space<vmem>>) offsets(%arg8 : memref<160xi32, #tpu.memory_space<vmem>>) semaphore(%arg12 : memref<!tpu.dma_semaphore, #tpu.memory_space<semaphore_mem>>)
    %dma_start3A_146 = arith.constant 0 : i32
    %dma_start3A_147 = arith.constant 0 : i32
    %dma_start3A_148 = tpu.memref_slice %arg3[%dma_start3A_146, %dma_start3A_147] : memref<10000x128xf32, #tpu.memory_space<hbm>> -> memref<10000x128xf32, #tpu.memory_space<hbm>>
    tpu.enqueue_indirect_dma source(%dma_start3A_148 : memref<10000x128xf32, #tpu.memory_space<hbm>>) target(%arg11 : memref<160x128xf32, #tpu.memory_space<vmem>>) offsets(%arg9 : memref<160xi32, #tpu.memory_space<vmem>>) semaphore(%arg13 : memref<!tpu.dma_semaphore, #tpu.memory_space<semaphore_mem>>)
    %dma_wait3A_149 = arith.constant 0 : i32
    %dma_wait3A_150 = arith.constant 0 : i32
    %dma_wait3A_151 = tpu.memref_slice %arg2[%dma_wait3A_149, %dma_wait3A_150] : memref<100x128xf32, #tpu.memory_space<hbm>> -> memref<100x128xf32, #tpu.memory_space<hbm>>
    tpu.wait_indirect_dma semaphore(%arg12 : memref<!tpu.dma_semaphore, #tpu.memory_space<semaphore_mem>>) src(%dma_wait3A_151 : memref<100x128xf32, #tpu.memory_space<hbm>>) dst(%arg10 : memref<160x128xf32, #tpu.memory_space<vmem>>)
    "tpu.region"() ({
      %run_scoped3A = tpu.sem_alloc : memref<!tpu.dma_semaphore, #tpu.memory_space<semaphore_mem>>
      %dma_start3A_281 = arith.constant 0 : i32
      %dma_start3A_282 = tpu.memref_slice %arg6[%add3A_142, %dma_start3A_281] : memref<102400x128xf32, #tpu.memory_space<hbm>> -> memref<160x128xf32, #tpu.memory_space<hbm>>
      %dma_start3A_283 = arith.constant 0 : i32
      %dma_start3A_284 = tpu.memref_slice %arg6[%add3A_142, %dma_start3A_283] : memref<102400x128xf32, #tpu.memory_space<hbm>> -> memref<160x128xf32, #tpu.memory_space<hbm>>
      tpu.enqueue_dma source(%arg10 : memref<160x128xf32, #tpu.memory_space<vmem>>) target(%dma_start3A_284 : memref<160x128xf32, #tpu.memory_space<hbm>>) target_semaphore(%run_scoped3A : memref<!tpu.dma_semaphore, #tpu.memory_space<semaphore_mem>>)
      %dma_wait3A_285 = arith.constant 0 : i32
      %dma_wait3A_286 = tpu.memref_slice %arg6[%add3A_142, %dma_wait3A_285] : memref<102400x128xf32, #tpu.memory_space<hbm>> -> memref<160x128xf32, #tpu.memory_space<hbm>>
      %dma_wait3A_287 = arith.constant 0 : i32
      %dma_wait3A_288 = tpu.memref_slice %arg6[%add3A_142, %dma_wait3A_287] : memref<102400x128xf32, #tpu.memory_space<hbm>> -> memref<160x128xf32, #tpu.memory_space<hbm>>
      tpu.wait_dma2 semaphore(%run_scoped3A : memref<!tpu.dma_semaphore, #tpu.memory_space<semaphore_mem>>) src(%arg10 : memref<160x128xf32, #tpu.memory_space<vmem>>) dst(%dma_wait3A_288 : memref<160x128xf32, #tpu.memory_space<hbm>>)
      tpu.yield
    }) : () -> ()
    %dma_wait3A_152 = arith.constant 0 : i32
    %dma_wait3A_153 = arith.constant 0 : i32
    %dma_wait3A_154 = tpu.memref_slice %arg3[%dma_wait3A_152, %dma_wait3A_153] : memref<10000x128xf32, #tpu.memory_space<hbm>> -> memref<10000x128xf32, #tpu.memory_space<hbm>>
    tpu.wait_indirect_dma semaphore(%arg13 : memref<!tpu.dma_semaphore, #tpu.memory_space<semaphore_mem>>) src(%dma_wait3A_154 : memref<10000x128xf32, #tpu.memory_space<hbm>>) dst(%arg11 : memref<160x128xf32, #tpu.memory_space<vmem>>)
    "tpu.region"() ({
      %run_scoped3A = tpu.sem_alloc : memref<!tpu.dma_semaphore, #tpu.memory_space<semaphore_mem>>
      %dma_start3A_281 = arith.constant 0 : i32
      %dma_start3A_282 = tpu.memref_slice %arg7[%add3A_142, %dma_start3A_281] : memref<102400x128xf32, #tpu.memory_space<hbm>> -> memref<160x128xf32, #tpu.memory_space<hbm>>
      %dma_start3A_283 = arith.constant 0 : i32
      %dma_start3A_284 = tpu.memref_slice %arg7[%add3A_142, %dma_start3A_283] : memref<102400x128xf32, #tpu.memory_space<hbm>> -> memref<160x128xf32, #tpu.memory_space<hbm>>
      tpu.enqueue_dma source(%arg11 : memref<160x128xf32, #tpu.memory_space<vmem>>) target(%dma_start3A_284 : memref<160x128xf32, #tpu.memory_space<hbm>>) target_semaphore(%run_scoped3A : memref<!tpu.dma_semaphore, #tpu.memory_space<semaphore_mem>>)
      %dma_wait3A_285 = arith.constant 0 : i32
      %dma_wait3A_286 = tpu.memref_slice %arg7[%add3A_142, %dma_wait3A_285] : memref<102400x128xf32, #tpu.memory_space<hbm>> -> memref<160x128xf32, #tpu.memory_space<hbm>>
      %dma_wait3A_287 = arith.constant 0 : i32
      %dma_wait3A_288 = tpu.memref_slice %arg7[%add3A_142, %dma_wait3A_287] : memref<102400x128xf32, #tpu.memory_space<hbm>> -> memref<160x128xf32, #tpu.memory_space<hbm>>
      tpu.wait_dma2 semaphore(%run_scoped3A : memref<!tpu.dma_semaphore, #tpu.memory_space<semaphore_mem>>) src(%arg11 : memref<160x128xf32, #tpu.memory_space<vmem>>) dst(%dma_wait3A_288 : memref<160x128xf32, #tpu.memory_space<hbm>>)
      tpu.yield
    }) : () -> ()
    %add3A_155 = arith.constant 1760 : i32
    %add3A_156 = arith.addi %mul3A_2, %add3A_155 : i32
    "tpu.region"() ({
      %run_scoped3A = tpu.sem_alloc : memref<!tpu.dma_semaphore, #tpu.memory_space<semaphore_mem>>
      %dma_start3A_281 = tpu.memref_slice %arg4[%add3A_156] : memref<102400xi32, #tpu.memory_space<hbm>> -> memref<160xi32, #tpu.memory_space<hbm>>
      %dma_start3A_282 = tpu.memref_slice %arg4[%add3A_156] : memref<102400xi32, #tpu.memory_space<hbm>> -> memref<160xi32, #tpu.memory_space<hbm>>
      tpu.enqueue_dma source(%dma_start3A_282 : memref<160xi32, #tpu.memory_space<hbm>>) target(%arg8 : memref<160xi32, #tpu.memory_space<vmem>>) target_semaphore(%run_scoped3A : memref<!tpu.dma_semaphore, #tpu.memory_space<semaphore_mem>>)
      %dma_wait3A_283 = tpu.memref_slice %arg4[%add3A_156] : memref<102400xi32, #tpu.memory_space<hbm>> -> memref<160xi32, #tpu.memory_space<hbm>>
      %dma_wait3A_284 = tpu.memref_slice %arg4[%add3A_156] : memref<102400xi32, #tpu.memory_space<hbm>> -> memref<160xi32, #tpu.memory_space<hbm>>
      tpu.wait_dma2 semaphore(%run_scoped3A : memref<!tpu.dma_semaphore, #tpu.memory_space<semaphore_mem>>) src(%dma_wait3A_284 : memref<160xi32, #tpu.memory_space<hbm>>) dst(%arg8 : memref<160xi32, #tpu.memory_space<vmem>>)
      tpu.yield
    }) : () -> ()
    "tpu.region"() ({
      %run_scoped3A = tpu.sem_alloc : memref<!tpu.dma_semaphore, #tpu.memory_space<semaphore_mem>>
      %dma_start3A_281 = tpu.memref_slice %arg5[%add3A_156] : memref<102400xi32, #tpu.memory_space<hbm>> -> memref<160xi32, #tpu.memory_space<hbm>>
      %dma_start3A_282 = tpu.memref_slice %arg5[%add3A_156] : memref<102400xi32, #tpu.memory_space<hbm>> -> memref<160xi32, #tpu.memory_space<hbm>>
      tpu.enqueue_dma source(%dma_start3A_282 : memref<160xi32, #tpu.memory_space<hbm>>) target(%arg9 : memref<160xi32, #tpu.memory_space<vmem>>) target_semaphore(%run_scoped3A : memref<!tpu.dma_semaphore, #tpu.memory_space<semaphore_mem>>)
      %dma_wait3A_283 = tpu.memref_slice %arg5[%add3A_156] : memref<102400xi32, #tpu.memory_space<hbm>> -> memref<160xi32, #tpu.memory_space<hbm>>
      %dma_wait3A_284 = tpu.memref_slice %arg5[%add3A_156] : memref<102400xi32, #tpu.memory_space<hbm>> -> memref<160xi32, #tpu.memory_space<hbm>>
      tpu.wait_dma2 semaphore(%run_scoped3A : memref<!tpu.dma_semaphore, #tpu.memory_space<semaphore_mem>>) src(%dma_wait3A_284 : memref<160xi32, #tpu.memory_space<hbm>>) dst(%arg9 : memref<160xi32, #tpu.memory_space<vmem>>)
      tpu.yield
    }) : () -> ()
    %dma_start3A_157 = arith.constant 0 : i32
    %dma_start3A_158 = arith.constant 0 : i32
    %dma_start3A_159 = tpu.memref_slice %arg2[%dma_start3A_157, %dma_start3A_158] : memref<100x128xf32, #tpu.memory_space<hbm>> -> memref<100x128xf32, #tpu.memory_space<hbm>>
    tpu.enqueue_indirect_dma source(%dma_start3A_159 : memref<100x128xf32, #tpu.memory_space<hbm>>) target(%arg10 : memref<160x128xf32, #tpu.memory_space<vmem>>) offsets(%arg8 : memref<160xi32, #tpu.memory_space<vmem>>) semaphore(%arg12 : memref<!tpu.dma_semaphore, #tpu.memory_space<semaphore_mem>>)
    %dma_start3A_160 = arith.constant 0 : i32
    %dma_start3A_161 = arith.constant 0 : i32
    %dma_start3A_162 = tpu.memref_slice %arg3[%dma_start3A_160, %dma_start3A_161] : memref<10000x128xf32, #tpu.memory_space<hbm>> -> memref<10000x128xf32, #tpu.memory_space<hbm>>
    tpu.enqueue_indirect_dma source(%dma_start3A_162 : memref<10000x128xf32, #tpu.memory_space<hbm>>) target(%arg11 : memref<160x128xf32, #tpu.memory_space<vmem>>) offsets(%arg9 : memref<160xi32, #tpu.memory_space<vmem>>) semaphore(%arg13 : memref<!tpu.dma_semaphore, #tpu.memory_space<semaphore_mem>>)
    %dma_wait3A_163 = arith.constant 0 : i32
    %dma_wait3A_164 = arith.constant 0 : i32
    %dma_wait3A_165 = tpu.memref_slice %arg2[%dma_wait3A_163, %dma_wait3A_164] : memref<100x128xf32, #tpu.memory_space<hbm>> -> memref<100x128xf32, #tpu.memory_space<hbm>>
    tpu.wait_indirect_dma semaphore(%arg12 : memref<!tpu.dma_semaphore, #tpu.memory_space<semaphore_mem>>) src(%dma_wait3A_165 : memref<100x128xf32, #tpu.memory_space<hbm>>) dst(%arg10 : memref<160x128xf32, #tpu.memory_space<vmem>>)
    "tpu.region"() ({
      %run_scoped3A = tpu.sem_alloc : memref<!tpu.dma_semaphore, #tpu.memory_space<semaphore_mem>>
      %dma_start3A_281 = arith.constant 0 : i32
      %dma_start3A_282 = tpu.memref_slice %arg6[%add3A_156, %dma_start3A_281] : memref<102400x128xf32, #tpu.memory_space<hbm>> -> memref<160x128xf32, #tpu.memory_space<hbm>>
      %dma_start3A_283 = arith.constant 0 : i32
      %dma_start3A_284 = tpu.memref_slice %arg6[%add3A_156, %dma_start3A_283] : memref<102400x128xf32, #tpu.memory_space<hbm>> -> memref<160x128xf32, #tpu.memory_space<hbm>>
      tpu.enqueue_dma source(%arg10 : memref<160x128xf32, #tpu.memory_space<vmem>>) target(%dma_start3A_284 : memref<160x128xf32, #tpu.memory_space<hbm>>) target_semaphore(%run_scoped3A : memref<!tpu.dma_semaphore, #tpu.memory_space<semaphore_mem>>)
      %dma_wait3A_285 = arith.constant 0 : i32
      %dma_wait3A_286 = tpu.memref_slice %arg6[%add3A_156, %dma_wait3A_285] : memref<102400x128xf32, #tpu.memory_space<hbm>> -> memref<160x128xf32, #tpu.memory_space<hbm>>
      %dma_wait3A_287 = arith.constant 0 : i32
      %dma_wait3A_288 = tpu.memref_slice %arg6[%add3A_156, %dma_wait3A_287] : memref<102400x128xf32, #tpu.memory_space<hbm>> -> memref<160x128xf32, #tpu.memory_space<hbm>>
      tpu.wait_dma2 semaphore(%run_scoped3A : memref<!tpu.dma_semaphore, #tpu.memory_space<semaphore_mem>>) src(%arg10 : memref<160x128xf32, #tpu.memory_space<vmem>>) dst(%dma_wait3A_288 : memref<160x128xf32, #tpu.memory_space<hbm>>)
      tpu.yield
    }) : () -> ()
    %dma_wait3A_166 = arith.constant 0 : i32
    %dma_wait3A_167 = arith.constant 0 : i32
    %dma_wait3A_168 = tpu.memref_slice %arg3[%dma_wait3A_166, %dma_wait3A_167] : memref<10000x128xf32, #tpu.memory_space<hbm>> -> memref<10000x128xf32, #tpu.memory_space<hbm>>
    tpu.wait_indirect_dma semaphore(%arg13 : memref<!tpu.dma_semaphore, #tpu.memory_space<semaphore_mem>>) src(%dma_wait3A_168 : memref<10000x128xf32, #tpu.memory_space<hbm>>) dst(%arg11 : memref<160x128xf32, #tpu.memory_space<vmem>>)
    "tpu.region"() ({
      %run_scoped3A = tpu.sem_alloc : memref<!tpu.dma_semaphore, #tpu.memory_space<semaphore_mem>>
      %dma_start3A_281 = arith.constant 0 : i32
      %dma_start3A_282 = tpu.memref_slice %arg7[%add3A_156, %dma_start3A_281] : memref<102400x128xf32, #tpu.memory_space<hbm>> -> memref<160x128xf32, #tpu.memory_space<hbm>>
      %dma_start3A_283 = arith.constant 0 : i32
      %dma_start3A_284 = tpu.memref_slice %arg7[%add3A_156, %dma_start3A_283] : memref<102400x128xf32, #tpu.memory_space<hbm>> -> memref<160x128xf32, #tpu.memory_space<hbm>>
      tpu.enqueue_dma source(%arg11 : memref<160x128xf32, #tpu.memory_space<vmem>>) target(%dma_start3A_284 : memref<160x128xf32, #tpu.memory_space<hbm>>) target_semaphore(%run_scoped3A : memref<!tpu.dma_semaphore, #tpu.memory_space<semaphore_mem>>)
      %dma_wait3A_285 = arith.constant 0 : i32
      %dma_wait3A_286 = tpu.memref_slice %arg7[%add3A_156, %dma_wait3A_285] : memref<102400x128xf32, #tpu.memory_space<hbm>> -> memref<160x128xf32, #tpu.memory_space<hbm>>
      %dma_wait3A_287 = arith.constant 0 : i32
      %dma_wait3A_288 = tpu.memref_slice %arg7[%add3A_156, %dma_wait3A_287] : memref<102400x128xf32, #tpu.memory_space<hbm>> -> memref<160x128xf32, #tpu.memory_space<hbm>>
      tpu.wait_dma2 semaphore(%run_scoped3A : memref<!tpu.dma_semaphore, #tpu.memory_space<semaphore_mem>>) src(%arg11 : memref<160x128xf32, #tpu.memory_space<vmem>>) dst(%dma_wait3A_288 : memref<160x128xf32, #tpu.memory_space<hbm>>)
      tpu.yield
    }) : () -> ()
    %add3A_169 = arith.constant 1920 : i32
    %add3A_170 = arith.addi %mul3A_2, %add3A_169 : i32
    "tpu.region"() ({
      %run_scoped3A = tpu.sem_alloc : memref<!tpu.dma_semaphore, #tpu.memory_space<semaphore_mem>>
      %dma_start3A_281 = tpu.memref_slice %arg4[%add3A_170] : memref<102400xi32, #tpu.memory_space<hbm>> -> memref<160xi32, #tpu.memory_space<hbm>>
      %dma_start3A_282 = tpu.memref_slice %arg4[%add3A_170] : memref<102400xi32, #tpu.memory_space<hbm>> -> memref<160xi32, #tpu.memory_space<hbm>>
      tpu.enqueue_dma source(%dma_start3A_282 : memref<160xi32, #tpu.memory_space<hbm>>) target(%arg8 : memref<160xi32, #tpu.memory_space<vmem>>) target_semaphore(%run_scoped3A : memref<!tpu.dma_semaphore, #tpu.memory_space<semaphore_mem>>)
      %dma_wait3A_283 = tpu.memref_slice %arg4[%add3A_170] : memref<102400xi32, #tpu.memory_space<hbm>> -> memref<160xi32, #tpu.memory_space<hbm>>
      %dma_wait3A_284 = tpu.memref_slice %arg4[%add3A_170] : memref<102400xi32, #tpu.memory_space<hbm>> -> memref<160xi32, #tpu.memory_space<hbm>>
      tpu.wait_dma2 semaphore(%run_scoped3A : memref<!tpu.dma_semaphore, #tpu.memory_space<semaphore_mem>>) src(%dma_wait3A_284 : memref<160xi32, #tpu.memory_space<hbm>>) dst(%arg8 : memref<160xi32, #tpu.memory_space<vmem>>)
      tpu.yield
    }) : () -> ()
    "tpu.region"() ({
      %run_scoped3A = tpu.sem_alloc : memref<!tpu.dma_semaphore, #tpu.memory_space<semaphore_mem>>
      %dma_start3A_281 = tpu.memref_slice %arg5[%add3A_170] : memref<102400xi32, #tpu.memory_space<hbm>> -> memref<160xi32, #tpu.memory_space<hbm>>
      %dma_start3A_282 = tpu.memref_slice %arg5[%add3A_170] : memref<102400xi32, #tpu.memory_space<hbm>> -> memref<160xi32, #tpu.memory_space<hbm>>
      tpu.enqueue_dma source(%dma_start3A_282 : memref<160xi32, #tpu.memory_space<hbm>>) target(%arg9 : memref<160xi32, #tpu.memory_space<vmem>>) target_semaphore(%run_scoped3A : memref<!tpu.dma_semaphore, #tpu.memory_space<semaphore_mem>>)
      %dma_wait3A_283 = tpu.memref_slice %arg5[%add3A_170] : memref<102400xi32, #tpu.memory_space<hbm>> -> memref<160xi32, #tpu.memory_space<hbm>>
      %dma_wait3A_284 = tpu.memref_slice %arg5[%add3A_170] : memref<102400xi32, #tpu.memory_space<hbm>> -> memref<160xi32, #tpu.memory_space<hbm>>
      tpu.wait_dma2 semaphore(%run_scoped3A : memref<!tpu.dma_semaphore, #tpu.memory_space<semaphore_mem>>) src(%dma_wait3A_284 : memref<160xi32, #tpu.memory_space<hbm>>) dst(%arg9 : memref<160xi32, #tpu.memory_space<vmem>>)
      tpu.yield
    }) : () -> ()
    %dma_start3A_171 = arith.constant 0 : i32
    %dma_start3A_172 = arith.constant 0 : i32
    %dma_start3A_173 = tpu.memref_slice %arg2[%dma_start3A_171, %dma_start3A_172] : memref<100x128xf32, #tpu.memory_space<hbm>> -> memref<100x128xf32, #tpu.memory_space<hbm>>
    tpu.enqueue_indirect_dma source(%dma_start3A_173 : memref<100x128xf32, #tpu.memory_space<hbm>>) target(%arg10 : memref<160x128xf32, #tpu.memory_space<vmem>>) offsets(%arg8 : memref<160xi32, #tpu.memory_space<vmem>>) semaphore(%arg12 : memref<!tpu.dma_semaphore, #tpu.memory_space<semaphore_mem>>)
    %dma_start3A_174 = arith.constant 0 : i32
    %dma_start3A_175 = arith.constant 0 : i32
    %dma_start3A_176 = tpu.memref_slice %arg3[%dma_start3A_174, %dma_start3A_175] : memref<10000x128xf32, #tpu.memory_space<hbm>> -> memref<10000x128xf32, #tpu.memory_space<hbm>>
    tpu.enqueue_indirect_dma source(%dma_start3A_176 : memref<10000x128xf32, #tpu.memory_space<hbm>>) target(%arg11 : memref<160x128xf32, #tpu.memory_space<vmem>>) offsets(%arg9 : memref<160xi32, #tpu.memory_space<vmem>>) semaphore(%arg13 : memref<!tpu.dma_semaphore, #tpu.memory_space<semaphore_mem>>)
    %dma_wait3A_177 = arith.constant 0 : i32
    %dma_wait3A_178 = arith.constant 0 : i32
    %dma_wait3A_179 = tpu.memref_slice %arg2[%dma_wait3A_177, %dma_wait3A_178] : memref<100x128xf32, #tpu.memory_space<hbm>> -> memref<100x128xf32, #tpu.memory_space<hbm>>
    tpu.wait_indirect_dma semaphore(%arg12 : memref<!tpu.dma_semaphore, #tpu.memory_space<semaphore_mem>>) src(%dma_wait3A_179 : memref<100x128xf32, #tpu.memory_space<hbm>>) dst(%arg10 : memref<160x128xf32, #tpu.memory_space<vmem>>)
    "tpu.region"() ({
      %run_scoped3A = tpu.sem_alloc : memref<!tpu.dma_semaphore, #tpu.memory_space<semaphore_mem>>
      %dma_start3A_281 = arith.constant 0 : i32
      %dma_start3A_282 = tpu.memref_slice %arg6[%add3A_170, %dma_start3A_281] : memref<102400x128xf32, #tpu.memory_space<hbm>> -> memref<160x128xf32, #tpu.memory_space<hbm>>
      %dma_start3A_283 = arith.constant 0 : i32
      %dma_start3A_284 = tpu.memref_slice %arg6[%add3A_170, %dma_start3A_283] : memref<102400x128xf32, #tpu.memory_space<hbm>> -> memref<160x128xf32, #tpu.memory_space<hbm>>
      tpu.enqueue_dma source(%arg10 : memref<160x128xf32, #tpu.memory_space<vmem>>) target(%dma_start3A_284 : memref<160x128xf32, #tpu.memory_space<hbm>>) target_semaphore(%run_scoped3A : memref<!tpu.dma_semaphore, #tpu.memory_space<semaphore_mem>>)
      %dma_wait3A_285 = arith.constant 0 : i32
      %dma_wait3A_286 = tpu.memref_slice %arg6[%add3A_170, %dma_wait3A_285] : memref<102400x128xf32, #tpu.memory_space<hbm>> -> memref<160x128xf32, #tpu.memory_space<hbm>>
      %dma_wait3A_287 = arith.constant 0 : i32
      %dma_wait3A_288 = tpu.memref_slice %arg6[%add3A_170, %dma_wait3A_287] : memref<102400x128xf32, #tpu.memory_space<hbm>> -> memref<160x128xf32, #tpu.memory_space<hbm>>
      tpu.wait_dma2 semaphore(%run_scoped3A : memref<!tpu.dma_semaphore, #tpu.memory_space<semaphore_mem>>) src(%arg10 : memref<160x128xf32, #tpu.memory_space<vmem>>) dst(%dma_wait3A_288 : memref<160x128xf32, #tpu.memory_space<hbm>>)
      tpu.yield
    }) : () -> ()
    %dma_wait3A_180 = arith.constant 0 : i32
    %dma_wait3A_181 = arith.constant 0 : i32
    %dma_wait3A_182 = tpu.memref_slice %arg3[%dma_wait3A_180, %dma_wait3A_181] : memref<10000x128xf32, #tpu.memory_space<hbm>> -> memref<10000x128xf32, #tpu.memory_space<hbm>>
    tpu.wait_indirect_dma semaphore(%arg13 : memref<!tpu.dma_semaphore, #tpu.memory_space<semaphore_mem>>) src(%dma_wait3A_182 : memref<10000x128xf32, #tpu.memory_space<hbm>>) dst(%arg11 : memref<160x128xf32, #tpu.memory_space<vmem>>)
    "tpu.region"() ({
      %run_scoped3A = tpu.sem_alloc : memref<!tpu.dma_semaphore, #tpu.memory_space<semaphore_mem>>
      %dma_start3A_281 = arith.constant 0 : i32
      %dma_start3A_282 = tpu.memref_slice %arg7[%add3A_170, %dma_start3A_281] : memref<102400x128xf32, #tpu.memory_space<hbm>> -> memref<160x128xf32, #tpu.memory_space<hbm>>
      %dma_start3A_283 = arith.constant 0 : i32
      %dma_start3A_284 = tpu.memref_slice %arg7[%add3A_170, %dma_start3A_283] : memref<102400x128xf32, #tpu.memory_space<hbm>> -> memref<160x128xf32, #tpu.memory_space<hbm>>
      tpu.enqueue_dma source(%arg11 : memref<160x128xf32, #tpu.memory_space<vmem>>) target(%dma_start3A_284 : memref<160x128xf32, #tpu.memory_space<hbm>>) target_semaphore(%run_scoped3A : memref<!tpu.dma_semaphore, #tpu.memory_space<semaphore_mem>>)
      %dma_wait3A_285 = arith.constant 0 : i32
      %dma_wait3A_286 = tpu.memref_slice %arg7[%add3A_170, %dma_wait3A_285] : memref<102400x128xf32, #tpu.memory_space<hbm>> -> memref<160x128xf32, #tpu.memory_space<hbm>>
      %dma_wait3A_287 = arith.constant 0 : i32
      %dma_wait3A_288 = tpu.memref_slice %arg7[%add3A_170, %dma_wait3A_287] : memref<102400x128xf32, #tpu.memory_space<hbm>> -> memref<160x128xf32, #tpu.memory_space<hbm>>
      tpu.wait_dma2 semaphore(%run_scoped3A : memref<!tpu.dma_semaphore, #tpu.memory_space<semaphore_mem>>) src(%arg11 : memref<160x128xf32, #tpu.memory_space<vmem>>) dst(%dma_wait3A_288 : memref<160x128xf32, #tpu.memory_space<hbm>>)
      tpu.yield
    }) : () -> ()
    %add3A_183 = arith.constant 2080 : i32
    %add3A_184 = arith.addi %mul3A_2, %add3A_183 : i32
    "tpu.region"() ({
      %run_scoped3A = tpu.sem_alloc : memref<!tpu.dma_semaphore, #tpu.memory_space<semaphore_mem>>
      %dma_start3A_281 = tpu.memref_slice %arg4[%add3A_184] : memref<102400xi32, #tpu.memory_space<hbm>> -> memref<160xi32, #tpu.memory_space<hbm>>
      %dma_start3A_282 = tpu.memref_slice %arg4[%add3A_184] : memref<102400xi32, #tpu.memory_space<hbm>> -> memref<160xi32, #tpu.memory_space<hbm>>
      tpu.enqueue_dma source(%dma_start3A_282 : memref<160xi32, #tpu.memory_space<hbm>>) target(%arg8 : memref<160xi32, #tpu.memory_space<vmem>>) target_semaphore(%run_scoped3A : memref<!tpu.dma_semaphore, #tpu.memory_space<semaphore_mem>>)
      %dma_wait3A_283 = tpu.memref_slice %arg4[%add3A_184] : memref<102400xi32, #tpu.memory_space<hbm>> -> memref<160xi32, #tpu.memory_space<hbm>>
      %dma_wait3A_284 = tpu.memref_slice %arg4[%add3A_184] : memref<102400xi32, #tpu.memory_space<hbm>> -> memref<160xi32, #tpu.memory_space<hbm>>
      tpu.wait_dma2 semaphore(%run_scoped3A : memref<!tpu.dma_semaphore, #tpu.memory_space<semaphore_mem>>) src(%dma_wait3A_284 : memref<160xi32, #tpu.memory_space<hbm>>) dst(%arg8 : memref<160xi32, #tpu.memory_space<vmem>>)
      tpu.yield
    }) : () -> ()
    "tpu.region"() ({
      %run_scoped3A = tpu.sem_alloc : memref<!tpu.dma_semaphore, #tpu.memory_space<semaphore_mem>>
      %dma_start3A_281 = tpu.memref_slice %arg5[%add3A_184] : memref<102400xi32, #tpu.memory_space<hbm>> -> memref<160xi32, #tpu.memory_space<hbm>>
      %dma_start3A_282 = tpu.memref_slice %arg5[%add3A_184] : memref<102400xi32, #tpu.memory_space<hbm>> -> memref<160xi32, #tpu.memory_space<hbm>>
      tpu.enqueue_dma source(%dma_start3A_282 : memref<160xi32, #tpu.memory_space<hbm>>) target(%arg9 : memref<160xi32, #tpu.memory_space<vmem>>) target_semaphore(%run_scoped3A : memref<!tpu.dma_semaphore, #tpu.memory_space<semaphore_mem>>)
      %dma_wait3A_283 = tpu.memref_slice %arg5[%add3A_184] : memref<102400xi32, #tpu.memory_space<hbm>> -> memref<160xi32, #tpu.memory_space<hbm>>
      %dma_wait3A_284 = tpu.memref_slice %arg5[%add3A_184] : memref<102400xi32, #tpu.memory_space<hbm>> -> memref<160xi32, #tpu.memory_space<hbm>>
      tpu.wait_dma2 semaphore(%run_scoped3A : memref<!tpu.dma_semaphore, #tpu.memory_space<semaphore_mem>>) src(%dma_wait3A_284 : memref<160xi32, #tpu.memory_space<hbm>>) dst(%arg9 : memref<160xi32, #tpu.memory_space<vmem>>)
      tpu.yield
    }) : () -> ()
    %dma_start3A_185 = arith.constant 0 : i32
    %dma_start3A_186 = arith.constant 0 : i32
    %dma_start3A_187 = tpu.memref_slice %arg2[%dma_start3A_185, %dma_start3A_186] : memref<100x128xf32, #tpu.memory_space<hbm>> -> memref<100x128xf32, #tpu.memory_space<hbm>>
    tpu.enqueue_indirect_dma source(%dma_start3A_187 : memref<100x128xf32, #tpu.memory_space<hbm>>) target(%arg10 : memref<160x128xf32, #tpu.memory_space<vmem>>) offsets(%arg8 : memref<160xi32, #tpu.memory_space<vmem>>) semaphore(%arg12 : memref<!tpu.dma_semaphore, #tpu.memory_space<semaphore_mem>>)
    %dma_start3A_188 = arith.constant 0 : i32
    %dma_start3A_189 = arith.constant 0 : i32
    %dma_start3A_190 = tpu.memref_slice %arg3[%dma_start3A_188, %dma_start3A_189] : memref<10000x128xf32, #tpu.memory_space<hbm>> -> memref<10000x128xf32, #tpu.memory_space<hbm>>
    tpu.enqueue_indirect_dma source(%dma_start3A_190 : memref<10000x128xf32, #tpu.memory_space<hbm>>) target(%arg11 : memref<160x128xf32, #tpu.memory_space<vmem>>) offsets(%arg9 : memref<160xi32, #tpu.memory_space<vmem>>) semaphore(%arg13 : memref<!tpu.dma_semaphore, #tpu.memory_space<semaphore_mem>>)
    %dma_wait3A_191 = arith.constant 0 : i32
    %dma_wait3A_192 = arith.constant 0 : i32
    %dma_wait3A_193 = tpu.memref_slice %arg2[%dma_wait3A_191, %dma_wait3A_192] : memref<100x128xf32, #tpu.memory_space<hbm>> -> memref<100x128xf32, #tpu.memory_space<hbm>>
    tpu.wait_indirect_dma semaphore(%arg12 : memref<!tpu.dma_semaphore, #tpu.memory_space<semaphore_mem>>) src(%dma_wait3A_193 : memref<100x128xf32, #tpu.memory_space<hbm>>) dst(%arg10 : memref<160x128xf32, #tpu.memory_space<vmem>>)
    "tpu.region"() ({
      %run_scoped3A = tpu.sem_alloc : memref<!tpu.dma_semaphore, #tpu.memory_space<semaphore_mem>>
      %dma_start3A_281 = arith.constant 0 : i32
      %dma_start3A_282 = tpu.memref_slice %arg6[%add3A_184, %dma_start3A_281] : memref<102400x128xf32, #tpu.memory_space<hbm>> -> memref<160x128xf32, #tpu.memory_space<hbm>>
      %dma_start3A_283 = arith.constant 0 : i32
      %dma_start3A_284 = tpu.memref_slice %arg6[%add3A_184, %dma_start3A_283] : memref<102400x128xf32, #tpu.memory_space<hbm>> -> memref<160x128xf32, #tpu.memory_space<hbm>>
      tpu.enqueue_dma source(%arg10 : memref<160x128xf32, #tpu.memory_space<vmem>>) target(%dma_start3A_284 : memref<160x128xf32, #tpu.memory_space<hbm>>) target_semaphore(%run_scoped3A : memref<!tpu.dma_semaphore, #tpu.memory_space<semaphore_mem>>)
      %dma_wait3A_285 = arith.constant 0 : i32
      %dma_wait3A_286 = tpu.memref_slice %arg6[%add3A_184, %dma_wait3A_285] : memref<102400x128xf32, #tpu.memory_space<hbm>> -> memref<160x128xf32, #tpu.memory_space<hbm>>
      %dma_wait3A_287 = arith.constant 0 : i32
      %dma_wait3A_288 = tpu.memref_slice %arg6[%add3A_184, %dma_wait3A_287] : memref<102400x128xf32, #tpu.memory_space<hbm>> -> memref<160x128xf32, #tpu.memory_space<hbm>>
      tpu.wait_dma2 semaphore(%run_scoped3A : memref<!tpu.dma_semaphore, #tpu.memory_space<semaphore_mem>>) src(%arg10 : memref<160x128xf32, #tpu.memory_space<vmem>>) dst(%dma_wait3A_288 : memref<160x128xf32, #tpu.memory_space<hbm>>)
      tpu.yield
    }) : () -> ()
    %dma_wait3A_194 = arith.constant 0 : i32
    %dma_wait3A_195 = arith.constant 0 : i32
    %dma_wait3A_196 = tpu.memref_slice %arg3[%dma_wait3A_194, %dma_wait3A_195] : memref<10000x128xf32, #tpu.memory_space<hbm>> -> memref<10000x128xf32, #tpu.memory_space<hbm>>
    tpu.wait_indirect_dma semaphore(%arg13 : memref<!tpu.dma_semaphore, #tpu.memory_space<semaphore_mem>>) src(%dma_wait3A_196 : memref<10000x128xf32, #tpu.memory_space<hbm>>) dst(%arg11 : memref<160x128xf32, #tpu.memory_space<vmem>>)
    "tpu.region"() ({
      %run_scoped3A = tpu.sem_alloc : memref<!tpu.dma_semaphore, #tpu.memory_space<semaphore_mem>>
      %dma_start3A_281 = arith.constant 0 : i32
      %dma_start3A_282 = tpu.memref_slice %arg7[%add3A_184, %dma_start3A_281] : memref<102400x128xf32, #tpu.memory_space<hbm>> -> memref<160x128xf32, #tpu.memory_space<hbm>>
      %dma_start3A_283 = arith.constant 0 : i32
      %dma_start3A_284 = tpu.memref_slice %arg7[%add3A_184, %dma_start3A_283] : memref<102400x128xf32, #tpu.memory_space<hbm>> -> memref<160x128xf32, #tpu.memory_space<hbm>>
      tpu.enqueue_dma source(%arg11 : memref<160x128xf32, #tpu.memory_space<vmem>>) target(%dma_start3A_284 : memref<160x128xf32, #tpu.memory_space<hbm>>) target_semaphore(%run_scoped3A : memref<!tpu.dma_semaphore, #tpu.memory_space<semaphore_mem>>)
      %dma_wait3A_285 = arith.constant 0 : i32
      %dma_wait3A_286 = tpu.memref_slice %arg7[%add3A_184, %dma_wait3A_285] : memref<102400x128xf32, #tpu.memory_space<hbm>> -> memref<160x128xf32, #tpu.memory_space<hbm>>
      %dma_wait3A_287 = arith.constant 0 : i32
      %dma_wait3A_288 = tpu.memref_slice %arg7[%add3A_184, %dma_wait3A_287] : memref<102400x128xf32, #tpu.memory_space<hbm>> -> memref<160x128xf32, #tpu.memory_space<hbm>>
      tpu.wait_dma2 semaphore(%run_scoped3A : memref<!tpu.dma_semaphore, #tpu.memory_space<semaphore_mem>>) src(%arg11 : memref<160x128xf32, #tpu.memory_space<vmem>>) dst(%dma_wait3A_288 : memref<160x128xf32, #tpu.memory_space<hbm>>)
      tpu.yield
    }) : () -> ()
    %add3A_197 = arith.constant 2240 : i32
    %add3A_198 = arith.addi %mul3A_2, %add3A_197 : i32
    "tpu.region"() ({
      %run_scoped3A = tpu.sem_alloc : memref<!tpu.dma_semaphore, #tpu.memory_space<semaphore_mem>>
      %dma_start3A_281 = tpu.memref_slice %arg4[%add3A_198] : memref<102400xi32, #tpu.memory_space<hbm>> -> memref<160xi32, #tpu.memory_space<hbm>>
      %dma_start3A_282 = tpu.memref_slice %arg4[%add3A_198] : memref<102400xi32, #tpu.memory_space<hbm>> -> memref<160xi32, #tpu.memory_space<hbm>>
      tpu.enqueue_dma source(%dma_start3A_282 : memref<160xi32, #tpu.memory_space<hbm>>) target(%arg8 : memref<160xi32, #tpu.memory_space<vmem>>) target_semaphore(%run_scoped3A : memref<!tpu.dma_semaphore, #tpu.memory_space<semaphore_mem>>)
      %dma_wait3A_283 = tpu.memref_slice %arg4[%add3A_198] : memref<102400xi32, #tpu.memory_space<hbm>> -> memref<160xi32, #tpu.memory_space<hbm>>
      %dma_wait3A_284 = tpu.memref_slice %arg4[%add3A_198] : memref<102400xi32, #tpu.memory_space<hbm>> -> memref<160xi32, #tpu.memory_space<hbm>>
      tpu.wait_dma2 semaphore(%run_scoped3A : memref<!tpu.dma_semaphore, #tpu.memory_space<semaphore_mem>>) src(%dma_wait3A_284 : memref<160xi32, #tpu.memory_space<hbm>>) dst(%arg8 : memref<160xi32, #tpu.memory_space<vmem>>)
      tpu.yield
    }) : () -> ()
    "tpu.region"() ({
      %run_scoped3A = tpu.sem_alloc : memref<!tpu.dma_semaphore, #tpu.memory_space<semaphore_mem>>
      %dma_start3A_281 = tpu.memref_slice %arg5[%add3A_198] : memref<102400xi32, #tpu.memory_space<hbm>> -> memref<160xi32, #tpu.memory_space<hbm>>
      %dma_start3A_282 = tpu.memref_slice %arg5[%add3A_198] : memref<102400xi32, #tpu.memory_space<hbm>> -> memref<160xi32, #tpu.memory_space<hbm>>
      tpu.enqueue_dma source(%dma_start3A_282 : memref<160xi32, #tpu.memory_space<hbm>>) target(%arg9 : memref<160xi32, #tpu.memory_space<vmem>>) target_semaphore(%run_scoped3A : memref<!tpu.dma_semaphore, #tpu.memory_space<semaphore_mem>>)
      %dma_wait3A_283 = tpu.memref_slice %arg5[%add3A_198] : memref<102400xi32, #tpu.memory_space<hbm>> -> memref<160xi32, #tpu.memory_space<hbm>>
      %dma_wait3A_284 = tpu.memref_slice %arg5[%add3A_198] : memref<102400xi32, #tpu.memory_space<hbm>> -> memref<160xi32, #tpu.memory_space<hbm>>
      tpu.wait_dma2 semaphore(%run_scoped3A : memref<!tpu.dma_semaphore, #tpu.memory_space<semaphore_mem>>) src(%dma_wait3A_284 : memref<160xi32, #tpu.memory_space<hbm>>) dst(%arg9 : memref<160xi32, #tpu.memory_space<vmem>>)
      tpu.yield
    }) : () -> ()
    %dma_start3A_199 = arith.constant 0 : i32
    %dma_start3A_200 = arith.constant 0 : i32
    %dma_start3A_201 = tpu.memref_slice %arg2[%dma_start3A_199, %dma_start3A_200] : memref<100x128xf32, #tpu.memory_space<hbm>> -> memref<100x128xf32, #tpu.memory_space<hbm>>
    tpu.enqueue_indirect_dma source(%dma_start3A_201 : memref<100x128xf32, #tpu.memory_space<hbm>>) target(%arg10 : memref<160x128xf32, #tpu.memory_space<vmem>>) offsets(%arg8 : memref<160xi32, #tpu.memory_space<vmem>>) semaphore(%arg12 : memref<!tpu.dma_semaphore, #tpu.memory_space<semaphore_mem>>)
    %dma_start3A_202 = arith.constant 0 : i32
    %dma_start3A_203 = arith.constant 0 : i32
    %dma_start3A_204 = tpu.memref_slice %arg3[%dma_start3A_202, %dma_start3A_203] : memref<10000x128xf32, #tpu.memory_space<hbm>> -> memref<10000x128xf32, #tpu.memory_space<hbm>>
    tpu.enqueue_indirect_dma source(%dma_start3A_204 : memref<10000x128xf32, #tpu.memory_space<hbm>>) target(%arg11 : memref<160x128xf32, #tpu.memory_space<vmem>>) offsets(%arg9 : memref<160xi32, #tpu.memory_space<vmem>>) semaphore(%arg13 : memref<!tpu.dma_semaphore, #tpu.memory_space<semaphore_mem>>)
    %dma_wait3A_205 = arith.constant 0 : i32
    %dma_wait3A_206 = arith.constant 0 : i32
    %dma_wait3A_207 = tpu.memref_slice %arg2[%dma_wait3A_205, %dma_wait3A_206] : memref<100x128xf32, #tpu.memory_space<hbm>> -> memref<100x128xf32, #tpu.memory_space<hbm>>
    tpu.wait_indirect_dma semaphore(%arg12 : memref<!tpu.dma_semaphore, #tpu.memory_space<semaphore_mem>>) src(%dma_wait3A_207 : memref<100x128xf32, #tpu.memory_space<hbm>>) dst(%arg10 : memref<160x128xf32, #tpu.memory_space<vmem>>)
    "tpu.region"() ({
      %run_scoped3A = tpu.sem_alloc : memref<!tpu.dma_semaphore, #tpu.memory_space<semaphore_mem>>
      %dma_start3A_281 = arith.constant 0 : i32
      %dma_start3A_282 = tpu.memref_slice %arg6[%add3A_198, %dma_start3A_281] : memref<102400x128xf32, #tpu.memory_space<hbm>> -> memref<160x128xf32, #tpu.memory_space<hbm>>
      %dma_start3A_283 = arith.constant 0 : i32
      %dma_start3A_284 = tpu.memref_slice %arg6[%add3A_198, %dma_start3A_283] : memref<102400x128xf32, #tpu.memory_space<hbm>> -> memref<160x128xf32, #tpu.memory_space<hbm>>
      tpu.enqueue_dma source(%arg10 : memref<160x128xf32, #tpu.memory_space<vmem>>) target(%dma_start3A_284 : memref<160x128xf32, #tpu.memory_space<hbm>>) target_semaphore(%run_scoped3A : memref<!tpu.dma_semaphore, #tpu.memory_space<semaphore_mem>>)
      %dma_wait3A_285 = arith.constant 0 : i32
      %dma_wait3A_286 = tpu.memref_slice %arg6[%add3A_198, %dma_wait3A_285] : memref<102400x128xf32, #tpu.memory_space<hbm>> -> memref<160x128xf32, #tpu.memory_space<hbm>>
      %dma_wait3A_287 = arith.constant 0 : i32
      %dma_wait3A_288 = tpu.memref_slice %arg6[%add3A_198, %dma_wait3A_287] : memref<102400x128xf32, #tpu.memory_space<hbm>> -> memref<160x128xf32, #tpu.memory_space<hbm>>
      tpu.wait_dma2 semaphore(%run_scoped3A : memref<!tpu.dma_semaphore, #tpu.memory_space<semaphore_mem>>) src(%arg10 : memref<160x128xf32, #tpu.memory_space<vmem>>) dst(%dma_wait3A_288 : memref<160x128xf32, #tpu.memory_space<hbm>>)
      tpu.yield
    }) : () -> ()
    %dma_wait3A_208 = arith.constant 0 : i32
    %dma_wait3A_209 = arith.constant 0 : i32
    %dma_wait3A_210 = tpu.memref_slice %arg3[%dma_wait3A_208, %dma_wait3A_209] : memref<10000x128xf32, #tpu.memory_space<hbm>> -> memref<10000x128xf32, #tpu.memory_space<hbm>>
    tpu.wait_indirect_dma semaphore(%arg13 : memref<!tpu.dma_semaphore, #tpu.memory_space<semaphore_mem>>) src(%dma_wait3A_210 : memref<10000x128xf32, #tpu.memory_space<hbm>>) dst(%arg11 : memref<160x128xf32, #tpu.memory_space<vmem>>)
    "tpu.region"() ({
      %run_scoped3A = tpu.sem_alloc : memref<!tpu.dma_semaphore, #tpu.memory_space<semaphore_mem>>
      %dma_start3A_281 = arith.constant 0 : i32
      %dma_start3A_282 = tpu.memref_slice %arg7[%add3A_198, %dma_start3A_281] : memref<102400x128xf32, #tpu.memory_space<hbm>> -> memref<160x128xf32, #tpu.memory_space<hbm>>
      %dma_start3A_283 = arith.constant 0 : i32
      %dma_start3A_284 = tpu.memref_slice %arg7[%add3A_198, %dma_start3A_283] : memref<102400x128xf32, #tpu.memory_space<hbm>> -> memref<160x128xf32, #tpu.memory_space<hbm>>
      tpu.enqueue_dma source(%arg11 : memref<160x128xf32, #tpu.memory_space<vmem>>) target(%dma_start3A_284 : memref<160x128xf32, #tpu.memory_space<hbm>>) target_semaphore(%run_scoped3A : memref<!tpu.dma_semaphore, #tpu.memory_space<semaphore_mem>>)
      %dma_wait3A_285 = arith.constant 0 : i32
      %dma_wait3A_286 = tpu.memref_slice %arg7[%add3A_198, %dma_wait3A_285] : memref<102400x128xf32, #tpu.memory_space<hbm>> -> memref<160x128xf32, #tpu.memory_space<hbm>>
      %dma_wait3A_287 = arith.constant 0 : i32
      %dma_wait3A_288 = tpu.memref_slice %arg7[%add3A_198, %dma_wait3A_287] : memref<102400x128xf32, #tpu.memory_space<hbm>> -> memref<160x128xf32, #tpu.memory_space<hbm>>
      tpu.wait_dma2 semaphore(%run_scoped3A : memref<!tpu.dma_semaphore, #tpu.memory_space<semaphore_mem>>) src(%arg11 : memref<160x128xf32, #tpu.memory_space<vmem>>) dst(%dma_wait3A_288 : memref<160x128xf32, #tpu.memory_space<hbm>>)
      tpu.yield
    }) : () -> ()
    %add3A_211 = arith.constant 2400 : i32
    %add3A_212 = arith.addi %mul3A_2, %add3A_211 : i32
    "tpu.region"() ({
      %run_scoped3A = tpu.sem_alloc : memref<!tpu.dma_semaphore, #tpu.memory_space<semaphore_mem>>
      %dma_start3A_281 = tpu.memref_slice %arg4[%add3A_212] : memref<102400xi32, #tpu.memory_space<hbm>> -> memref<160xi32, #tpu.memory_space<hbm>>
      %dma_start3A_282 = tpu.memref_slice %arg4[%add3A_212] : memref<102400xi32, #tpu.memory_space<hbm>> -> memref<160xi32, #tpu.memory_space<hbm>>
      tpu.enqueue_dma source(%dma_start3A_282 : memref<160xi32, #tpu.memory_space<hbm>>) target(%arg8 : memref<160xi32, #tpu.memory_space<vmem>>) target_semaphore(%run_scoped3A : memref<!tpu.dma_semaphore, #tpu.memory_space<semaphore_mem>>)
      %dma_wait3A_283 = tpu.memref_slice %arg4[%add3A_212] : memref<102400xi32, #tpu.memory_space<hbm>> -> memref<160xi32, #tpu.memory_space<hbm>>
      %dma_wait3A_284 = tpu.memref_slice %arg4[%add3A_212] : memref<102400xi32, #tpu.memory_space<hbm>> -> memref<160xi32, #tpu.memory_space<hbm>>
      tpu.wait_dma2 semaphore(%run_scoped3A : memref<!tpu.dma_semaphore, #tpu.memory_space<semaphore_mem>>) src(%dma_wait3A_284 : memref<160xi32, #tpu.memory_space<hbm>>) dst(%arg8 : memref<160xi32, #tpu.memory_space<vmem>>)
      tpu.yield
    }) : () -> ()
    "tpu.region"() ({
      %run_scoped3A = tpu.sem_alloc : memref<!tpu.dma_semaphore, #tpu.memory_space<semaphore_mem>>
      %dma_start3A_281 = tpu.memref_slice %arg5[%add3A_212] : memref<102400xi32, #tpu.memory_space<hbm>> -> memref<160xi32, #tpu.memory_space<hbm>>
      %dma_start3A_282 = tpu.memref_slice %arg5[%add3A_212] : memref<102400xi32, #tpu.memory_space<hbm>> -> memref<160xi32, #tpu.memory_space<hbm>>
      tpu.enqueue_dma source(%dma_start3A_282 : memref<160xi32, #tpu.memory_space<hbm>>) target(%arg9 : memref<160xi32, #tpu.memory_space<vmem>>) target_semaphore(%run_scoped3A : memref<!tpu.dma_semaphore, #tpu.memory_space<semaphore_mem>>)
      %dma_wait3A_283 = tpu.memref_slice %arg5[%add3A_212] : memref<102400xi32, #tpu.memory_space<hbm>> -> memref<160xi32, #tpu.memory_space<hbm>>
      %dma_wait3A_284 = tpu.memref_slice %arg5[%add3A_212] : memref<102400xi32, #tpu.memory_space<hbm>> -> memref<160xi32, #tpu.memory_space<hbm>>
      tpu.wait_dma2 semaphore(%run_scoped3A : memref<!tpu.dma_semaphore, #tpu.memory_space<semaphore_mem>>) src(%dma_wait3A_284 : memref<160xi32, #tpu.memory_space<hbm>>) dst(%arg9 : memref<160xi32, #tpu.memory_space<vmem>>)
      tpu.yield
    }) : () -> ()
    %dma_start3A_213 = arith.constant 0 : i32
    %dma_start3A_214 = arith.constant 0 : i32
    %dma_start3A_215 = tpu.memref_slice %arg2[%dma_start3A_213, %dma_start3A_214] : memref<100x128xf32, #tpu.memory_space<hbm>> -> memref<100x128xf32, #tpu.memory_space<hbm>>
    tpu.enqueue_indirect_dma source(%dma_start3A_215 : memref<100x128xf32, #tpu.memory_space<hbm>>) target(%arg10 : memref<160x128xf32, #tpu.memory_space<vmem>>) offsets(%arg8 : memref<160xi32, #tpu.memory_space<vmem>>) semaphore(%arg12 : memref<!tpu.dma_semaphore, #tpu.memory_space<semaphore_mem>>)
    %dma_start3A_216 = arith.constant 0 : i32
    %dma_start3A_217 = arith.constant 0 : i32
    %dma_start3A_218 = tpu.memref_slice %arg3[%dma_start3A_216, %dma_start3A_217] : memref<10000x128xf32, #tpu.memory_space<hbm>> -> memref<10000x128xf32, #tpu.memory_space<hbm>>
    tpu.enqueue_indirect_dma source(%dma_start3A_218 : memref<10000x128xf32, #tpu.memory_space<hbm>>) target(%arg11 : memref<160x128xf32, #tpu.memory_space<vmem>>) offsets(%arg9 : memref<160xi32, #tpu.memory_space<vmem>>) semaphore(%arg13 : memref<!tpu.dma_semaphore, #tpu.memory_space<semaphore_mem>>)
    %dma_wait3A_219 = arith.constant 0 : i32
    %dma_wait3A_220 = arith.constant 0 : i32
    %dma_wait3A_221 = tpu.memref_slice %arg2[%dma_wait3A_219, %dma_wait3A_220] : memref<100x128xf32, #tpu.memory_space<hbm>> -> memref<100x128xf32, #tpu.memory_space<hbm>>
    tpu.wait_indirect_dma semaphore(%arg12 : memref<!tpu.dma_semaphore, #tpu.memory_space<semaphore_mem>>) src(%dma_wait3A_221 : memref<100x128xf32, #tpu.memory_space<hbm>>) dst(%arg10 : memref<160x128xf32, #tpu.memory_space<vmem>>)
    "tpu.region"() ({
      %run_scoped3A = tpu.sem_alloc : memref<!tpu.dma_semaphore, #tpu.memory_space<semaphore_mem>>
      %dma_start3A_281 = arith.constant 0 : i32
      %dma_start3A_282 = tpu.memref_slice %arg6[%add3A_212, %dma_start3A_281] : memref<102400x128xf32, #tpu.memory_space<hbm>> -> memref<160x128xf32, #tpu.memory_space<hbm>>
      %dma_start3A_283 = arith.constant 0 : i32
      %dma_start3A_284 = tpu.memref_slice %arg6[%add3A_212, %dma_start3A_283] : memref<102400x128xf32, #tpu.memory_space<hbm>> -> memref<160x128xf32, #tpu.memory_space<hbm>>
      tpu.enqueue_dma source(%arg10 : memref<160x128xf32, #tpu.memory_space<vmem>>) target(%dma_start3A_284 : memref<160x128xf32, #tpu.memory_space<hbm>>) target_semaphore(%run_scoped3A : memref<!tpu.dma_semaphore, #tpu.memory_space<semaphore_mem>>)
      %dma_wait3A_285 = arith.constant 0 : i32
      %dma_wait3A_286 = tpu.memref_slice %arg6[%add3A_212, %dma_wait3A_285] : memref<102400x128xf32, #tpu.memory_space<hbm>> -> memref<160x128xf32, #tpu.memory_space<hbm>>
      %dma_wait3A_287 = arith.constant 0 : i32
      %dma_wait3A_288 = tpu.memref_slice %arg6[%add3A_212, %dma_wait3A_287] : memref<102400x128xf32, #tpu.memory_space<hbm>> -> memref<160x128xf32, #tpu.memory_space<hbm>>
      tpu.wait_dma2 semaphore(%run_scoped3A : memref<!tpu.dma_semaphore, #tpu.memory_space<semaphore_mem>>) src(%arg10 : memref<160x128xf32, #tpu.memory_space<vmem>>) dst(%dma_wait3A_288 : memref<160x128xf32, #tpu.memory_space<hbm>>)
      tpu.yield
    }) : () -> ()
    %dma_wait3A_222 = arith.constant 0 : i32
    %dma_wait3A_223 = arith.constant 0 : i32
    %dma_wait3A_224 = tpu.memref_slice %arg3[%dma_wait3A_222, %dma_wait3A_223] : memref<10000x128xf32, #tpu.memory_space<hbm>> -> memref<10000x128xf32, #tpu.memory_space<hbm>>
    tpu.wait_indirect_dma semaphore(%arg13 : memref<!tpu.dma_semaphore, #tpu.memory_space<semaphore_mem>>) src(%dma_wait3A_224 : memref<10000x128xf32, #tpu.memory_space<hbm>>) dst(%arg11 : memref<160x128xf32, #tpu.memory_space<vmem>>)
    "tpu.region"() ({
      %run_scoped3A = tpu.sem_alloc : memref<!tpu.dma_semaphore, #tpu.memory_space<semaphore_mem>>
      %dma_start3A_281 = arith.constant 0 : i32
      %dma_start3A_282 = tpu.memref_slice %arg7[%add3A_212, %dma_start3A_281] : memref<102400x128xf32, #tpu.memory_space<hbm>> -> memref<160x128xf32, #tpu.memory_space<hbm>>
      %dma_start3A_283 = arith.constant 0 : i32
      %dma_start3A_284 = tpu.memref_slice %arg7[%add3A_212, %dma_start3A_283] : memref<102400x128xf32, #tpu.memory_space<hbm>> -> memref<160x128xf32, #tpu.memory_space<hbm>>
      tpu.enqueue_dma source(%arg11 : memref<160x128xf32, #tpu.memory_space<vmem>>) target(%dma_start3A_284 : memref<160x128xf32, #tpu.memory_space<hbm>>) target_semaphore(%run_scoped3A : memref<!tpu.dma_semaphore, #tpu.memory_space<semaphore_mem>>)
      %dma_wait3A_285 = arith.constant 0 : i32
      %dma_wait3A_286 = tpu.memref_slice %arg7[%add3A_212, %dma_wait3A_285] : memref<102400x128xf32, #tpu.memory_space<hbm>> -> memref<160x128xf32, #tpu.memory_space<hbm>>
      %dma_wait3A_287 = arith.constant 0 : i32
      %dma_wait3A_288 = tpu.memref_slice %arg7[%add3A_212, %dma_wait3A_287] : memref<102400x128xf32, #tpu.memory_space<hbm>> -> memref<160x128xf32, #tpu.memory_space<hbm>>
      tpu.wait_dma2 semaphore(%run_scoped3A : memref<!tpu.dma_semaphore, #tpu.memory_space<semaphore_mem>>) src(%arg11 : memref<160x128xf32, #tpu.memory_space<vmem>>) dst(%dma_wait3A_288 : memref<160x128xf32, #tpu.memory_space<hbm>>)
      tpu.yield
    }) : () -> ()
    %add3A_225 = arith.constant 2560 : i32
    %add3A_226 = arith.addi %mul3A_2, %add3A_225 : i32
    "tpu.region"() ({
      %run_scoped3A = tpu.sem_alloc : memref<!tpu.dma_semaphore, #tpu.memory_space<semaphore_mem>>
      %dma_start3A_281 = tpu.memref_slice %arg4[%add3A_226] : memref<102400xi32, #tpu.memory_space<hbm>> -> memref<160xi32, #tpu.memory_space<hbm>>
      %dma_start3A_282 = tpu.memref_slice %arg4[%add3A_226] : memref<102400xi32, #tpu.memory_space<hbm>> -> memref<160xi32, #tpu.memory_space<hbm>>
      tpu.enqueue_dma source(%dma_start3A_282 : memref<160xi32, #tpu.memory_space<hbm>>) target(%arg8 : memref<160xi32, #tpu.memory_space<vmem>>) target_semaphore(%run_scoped3A : memref<!tpu.dma_semaphore, #tpu.memory_space<semaphore_mem>>)
      %dma_wait3A_283 = tpu.memref_slice %arg4[%add3A_226] : memref<102400xi32, #tpu.memory_space<hbm>> -> memref<160xi32, #tpu.memory_space<hbm>>
      %dma_wait3A_284 = tpu.memref_slice %arg4[%add3A_226] : memref<102400xi32, #tpu.memory_space<hbm>> -> memref<160xi32, #tpu.memory_space<hbm>>
      tpu.wait_dma2 semaphore(%run_scoped3A : memref<!tpu.dma_semaphore, #tpu.memory_space<semaphore_mem>>) src(%dma_wait3A_284 : memref<160xi32, #tpu.memory_space<hbm>>) dst(%arg8 : memref<160xi32, #tpu.memory_space<vmem>>)
      tpu.yield
    }) : () -> ()
    "tpu.region"() ({
      %run_scoped3A = tpu.sem_alloc : memref<!tpu.dma_semaphore, #tpu.memory_space<semaphore_mem>>
      %dma_start3A_281 = tpu.memref_slice %arg5[%add3A_226] : memref<102400xi32, #tpu.memory_space<hbm>> -> memref<160xi32, #tpu.memory_space<hbm>>
      %dma_start3A_282 = tpu.memref_slice %arg5[%add3A_226] : memref<102400xi32, #tpu.memory_space<hbm>> -> memref<160xi32, #tpu.memory_space<hbm>>
      tpu.enqueue_dma source(%dma_start3A_282 : memref<160xi32, #tpu.memory_space<hbm>>) target(%arg9 : memref<160xi32, #tpu.memory_space<vmem>>) target_semaphore(%run_scoped3A : memref<!tpu.dma_semaphore, #tpu.memory_space<semaphore_mem>>)
      %dma_wait3A_283 = tpu.memref_slice %arg5[%add3A_226] : memref<102400xi32, #tpu.memory_space<hbm>> -> memref<160xi32, #tpu.memory_space<hbm>>
      %dma_wait3A_284 = tpu.memref_slice %arg5[%add3A_226] : memref<102400xi32, #tpu.memory_space<hbm>> -> memref<160xi32, #tpu.memory_space<hbm>>
      tpu.wait_dma2 semaphore(%run_scoped3A : memref<!tpu.dma_semaphore, #tpu.memory_space<semaphore_mem>>) src(%dma_wait3A_284 : memref<160xi32, #tpu.memory_space<hbm>>) dst(%arg9 : memref<160xi32, #tpu.memory_space<vmem>>)
      tpu.yield
    }) : () -> ()
    %dma_start3A_227 = arith.constant 0 : i32
    %dma_start3A_228 = arith.constant 0 : i32
    %dma_start3A_229 = tpu.memref_slice %arg2[%dma_start3A_227, %dma_start3A_228] : memref<100x128xf32, #tpu.memory_space<hbm>> -> memref<100x128xf32, #tpu.memory_space<hbm>>
    tpu.enqueue_indirect_dma source(%dma_start3A_229 : memref<100x128xf32, #tpu.memory_space<hbm>>) target(%arg10 : memref<160x128xf32, #tpu.memory_space<vmem>>) offsets(%arg8 : memref<160xi32, #tpu.memory_space<vmem>>) semaphore(%arg12 : memref<!tpu.dma_semaphore, #tpu.memory_space<semaphore_mem>>)
    %dma_start3A_230 = arith.constant 0 : i32
    %dma_start3A_231 = arith.constant 0 : i32
    %dma_start3A_232 = tpu.memref_slice %arg3[%dma_start3A_230, %dma_start3A_231] : memref<10000x128xf32, #tpu.memory_space<hbm>> -> memref<10000x128xf32, #tpu.memory_space<hbm>>
    tpu.enqueue_indirect_dma source(%dma_start3A_232 : memref<10000x128xf32, #tpu.memory_space<hbm>>) target(%arg11 : memref<160x128xf32, #tpu.memory_space<vmem>>) offsets(%arg9 : memref<160xi32, #tpu.memory_space<vmem>>) semaphore(%arg13 : memref<!tpu.dma_semaphore, #tpu.memory_space<semaphore_mem>>)
    %dma_wait3A_233 = arith.constant 0 : i32
    %dma_wait3A_234 = arith.constant 0 : i32
    %dma_wait3A_235 = tpu.memref_slice %arg2[%dma_wait3A_233, %dma_wait3A_234] : memref<100x128xf32, #tpu.memory_space<hbm>> -> memref<100x128xf32, #tpu.memory_space<hbm>>
    tpu.wait_indirect_dma semaphore(%arg12 : memref<!tpu.dma_semaphore, #tpu.memory_space<semaphore_mem>>) src(%dma_wait3A_235 : memref<100x128xf32, #tpu.memory_space<hbm>>) dst(%arg10 : memref<160x128xf32, #tpu.memory_space<vmem>>)
    "tpu.region"() ({
      %run_scoped3A = tpu.sem_alloc : memref<!tpu.dma_semaphore, #tpu.memory_space<semaphore_mem>>
      %dma_start3A_281 = arith.constant 0 : i32
      %dma_start3A_282 = tpu.memref_slice %arg6[%add3A_226, %dma_start3A_281] : memref<102400x128xf32, #tpu.memory_space<hbm>> -> memref<160x128xf32, #tpu.memory_space<hbm>>
      %dma_start3A_283 = arith.constant 0 : i32
      %dma_start3A_284 = tpu.memref_slice %arg6[%add3A_226, %dma_start3A_283] : memref<102400x128xf32, #tpu.memory_space<hbm>> -> memref<160x128xf32, #tpu.memory_space<hbm>>
      tpu.enqueue_dma source(%arg10 : memref<160x128xf32, #tpu.memory_space<vmem>>) target(%dma_start3A_284 : memref<160x128xf32, #tpu.memory_space<hbm>>) target_semaphore(%run_scoped3A : memref<!tpu.dma_semaphore, #tpu.memory_space<semaphore_mem>>)
      %dma_wait3A_285 = arith.constant 0 : i32
      %dma_wait3A_286 = tpu.memref_slice %arg6[%add3A_226, %dma_wait3A_285] : memref<102400x128xf32, #tpu.memory_space<hbm>> -> memref<160x128xf32, #tpu.memory_space<hbm>>
      %dma_wait3A_287 = arith.constant 0 : i32
      %dma_wait3A_288 = tpu.memref_slice %arg6[%add3A_226, %dma_wait3A_287] : memref<102400x128xf32, #tpu.memory_space<hbm>> -> memref<160x128xf32, #tpu.memory_space<hbm>>
      tpu.wait_dma2 semaphore(%run_scoped3A : memref<!tpu.dma_semaphore, #tpu.memory_space<semaphore_mem>>) src(%arg10 : memref<160x128xf32, #tpu.memory_space<vmem>>) dst(%dma_wait3A_288 : memref<160x128xf32, #tpu.memory_space<hbm>>)
      tpu.yield
    }) : () -> ()
    %dma_wait3A_236 = arith.constant 0 : i32
    %dma_wait3A_237 = arith.constant 0 : i32
    %dma_wait3A_238 = tpu.memref_slice %arg3[%dma_wait3A_236, %dma_wait3A_237] : memref<10000x128xf32, #tpu.memory_space<hbm>> -> memref<10000x128xf32, #tpu.memory_space<hbm>>
    tpu.wait_indirect_dma semaphore(%arg13 : memref<!tpu.dma_semaphore, #tpu.memory_space<semaphore_mem>>) src(%dma_wait3A_238 : memref<10000x128xf32, #tpu.memory_space<hbm>>) dst(%arg11 : memref<160x128xf32, #tpu.memory_space<vmem>>)
    "tpu.region"() ({
      %run_scoped3A = tpu.sem_alloc : memref<!tpu.dma_semaphore, #tpu.memory_space<semaphore_mem>>
      %dma_start3A_281 = arith.constant 0 : i32
      %dma_start3A_282 = tpu.memref_slice %arg7[%add3A_226, %dma_start3A_281] : memref<102400x128xf32, #tpu.memory_space<hbm>> -> memref<160x128xf32, #tpu.memory_space<hbm>>
      %dma_start3A_283 = arith.constant 0 : i32
      %dma_start3A_284 = tpu.memref_slice %arg7[%add3A_226, %dma_start3A_283] : memref<102400x128xf32, #tpu.memory_space<hbm>> -> memref<160x128xf32, #tpu.memory_space<hbm>>
      tpu.enqueue_dma source(%arg11 : memref<160x128xf32, #tpu.memory_space<vmem>>) target(%dma_start3A_284 : memref<160x128xf32, #tpu.memory_space<hbm>>) target_semaphore(%run_scoped3A : memref<!tpu.dma_semaphore, #tpu.memory_space<semaphore_mem>>)
      %dma_wait3A_285 = arith.constant 0 : i32
      %dma_wait3A_286 = tpu.memref_slice %arg7[%add3A_226, %dma_wait3A_285] : memref<102400x128xf32, #tpu.memory_space<hbm>> -> memref<160x128xf32, #tpu.memory_space<hbm>>
      %dma_wait3A_287 = arith.constant 0 : i32
      %dma_wait3A_288 = tpu.memref_slice %arg7[%add3A_226, %dma_wait3A_287] : memref<102400x128xf32, #tpu.memory_space<hbm>> -> memref<160x128xf32, #tpu.memory_space<hbm>>
      tpu.wait_dma2 semaphore(%run_scoped3A : memref<!tpu.dma_semaphore, #tpu.memory_space<semaphore_mem>>) src(%arg11 : memref<160x128xf32, #tpu.memory_space<vmem>>) dst(%dma_wait3A_288 : memref<160x128xf32, #tpu.memory_space<hbm>>)
      tpu.yield
    }) : () -> ()
    %add3A_239 = arith.constant 2720 : i32
    %add3A_240 = arith.addi %mul3A_2, %add3A_239 : i32
    "tpu.region"() ({
      %run_scoped3A = tpu.sem_alloc : memref<!tpu.dma_semaphore, #tpu.memory_space<semaphore_mem>>
      %dma_start3A_281 = tpu.memref_slice %arg4[%add3A_240] : memref<102400xi32, #tpu.memory_space<hbm>> -> memref<160xi32, #tpu.memory_space<hbm>>
      %dma_start3A_282 = tpu.memref_slice %arg4[%add3A_240] : memref<102400xi32, #tpu.memory_space<hbm>> -> memref<160xi32, #tpu.memory_space<hbm>>
      tpu.enqueue_dma source(%dma_start3A_282 : memref<160xi32, #tpu.memory_space<hbm>>) target(%arg8 : memref<160xi32, #tpu.memory_space<vmem>>) target_semaphore(%run_scoped3A : memref<!tpu.dma_semaphore, #tpu.memory_space<semaphore_mem>>)
      %dma_wait3A_283 = tpu.memref_slice %arg4[%add3A_240] : memref<102400xi32, #tpu.memory_space<hbm>> -> memref<160xi32, #tpu.memory_space<hbm>>
      %dma_wait3A_284 = tpu.memref_slice %arg4[%add3A_240] : memref<102400xi32, #tpu.memory_space<hbm>> -> memref<160xi32, #tpu.memory_space<hbm>>
      tpu.wait_dma2 semaphore(%run_scoped3A : memref<!tpu.dma_semaphore, #tpu.memory_space<semaphore_mem>>) src(%dma_wait3A_284 : memref<160xi32, #tpu.memory_space<hbm>>) dst(%arg8 : memref<160xi32, #tpu.memory_space<vmem>>)
      tpu.yield
    }) : () -> ()
    "tpu.region"() ({
      %run_scoped3A = tpu.sem_alloc : memref<!tpu.dma_semaphore, #tpu.memory_space<semaphore_mem>>
      %dma_start3A_281 = tpu.memref_slice %arg5[%add3A_240] : memref<102400xi32, #tpu.memory_space<hbm>> -> memref<160xi32, #tpu.memory_space<hbm>>
      %dma_start3A_282 = tpu.memref_slice %arg5[%add3A_240] : memref<102400xi32, #tpu.memory_space<hbm>> -> memref<160xi32, #tpu.memory_space<hbm>>
      tpu.enqueue_dma source(%dma_start3A_282 : memref<160xi32, #tpu.memory_space<hbm>>) target(%arg9 : memref<160xi32, #tpu.memory_space<vmem>>) target_semaphore(%run_scoped3A : memref<!tpu.dma_semaphore, #tpu.memory_space<semaphore_mem>>)
      %dma_wait3A_283 = tpu.memref_slice %arg5[%add3A_240] : memref<102400xi32, #tpu.memory_space<hbm>> -> memref<160xi32, #tpu.memory_space<hbm>>
      %dma_wait3A_284 = tpu.memref_slice %arg5[%add3A_240] : memref<102400xi32, #tpu.memory_space<hbm>> -> memref<160xi32, #tpu.memory_space<hbm>>
      tpu.wait_dma2 semaphore(%run_scoped3A : memref<!tpu.dma_semaphore, #tpu.memory_space<semaphore_mem>>) src(%dma_wait3A_284 : memref<160xi32, #tpu.memory_space<hbm>>) dst(%arg9 : memref<160xi32, #tpu.memory_space<vmem>>)
      tpu.yield
    }) : () -> ()
    %dma_start3A_241 = arith.constant 0 : i32
    %dma_start3A_242 = arith.constant 0 : i32
    %dma_start3A_243 = tpu.memref_slice %arg2[%dma_start3A_241, %dma_start3A_242] : memref<100x128xf32, #tpu.memory_space<hbm>> -> memref<100x128xf32, #tpu.memory_space<hbm>>
    tpu.enqueue_indirect_dma source(%dma_start3A_243 : memref<100x128xf32, #tpu.memory_space<hbm>>) target(%arg10 : memref<160x128xf32, #tpu.memory_space<vmem>>) offsets(%arg8 : memref<160xi32, #tpu.memory_space<vmem>>) semaphore(%arg12 : memref<!tpu.dma_semaphore, #tpu.memory_space<semaphore_mem>>)
    %dma_start3A_244 = arith.constant 0 : i32
    %dma_start3A_245 = arith.constant 0 : i32
    %dma_start3A_246 = tpu.memref_slice %arg3[%dma_start3A_244, %dma_start3A_245] : memref<10000x128xf32, #tpu.memory_space<hbm>> -> memref<10000x128xf32, #tpu.memory_space<hbm>>
    tpu.enqueue_indirect_dma source(%dma_start3A_246 : memref<10000x128xf32, #tpu.memory_space<hbm>>) target(%arg11 : memref<160x128xf32, #tpu.memory_space<vmem>>) offsets(%arg9 : memref<160xi32, #tpu.memory_space<vmem>>) semaphore(%arg13 : memref<!tpu.dma_semaphore, #tpu.memory_space<semaphore_mem>>)
    %dma_wait3A_247 = arith.constant 0 : i32
    %dma_wait3A_248 = arith.constant 0 : i32
    %dma_wait3A_249 = tpu.memref_slice %arg2[%dma_wait3A_247, %dma_wait3A_248] : memref<100x128xf32, #tpu.memory_space<hbm>> -> memref<100x128xf32, #tpu.memory_space<hbm>>
    tpu.wait_indirect_dma semaphore(%arg12 : memref<!tpu.dma_semaphore, #tpu.memory_space<semaphore_mem>>) src(%dma_wait3A_249 : memref<100x128xf32, #tpu.memory_space<hbm>>) dst(%arg10 : memref<160x128xf32, #tpu.memory_space<vmem>>)
    "tpu.region"() ({
      %run_scoped3A = tpu.sem_alloc : memref<!tpu.dma_semaphore, #tpu.memory_space<semaphore_mem>>
      %dma_start3A_281 = arith.constant 0 : i32
      %dma_start3A_282 = tpu.memref_slice %arg6[%add3A_240, %dma_start3A_281] : memref<102400x128xf32, #tpu.memory_space<hbm>> -> memref<160x128xf32, #tpu.memory_space<hbm>>
      %dma_start3A_283 = arith.constant 0 : i32
      %dma_start3A_284 = tpu.memref_slice %arg6[%add3A_240, %dma_start3A_283] : memref<102400x128xf32, #tpu.memory_space<hbm>> -> memref<160x128xf32, #tpu.memory_space<hbm>>
      tpu.enqueue_dma source(%arg10 : memref<160x128xf32, #tpu.memory_space<vmem>>) target(%dma_start3A_284 : memref<160x128xf32, #tpu.memory_space<hbm>>) target_semaphore(%run_scoped3A : memref<!tpu.dma_semaphore, #tpu.memory_space<semaphore_mem>>)
      %dma_wait3A_285 = arith.constant 0 : i32
      %dma_wait3A_286 = tpu.memref_slice %arg6[%add3A_240, %dma_wait3A_285] : memref<102400x128xf32, #tpu.memory_space<hbm>> -> memref<160x128xf32, #tpu.memory_space<hbm>>
      %dma_wait3A_287 = arith.constant 0 : i32
      %dma_wait3A_288 = tpu.memref_slice %arg6[%add3A_240, %dma_wait3A_287] : memref<102400x128xf32, #tpu.memory_space<hbm>> -> memref<160x128xf32, #tpu.memory_space<hbm>>
      tpu.wait_dma2 semaphore(%run_scoped3A : memref<!tpu.dma_semaphore, #tpu.memory_space<semaphore_mem>>) src(%arg10 : memref<160x128xf32, #tpu.memory_space<vmem>>) dst(%dma_wait3A_288 : memref<160x128xf32, #tpu.memory_space<hbm>>)
      tpu.yield
    }) : () -> ()
    %dma_wait3A_250 = arith.constant 0 : i32
    %dma_wait3A_251 = arith.constant 0 : i32
    %dma_wait3A_252 = tpu.memref_slice %arg3[%dma_wait3A_250, %dma_wait3A_251] : memref<10000x128xf32, #tpu.memory_space<hbm>> -> memref<10000x128xf32, #tpu.memory_space<hbm>>
    tpu.wait_indirect_dma semaphore(%arg13 : memref<!tpu.dma_semaphore, #tpu.memory_space<semaphore_mem>>) src(%dma_wait3A_252 : memref<10000x128xf32, #tpu.memory_space<hbm>>) dst(%arg11 : memref<160x128xf32, #tpu.memory_space<vmem>>)
    "tpu.region"() ({
      %run_scoped3A = tpu.sem_alloc : memref<!tpu.dma_semaphore, #tpu.memory_space<semaphore_mem>>
      %dma_start3A_281 = arith.constant 0 : i32
      %dma_start3A_282 = tpu.memref_slice %arg7[%add3A_240, %dma_start3A_281] : memref<102400x128xf32, #tpu.memory_space<hbm>> -> memref<160x128xf32, #tpu.memory_space<hbm>>
      %dma_start3A_283 = arith.constant 0 : i32
      %dma_start3A_284 = tpu.memref_slice %arg7[%add3A_240, %dma_start3A_283] : memref<102400x128xf32, #tpu.memory_space<hbm>> -> memref<160x128xf32, #tpu.memory_space<hbm>>
      tpu.enqueue_dma source(%arg11 : memref<160x128xf32, #tpu.memory_space<vmem>>) target(%dma_start3A_284 : memref<160x128xf32, #tpu.memory_space<hbm>>) target_semaphore(%run_scoped3A : memref<!tpu.dma_semaphore, #tpu.memory_space<semaphore_mem>>)
      %dma_wait3A_285 = arith.constant 0 : i32
      %dma_wait3A_286 = tpu.memref_slice %arg7[%add3A_240, %dma_wait3A_285] : memref<102400x128xf32, #tpu.memory_space<hbm>> -> memref<160x128xf32, #tpu.memory_space<hbm>>
      %dma_wait3A_287 = arith.constant 0 : i32
      %dma_wait3A_288 = tpu.memref_slice %arg7[%add3A_240, %dma_wait3A_287] : memref<102400x128xf32, #tpu.memory_space<hbm>> -> memref<160x128xf32, #tpu.memory_space<hbm>>
      tpu.wait_dma2 semaphore(%run_scoped3A : memref<!tpu.dma_semaphore, #tpu.memory_space<semaphore_mem>>) src(%arg11 : memref<160x128xf32, #tpu.memory_space<vmem>>) dst(%dma_wait3A_288 : memref<160x128xf32, #tpu.memory_space<hbm>>)
      tpu.yield
    }) : () -> ()
    %add3A_253 = arith.constant 2880 : i32
    %add3A_254 = arith.addi %mul3A_2, %add3A_253 : i32
    "tpu.region"() ({
      %run_scoped3A = tpu.sem_alloc : memref<!tpu.dma_semaphore, #tpu.memory_space<semaphore_mem>>
      %dma_start3A_281 = tpu.memref_slice %arg4[%add3A_254] : memref<102400xi32, #tpu.memory_space<hbm>> -> memref<160xi32, #tpu.memory_space<hbm>>
      %dma_start3A_282 = tpu.memref_slice %arg4[%add3A_254] : memref<102400xi32, #tpu.memory_space<hbm>> -> memref<160xi32, #tpu.memory_space<hbm>>
      tpu.enqueue_dma source(%dma_start3A_282 : memref<160xi32, #tpu.memory_space<hbm>>) target(%arg8 : memref<160xi32, #tpu.memory_space<vmem>>) target_semaphore(%run_scoped3A : memref<!tpu.dma_semaphore, #tpu.memory_space<semaphore_mem>>)
      %dma_wait3A_283 = tpu.memref_slice %arg4[%add3A_254] : memref<102400xi32, #tpu.memory_space<hbm>> -> memref<160xi32, #tpu.memory_space<hbm>>
      %dma_wait3A_284 = tpu.memref_slice %arg4[%add3A_254] : memref<102400xi32, #tpu.memory_space<hbm>> -> memref<160xi32, #tpu.memory_space<hbm>>
      tpu.wait_dma2 semaphore(%run_scoped3A : memref<!tpu.dma_semaphore, #tpu.memory_space<semaphore_mem>>) src(%dma_wait3A_284 : memref<160xi32, #tpu.memory_space<hbm>>) dst(%arg8 : memref<160xi32, #tpu.memory_space<vmem>>)
      tpu.yield
    }) : () -> ()
    "tpu.region"() ({
      %run_scoped3A = tpu.sem_alloc : memref<!tpu.dma_semaphore, #tpu.memory_space<semaphore_mem>>
      %dma_start3A_281 = tpu.memref_slice %arg5[%add3A_254] : memref<102400xi32, #tpu.memory_space<hbm>> -> memref<160xi32, #tpu.memory_space<hbm>>
      %dma_start3A_282 = tpu.memref_slice %arg5[%add3A_254] : memref<102400xi32, #tpu.memory_space<hbm>> -> memref<160xi32, #tpu.memory_space<hbm>>
      tpu.enqueue_dma source(%dma_start3A_282 : memref<160xi32, #tpu.memory_space<hbm>>) target(%arg9 : memref<160xi32, #tpu.memory_space<vmem>>) target_semaphore(%run_scoped3A : memref<!tpu.dma_semaphore, #tpu.memory_space<semaphore_mem>>)
      %dma_wait3A_283 = tpu.memref_slice %arg5[%add3A_254] : memref<102400xi32, #tpu.memory_space<hbm>> -> memref<160xi32, #tpu.memory_space<hbm>>
      %dma_wait3A_284 = tpu.memref_slice %arg5[%add3A_254] : memref<102400xi32, #tpu.memory_space<hbm>> -> memref<160xi32, #tpu.memory_space<hbm>>
      tpu.wait_dma2 semaphore(%run_scoped3A : memref<!tpu.dma_semaphore, #tpu.memory_space<semaphore_mem>>) src(%dma_wait3A_284 : memref<160xi32, #tpu.memory_space<hbm>>) dst(%arg9 : memref<160xi32, #tpu.memory_space<vmem>>)
      tpu.yield
    }) : () -> ()
    %dma_start3A_255 = arith.constant 0 : i32
    %dma_start3A_256 = arith.constant 0 : i32
    %dma_start3A_257 = tpu.memref_slice %arg2[%dma_start3A_255, %dma_start3A_256] : memref<100x128xf32, #tpu.memory_space<hbm>> -> memref<100x128xf32, #tpu.memory_space<hbm>>
    tpu.enqueue_indirect_dma source(%dma_start3A_257 : memref<100x128xf32, #tpu.memory_space<hbm>>) target(%arg10 : memref<160x128xf32, #tpu.memory_space<vmem>>) offsets(%arg8 : memref<160xi32, #tpu.memory_space<vmem>>) semaphore(%arg12 : memref<!tpu.dma_semaphore, #tpu.memory_space<semaphore_mem>>)
    %dma_start3A_258 = arith.constant 0 : i32
    %dma_start3A_259 = arith.constant 0 : i32
    %dma_start3A_260 = tpu.memref_slice %arg3[%dma_start3A_258, %dma_start3A_259] : memref<10000x128xf32, #tpu.memory_space<hbm>> -> memref<10000x128xf32, #tpu.memory_space<hbm>>
    tpu.enqueue_indirect_dma source(%dma_start3A_260 : memref<10000x128xf32, #tpu.memory_space<hbm>>) target(%arg11 : memref<160x128xf32, #tpu.memory_space<vmem>>) offsets(%arg9 : memref<160xi32, #tpu.memory_space<vmem>>) semaphore(%arg13 : memref<!tpu.dma_semaphore, #tpu.memory_space<semaphore_mem>>)
    %dma_wait3A_261 = arith.constant 0 : i32
    %dma_wait3A_262 = arith.constant 0 : i32
    %dma_wait3A_263 = tpu.memref_slice %arg2[%dma_wait3A_261, %dma_wait3A_262] : memref<100x128xf32, #tpu.memory_space<hbm>> -> memref<100x128xf32, #tpu.memory_space<hbm>>
    tpu.wait_indirect_dma semaphore(%arg12 : memref<!tpu.dma_semaphore, #tpu.memory_space<semaphore_mem>>) src(%dma_wait3A_263 : memref<100x128xf32, #tpu.memory_space<hbm>>) dst(%arg10 : memref<160x128xf32, #tpu.memory_space<vmem>>)
    "tpu.region"() ({
      %run_scoped3A = tpu.sem_alloc : memref<!tpu.dma_semaphore, #tpu.memory_space<semaphore_mem>>
      %dma_start3A_281 = arith.constant 0 : i32
      %dma_start3A_282 = tpu.memref_slice %arg6[%add3A_254, %dma_start3A_281] : memref<102400x128xf32, #tpu.memory_space<hbm>> -> memref<160x128xf32, #tpu.memory_space<hbm>>
      %dma_start3A_283 = arith.constant 0 : i32
      %dma_start3A_284 = tpu.memref_slice %arg6[%add3A_254, %dma_start3A_283] : memref<102400x128xf32, #tpu.memory_space<hbm>> -> memref<160x128xf32, #tpu.memory_space<hbm>>
      tpu.enqueue_dma source(%arg10 : memref<160x128xf32, #tpu.memory_space<vmem>>) target(%dma_start3A_284 : memref<160x128xf32, #tpu.memory_space<hbm>>) target_semaphore(%run_scoped3A : memref<!tpu.dma_semaphore, #tpu.memory_space<semaphore_mem>>)
      %dma_wait3A_285 = arith.constant 0 : i32
      %dma_wait3A_286 = tpu.memref_slice %arg6[%add3A_254, %dma_wait3A_285] : memref<102400x128xf32, #tpu.memory_space<hbm>> -> memref<160x128xf32, #tpu.memory_space<hbm>>
      %dma_wait3A_287 = arith.constant 0 : i32
      %dma_wait3A_288 = tpu.memref_slice %arg6[%add3A_254, %dma_wait3A_287] : memref<102400x128xf32, #tpu.memory_space<hbm>> -> memref<160x128xf32, #tpu.memory_space<hbm>>
      tpu.wait_dma2 semaphore(%run_scoped3A : memref<!tpu.dma_semaphore, #tpu.memory_space<semaphore_mem>>) src(%arg10 : memref<160x128xf32, #tpu.memory_space<vmem>>) dst(%dma_wait3A_288 : memref<160x128xf32, #tpu.memory_space<hbm>>)
      tpu.yield
    }) : () -> ()
    %dma_wait3A_264 = arith.constant 0 : i32
    %dma_wait3A_265 = arith.constant 0 : i32
    %dma_wait3A_266 = tpu.memref_slice %arg3[%dma_wait3A_264, %dma_wait3A_265] : memref<10000x128xf32, #tpu.memory_space<hbm>> -> memref<10000x128xf32, #tpu.memory_space<hbm>>
    tpu.wait_indirect_dma semaphore(%arg13 : memref<!tpu.dma_semaphore, #tpu.memory_space<semaphore_mem>>) src(%dma_wait3A_266 : memref<10000x128xf32, #tpu.memory_space<hbm>>) dst(%arg11 : memref<160x128xf32, #tpu.memory_space<vmem>>)
    "tpu.region"() ({
      %run_scoped3A = tpu.sem_alloc : memref<!tpu.dma_semaphore, #tpu.memory_space<semaphore_mem>>
      %dma_start3A_281 = arith.constant 0 : i32
      %dma_start3A_282 = tpu.memref_slice %arg7[%add3A_254, %dma_start3A_281] : memref<102400x128xf32, #tpu.memory_space<hbm>> -> memref<160x128xf32, #tpu.memory_space<hbm>>
      %dma_start3A_283 = arith.constant 0 : i32
      %dma_start3A_284 = tpu.memref_slice %arg7[%add3A_254, %dma_start3A_283] : memref<102400x128xf32, #tpu.memory_space<hbm>> -> memref<160x128xf32, #tpu.memory_space<hbm>>
      tpu.enqueue_dma source(%arg11 : memref<160x128xf32, #tpu.memory_space<vmem>>) target(%dma_start3A_284 : memref<160x128xf32, #tpu.memory_space<hbm>>) target_semaphore(%run_scoped3A : memref<!tpu.dma_semaphore, #tpu.memory_space<semaphore_mem>>)
      %dma_wait3A_285 = arith.constant 0 : i32
      %dma_wait3A_286 = tpu.memref_slice %arg7[%add3A_254, %dma_wait3A_285] : memref<102400x128xf32, #tpu.memory_space<hbm>> -> memref<160x128xf32, #tpu.memory_space<hbm>>
      %dma_wait3A_287 = arith.constant 0 : i32
      %dma_wait3A_288 = tpu.memref_slice %arg7[%add3A_254, %dma_wait3A_287] : memref<102400x128xf32, #tpu.memory_space<hbm>> -> memref<160x128xf32, #tpu.memory_space<hbm>>
      tpu.wait_dma2 semaphore(%run_scoped3A : memref<!tpu.dma_semaphore, #tpu.memory_space<semaphore_mem>>) src(%arg11 : memref<160x128xf32, #tpu.memory_space<vmem>>) dst(%dma_wait3A_288 : memref<160x128xf32, #tpu.memory_space<hbm>>)
      tpu.yield
    }) : () -> ()
    %add3A_267 = arith.constant 3040 : i32
    %add3A_268 = arith.addi %mul3A_2, %add3A_267 : i32
    "tpu.region"() ({
      %run_scoped3A = tpu.sem_alloc : memref<!tpu.dma_semaphore, #tpu.memory_space<semaphore_mem>>
      %dma_start3A_281 = tpu.memref_slice %arg4[%add3A_268] : memref<102400xi32, #tpu.memory_space<hbm>> -> memref<160xi32, #tpu.memory_space<hbm>>
      %dma_start3A_282 = tpu.memref_slice %arg4[%add3A_268] : memref<102400xi32, #tpu.memory_space<hbm>> -> memref<160xi32, #tpu.memory_space<hbm>>
      tpu.enqueue_dma source(%dma_start3A_282 : memref<160xi32, #tpu.memory_space<hbm>>) target(%arg8 : memref<160xi32, #tpu.memory_space<vmem>>) target_semaphore(%run_scoped3A : memref<!tpu.dma_semaphore, #tpu.memory_space<semaphore_mem>>)
      %dma_wait3A_283 = tpu.memref_slice %arg4[%add3A_268] : memref<102400xi32, #tpu.memory_space<hbm>> -> memref<160xi32, #tpu.memory_space<hbm>>
      %dma_wait3A_284 = tpu.memref_slice %arg4[%add3A_268] : memref<102400xi32, #tpu.memory_space<hbm>> -> memref<160xi32, #tpu.memory_space<hbm>>
      tpu.wait_dma2 semaphore(%run_scoped3A : memref<!tpu.dma_semaphore, #tpu.memory_space<semaphore_mem>>) src(%dma_wait3A_284 : memref<160xi32, #tpu.memory_space<hbm>>) dst(%arg8 : memref<160xi32, #tpu.memory_space<vmem>>)
      tpu.yield
    }) : () -> ()
    "tpu.region"() ({
      %run_scoped3A = tpu.sem_alloc : memref<!tpu.dma_semaphore, #tpu.memory_space<semaphore_mem>>
      %dma_start3A_281 = tpu.memref_slice %arg5[%add3A_268] : memref<102400xi32, #tpu.memory_space<hbm>> -> memref<160xi32, #tpu.memory_space<hbm>>
      %dma_start3A_282 = tpu.memref_slice %arg5[%add3A_268] : memref<102400xi32, #tpu.memory_space<hbm>> -> memref<160xi32, #tpu.memory_space<hbm>>
      tpu.enqueue_dma source(%dma_start3A_282 : memref<160xi32, #tpu.memory_space<hbm>>) target(%arg9 : memref<160xi32, #tpu.memory_space<vmem>>) target_semaphore(%run_scoped3A : memref<!tpu.dma_semaphore, #tpu.memory_space<semaphore_mem>>)
      %dma_wait3A_283 = tpu.memref_slice %arg5[%add3A_268] : memref<102400xi32, #tpu.memory_space<hbm>> -> memref<160xi32, #tpu.memory_space<hbm>>
      %dma_wait3A_284 = tpu.memref_slice %arg5[%add3A_268] : memref<102400xi32, #tpu.memory_space<hbm>> -> memref<160xi32, #tpu.memory_space<hbm>>
      tpu.wait_dma2 semaphore(%run_scoped3A : memref<!tpu.dma_semaphore, #tpu.memory_space<semaphore_mem>>) src(%dma_wait3A_284 : memref<160xi32, #tpu.memory_space<hbm>>) dst(%arg9 : memref<160xi32, #tpu.memory_space<vmem>>)
      tpu.yield
    }) : () -> ()
    %dma_start3A_269 = arith.constant 0 : i32
    %dma_start3A_270 = arith.constant 0 : i32
    %dma_start3A_271 = tpu.memref_slice %arg2[%dma_start3A_269, %dma_start3A_270] : memref<100x128xf32, #tpu.memory_space<hbm>> -> memref<100x128xf32, #tpu.memory_space<hbm>>
    tpu.enqueue_indirect_dma source(%dma_start3A_271 : memref<100x128xf32, #tpu.memory_space<hbm>>) target(%arg10 : memref<160x128xf32, #tpu.memory_space<vmem>>) offsets(%arg8 : memref<160xi32, #tpu.memory_space<vmem>>) semaphore(%arg12 : memref<!tpu.dma_semaphore, #tpu.memory_space<semaphore_mem>>)
    %dma_start3A_272 = arith.constant 0 : i32
    %dma_start3A_273 = arith.constant 0 : i32
    %dma_start3A_274 = tpu.memref_slice %arg3[%dma_start3A_272, %dma_start3A_273] : memref<10000x128xf32, #tpu.memory_space<hbm>> -> memref<10000x128xf32, #tpu.memory_space<hbm>>
    tpu.enqueue_indirect_dma source(%dma_start3A_274 : memref<10000x128xf32, #tpu.memory_space<hbm>>) target(%arg11 : memref<160x128xf32, #tpu.memory_space<vmem>>) offsets(%arg9 : memref<160xi32, #tpu.memory_space<vmem>>) semaphore(%arg13 : memref<!tpu.dma_semaphore, #tpu.memory_space<semaphore_mem>>)
    %dma_wait3A_275 = arith.constant 0 : i32
    %dma_wait3A_276 = arith.constant 0 : i32
    %dma_wait3A_277 = tpu.memref_slice %arg2[%dma_wait3A_275, %dma_wait3A_276] : memref<100x128xf32, #tpu.memory_space<hbm>> -> memref<100x128xf32, #tpu.memory_space<hbm>>
    tpu.wait_indirect_dma semaphore(%arg12 : memref<!tpu.dma_semaphore, #tpu.memory_space<semaphore_mem>>) src(%dma_wait3A_277 : memref<100x128xf32, #tpu.memory_space<hbm>>) dst(%arg10 : memref<160x128xf32, #tpu.memory_space<vmem>>)
    "tpu.region"() ({
      %run_scoped3A = tpu.sem_alloc : memref<!tpu.dma_semaphore, #tpu.memory_space<semaphore_mem>>
      %dma_start3A_281 = arith.constant 0 : i32
      %dma_start3A_282 = tpu.memref_slice %arg6[%add3A_268, %dma_start3A_281] : memref<102400x128xf32, #tpu.memory_space<hbm>> -> memref<160x128xf32, #tpu.memory_space<hbm>>
      %dma_start3A_283 = arith.constant 0 : i32
      %dma_start3A_284 = tpu.memref_slice %arg6[%add3A_268, %dma_start3A_283] : memref<102400x128xf32, #tpu.memory_space<hbm>> -> memref<160x128xf32, #tpu.memory_space<hbm>>
      tpu.enqueue_dma source(%arg10 : memref<160x128xf32, #tpu.memory_space<vmem>>) target(%dma_start3A_284 : memref<160x128xf32, #tpu.memory_space<hbm>>) target_semaphore(%run_scoped3A : memref<!tpu.dma_semaphore, #tpu.memory_space<semaphore_mem>>)
      %dma_wait3A_285 = arith.constant 0 : i32
      %dma_wait3A_286 = tpu.memref_slice %arg6[%add3A_268, %dma_wait3A_285] : memref<102400x128xf32, #tpu.memory_space<hbm>> -> memref<160x128xf32, #tpu.memory_space<hbm>>
      %dma_wait3A_287 = arith.constant 0 : i32
      %dma_wait3A_288 = tpu.memref_slice %arg6[%add3A_268, %dma_wait3A_287] : memref<102400x128xf32, #tpu.memory_space<hbm>> -> memref<160x128xf32, #tpu.memory_space<hbm>>
      tpu.wait_dma2 semaphore(%run_scoped3A : memref<!tpu.dma_semaphore, #tpu.memory_space<semaphore_mem>>) src(%arg10 : memref<160x128xf32, #tpu.memory_space<vmem>>) dst(%dma_wait3A_288 : memref<160x128xf32, #tpu.memory_space<hbm>>)
      tpu.yield
    }) : () -> ()
    %dma_wait3A_278 = arith.constant 0 : i32
    %dma_wait3A_279 = arith.constant 0 : i32
    %dma_wait3A_280 = tpu.memref_slice %arg3[%dma_wait3A_278, %dma_wait3A_279] : memref<10000x128xf32, #tpu.memory_space<hbm>> -> memref<10000x128xf32, #tpu.memory_space<hbm>>
    tpu.wait_indirect_dma semaphore(%arg13 : memref<!tpu.dma_semaphore, #tpu.memory_space<semaphore_mem>>) src(%dma_wait3A_280 : memref<10000x128xf32, #tpu.memory_space<hbm>>) dst(%arg11 : memref<160x128xf32, #tpu.memory_space<vmem>>)
    "tpu.region"() ({
      %run_scoped3A = tpu.sem_alloc : memref<!tpu.dma_semaphore, #tpu.memory_space<semaphore_mem>>
      %dma_start3A_281 = arith.constant 0 : i32
      %dma_start3A_282 = tpu.memref_slice %arg7[%add3A_268, %dma_start3A_281] : memref<102400x128xf32, #tpu.memory_space<hbm>> -> memref<160x128xf32, #tpu.memory_space<hbm>>
      %dma_start3A_283 = arith.constant 0 : i32
      %dma_start3A_284 = tpu.memref_slice %arg7[%add3A_268, %dma_start3A_283] : memref<102400x128xf32, #tpu.memory_space<hbm>> -> memref<160x128xf32, #tpu.memory_space<hbm>>
      tpu.enqueue_dma source(%arg11 : memref<160x128xf32, #tpu.memory_space<vmem>>) target(%dma_start3A_284 : memref<160x128xf32, #tpu.memory_space<hbm>>) target_semaphore(%run_scoped3A : memref<!tpu.dma_semaphore, #tpu.memory_space<semaphore_mem>>)
      %dma_wait3A_285 = arith.constant 0 : i32
      %dma_wait3A_286 = tpu.memref_slice %arg7[%add3A_268, %dma_wait3A_285] : memref<102400x128xf32, #tpu.memory_space<hbm>> -> memref<160x128xf32, #tpu.memory_space<hbm>>
      %dma_wait3A_287 = arith.constant 0 : i32
      %dma_wait3A_288 = tpu.memref_slice %arg7[%add3A_268, %dma_wait3A_287] : memref<102400x128xf32, #tpu.memory_space<hbm>> -> memref<160x128xf32, #tpu.memory_space<hbm>>
      tpu.wait_dma2 semaphore(%run_scoped3A : memref<!tpu.dma_semaphore, #tpu.memory_space<semaphore_mem>>) src(%arg11 : memref<160x128xf32, #tpu.memory_space<vmem>>) dst(%dma_wait3A_288 : memref<160x128xf32, #tpu.memory_space<hbm>>)
      tpu.yield
    }) : () -> ()
    return
  }
}

module attributes {stable_mosaic.version = 14 : i64} {
  func.func @_norm_kernel(%arg0: i32, %arg1: memref<1x10000x128xf32, #tpu.memory_space<vmem>>, %arg2: memref<1x10000x1xf32, #tpu.memory_space<vmem>>) attributes {dimension_semantics = [#tpu.dimension_semantics<arbitrary>], iteration_bounds = array<i64: 10>, scalar_prefetch = 0 : i64, scratch_operands = 0 : i64, tpu.core_type = #tpu.core_type<tc>, window_params = [{transform_indices = @transform_0, window_bounds = array<i64: 1, 10000, 128>}, {transform_indices = @transform_1, window_bounds = array<i64: 1, 10000, 1>}]} {
    %get3A = arith.constant 0 : index
    %get3A_0 = arith.constant 0 : index
    %get3A_1 = arith.constant 0 : index
    %get3A_2 = vector.load %arg1[%get3A, %get3A_0, %get3A_1] : memref<1x10000x128xf32, #tpu.memory_space<vmem>>, vector<1x10000x128xf32>
    %get3A_3 = vector.shape_cast %get3A_2 : vector<1x10000x128xf32> to vector<10000x128xf32>
    %mul3A = arith.mulf %get3A_3, %get3A_3 : vector<10000x128xf32>
    %reduce_sum3A = arith.constant dense<0.000000e+00> : vector<10000xf32>
    %reduce_sum3A_4 = vector.multi_reduction <add>, %mul3A, %reduce_sum3A [1] : vector<10000x128xf32> to vector<10000xf32>
    %broadcast_in_dim3A = vector.shape_cast %reduce_sum3A_4 : vector<10000xf32> to vector<10000x1xf32>
    %mul3A_5 = arith.constant 4.000000e+00 : f32
    %mul3A_6 = vector.broadcast %mul3A_5 : f32 to vector<10000x1xf32>
    %mul3A_7 = arith.mulf %mul3A_6, %broadcast_in_dim3A : vector<10000x1xf32>
    %swap3A = arith.constant 0 : index
    %swap3A_8 = arith.constant 0 : index
    %swap3A_9 = arith.constant 0 : index
    %swap3A_10 = vector.load %arg2[%swap3A, %swap3A_8, %swap3A_9] : memref<1x10000x1xf32, #tpu.memory_space<vmem>>, vector<1x10000x1xf32>
    %swap3A_11 = vector.shape_cast %swap3A_10 : vector<1x10000x1xf32> to vector<10000x1xf32>
    %swap3A_12 = vector.shape_cast %mul3A_7 : vector<10000x1xf32> to vector<1x10000x1xf32>
    tpu.vector_store %arg2[%swap3A, %swap3A_8, %swap3A_9], %swap3A_12 {strides = array<i32>} : memref<1x10000x1xf32, #tpu.memory_space<vmem>>, vector<1x10000x1xf32>,
    return
  }
  func.func @transform_0(%arg0: i32) -> (i32, i32, i32) {
    %c0_i32 = arith.constant 0 : i32
    %c0_i32_0 = arith.constant 0 : i32
    %c0_i32_1 = arith.constant 0 : i32
    return %arg0, %c0_i32, %c0_i32_0 : i32, i32, i32
  }
  func.func @transform_1(%arg0: i32) -> (i32, i32, i32) {
    %c0_i32 = arith.constant 0 : i32
    %c0_i32_0 = arith.constant 0 : i32
    %c0_i32_1 = arith.constant 0 : i32
    return %arg0, %c0_i32, %c0_i32_0 : i32, i32, i32
  }
}

module attributes {stable_mosaic.version = 14 : i64} {
  func.func @_tree_kernel(%arg0: i32, %arg1: memref<1x632x128xf32, #tpu.memory_space<vmem>>, %arg2: memref<1x632x16x128xf32, #tpu.memory_space<vmem>>, %arg3: memref<632x16x1xf32, #tpu.memory_space<vmem>>, %arg4: memref<632x16x1xf32, #tpu.memory_space<vmem>>, %arg5: memref<48x632xf32, #tpu.memory_space<vmem>>, %arg6: memref<48x632xf32, #tpu.memory_space<vmem>>, %arg7: memref<4x128x128xf32, #tpu.memory_space<vmem>>, %arg8: memref<4x128x128xf32, #tpu.memory_space<vmem>>, %arg9: memref<4x128x128xf32, #tpu.memory_space<vmem>>, %arg10: memref<4x1x128xf32, #tpu.memory_space<vmem>>, %arg11: memref<1x632x1xf32, #tpu.memory_space<vmem>>, %arg12: memref<1x4x632x128xf32, #tpu.memory_space<vmem>>) attributes {dimension_semantics = [#tpu.dimension_semantics<arbitrary>], iteration_bounds = array<i64: 10>, scalar_prefetch = 0 : i64, scratch_operands = 0 : i64, tpu.core_type = #tpu.core_type<tc>, window_params = [{transform_indices = @transform_0, window_bounds = array<i64: 1, 632, 128>}, {transform_indices = @transform_1, window_bounds = array<i64: 1, 632, 16, 128>}, {pipeline_mode = #tpu.pipeline_mode<synchronous>, transform_indices = @transform_2, window_bounds = array<i64: 632, 16, 1>}, {pipeline_mode = #tpu.pipeline_mode<synchronous>, transform_indices = @transform_3, window_bounds = array<i64: 632, 16, 1>}, {pipeline_mode = #tpu.pipeline_mode<synchronous>, transform_indices = @transform_4, window_bounds = array<i64: 48, 632>}, {pipeline_mode = #tpu.pipeline_mode<synchronous>, transform_indices = @transform_5, window_bounds = array<i64: 48, 632>}, {pipeline_mode = #tpu.pipeline_mode<synchronous>, transform_indices = @transform_6, window_bounds = array<i64: 4, 128, 128>}, {pipeline_mode = #tpu.pipeline_mode<synchronous>, transform_indices = @transform_7, window_bounds = array<i64: 4, 128, 128>}, {pipeline_mode = #tpu.pipeline_mode<synchronous>, transform_indices = @transform_8, window_bounds = array<i64: 4, 128, 128>}, {pipeline_mode = #tpu.pipeline_mode<synchronous>, transform_indices = @transform_9, window_bounds = array<i64: 4, 1, 128>}, {transform_indices = @transform_10, window_bounds = array<i64: 1, 632, 1>}, {transform_indices = @transform_11, window_bounds = array<i64: 1, 4, 632, 128>}]} {
    %get3A = arith.constant 0 : index
    %get3A_0 = arith.constant 0 : index
    %get3A_1 = arith.constant 0 : index
    %get3A_2 = arith.constant 0 : index
    %get3A_3 = vector.load %arg2[%get3A, %get3A_0, %get3A_1, %get3A_2] : memref<1x632x16x128xf32, #tpu.memory_space<vmem>>, vector<1x632x16x128xf32>
    %get3A_4 = vector.shape_cast %get3A_3 : vector<1x632x16x128xf32> to vector<632x16x128xf32>
    %convert_element_type3A = arith.truncf %get3A_4 : vector<632x16x128xf32> to vector<632x16x128xbf16>
    %convert_element_type3A_5 = arith.extf %convert_element_type3A : vector<632x16x128xbf16> to vector<632x16x128xf32>
    %get3A_6 = arith.constant 0 : index
    %get3A_7 = arith.constant 0 : index
    %get3A_8 = arith.constant 0 : index
    %get3A_9 = vector.load %arg3[%get3A_6, %get3A_7, %get3A_8] : memref<632x16x1xf32, #tpu.memory_space<vmem>>, vector<632x16x1xf32>
    %mul3A = vector.broadcast %get3A_9 : vector<632x16x1xf32> to vector<632x16x128xf32>
    %mul3A_10 = arith.mulf %convert_element_type3A_5, %mul3A : vector<632x16x128xf32>
    %reduce_sum3A = arith.constant dense<0.000000e+00> : vector<632x128xf32>
    %reduce_sum3A_11 = vector.multi_reduction <add>, %mul3A_10, %reduce_sum3A [1] : vector<632x16x128xf32> to vector<632x128xf32>
    %get3A_12 = arith.constant 0 : index
    %get3A_13 = arith.constant 0 : index
    %get3A_14 = arith.constant 0 : index
    %get3A_15 = vector.load %arg4[%get3A_12, %get3A_13, %get3A_14] : memref<632x16x1xf32, #tpu.memory_space<vmem>>, vector<632x16x1xf32>
    %mul3A_16 = vector.broadcast %get3A_15 : vector<632x16x1xf32> to vector<632x16x128xf32>
    %mul3A_17 = arith.mulf %convert_element_type3A_5, %mul3A_16 : vector<632x16x128xf32>
    %reduce_sum3A_18 = arith.constant dense<0.000000e+00> : vector<632x128xf32>
    %reduce_sum3A_19 = vector.multi_reduction <add>, %mul3A_17, %reduce_sum3A_18 [1] : vector<632x16x128xf32> to vector<632x128xf32>
    %get3A_20 = arith.constant 0 : index
    %get3A_21 = arith.constant 0 : index
    %get3A_22 = arith.constant 0 : index
    %get3A_23 = vector.load %arg1[%get3A_20, %get3A_21, %get3A_22] : memref<1x632x128xf32, #tpu.memory_space<vmem>>, vector<1x632x128xf32>
    %get3A_24 = vector.shape_cast %get3A_23 : vector<1x632x128xf32> to vector<632x128xf32>
    %convert_element_type3A_25 = arith.truncf %get3A_24 : vector<632x128xf32> to vector<632x128xbf16>
    %convert_element_type3A_26 = arith.extf %convert_element_type3A_25 : vector<632x128xbf16> to vector<632x128xf32>
    %broadcast_in_dim3A = arith.constant 0.000000e+00 : f32
    %broadcast_in_dim3A_27 = vector.broadcast %broadcast_in_dim3A : f32 to vector<584x128xf32>
    %get3A_28 = arith.constant 0 : index
    %get3A_29 = arith.constant 0 : index
    %get3A_30 = arith.constant 0 : index
    %get3A_31 = vector.load %arg1[%get3A_28, %get3A_29, %get3A_30] : memref<1x632x128xf32, #tpu.memory_space<vmem>>, vector<1x632x128xf32>
    %get3A_32 = vector.shape_cast %get3A_31 : vector<1x632x128xf32> to vector<632x128xf32>
    %broadcast_in_dim3A_33 = arith.constant 0.000000e+00 : f32
    %broadcast_in_dim3A_34 = vector.broadcast %broadcast_in_dim3A_33 : f32 to vector<632x1xf32>
    %convert_element_type3A_35 = arith.truncf %get3A_32 : vector<632x128xf32> to vector<632x128xbf16>
    %convert_element_type3A_36 = arith.extf %convert_element_type3A_35 : vector<632x128xbf16> to vector<632x128xf32>
    %sub3A = arith.subf %convert_element_type3A_36, %convert_element_type3A_26 : vector<632x128xf32>
    %get3A_37 = arith.constant 0 : index
    %get3A_38 = arith.constant 0 : index
    %get3A_39 = vector.load %arg5[%get3A_37, %get3A_38] : memref<48x632xf32, #tpu.memory_space<vmem>>, vector<48x632xf32>
    %dot_general3A = arith.constant dense<0.000000e+00> : vector<48x128xf32>
    %dot_general3A_40 = tpu.matmul %get3A_39, %sub3A, %dot_general3A {dimension_numbers = #tpu.dot_dimension_numbers<[1], [0], [0], [1], [0, 0, 1, 1], [], []>, precision = #tpu.contract_precision<fp32>, transpose_lhs_hint = false} : vector<48x632xf32>, vector<632x128xf32>, vector<48x128xf32> -> vector<48x128xf32>
    %get3A_41 = arith.constant 0 : index
    %get3A_42 = arith.constant 0 : index
    %get3A_43 = vector.load %arg6[%get3A_41, %get3A_42] : memref<48x632xf32, #tpu.memory_space<vmem>>, vector<48x632xf32>
    %dot_general3A_44 = arith.constant dense<0.000000e+00> : vector<48x128xf32>
    %dot_general3A_45 = tpu.matmul %get3A_43, %sub3A, %dot_general3A_44 {dimension_numbers = #tpu.dot_dimension_numbers<[1], [0], [0], [1], [0, 0, 1, 1], [], []>, precision = #tpu.contract_precision<fp32>, transpose_lhs_hint = false} : vector<48x632xf32>, vector<632x128xf32>, vector<48x128xf32> -> vector<48x128xf32>
    %concatenate3A = tpu.concatenate %dot_general3A_40, %broadcast_in_dim3A_27 in 0 : vector<48x128xf32>, vector<584x128xf32> -> vector<632x128xf32>
    %add3A = arith.addf %reduce_sum3A_11, %concatenate3A : vector<632x128xf32>
    %concatenate3A_46 = tpu.concatenate %dot_general3A_45, %broadcast_in_dim3A_27 in 0 : vector<48x128xf32>, vector<584x128xf32> -> vector<632x128xf32>
    %add3A_47 = arith.addf %reduce_sum3A_19, %concatenate3A_46 : vector<632x128xf32>
    %get3A_48 = arith.constant 0 : index
    %get3A_49 = arith.constant 0 : index
    %get3A_50 = arith.constant 0 : index
    %get3A_51 = vector.load %arg7[%get3A_48, %get3A_49, %get3A_50] : memref<4x128x128xf32, #tpu.memory_space<vmem>>, vector<1x128x128xf32>
    %get3A_52 = vector.shape_cast %get3A_51 : vector<1x128x128xf32> to vector<128x128xf32>
    %convert_element_type3A_53 = arith.truncf %get3A_52 : vector<128x128xf32> to vector<128x128xbf16>
    %convert_element_type3A_54 = arith.extf %convert_element_type3A_53 : vector<128x128xbf16> to vector<128x128xf32>
    %dot_general3A_55 = arith.constant dense<0.000000e+00> : vector<632x128xf32>
    %dot_general3A_56 = tpu.matmul %add3A, %convert_element_type3A_54, %dot_general3A_55 {dimension_numbers = #tpu.dot_dimension_numbers<[1], [0], [0], [1], [0, 0, 1, 1], [], []>, precision = #tpu.contract_precision<fp32>, transpose_lhs_hint = false} : vector<632x128xf32>, vector<128x128xf32>, vector<632x128xf32> -> vector<632x128xf32>
    %get3A_57 = arith.constant 0 : index
    %get3A_58 = arith.constant 0 : index
    %get3A_59 = arith.constant 0 : index
    %get3A_60 = vector.load %arg8[%get3A_57, %get3A_58, %get3A_59] : memref<4x128x128xf32, #tpu.memory_space<vmem>>, vector<1x128x128xf32>
    %get3A_61 = vector.shape_cast %get3A_60 : vector<1x128x128xf32> to vector<128x128xf32>
    %convert_element_type3A_62 = arith.truncf %get3A_61 : vector<128x128xf32> to vector<128x128xbf16>
    %convert_element_type3A_63 = arith.extf %convert_element_type3A_62 : vector<128x128xbf16> to vector<128x128xf32>
    %dot_general3A_64 = arith.constant dense<0.000000e+00> : vector<632x128xf32>
    %dot_general3A_65 = tpu.matmul %add3A_47, %convert_element_type3A_63, %dot_general3A_64 {dimension_numbers = #tpu.dot_dimension_numbers<[1], [0], [0], [1], [0, 0, 1, 1], [], []>, precision = #tpu.contract_precision<fp32>, transpose_lhs_hint = false} : vector<632x128xf32>, vector<128x128xf32>, vector<632x128xf32> -> vector<632x128xf32>
    %add3A_66 = arith.addf %dot_general3A_56, %dot_general3A_65 : vector<632x128xf32>
    %get3A_67 = arith.constant 0 : index
    %get3A_68 = arith.constant 0 : index
    %get3A_69 = arith.constant 0 : index
    %get3A_70 = vector.load %arg9[%get3A_67, %get3A_68, %get3A_69] : memref<4x128x128xf32, #tpu.memory_space<vmem>>, vector<1x128x128xf32>
    %get3A_71 = vector.shape_cast %get3A_70 : vector<1x128x128xf32> to vector<128x128xf32>
    %convert_element_type3A_72 = arith.truncf %get3A_71 : vector<128x128xf32> to vector<128x128xbf16>
    %convert_element_type3A_73 = arith.extf %convert_element_type3A_72 : vector<128x128xbf16> to vector<128x128xf32>
    %dot_general3A_74 = arith.constant dense<0.000000e+00> : vector<632x128xf32>
    %dot_general3A_75 = tpu.matmul %convert_element_type3A_36, %convert_element_type3A_73, %dot_general3A_74 {dimension_numbers = #tpu.dot_dimension_numbers<[1], [0], [0], [1], [0, 0, 1, 1], [], []>, precision = #tpu.contract_precision<fp32>, transpose_lhs_hint = false} : vector<632x128xf32>, vector<128x128xf32>, vector<632x128xf32> -> vector<632x128xf32>
    %add3A_76 = arith.addf %add3A_66, %dot_general3A_75 : vector<632x128xf32>
    %get3A_77 = arith.constant 0 : index
    %get3A_78 = arith.constant 0 : index
    %get3A_79 = arith.constant 0 : index
    %get3A_80 = vector.load %arg10[%get3A_77, %get3A_78, %get3A_79] : memref<4x1x128xf32, #tpu.memory_space<vmem>>, vector<1x1x128xf32>
    %get3A_81 = vector.shape_cast %get3A_80 : vector<1x1x128xf32> to vector<1x128xf32>
    %add3A_82 = vector.broadcast %get3A_81 : vector<1x128xf32> to vector<632x128xf32>
    %add3A_83 = arith.addf %add3A_76, %add3A_82 : vector<632x128xf32>
    %max3A = arith.constant 0.000000e+00 : f32
    %max3A_84 = vector.broadcast %max3A : f32 to vector<632x128xf32>
    %max3A_85 = arith.maximumf %add3A_83, %max3A_84 : vector<632x128xf32>
    %swap3A = arith.constant 0 : index
    %swap3A_86 = arith.constant 0 : index
    %swap3A_87 = arith.constant 0 : index
    %swap3A_88 = arith.constant 0 : index
    %swap3A_89 = vector.load %arg12[%swap3A, %swap3A_86, %swap3A_87, %swap3A_88] : memref<1x4x632x128xf32, #tpu.memory_space<vmem>>, vector<1x1x632x128xf32>
    %swap3A_90 = vector.shape_cast %swap3A_89 : vector<1x1x632x128xf32> to vector<632x128xf32>
    %swap3A_91 = vector.shape_cast %max3A_85 : vector<632x128xf32> to vector<1x1x632x128xf32>
    tpu.vector_store %arg12[%swap3A, %swap3A_86, %swap3A_87, %swap3A_88], %swap3A_91 {strides = array<i32>} : memref<1x4x632x128xf32, #tpu.memory_space<vmem>>, vector<1x1x632x128xf32>,
    %mul3A_92 = arith.mulf %max3A_85, %max3A_85 : vector<632x128xf32>
    %reduce_sum3A_93 = arith.constant dense<0.000000e+00> : vector<632xf32>
    %reduce_sum3A_94 = vector.multi_reduction <add>, %mul3A_92, %reduce_sum3A_93 [1] : vector<632x128xf32> to vector<632xf32>
    %broadcast_in_dim3A_95 = vector.shape_cast %reduce_sum3A_94 : vector<632xf32> to vector<632x1xf32>
    %add3A_96 = arith.addf %broadcast_in_dim3A_34, %broadcast_in_dim3A_95 : vector<632x1xf32>
    %convert_element_type3A_97 = arith.truncf %max3A_85 : vector<632x128xf32> to vector<632x128xbf16>
    %convert_element_type3A_98 = arith.extf %convert_element_type3A_97 : vector<632x128xbf16> to vector<632x128xf32>
    %sub3A_99 = arith.subf %convert_element_type3A_98, %convert_element_type3A_26 : vector<632x128xf32>
    %get3A_100 = arith.constant 0 : index
    %get3A_101 = arith.constant 0 : index
    %get3A_102 = vector.load %arg5[%get3A_100, %get3A_101] : memref<48x632xf32, #tpu.memory_space<vmem>>, vector<48x632xf32>
    %dot_general3A_103 = arith.constant dense<0.000000e+00> : vector<48x128xf32>
    %dot_general3A_104 = tpu.matmul %get3A_102, %sub3A_99, %dot_general3A_103 {dimension_numbers = #tpu.dot_dimension_numbers<[1], [0], [0], [1], [0, 0, 1, 1], [], []>, precision = #tpu.contract_precision<fp32>, transpose_lhs_hint = false} : vector<48x632xf32>, vector<632x128xf32>, vector<48x128xf32> -> vector<48x128xf32>
    %get3A_105 = arith.constant 0 : index
    %get3A_106 = arith.constant 0 : index
    %get3A_107 = vector.load %arg6[%get3A_105, %get3A_106] : memref<48x632xf32, #tpu.memory_space<vmem>>, vector<48x632xf32>
    %dot_general3A_108 = arith.constant dense<0.000000e+00> : vector<48x128xf32>
    %dot_general3A_109 = tpu.matmul %get3A_107, %sub3A_99, %dot_general3A_108 {dimension_numbers = #tpu.dot_dimension_numbers<[1], [0], [0], [1], [0, 0, 1, 1], [], []>, precision = #tpu.contract_precision<fp32>, transpose_lhs_hint = false} : vector<48x632xf32>, vector<632x128xf32>, vector<48x128xf32> -> vector<48x128xf32>
    %concatenate3A_110 = tpu.concatenate %dot_general3A_104, %broadcast_in_dim3A_27 in 0 : vector<48x128xf32>, vector<584x128xf32> -> vector<632x128xf32>
    %add3A_111 = arith.addf %reduce_sum3A_11, %concatenate3A_110 : vector<632x128xf32>
    %concatenate3A_112 = tpu.concatenate %dot_general3A_109, %broadcast_in_dim3A_27 in 0 : vector<48x128xf32>, vector<584x128xf32> -> vector<632x128xf32>
    %add3A_113 = arith.addf %reduce_sum3A_19, %concatenate3A_112 : vector<632x128xf32>
    %get3A_114 = arith.constant 1 : index
    %get3A_115 = arith.constant 0 : index
    %get3A_116 = arith.constant 0 : index
    %get3A_117 = vector.load %arg7[%get3A_114, %get3A_115, %get3A_116] : memref<4x128x128xf32, #tpu.memory_space<vmem>>, vector<1x128x128xf32>
    %get3A_118 = vector.shape_cast %get3A_117 : vector<1x128x128xf32> to vector<128x128xf32>
    %convert_element_type3A_119 = arith.truncf %get3A_118 : vector<128x128xf32> to vector<128x128xbf16>
    %convert_element_type3A_120 = arith.extf %convert_element_type3A_119 : vector<128x128xbf16> to vector<128x128xf32>
    %dot_general3A_121 = arith.constant dense<0.000000e+00> : vector<632x128xf32>
    %dot_general3A_122 = tpu.matmul %add3A_111, %convert_element_type3A_120, %dot_general3A_121 {dimension_numbers = #tpu.dot_dimension_numbers<[1], [0], [0], [1], [0, 0, 1, 1], [], []>, precision = #tpu.contract_precision<fp32>, transpose_lhs_hint = false} : vector<632x128xf32>, vector<128x128xf32>, vector<632x128xf32> -> vector<632x128xf32>
    %get3A_123 = arith.constant 1 : index
    %get3A_124 = arith.constant 0 : index
    %get3A_125 = arith.constant 0 : index
    %get3A_126 = vector.load %arg8[%get3A_123, %get3A_124, %get3A_125] : memref<4x128x128xf32, #tpu.memory_space<vmem>>, vector<1x128x128xf32>
    %get3A_127 = vector.shape_cast %get3A_126 : vector<1x128x128xf32> to vector<128x128xf32>
    %convert_element_type3A_128 = arith.truncf %get3A_127 : vector<128x128xf32> to vector<128x128xbf16>
    %convert_element_type3A_129 = arith.extf %convert_element_type3A_128 : vector<128x128xbf16> to vector<128x128xf32>
    %dot_general3A_130 = arith.constant dense<0.000000e+00> : vector<632x128xf32>
    %dot_general3A_131 = tpu.matmul %add3A_113, %convert_element_type3A_129, %dot_general3A_130 {dimension_numbers = #tpu.dot_dimension_numbers<[1], [0], [0], [1], [0, 0, 1, 1], [], []>, precision = #tpu.contract_precision<fp32>, transpose_lhs_hint = false} : vector<632x128xf32>, vector<128x128xf32>, vector<632x128xf32> -> vector<632x128xf32>
    %add3A_132 = arith.addf %dot_general3A_122, %dot_general3A_131 : vector<632x128xf32>
    %get3A_133 = arith.constant 1 : index
    %get3A_134 = arith.constant 0 : index
    %get3A_135 = arith.constant 0 : index
    %get3A_136 = vector.load %arg9[%get3A_133, %get3A_134, %get3A_135] : memref<4x128x128xf32, #tpu.memory_space<vmem>>, vector<1x128x128xf32>
    %get3A_137 = vector.shape_cast %get3A_136 : vector<1x128x128xf32> to vector<128x128xf32>
    %convert_element_type3A_138 = arith.truncf %get3A_137 : vector<128x128xf32> to vector<128x128xbf16>
    %convert_element_type3A_139 = arith.extf %convert_element_type3A_138 : vector<128x128xbf16> to vector<128x128xf32>
    %dot_general3A_140 = arith.constant dense<0.000000e+00> : vector<632x128xf32>
    %dot_general3A_141 = tpu.matmul %convert_element_type3A_98, %convert_element_type3A_139, %dot_general3A_140 {dimension_numbers = #tpu.dot_dimension_numbers<[1], [0], [0], [1], [0, 0, 1, 1], [], []>, precision = #tpu.contract_precision<fp32>, transpose_lhs_hint = false} : vector<632x128xf32>, vector<128x128xf32>, vector<632x128xf32> -> vector<632x128xf32>
    %add3A_142 = arith.addf %add3A_132, %dot_general3A_141 : vector<632x128xf32>
    %get3A_143 = arith.constant 1 : index
    %get3A_144 = arith.constant 0 : index
    %get3A_145 = arith.constant 0 : index
    %get3A_146 = vector.load %arg10[%get3A_143, %get3A_144, %get3A_145] : memref<4x1x128xf32, #tpu.memory_space<vmem>>, vector<1x1x128xf32>
    %get3A_147 = vector.shape_cast %get3A_146 : vector<1x1x128xf32> to vector<1x128xf32>
    %add3A_148 = vector.broadcast %get3A_147 : vector<1x128xf32> to vector<632x128xf32>
    %add3A_149 = arith.addf %add3A_142, %add3A_148 : vector<632x128xf32>
    %max3A_150 = arith.constant 0.000000e+00 : f32
    %max3A_151 = vector.broadcast %max3A_150 : f32 to vector<632x128xf32>
    %max3A_152 = arith.maximumf %add3A_149, %max3A_151 : vector<632x128xf32>
    %swap3A_153 = arith.constant 0 : index
    %swap3A_154 = arith.constant 1 : index
    %swap3A_155 = arith.constant 0 : index
    %swap3A_156 = arith.constant 0 : index
    %swap3A_157 = vector.load %arg12[%swap3A_153, %swap3A_154, %swap3A_155, %swap3A_156] : memref<1x4x632x128xf32, #tpu.memory_space<vmem>>, vector<1x1x632x128xf32>
    %swap3A_158 = vector.shape_cast %swap3A_157 : vector<1x1x632x128xf32> to vector<632x128xf32>
    %swap3A_159 = vector.shape_cast %max3A_152 : vector<632x128xf32> to vector<1x1x632x128xf32>
    tpu.vector_store %arg12[%swap3A_153, %swap3A_154, %swap3A_155, %swap3A_156], %swap3A_159 {strides = array<i32>} : memref<1x4x632x128xf32, #tpu.memory_space<vmem>>, vector<1x1x632x128xf32>,
    %mul3A_160 = arith.mulf %max3A_152, %max3A_152 : vector<632x128xf32>
    %reduce_sum3A_161 = arith.constant dense<0.000000e+00> : vector<632xf32>
    %reduce_sum3A_162 = vector.multi_reduction <add>, %mul3A_160, %reduce_sum3A_161 [1] : vector<632x128xf32> to vector<632xf32>
    %broadcast_in_dim3A_163 = vector.shape_cast %reduce_sum3A_162 : vector<632xf32> to vector<632x1xf32>
    %add3A_164 = arith.addf %add3A_96, %broadcast_in_dim3A_163 : vector<632x1xf32>
    %convert_element_type3A_165 = arith.truncf %max3A_152 : vector<632x128xf32> to vector<632x128xbf16>
    %convert_element_type3A_166 = arith.extf %convert_element_type3A_165 : vector<632x128xbf16> to vector<632x128xf32>
    %sub3A_167 = arith.subf %convert_element_type3A_166, %convert_element_type3A_26 : vector<632x128xf32>
    %get3A_168 = arith.constant 0 : index
    %get3A_169 = arith.constant 0 : index
    %get3A_170 = vector.load %arg5[%get3A_168, %get3A_169] : memref<48x632xf32, #tpu.memory_space<vmem>>, vector<48x632xf32>
    %dot_general3A_171 = arith.constant dense<0.000000e+00> : vector<48x128xf32>
    %dot_general3A_172 = tpu.matmul %get3A_170, %sub3A_167, %dot_general3A_171 {dimension_numbers = #tpu.dot_dimension_numbers<[1], [0], [0], [1], [0, 0, 1, 1], [], []>, precision = #tpu.contract_precision<fp32>, transpose_lhs_hint = false} : vector<48x632xf32>, vector<632x128xf32>, vector<48x128xf32> -> vector<48x128xf32>
    %get3A_173 = arith.constant 0 : index
    %get3A_174 = arith.constant 0 : index
    %get3A_175 = vector.load %arg6[%get3A_173, %get3A_174] : memref<48x632xf32, #tpu.memory_space<vmem>>, vector<48x632xf32>
    %dot_general3A_176 = arith.constant dense<0.000000e+00> : vector<48x128xf32>
    %dot_general3A_177 = tpu.matmul %get3A_175, %sub3A_167, %dot_general3A_176 {dimension_numbers = #tpu.dot_dimension_numbers<[1], [0], [0], [1], [0, 0, 1, 1], [], []>, precision = #tpu.contract_precision<fp32>, transpose_lhs_hint = false} : vector<48x632xf32>, vector<632x128xf32>, vector<48x128xf32> -> vector<48x128xf32>
    %concatenate3A_178 = tpu.concatenate %dot_general3A_172, %broadcast_in_dim3A_27 in 0 : vector<48x128xf32>, vector<584x128xf32> -> vector<632x128xf32>
    %add3A_179 = arith.addf %reduce_sum3A_11, %concatenate3A_178 : vector<632x128xf32>
    %concatenate3A_180 = tpu.concatenate %dot_general3A_177, %broadcast_in_dim3A_27 in 0 : vector<48x128xf32>, vector<584x128xf32> -> vector<632x128xf32>
    %add3A_181 = arith.addf %reduce_sum3A_19, %concatenate3A_180 : vector<632x128xf32>
    %get3A_182 = arith.constant 2 : index
    %get3A_183 = arith.constant 0 : index
    %get3A_184 = arith.constant 0 : index
    %get3A_185 = vector.load %arg7[%get3A_182, %get3A_183, %get3A_184] : memref<4x128x128xf32, #tpu.memory_space<vmem>>, vector<1x128x128xf32>
    %get3A_186 = vector.shape_cast %get3A_185 : vector<1x128x128xf32> to vector<128x128xf32>
    %convert_element_type3A_187 = arith.truncf %get3A_186 : vector<128x128xf32> to vector<128x128xbf16>
    %convert_element_type3A_188 = arith.extf %convert_element_type3A_187 : vector<128x128xbf16> to vector<128x128xf32>
    %dot_general3A_189 = arith.constant dense<0.000000e+00> : vector<632x128xf32>
    %dot_general3A_190 = tpu.matmul %add3A_179, %convert_element_type3A_188, %dot_general3A_189 {dimension_numbers = #tpu.dot_dimension_numbers<[1], [0], [0], [1], [0, 0, 1, 1], [], []>, precision = #tpu.contract_precision<fp32>, transpose_lhs_hint = false} : vector<632x128xf32>, vector<128x128xf32>, vector<632x128xf32> -> vector<632x128xf32>
    %get3A_191 = arith.constant 2 : index
    %get3A_192 = arith.constant 0 : index
    %get3A_193 = arith.constant 0 : index
    %get3A_194 = vector.load %arg8[%get3A_191, %get3A_192, %get3A_193] : memref<4x128x128xf32, #tpu.memory_space<vmem>>, vector<1x128x128xf32>
    %get3A_195 = vector.shape_cast %get3A_194 : vector<1x128x128xf32> to vector<128x128xf32>
    %convert_element_type3A_196 = arith.truncf %get3A_195 : vector<128x128xf32> to vector<128x128xbf16>
    %convert_element_type3A_197 = arith.extf %convert_element_type3A_196 : vector<128x128xbf16> to vector<128x128xf32>
    %dot_general3A_198 = arith.constant dense<0.000000e+00> : vector<632x128xf32>
    %dot_general3A_199 = tpu.matmul %add3A_181, %convert_element_type3A_197, %dot_general3A_198 {dimension_numbers = #tpu.dot_dimension_numbers<[1], [0], [0], [1], [0, 0, 1, 1], [], []>, precision = #tpu.contract_precision<fp32>, transpose_lhs_hint = false} : vector<632x128xf32>, vector<128x128xf32>, vector<632x128xf32> -> vector<632x128xf32>
    %add3A_200 = arith.addf %dot_general3A_190, %dot_general3A_199 : vector<632x128xf32>
    %get3A_201 = arith.constant 2 : index
    %get3A_202 = arith.constant 0 : index
    %get3A_203 = arith.constant 0 : index
    %get3A_204 = vector.load %arg9[%get3A_201, %get3A_202, %get3A_203] : memref<4x128x128xf32, #tpu.memory_space<vmem>>, vector<1x128x128xf32>
    %get3A_205 = vector.shape_cast %get3A_204 : vector<1x128x128xf32> to vector<128x128xf32>
    %convert_element_type3A_206 = arith.truncf %get3A_205 : vector<128x128xf32> to vector<128x128xbf16>
    %convert_element_type3A_207 = arith.extf %convert_element_type3A_206 : vector<128x128xbf16> to vector<128x128xf32>
    %dot_general3A_208 = arith.constant dense<0.000000e+00> : vector<632x128xf32>
    %dot_general3A_209 = tpu.matmul %convert_element_type3A_166, %convert_element_type3A_207, %dot_general3A_208 {dimension_numbers = #tpu.dot_dimension_numbers<[1], [0], [0], [1], [0, 0, 1, 1], [], []>, precision = #tpu.contract_precision<fp32>, transpose_lhs_hint = false} : vector<632x128xf32>, vector<128x128xf32>, vector<632x128xf32> -> vector<632x128xf32>
    %add3A_210 = arith.addf %add3A_200, %dot_general3A_209 : vector<632x128xf32>
    %get3A_211 = arith.constant 2 : index
    %get3A_212 = arith.constant 0 : index
    %get3A_213 = arith.constant 0 : index
    %get3A_214 = vector.load %arg10[%get3A_211, %get3A_212, %get3A_213] : memref<4x1x128xf32, #tpu.memory_space<vmem>>, vector<1x1x128xf32>
    %get3A_215 = vector.shape_cast %get3A_214 : vector<1x1x128xf32> to vector<1x128xf32>
    %add3A_216 = vector.broadcast %get3A_215 : vector<1x128xf32> to vector<632x128xf32>
    %add3A_217 = arith.addf %add3A_210, %add3A_216 : vector<632x128xf32>
    %max3A_218 = arith.constant 0.000000e+00 : f32
    %max3A_219 = vector.broadcast %max3A_218 : f32 to vector<632x128xf32>
    %max3A_220 = arith.maximumf %add3A_217, %max3A_219 : vector<632x128xf32>
    %swap3A_221 = arith.constant 0 : index
    %swap3A_222 = arith.constant 2 : index
    %swap3A_223 = arith.constant 0 : index
    %swap3A_224 = arith.constant 0 : index
    %swap3A_225 = vector.load %arg12[%swap3A_221, %swap3A_222, %swap3A_223, %swap3A_224] : memref<1x4x632x128xf32, #tpu.memory_space<vmem>>, vector<1x1x632x128xf32>
    %swap3A_226 = vector.shape_cast %swap3A_225 : vector<1x1x632x128xf32> to vector<632x128xf32>
    %swap3A_227 = vector.shape_cast %max3A_220 : vector<632x128xf32> to vector<1x1x632x128xf32>
    tpu.vector_store %arg12[%swap3A_221, %swap3A_222, %swap3A_223, %swap3A_224], %swap3A_227 {strides = array<i32>} : memref<1x4x632x128xf32, #tpu.memory_space<vmem>>, vector<1x1x632x128xf32>,
    %mul3A_228 = arith.mulf %max3A_220, %max3A_220 : vector<632x128xf32>
    %reduce_sum3A_229 = arith.constant dense<0.000000e+00> : vector<632xf32>
    %reduce_sum3A_230 = vector.multi_reduction <add>, %mul3A_228, %reduce_sum3A_229 [1] : vector<632x128xf32> to vector<632xf32>
    %broadcast_in_dim3A_231 = vector.shape_cast %reduce_sum3A_230 : vector<632xf32> to vector<632x1xf32>
    %add3A_232 = arith.addf %add3A_164, %broadcast_in_dim3A_231 : vector<632x1xf32>
    %convert_element_type3A_233 = arith.truncf %max3A_220 : vector<632x128xf32> to vector<632x128xbf16>
    %convert_element_type3A_234 = arith.extf %convert_element_type3A_233 : vector<632x128xbf16> to vector<632x128xf32>
    %sub3A_235 = arith.subf %convert_element_type3A_234, %convert_element_type3A_26 : vector<632x128xf32>
    %get3A_236 = arith.constant 0 : index
    %get3A_237 = arith.constant 0 : index
    %get3A_238 = vector.load %arg5[%get3A_236, %get3A_237] : memref<48x632xf32, #tpu.memory_space<vmem>>, vector<48x632xf32>
    %dot_general3A_239 = arith.constant dense<0.000000e+00> : vector<48x128xf32>
    %dot_general3A_240 = tpu.matmul %get3A_238, %sub3A_235, %dot_general3A_239 {dimension_numbers = #tpu.dot_dimension_numbers<[1], [0], [0], [1], [0, 0, 1, 1], [], []>, precision = #tpu.contract_precision<fp32>, transpose_lhs_hint = false} : vector<48x632xf32>, vector<632x128xf32>, vector<48x128xf32> -> vector<48x128xf32>
    %get3A_241 = arith.constant 0 : index
    %get3A_242 = arith.constant 0 : index
    %get3A_243 = vector.load %arg6[%get3A_241, %get3A_242] : memref<48x632xf32, #tpu.memory_space<vmem>>, vector<48x632xf32>
    %dot_general3A_244 = arith.constant dense<0.000000e+00> : vector<48x128xf32>
    %dot_general3A_245 = tpu.matmul %get3A_243, %sub3A_235, %dot_general3A_244 {dimension_numbers = #tpu.dot_dimension_numbers<[1], [0], [0], [1], [0, 0, 1, 1], [], []>, precision = #tpu.contract_precision<fp32>, transpose_lhs_hint = false} : vector<48x632xf32>, vector<632x128xf32>, vector<48x128xf32> -> vector<48x128xf32>
    %concatenate3A_246 = tpu.concatenate %dot_general3A_240, %broadcast_in_dim3A_27 in 0 : vector<48x128xf32>, vector<584x128xf32> -> vector<632x128xf32>
    %add3A_247 = arith.addf %reduce_sum3A_11, %concatenate3A_246 : vector<632x128xf32>
    %concatenate3A_248 = tpu.concatenate %dot_general3A_245, %broadcast_in_dim3A_27 in 0 : vector<48x128xf32>, vector<584x128xf32> -> vector<632x128xf32>
    %add3A_249 = arith.addf %reduce_sum3A_19, %concatenate3A_248 : vector<632x128xf32>
    %get3A_250 = arith.constant 3 : index
    %get3A_251 = arith.constant 0 : index
    %get3A_252 = arith.constant 0 : index
    %get3A_253 = vector.load %arg7[%get3A_250, %get3A_251, %get3A_252] : memref<4x128x128xf32, #tpu.memory_space<vmem>>, vector<1x128x128xf32>
    %get3A_254 = vector.shape_cast %get3A_253 : vector<1x128x128xf32> to vector<128x128xf32>
    %convert_element_type3A_255 = arith.truncf %get3A_254 : vector<128x128xf32> to vector<128x128xbf16>
    %convert_element_type3A_256 = arith.extf %convert_element_type3A_255 : vector<128x128xbf16> to vector<128x128xf32>
    %dot_general3A_257 = arith.constant dense<0.000000e+00> : vector<632x128xf32>
    %dot_general3A_258 = tpu.matmul %add3A_247, %convert_element_type3A_256, %dot_general3A_257 {dimension_numbers = #tpu.dot_dimension_numbers<[1], [0], [0], [1], [0, 0, 1, 1], [], []>, precision = #tpu.contract_precision<fp32>, transpose_lhs_hint = false} : vector<632x128xf32>, vector<128x128xf32>, vector<632x128xf32> -> vector<632x128xf32>
    %get3A_259 = arith.constant 3 : index
    %get3A_260 = arith.constant 0 : index
    %get3A_261 = arith.constant 0 : index
    %get3A_262 = vector.load %arg8[%get3A_259, %get3A_260, %get3A_261] : memref<4x128x128xf32, #tpu.memory_space<vmem>>, vector<1x128x128xf32>
    %get3A_263 = vector.shape_cast %get3A_262 : vector<1x128x128xf32> to vector<128x128xf32>
    %convert_element_type3A_264 = arith.truncf %get3A_263 : vector<128x128xf32> to vector<128x128xbf16>
    %convert_element_type3A_265 = arith.extf %convert_element_type3A_264 : vector<128x128xbf16> to vector<128x128xf32>
    %dot_general3A_266 = arith.constant dense<0.000000e+00> : vector<632x128xf32>
    %dot_general3A_267 = tpu.matmul %add3A_249, %convert_element_type3A_265, %dot_general3A_266 {dimension_numbers = #tpu.dot_dimension_numbers<[1], [0], [0], [1], [0, 0, 1, 1], [], []>, precision = #tpu.contract_precision<fp32>, transpose_lhs_hint = false} : vector<632x128xf32>, vector<128x128xf32>, vector<632x128xf32> -> vector<632x128xf32>
    %add3A_268 = arith.addf %dot_general3A_258, %dot_general3A_267 : vector<632x128xf32>
    %get3A_269 = arith.constant 3 : index
    %get3A_270 = arith.constant 0 : index
    %get3A_271 = arith.constant 0 : index
    %get3A_272 = vector.load %arg9[%get3A_269, %get3A_270, %get3A_271] : memref<4x128x128xf32, #tpu.memory_space<vmem>>, vector<1x128x128xf32>
    %get3A_273 = vector.shape_cast %get3A_272 : vector<1x128x128xf32> to vector<128x128xf32>
    %convert_element_type3A_274 = arith.truncf %get3A_273 : vector<128x128xf32> to vector<128x128xbf16>
    %convert_element_type3A_275 = arith.extf %convert_element_type3A_274 : vector<128x128xbf16> to vector<128x128xf32>
    %dot_general3A_276 = arith.constant dense<0.000000e+00> : vector<632x128xf32>
    %dot_general3A_277 = tpu.matmul %convert_element_type3A_234, %convert_element_type3A_275, %dot_general3A_276 {dimension_numbers = #tpu.dot_dimension_numbers<[1], [0], [0], [1], [0, 0, 1, 1], [], []>, precision = #tpu.contract_precision<fp32>, transpose_lhs_hint = false} : vector<632x128xf32>, vector<128x128xf32>, vector<632x128xf32> -> vector<632x128xf32>
    %add3A_278 = arith.addf %add3A_268, %dot_general3A_277 : vector<632x128xf32>
    %get3A_279 = arith.constant 3 : index
    %get3A_280 = arith.constant 0 : index
    %get3A_281 = arith.constant 0 : index
    %get3A_282 = vector.load %arg10[%get3A_279, %get3A_280, %get3A_281] : memref<4x1x128xf32, #tpu.memory_space<vmem>>, vector<1x1x128xf32>
    %get3A_283 = vector.shape_cast %get3A_282 : vector<1x1x128xf32> to vector<1x128xf32>
    %add3A_284 = vector.broadcast %get3A_283 : vector<1x128xf32> to vector<632x128xf32>
    %add3A_285 = arith.addf %add3A_278, %add3A_284 : vector<632x128xf32>
    %max3A_286 = arith.constant 0.000000e+00 : f32
    %max3A_287 = vector.broadcast %max3A_286 : f32 to vector<632x128xf32>
    %max3A_288 = arith.maximumf %add3A_285, %max3A_287 : vector<632x128xf32>
    %swap3A_289 = arith.constant 0 : index
    %swap3A_290 = arith.constant 3 : index
    %swap3A_291 = arith.constant 0 : index
    %swap3A_292 = arith.constant 0 : index
    %swap3A_293 = vector.load %arg12[%swap3A_289, %swap3A_290, %swap3A_291, %swap3A_292] : memref<1x4x632x128xf32, #tpu.memory_space<vmem>>, vector<1x1x632x128xf32>
    %swap3A_294 = vector.shape_cast %swap3A_293 : vector<1x1x632x128xf32> to vector<632x128xf32>
    %swap3A_295 = vector.shape_cast %max3A_288 : vector<632x128xf32> to vector<1x1x632x128xf32>
    tpu.vector_store %arg12[%swap3A_289, %swap3A_290, %swap3A_291, %swap3A_292], %swap3A_295 {strides = array<i32>} : memref<1x4x632x128xf32, #tpu.memory_space<vmem>>, vector<1x1x632x128xf32>,
    %mul3A_296 = arith.mulf %max3A_288, %max3A_288 : vector<632x128xf32>
    %reduce_sum3A_297 = arith.constant dense<0.000000e+00> : vector<632xf32>
    %reduce_sum3A_298 = vector.multi_reduction <add>, %mul3A_296, %reduce_sum3A_297 [1] : vector<632x128xf32> to vector<632xf32>
    %broadcast_in_dim3A_299 = vector.shape_cast %reduce_sum3A_298 : vector<632xf32> to vector<632x1xf32>
    %add3A_300 = arith.addf %add3A_232, %broadcast_in_dim3A_299 : vector<632x1xf32>
    %swap3A_301 = arith.constant 0 : index
    %swap3A_302 = arith.constant 0 : index
    %swap3A_303 = arith.constant 0 : index
    %swap3A_304 = vector.load %arg11[%swap3A_301, %swap3A_302, %swap3A_303] : memref<1x632x1xf32, #tpu.memory_space<vmem>>, vector<1x632x1xf32>
    %swap3A_305 = vector.shape_cast %swap3A_304 : vector<1x632x1xf32> to vector<632x1xf32>
    %swap3A_306 = vector.shape_cast %add3A_300 : vector<632x1xf32> to vector<1x632x1xf32>
    tpu.vector_store %arg11[%swap3A_301, %swap3A_302, %swap3A_303], %swap3A_306 {strides = array<i32>} : memref<1x632x1xf32, #tpu.memory_space<vmem>>, vector<1x632x1xf32>,
    return
  }
  func.func @transform_0(%arg0: i32) -> (i32, i32, i32) {
    %c0_i32 = arith.constant 0 : i32
    %c0_i32_0 = arith.constant 0 : i32
    %c0_i32_1 = arith.constant 0 : i32
    return %arg0, %c0_i32, %c0_i32_0 : i32, i32, i32
  }
  func.func @transform_1(%arg0: i32) -> (i32, i32, i32, i32) {
    %c0_i32 = arith.constant 0 : i32
    %c0_i32_0 = arith.constant 0 : i32
    %c0_i32_1 = arith.constant 0 : i32
    %c0_i32_2 = arith.constant 0 : i32
    return %arg0, %c0_i32, %c0_i32_0, %c0_i32_1 : i32, i32, i32, i32
  }
  func.func @transform_2(%arg0: i32) -> (i32, i32, i32) {
    %c0_i32 = arith.constant 0 : i32
    %c0_i32_0 = arith.constant 0 : i32
    %c0_i32_1 = arith.constant 0 : i32
    %c0_i32_2 = arith.constant 0 : i32
    return %c0_i32, %c0_i32_0, %c0_i32_1 : i32, i32, i32
  }
  func.func @transform_3(%arg0: i32) -> (i32, i32, i32) {
    %c0_i32 = arith.constant 0 : i32
    %c0_i32_0 = arith.constant 0 : i32
    %c0_i32_1 = arith.constant 0 : i32
    %c0_i32_2 = arith.constant 0 : i32
    return %c0_i32, %c0_i32_0, %c0_i32_1 : i32, i32, i32
  }
  func.func @transform_4(%arg0: i32) -> (i32, i32) {
    %c0_i32 = arith.constant 0 : i32
    %c0_i32_0 = arith.constant 0 : i32
    %c0_i32_1 = arith.constant 0 : i32
    return %c0_i32, %c0_i32_0 : i32, i32
  }
  func.func @transform_5(%arg0: i32) -> (i32, i32) {
    %c0_i32 = arith.constant 0 : i32
    %c0_i32_0 = arith.constant 0 : i32
    %c0_i32_1 = arith.constant 0 : i32
    return %c0_i32, %c0_i32_0 : i32, i32
  }
  func.func @transform_6(%arg0: i32) -> (i32, i32, i32) {
    %c0_i32 = arith.constant 0 : i32
    %c0_i32_0 = arith.constant 0 : i32
    %c0_i32_1 = arith.constant 0 : i32
    %c0_i32_2 = arith.constant 0 : i32
    return %c0_i32, %c0_i32_0, %c0_i32_1 : i32, i32, i32
  }
  func.func @transform_7(%arg0: i32) -> (i32, i32, i32) {
    %c0_i32 = arith.constant 0 : i32
    %c0_i32_0 = arith.constant 0 : i32
    %c0_i32_1 = arith.constant 0 : i32
    %c0_i32_2 = arith.constant 0 : i32
    return %c0_i32, %c0_i32_0, %c0_i32_1 : i32, i32, i32
  }
  func.func @transform_8(%arg0: i32) -> (i32, i32, i32) {
    %c0_i32 = arith.constant 0 : i32
    %c0_i32_0 = arith.constant 0 : i32
    %c0_i32_1 = arith.constant 0 : i32
    %c0_i32_2 = arith.constant 0 : i32
    return %c0_i32, %c0_i32_0, %c0_i32_1 : i32, i32, i32
  }
  func.func @transform_9(%arg0: i32) -> (i32, i32, i32) {
    %c0_i32 = arith.constant 0 : i32
    %c0_i32_0 = arith.constant 0 : i32
    %c0_i32_1 = arith.constant 0 : i32
    %c0_i32_2 = arith.constant 0 : i32
    return %c0_i32, %c0_i32_0, %c0_i32_1 : i32, i32, i32
  }
  func.func @transform_10(%arg0: i32) -> (i32, i32, i32) {
    %c0_i32 = arith.constant 0 : i32
    %c0_i32_0 = arith.constant 0 : i32
    %c0_i32_1 = arith.constant 0 : i32
    return %arg0, %c0_i32, %c0_i32_0 : i32, i32, i32
  }
  func.func @transform_11(%arg0: i32) -> (i32, i32, i32, i32) {
    %c0_i32 = arith.constant 0 : i32
    %c0_i32_0 = arith.constant 0 : i32
    %c0_i32_1 = arith.constant 0 : i32
    %c0_i32_2 = arith.constant 0 : i32
    return %arg0, %c0_i32, %c0_i32_0, %c0_i32_1 : i32, i32, i32, i32
  }
}

module attributes {stable_mosaic.version = 14 : i64} {
  func.func @_routing_kernel(%arg0: i32, %arg1: memref<1x4x2048xf32, #tpu.memory_space<vmem>>, %arg2: memref<4x1024x160xf32, #tpu.memory_space<vmem>>, %arg3: memref<10x160xf32, #tpu.memory_space<vmem>>, %arg4: memref<4x4xf32, #tpu.memory_space<vmem>>, %arg5: memref<10x128xf32, #tpu.memory_space<vmem>>, %arg6: memref<1x8x128xf32, #tpu.memory_space<vmem>>) attributes {dimension_semantics = [#tpu.dimension_semantics<arbitrary>], iteration_bounds = array<i64: 10>, scalar_prefetch = 0 : i64, scratch_operands = 0 : i64, tpu.core_type = #tpu.core_type<tc>, window_params = [{transform_indices = @transform_0, window_bounds = array<i64: 1, 4, 2048>}, {pipeline_mode = #tpu.pipeline_mode<synchronous>, transform_indices = @transform_1, window_bounds = array<i64: 4, 1024, 160>}, {pipeline_mode = #tpu.pipeline_mode<synchronous>, transform_indices = @transform_2, window_bounds = array<i64: 10, 160>}, {pipeline_mode = #tpu.pipeline_mode<synchronous>, transform_indices = @transform_3, window_bounds = array<i64: 4, 4>}, {pipeline_mode = #tpu.pipeline_mode<synchronous>, transform_indices = @transform_4, window_bounds = array<i64: 10, 128>}, {transform_indices = @transform_5, window_bounds = array<i64: 1, 8, 128>}]} {
    %get3A = arith.constant 0 : index
    %get3A_0 = arith.constant 0 : index
    %get3A_1 = arith.constant 0 : index
    %get3A_2 = vector.load %arg1[%get3A, %get3A_0, %get3A_1] : memref<1x4x2048xf32, #tpu.memory_space<vmem>>, vector<1x4x2048xf32>
    %get3A_3 = vector.shape_cast %get3A_2 : vector<1x4x2048xf32> to vector<4x2048xf32>
    %convert_element_type3A = arith.truncf %get3A_3 : vector<4x2048xf32> to vector<4x2048xbf16>
    %slice3A = vector.extract_strided_slice %convert_element_type3A {offsets = [0, 0], sizes = [4, 1024], strides = [1, 1]} : vector<4x2048xbf16> to vector<4x1024xbf16>
    %broadcast_in_dim3A = arith.constant 0.000000e+00 : f32
    %broadcast_in_dim3A_4 = vector.broadcast %broadcast_in_dim3A : f32 to vector<2048x1024xf32>
    %dot_general3A = arith.constant dense<0.000000e+00> : vector<2048x1024xf32>
    %dot_general3A_5 = tpu.matmul %convert_element_type3A, %slice3A, %dot_general3A {dimension_numbers = #tpu.dot_dimension_numbers<[0], [0], [1], [1], [0, 1, 1, 1], [], []>, transpose_lhs_hint = false} : vector<4x2048xbf16>, vector<4x1024xbf16>, vector<2048x1024xf32> -> vector<2048x1024xf32>
    %add3A = arith.addf %broadcast_in_dim3A_4, %dot_general3A_5 : vector<2048x1024xf32>
    %reduce_max3A = arith.constant dense<0xFF800000> : vector<2048xf32>
    %reduce_max3A_6 = vector.multi_reduction <maximumf>, %add3A, %reduce_max3A [1] : vector<2048x1024xf32> to vector<2048xf32>
    %broadcast_in_dim3A_7 = vector.shape_cast %reduce_max3A_6 : vector<2048xf32> to vector<2048x1xf32>
    %sub3A = vector.broadcast %broadcast_in_dim3A_7 : vector<2048x1xf32> to vector<2048x1024xf32>
    %sub3A_8 = arith.subf %add3A, %sub3A : vector<2048x1024xf32>
    %exp3A = math.exp %sub3A_8 : vector<2048x1024xf32>
    %reduce_sum3A = arith.constant dense<0.000000e+00> : vector<2048xf32>
    %reduce_sum3A_9 = vector.multi_reduction <add>, %exp3A, %reduce_sum3A [1] : vector<2048x1024xf32> to vector<2048xf32>
    %broadcast_in_dim3A_10 = vector.shape_cast %reduce_sum3A_9 : vector<2048xf32> to vector<2048x1xf32>
    %div3A = vector.broadcast %broadcast_in_dim3A_10 : vector<2048x1xf32> to vector<2048x1024xf32>
    %div3A_11 = arith.divf %exp3A, %div3A : vector<2048x1024xf32>
    %convert_element_type3A_12 = arith.truncf %div3A_11 : vector<2048x1024xf32> to vector<2048x1024xbf16>
    %dot_general3A_13 = arith.constant dense<0.000000e+00> : vector<4x1024xf32>
    %dot_general3A_14 = tpu.matmul %convert_element_type3A, %convert_element_type3A_12, %dot_general3A_13 {dimension_numbers = #tpu.dot_dimension_numbers<[1], [0], [0], [1], [0, 0, 1, 1], [], []>, transpose_lhs_hint = false} : vector<4x2048xbf16>, vector<2048x1024xbf16>, vector<4x1024xf32> -> vector<4x1024xf32>
    %convert_element_type3A_15 = arith.truncf %dot_general3A_14 : vector<4x1024xf32> to vector<4x1024xbf16>
    %dot_general3A_16 = arith.constant dense<0.000000e+00> : vector<2048x1024xf32>
    %dot_general3A_17 = tpu.matmul %convert_element_type3A, %convert_element_type3A_15, %dot_general3A_16 {dimension_numbers = #tpu.dot_dimension_numbers<[0], [0], [1], [1], [0, 1, 1, 1], [], []>, transpose_lhs_hint = false} : vector<4x2048xbf16>, vector<4x1024xbf16>, vector<2048x1024xf32> -> vector<2048x1024xf32>
    %add3A_18 = arith.addf %add3A, %dot_general3A_17 : vector<2048x1024xf32>
    %reduce_max3A_19 = arith.constant dense<0xFF800000> : vector<2048xf32>
    %reduce_max3A_20 = vector.multi_reduction <maximumf>, %add3A_18, %reduce_max3A_19 [1] : vector<2048x1024xf32> to vector<2048xf32>
    %broadcast_in_dim3A_21 = vector.shape_cast %reduce_max3A_20 : vector<2048xf32> to vector<2048x1xf32>
    %sub3A_22 = vector.broadcast %broadcast_in_dim3A_21 : vector<2048x1xf32> to vector<2048x1024xf32>
    %sub3A_23 = arith.subf %add3A_18, %sub3A_22 : vector<2048x1024xf32>
    %exp3A_24 = math.exp %sub3A_23 : vector<2048x1024xf32>
    %reduce_sum3A_25 = arith.constant dense<0.000000e+00> : vector<2048xf32>
    %reduce_sum3A_26 = vector.multi_reduction <add>, %exp3A_24, %reduce_sum3A_25 [1] : vector<2048x1024xf32> to vector<2048xf32>
    %broadcast_in_dim3A_27 = vector.shape_cast %reduce_sum3A_26 : vector<2048xf32> to vector<2048x1xf32>
    %div3A_28 = vector.broadcast %broadcast_in_dim3A_27 : vector<2048x1xf32> to vector<2048x1024xf32>
    %div3A_29 = arith.divf %exp3A_24, %div3A_28 : vector<2048x1024xf32>
    %convert_element_type3A_30 = arith.truncf %div3A_29 : vector<2048x1024xf32> to vector<2048x1024xbf16>
    %dot_general3A_31 = arith.constant dense<0.000000e+00> : vector<4x1024xf32>
    %dot_general3A_32 = tpu.matmul %convert_element_type3A, %convert_element_type3A_30, %dot_general3A_31 {dimension_numbers = #tpu.dot_dimension_numbers<[1], [0], [0], [1], [0, 0, 1, 1], [], []>, transpose_lhs_hint = false} : vector<4x2048xbf16>, vector<2048x1024xbf16>, vector<4x1024xf32> -> vector<4x1024xf32>
    %convert_element_type3A_33 = arith.truncf %dot_general3A_32 : vector<4x1024xf32> to vector<4x1024xbf16>
    %dot_general3A_34 = arith.constant dense<0.000000e+00> : vector<2048x1024xf32>
    %dot_general3A_35 = tpu.matmul %convert_element_type3A, %convert_element_type3A_33, %dot_general3A_34 {dimension_numbers = #tpu.dot_dimension_numbers<[0], [0], [1], [1], [0, 1, 1, 1], [], []>, transpose_lhs_hint = false} : vector<4x2048xbf16>, vector<4x1024xbf16>, vector<2048x1024xf32> -> vector<2048x1024xf32>
    %add3A_36 = arith.addf %add3A_18, %dot_general3A_35 : vector<2048x1024xf32>
    %reduce_max3A_37 = arith.constant dense<0xFF800000> : vector<2048xf32>
    %reduce_max3A_38 = vector.multi_reduction <maximumf>, %add3A_36, %reduce_max3A_37 [1] : vector<2048x1024xf32> to vector<2048xf32>
    %broadcast_in_dim3A_39 = vector.shape_cast %reduce_max3A_38 : vector<2048xf32> to vector<2048x1xf32>
    %sub3A_40 = vector.broadcast %broadcast_in_dim3A_39 : vector<2048x1xf32> to vector<2048x1024xf32>
    %sub3A_41 = arith.subf %add3A_36, %sub3A_40 : vector<2048x1024xf32>
    %exp3A_42 = math.exp %sub3A_41 : vector<2048x1024xf32>
    %reduce_sum3A_43 = arith.constant dense<0.000000e+00> : vector<2048xf32>
    %reduce_sum3A_44 = vector.multi_reduction <add>, %exp3A_42, %reduce_sum3A_43 [1] : vector<2048x1024xf32> to vector<2048xf32>
    %broadcast_in_dim3A_45 = vector.shape_cast %reduce_sum3A_44 : vector<2048xf32> to vector<2048x1xf32>
    %div3A_46 = vector.broadcast %broadcast_in_dim3A_45 : vector<2048x1xf32> to vector<2048x1024xf32>
    %div3A_47 = arith.divf %exp3A_42, %div3A_46 : vector<2048x1024xf32>
    %convert_element_type3A_48 = arith.truncf %div3A_47 : vector<2048x1024xf32> to vector<2048x1024xbf16>
    %dot_general3A_49 = arith.constant dense<0.000000e+00> : vector<4x1024xf32>
    %dot_general3A_50 = tpu.matmul %convert_element_type3A, %convert_element_type3A_48, %dot_general3A_49 {dimension_numbers = #tpu.dot_dimension_numbers<[1], [0], [0], [1], [0, 0, 1, 1], [], []>, transpose_lhs_hint = false} : vector<4x2048xbf16>, vector<2048x1024xbf16>, vector<4x1024xf32> -> vector<4x1024xf32>
    %mul3A = arith.mulf %dot_general3A_50, %dot_general3A_50 : vector<4x1024xf32>
    %reduce_sum3A_51 = arith.constant dense<0.000000e+00> : vector<1024xf32>
    %reduce_sum3A_52 = vector.multi_reduction <add>, %mul3A, %reduce_sum3A_51 [0] : vector<4x1024xf32> to vector<1024xf32>
    %broadcast_in_dim3A_53 = vector.shape_cast %reduce_sum3A_52 : vector<1024xf32> to vector<1x1024xf32>
    %add3A_54 = arith.constant 1.000000e+00 : f32
    %add3A_55 = vector.broadcast %add3A_54 : f32 to vector<1x1024xf32>
    %add3A_56 = arith.addf %add3A_55, %broadcast_in_dim3A_53 : vector<1x1024xf32>
    %div3A_57 = arith.divf %broadcast_in_dim3A_53, %add3A_56 : vector<1x1024xf32>
    %add3A_58 = arith.constant 1.000000e-10 : f32
    %add3A_59 = vector.broadcast %add3A_58 : f32 to vector<1x1024xf32>
    %add3A_60 = arith.addf %broadcast_in_dim3A_53, %add3A_59 : vector<1x1024xf32>
    %sqrt3A = math.sqrt %add3A_60 : vector<1x1024xf32>
    %add3A_61 = arith.constant 9.99999993E-9 : f32
    %add3A_62 = vector.broadcast %add3A_61 : f32 to vector<1x1024xf32>
    %add3A_63 = arith.addf %sqrt3A, %add3A_62 : vector<1x1024xf32>
    %div3A_64 = arith.divf %div3A_57, %add3A_63 : vector<1x1024xf32>
    %mul3A_65 = vector.broadcast %div3A_64 : vector<1x1024xf32> to vector<4x1024xf32>
    %mul3A_66 = arith.mulf %dot_general3A_50, %mul3A_65 : vector<4x1024xf32>
    %get3A_67 = arith.constant 0 : index
    %get3A_68 = arith.constant 0 : index
    %get3A_69 = vector.load %arg4[%get3A_67, %get3A_68] : memref<4x4xf32, #tpu.memory_space<vmem>>, vector<4x4xf32>
    %dot_general3A_70 = arith.constant dense<0.000000e+00> : vector<1024x4xf32>
    %dot_general3A_71 = tpu.matmul %mul3A_66, %get3A_69, %dot_general3A_70 {dimension_numbers = #tpu.dot_dimension_numbers<[0], [0], [1], [1], [0, 1, 1, 1], [], []>, precision = #tpu.contract_precision<fp32>, transpose_lhs_hint = false} : vector<4x1024xf32>, vector<4x4xf32>, vector<1024x4xf32> -> vector<1024x4xf32>
    %convert_element_type3A_72 = arith.truncf %dot_general3A_71 : vector<1024x4xf32> to vector<1024x4xbf16>
    %convert_element_type3A_73 = arith.extf %convert_element_type3A_72 : vector<1024x4xbf16> to vector<1024x4xf32>
    %broadcast_in_dim3A_74 = arith.constant 0.000000e+00 : f32
    %broadcast_in_dim3A_75 = vector.broadcast %broadcast_in_dim3A_74 : f32 to vector<1024x160xf32>
    %get3A_76 = arith.constant 0 : index
    %get3A_77 = arith.constant 0 : index
    %get3A_78 = arith.constant 0 : index
    %get3A_79 = vector.load %arg2[%get3A_76, %get3A_77, %get3A_78] : memref<4x1024x160xf32, #tpu.memory_space<vmem>>, vector<1x1024x160xf32>
    %get3A_80 = vector.shape_cast %get3A_79 : vector<1x1024x160xf32> to vector<1024x160xf32>
    %slice3A_81 = vector.extract_strided_slice %convert_element_type3A_73 {offsets = [0, 0], sizes = [1024, 1], strides = [1, 1]} : vector<1024x4xf32> to vector<1024x1xf32>
    %mul3A_82 = vector.broadcast %slice3A_81 : vector<1024x1xf32> to vector<1024x160xf32>
    %mul3A_83 = arith.mulf %get3A_80, %mul3A_82 : vector<1024x160xf32>
    %add3A_84 = arith.addf %broadcast_in_dim3A_75, %mul3A_83 : vector<1024x160xf32>
    %get3A_85 = arith.constant 1 : index
    %get3A_86 = arith.constant 0 : index
    %get3A_87 = arith.constant 0 : index
    %get3A_88 = vector.load %arg2[%get3A_85, %get3A_86, %get3A_87] : memref<4x1024x160xf32, #tpu.memory_space<vmem>>, vector<1x1024x160xf32>
    %get3A_89 = vector.shape_cast %get3A_88 : vector<1x1024x160xf32> to vector<1024x160xf32>
    %slice3A_90 = vector.extract_strided_slice %convert_element_type3A_73 {offsets = [0, 1], sizes = [1024, 1], strides = [1, 1]} : vector<1024x4xf32> to vector<1024x1xf32>
    %mul3A_91 = vector.broadcast %slice3A_90 : vector<1024x1xf32> to vector<1024x160xf32>
    %mul3A_92 = arith.mulf %get3A_89, %mul3A_91 : vector<1024x160xf32>
    %add3A_93 = arith.addf %add3A_84, %mul3A_92 : vector<1024x160xf32>
    %get3A_94 = arith.constant 2 : index
    %get3A_95 = arith.constant 0 : index
    %get3A_96 = arith.constant 0 : index
    %get3A_97 = vector.load %arg2[%get3A_94, %get3A_95, %get3A_96] : memref<4x1024x160xf32, #tpu.memory_space<vmem>>, vector<1x1024x160xf32>
    %get3A_98 = vector.shape_cast %get3A_97 : vector<1x1024x160xf32> to vector<1024x160xf32>
    %slice3A_99 = vector.extract_strided_slice %convert_element_type3A_73 {offsets = [0, 2], sizes = [1024, 1], strides = [1, 1]} : vector<1024x4xf32> to vector<1024x1xf32>
    %mul3A_100 = vector.broadcast %slice3A_99 : vector<1024x1xf32> to vector<1024x160xf32>
    %mul3A_101 = arith.mulf %get3A_98, %mul3A_100 : vector<1024x160xf32>
    %add3A_102 = arith.addf %add3A_93, %mul3A_101 : vector<1024x160xf32>
    %get3A_103 = arith.constant 3 : index
    %get3A_104 = arith.constant 0 : index
    %get3A_105 = arith.constant 0 : index
    %get3A_106 = vector.load %arg2[%get3A_103, %get3A_104, %get3A_105] : memref<4x1024x160xf32, #tpu.memory_space<vmem>>, vector<1x1024x160xf32>
    %get3A_107 = vector.shape_cast %get3A_106 : vector<1x1024x160xf32> to vector<1024x160xf32>
    %slice3A_108 = vector.extract_strided_slice %convert_element_type3A_73 {offsets = [0, 3], sizes = [1024, 1], strides = [1, 1]} : vector<1024x4xf32> to vector<1024x1xf32>
    %mul3A_109 = vector.broadcast %slice3A_108 : vector<1024x1xf32> to vector<1024x160xf32>
    %mul3A_110 = arith.mulf %get3A_107, %mul3A_109 : vector<1024x160xf32>
    %add3A_111 = arith.addf %add3A_102, %mul3A_110 : vector<1024x160xf32>
    %convert_element_type3A_112 = arith.truncf %add3A_111 : vector<1024x160xf32> to vector<1024x160xbf16>
    %convert_element_type3A_113 = arith.extf %convert_element_type3A_112 : vector<1024x160xbf16> to vector<1024x160xf32>
    %broadcast_in_dim3A_114 = arith.constant 0.000000e+00 : f32
    %broadcast_in_dim3A_115 = vector.broadcast %broadcast_in_dim3A_114 : f32 to vector<1024x10xf32>
    %reduce_max3A_116 = arith.constant dense<0xFF800000> : vector<1024xf32>
    %reduce_max3A_117 = vector.multi_reduction <maximumf>, %broadcast_in_dim3A_115, %reduce_max3A_116 [1] : vector<1024x10xf32> to vector<1024xf32>
    %broadcast_in_dim3A_118 = vector.shape_cast %reduce_max3A_117 : vector<1024xf32> to vector<1024x1xf32>
    %sub3A_119 = vector.broadcast %broadcast_in_dim3A_118 : vector<1024x1xf32> to vector<1024x10xf32>
    %sub3A_120 = arith.subf %broadcast_in_dim3A_115, %sub3A_119 : vector<1024x10xf32>
    %exp3A_121 = math.exp %sub3A_120 : vector<1024x10xf32>
    %reduce_sum3A_122 = arith.constant dense<0.000000e+00> : vector<1024xf32>
    %reduce_sum3A_123 = vector.multi_reduction <add>, %exp3A_121, %reduce_sum3A_122 [1] : vector<1024x10xf32> to vector<1024xf32>
    %broadcast_in_dim3A_124 = vector.shape_cast %reduce_sum3A_123 : vector<1024xf32> to vector<1024x1xf32>
    %div3A_125 = vector.broadcast %broadcast_in_dim3A_124 : vector<1024x1xf32> to vector<1024x10xf32>
    %div3A_126 = arith.divf %exp3A_121, %div3A_125 : vector<1024x10xf32>
    %convert_element_type3A_127 = arith.truncf %div3A_126 : vector<1024x10xf32> to vector<1024x10xbf16>
    %get3A_128 = arith.constant 0 : index
    %get3A_129 = arith.constant 0 : index
    %get3A_130 = vector.load %arg3[%get3A_128, %get3A_129] : memref<10x160xf32, #tpu.memory_space<vmem>>, vector<10x160xf32>
    %convert_element_type3A_131 = arith.truncf %get3A_130 : vector<10x160xf32> to vector<10x160xbf16>
    %dot_general3A_132 = arith.constant dense<0.000000e+00> : vector<1024x160xf32>
    %dot_general3A_133 = tpu.matmul %convert_element_type3A_127, %convert_element_type3A_131, %dot_general3A_132 {dimension_numbers = #tpu.dot_dimension_numbers<[1], [0], [0], [1], [0, 0, 1, 1], [], []>, transpose_lhs_hint = false} : vector<1024x10xbf16>, vector<10x160xbf16>, vector<1024x160xf32> -> vector<1024x160xf32>
    %mul3A_134 = arith.mulf %dot_general3A_133, %convert_element_type3A_113 : vector<1024x160xf32>
    %reduce_sum3A_135 = arith.constant dense<0.000000e+00> : vector<160xf32>
    %reduce_sum3A_136 = vector.multi_reduction <add>, %mul3A_134, %reduce_sum3A_135 [0] : vector<1024x160xf32> to vector<160xf32>
    %broadcast_in_dim3A_137 = vector.shape_cast %reduce_sum3A_136 : vector<160xf32> to vector<1x160xf32>
    %mul3A_138 = arith.mulf %broadcast_in_dim3A_137, %broadcast_in_dim3A_137 : vector<1x160xf32>
    %get3A_139 = arith.constant 0 : index
    %get3A_140 = arith.constant 0 : index
    %get3A_141 = vector.load %arg3[%get3A_139, %get3A_140] : memref<10x160xf32, #tpu.memory_space<vmem>>, vector<10x160xf32>
    %dot_general3A_142 = arith.constant dense<0.000000e+00> : vector<1x10xf32>
    %dot_general3A_143 = tpu.matmul %mul3A_138, %get3A_141, %dot_general3A_142 {dimension_numbers = #tpu.dot_dimension_numbers<[1], [1], [0], [0], [0, 0, 1, 0], [], []>, precision = #tpu.contract_precision<fp32>, transpose_lhs_hint = false} : vector<1x160xf32>, vector<10x160xf32>, vector<1x10xf32> -> vector<1x10xf32>
    %get3A_144 = arith.constant 0 : index
    %get3A_145 = arith.constant 0 : index
    %get3A_146 = vector.load %arg3[%get3A_144, %get3A_145] : memref<10x160xf32, #tpu.memory_space<vmem>>, vector<10x160xf32>
    %dot_general3A_147 = arith.constant dense<0.000000e+00> : vector<1x160xf32>
    %dot_general3A_148 = tpu.matmul %dot_general3A_143, %get3A_146, %dot_general3A_147 {dimension_numbers = #tpu.dot_dimension_numbers<[1], [0], [0], [1], [0, 0, 1, 1], [], []>, precision = #tpu.contract_precision<fp32>, transpose_lhs_hint = false} : vector<1x10xf32>, vector<10x160xf32>, vector<1x160xf32> -> vector<1x160xf32>
    %add3A_149 = arith.constant 1.000000e+00 : f32
    %add3A_150 = vector.broadcast %add3A_149 : f32 to vector<1x160xf32>
    %add3A_151 = arith.addf %add3A_150, %dot_general3A_148 : vector<1x160xf32>
    %div3A_152 = arith.divf %dot_general3A_148, %add3A_151 : vector<1x160xf32>
    %add3A_153 = arith.constant 1.000000e-10 : f32
    %add3A_154 = vector.broadcast %add3A_153 : f32 to vector<1x160xf32>
    %add3A_155 = arith.addf %dot_general3A_148, %add3A_154 : vector<1x160xf32>
    %sqrt3A_156 = math.sqrt %add3A_155 : vector<1x160xf32>
    %add3A_157 = arith.constant 9.99999993E-9 : f32
    %add3A_158 = vector.broadcast %add3A_157 : f32 to vector<1x160xf32>
    %add3A_159 = arith.addf %sqrt3A_156, %add3A_158 : vector<1x160xf32>
    %div3A_160 = arith.divf %div3A_152, %add3A_159 : vector<1x160xf32>
    %mul3A_161 = arith.mulf %broadcast_in_dim3A_137, %div3A_160 : vector<1x160xf32>
    %convert_element_type3A_162 = arith.truncf %mul3A_161 : vector<1x160xf32> to vector<1x160xbf16>
    %convert_element_type3A_163 = arith.extf %convert_element_type3A_162 : vector<1x160xbf16> to vector<1x160xf32>
    %mul3A_164 = vector.broadcast %convert_element_type3A_163 : vector<1x160xf32> to vector<1024x160xf32>
    %mul3A_165 = arith.mulf %convert_element_type3A_113, %mul3A_164 : vector<1024x160xf32>
    %get3A_166 = arith.constant 0 : index
    %get3A_167 = arith.constant 0 : index
    %get3A_168 = vector.load %arg3[%get3A_166, %get3A_167] : memref<10x160xf32, #tpu.memory_space<vmem>>, vector<10x160xf32>
    %dot_general3A_169 = arith.constant dense<0.000000e+00> : vector<1024x10xf32>
    %dot_general3A_170 = tpu.matmul %mul3A_165, %get3A_168, %dot_general3A_169 {dimension_numbers = #tpu.dot_dimension_numbers<[1], [1], [0], [0], [0, 0, 1, 0], [], []>, precision = #tpu.contract_precision<fp32>, transpose_lhs_hint = false} : vector<1024x160xf32>, vector<10x160xf32>, vector<1024x10xf32> -> vector<1024x10xf32>
    %add3A_171 = arith.addf %broadcast_in_dim3A_115, %dot_general3A_170 : vector<1024x10xf32>
    %reduce_max3A_172 = arith.constant dense<0xFF800000> : vector<1024xf32>
    %reduce_max3A_173 = vector.multi_reduction <maximumf>, %add3A_171, %reduce_max3A_172 [1] : vector<1024x10xf32> to vector<1024xf32>
    %broadcast_in_dim3A_174 = vector.shape_cast %reduce_max3A_173 : vector<1024xf32> to vector<1024x1xf32>
    %sub3A_175 = vector.broadcast %broadcast_in_dim3A_174 : vector<1024x1xf32> to vector<1024x10xf32>
    %sub3A_176 = arith.subf %add3A_171, %sub3A_175 : vector<1024x10xf32>
    %exp3A_177 = math.exp %sub3A_176 : vector<1024x10xf32>
    %reduce_sum3A_178 = arith.constant dense<0.000000e+00> : vector<1024xf32>
    %reduce_sum3A_179 = vector.multi_reduction <add>, %exp3A_177, %reduce_sum3A_178 [1] : vector<1024x10xf32> to vector<1024xf32>
    %broadcast_in_dim3A_180 = vector.shape_cast %reduce_sum3A_179 : vector<1024xf32> to vector<1024x1xf32>
    %div3A_181 = vector.broadcast %broadcast_in_dim3A_180 : vector<1024x1xf32> to vector<1024x10xf32>
    %div3A_182 = arith.divf %exp3A_177, %div3A_181 : vector<1024x10xf32>
    %convert_element_type3A_183 = arith.truncf %div3A_182 : vector<1024x10xf32> to vector<1024x10xbf16>
    %get3A_184 = arith.constant 0 : index
    %get3A_185 = arith.constant 0 : index
    %get3A_186 = vector.load %arg3[%get3A_184, %get3A_185] : memref<10x160xf32, #tpu.memory_space<vmem>>, vector<10x160xf32>
    %convert_element_type3A_187 = arith.truncf %get3A_186 : vector<10x160xf32> to vector<10x160xbf16>
    %dot_general3A_188 = arith.constant dense<0.000000e+00> : vector<1024x160xf32>
    %dot_general3A_189 = tpu.matmul %convert_element_type3A_183, %convert_element_type3A_187, %dot_general3A_188 {dimension_numbers = #tpu.dot_dimension_numbers<[1], [0], [0], [1], [0, 0, 1, 1], [], []>, transpose_lhs_hint = false} : vector<1024x10xbf16>, vector<10x160xbf16>, vector<1024x160xf32> -> vector<1024x160xf32>
    %mul3A_190 = arith.mulf %dot_general3A_189, %convert_element_type3A_113 : vector<1024x160xf32>
    %reduce_sum3A_191 = arith.constant dense<0.000000e+00> : vector<160xf32>
    %reduce_sum3A_192 = vector.multi_reduction <add>, %mul3A_190, %reduce_sum3A_191 [0] : vector<1024x160xf32> to vector<160xf32>
    %broadcast_in_dim3A_193 = vector.shape_cast %reduce_sum3A_192 : vector<160xf32> to vector<1x160xf32>
    %mul3A_194 = arith.mulf %broadcast_in_dim3A_193, %broadcast_in_dim3A_193 : vector<1x160xf32>
    %get3A_195 = arith.constant 0 : index
    %get3A_196 = arith.constant 0 : index
    %get3A_197 = vector.load %arg3[%get3A_195, %get3A_196] : memref<10x160xf32, #tpu.memory_space<vmem>>, vector<10x160xf32>
    %dot_general3A_198 = arith.constant dense<0.000000e+00> : vector<1x10xf32>
    %dot_general3A_199 = tpu.matmul %mul3A_194, %get3A_197, %dot_general3A_198 {dimension_numbers = #tpu.dot_dimension_numbers<[1], [1], [0], [0], [0, 0, 1, 0], [], []>, precision = #tpu.contract_precision<fp32>, transpose_lhs_hint = false} : vector<1x160xf32>, vector<10x160xf32>, vector<1x10xf32> -> vector<1x10xf32>
    %get3A_200 = arith.constant 0 : index
    %get3A_201 = arith.constant 0 : index
    %get3A_202 = vector.load %arg3[%get3A_200, %get3A_201] : memref<10x160xf32, #tpu.memory_space<vmem>>, vector<10x160xf32>
    %dot_general3A_203 = arith.constant dense<0.000000e+00> : vector<1x160xf32>
    %dot_general3A_204 = tpu.matmul %dot_general3A_199, %get3A_202, %dot_general3A_203 {dimension_numbers = #tpu.dot_dimension_numbers<[1], [0], [0], [1], [0, 0, 1, 1], [], []>, precision = #tpu.contract_precision<fp32>, transpose_lhs_hint = false} : vector<1x10xf32>, vector<10x160xf32>, vector<1x160xf32> -> vector<1x160xf32>
    %add3A_205 = arith.constant 1.000000e+00 : f32
    %add3A_206 = vector.broadcast %add3A_205 : f32 to vector<1x160xf32>
    %add3A_207 = arith.addf %add3A_206, %dot_general3A_204 : vector<1x160xf32>
    %div3A_208 = arith.divf %dot_general3A_204, %add3A_207 : vector<1x160xf32>
    %add3A_209 = arith.constant 1.000000e-10 : f32
    %add3A_210 = vector.broadcast %add3A_209 : f32 to vector<1x160xf32>
    %add3A_211 = arith.addf %dot_general3A_204, %add3A_210 : vector<1x160xf32>
    %sqrt3A_212 = math.sqrt %add3A_211 : vector<1x160xf32>
    %add3A_213 = arith.constant 9.99999993E-9 : f32
    %add3A_214 = vector.broadcast %add3A_213 : f32 to vector<1x160xf32>
    %add3A_215 = arith.addf %sqrt3A_212, %add3A_214 : vector<1x160xf32>
    %div3A_216 = arith.divf %div3A_208, %add3A_215 : vector<1x160xf32>
    %mul3A_217 = arith.mulf %broadcast_in_dim3A_193, %div3A_216 : vector<1x160xf32>
    %convert_element_type3A_218 = arith.truncf %mul3A_217 : vector<1x160xf32> to vector<1x160xbf16>
    %convert_element_type3A_219 = arith.extf %convert_element_type3A_218 : vector<1x160xbf16> to vector<1x160xf32>
    %mul3A_220 = vector.broadcast %convert_element_type3A_219 : vector<1x160xf32> to vector<1024x160xf32>
    %mul3A_221 = arith.mulf %convert_element_type3A_113, %mul3A_220 : vector<1024x160xf32>
    %get3A_222 = arith.constant 0 : index
    %get3A_223 = arith.constant 0 : index
    %get3A_224 = vector.load %arg3[%get3A_222, %get3A_223] : memref<10x160xf32, #tpu.memory_space<vmem>>, vector<10x160xf32>
    %dot_general3A_225 = arith.constant dense<0.000000e+00> : vector<1024x10xf32>
    %dot_general3A_226 = tpu.matmul %mul3A_221, %get3A_224, %dot_general3A_225 {dimension_numbers = #tpu.dot_dimension_numbers<[1], [1], [0], [0], [0, 0, 1, 0], [], []>, precision = #tpu.contract_precision<fp32>, transpose_lhs_hint = false} : vector<1024x160xf32>, vector<10x160xf32>, vector<1024x10xf32> -> vector<1024x10xf32>
    %add3A_227 = arith.addf %add3A_171, %dot_general3A_226 : vector<1024x10xf32>
    %reduce_max3A_228 = arith.constant dense<0xFF800000> : vector<1024xf32>
    %reduce_max3A_229 = vector.multi_reduction <maximumf>, %add3A_227, %reduce_max3A_228 [1] : vector<1024x10xf32> to vector<1024xf32>
    %broadcast_in_dim3A_230 = vector.shape_cast %reduce_max3A_229 : vector<1024xf32> to vector<1024x1xf32>
    %sub3A_231 = vector.broadcast %broadcast_in_dim3A_230 : vector<1024x1xf32> to vector<1024x10xf32>
    %sub3A_232 = arith.subf %add3A_227, %sub3A_231 : vector<1024x10xf32>
    %exp3A_233 = math.exp %sub3A_232 : vector<1024x10xf32>
    %reduce_sum3A_234 = arith.constant dense<0.000000e+00> : vector<1024xf32>
    %reduce_sum3A_235 = vector.multi_reduction <add>, %exp3A_233, %reduce_sum3A_234 [1] : vector<1024x10xf32> to vector<1024xf32>
    %broadcast_in_dim3A_236 = vector.shape_cast %reduce_sum3A_235 : vector<1024xf32> to vector<1024x1xf32>
    %div3A_237 = vector.broadcast %broadcast_in_dim3A_236 : vector<1024x1xf32> to vector<1024x10xf32>
    %div3A_238 = arith.divf %exp3A_233, %div3A_237 : vector<1024x10xf32>
    %convert_element_type3A_239 = arith.truncf %div3A_238 : vector<1024x10xf32> to vector<1024x10xbf16>
    %get3A_240 = arith.constant 0 : index
    %get3A_241 = arith.constant 0 : index
    %get3A_242 = vector.load %arg3[%get3A_240, %get3A_241] : memref<10x160xf32, #tpu.memory_space<vmem>>, vector<10x160xf32>
    %convert_element_type3A_243 = arith.truncf %get3A_242 : vector<10x160xf32> to vector<10x160xbf16>
    %dot_general3A_244 = arith.constant dense<0.000000e+00> : vector<1024x160xf32>
    %dot_general3A_245 = tpu.matmul %convert_element_type3A_239, %convert_element_type3A_243, %dot_general3A_244 {dimension_numbers = #tpu.dot_dimension_numbers<[1], [0], [0], [1], [0, 0, 1, 1], [], []>, transpose_lhs_hint = false} : vector<1024x10xbf16>, vector<10x160xbf16>, vector<1024x160xf32> -> vector<1024x160xf32>
    %mul3A_246 = arith.mulf %dot_general3A_245, %convert_element_type3A_113 : vector<1024x160xf32>
    %reduce_sum3A_247 = arith.constant dense<0.000000e+00> : vector<160xf32>
    %reduce_sum3A_248 = vector.multi_reduction <add>, %mul3A_246, %reduce_sum3A_247 [0] : vector<1024x160xf32> to vector<160xf32>
    %broadcast_in_dim3A_249 = vector.shape_cast %reduce_sum3A_248 : vector<160xf32> to vector<1x160xf32>
    %mul3A_250 = arith.mulf %broadcast_in_dim3A_249, %broadcast_in_dim3A_249 : vector<1x160xf32>
    %get3A_251 = arith.constant 0 : index
    %get3A_252 = arith.constant 0 : index
    %get3A_253 = vector.load %arg3[%get3A_251, %get3A_252] : memref<10x160xf32, #tpu.memory_space<vmem>>, vector<10x160xf32>
    %dot_general3A_254 = arith.constant dense<0.000000e+00> : vector<1x10xf32>
    %dot_general3A_255 = tpu.matmul %mul3A_250, %get3A_253, %dot_general3A_254 {dimension_numbers = #tpu.dot_dimension_numbers<[1], [1], [0], [0], [0, 0, 1, 0], [], []>, precision = #tpu.contract_precision<fp32>, transpose_lhs_hint = false} : vector<1x160xf32>, vector<10x160xf32>, vector<1x10xf32> -> vector<1x10xf32>
    %get3A_256 = arith.constant 0 : index
    %get3A_257 = arith.constant 0 : index
    %get3A_258 = vector.load %arg3[%get3A_256, %get3A_257] : memref<10x160xf32, #tpu.memory_space<vmem>>, vector<10x160xf32>
    %dot_general3A_259 = arith.constant dense<0.000000e+00> : vector<1x160xf32>
    %dot_general3A_260 = tpu.matmul %dot_general3A_255, %get3A_258, %dot_general3A_259 {dimension_numbers = #tpu.dot_dimension_numbers<[1], [0], [0], [1], [0, 0, 1, 1], [], []>, precision = #tpu.contract_precision<fp32>, transpose_lhs_hint = false} : vector<1x10xf32>, vector<10x160xf32>, vector<1x160xf32> -> vector<1x160xf32>
    %add3A_261 = arith.constant 1.000000e+00 : f32
    %add3A_262 = vector.broadcast %add3A_261 : f32 to vector<1x160xf32>
    %add3A_263 = arith.addf %add3A_262, %dot_general3A_260 : vector<1x160xf32>
    %div3A_264 = arith.divf %dot_general3A_260, %add3A_263 : vector<1x160xf32>
    %add3A_265 = arith.constant 1.000000e-10 : f32
    %add3A_266 = vector.broadcast %add3A_265 : f32 to vector<1x160xf32>
    %add3A_267 = arith.addf %dot_general3A_260, %add3A_266 : vector<1x160xf32>
    %sqrt3A_268 = math.sqrt %add3A_267 : vector<1x160xf32>
    %add3A_269 = arith.constant 9.99999993E-9 : f32
    %add3A_270 = vector.broadcast %add3A_269 : f32 to vector<1x160xf32>
    %add3A_271 = arith.addf %sqrt3A_268, %add3A_270 : vector<1x160xf32>
    %div3A_272 = arith.divf %div3A_264, %add3A_271 : vector<1x160xf32>
    %mul3A_273 = arith.mulf %broadcast_in_dim3A_249, %div3A_272 : vector<1x160xf32>
    %mul3A_274 = arith.mulf %mul3A_273, %mul3A_273 : vector<1x160xf32>
    %get3A_275 = arith.constant 0 : index
    %get3A_276 = arith.constant 0 : index
    %get3A_277 = vector.load %arg3[%get3A_275, %get3A_276] : memref<10x160xf32, #tpu.memory_space<vmem>>, vector<10x160xf32>
    %dot_general3A_278 = arith.constant dense<0.000000e+00> : vector<1x10xf32>
    %dot_general3A_279 = tpu.matmul %mul3A_274, %get3A_277, %dot_general3A_278 {dimension_numbers = #tpu.dot_dimension_numbers<[1], [1], [0], [0], [0, 0, 1, 0], [], []>, precision = #tpu.contract_precision<fp32>, transpose_lhs_hint = false} : vector<1x160xf32>, vector<10x160xf32>, vector<1x10xf32> -> vector<1x10xf32>
    %add3A_280 = arith.constant 1.000000e-10 : f32
    %add3A_281 = vector.broadcast %add3A_280 : f32 to vector<1x10xf32>
    %add3A_282 = arith.addf %dot_general3A_279, %add3A_281 : vector<1x10xf32>
    %sqrt3A_283 = math.sqrt %add3A_282 : vector<1x10xf32>
    %get3A_284 = arith.constant 0 : index
    %get3A_285 = arith.constant 0 : index
    %get3A_286 = vector.load %arg5[%get3A_284, %get3A_285] : memref<10x128xf32, #tpu.memory_space<vmem>>, vector<10x128xf32>
    %dot_general3A_287 = arith.constant dense<0.000000e+00> : vector<1x128xf32>
    %dot_general3A_288 = tpu.matmul %sqrt3A_283, %get3A_286, %dot_general3A_287 {dimension_numbers = #tpu.dot_dimension_numbers<[1], [0], [0], [1], [0, 0, 1, 1], [], []>, precision = #tpu.contract_precision<fp32>, transpose_lhs_hint = false} : vector<1x10xf32>, vector<10x128xf32>, vector<1x128xf32> -> vector<1x128xf32>
    %broadcast_in_dim3A_289 = vector.shape_cast %dot_general3A_288 : vector<1x128xf32> to vector<1x128xf32>
    %broadcast_in_dim3A_290 = vector.broadcast %broadcast_in_dim3A_289 : vector<1x128xf32> to vector<8x128xf32>
    %swap3A = arith.constant 0 : index
    %swap3A_291 = arith.constant 0 : index
    %swap3A_292 = arith.constant 0 : index
    %swap3A_293 = vector.load %arg6[%swap3A, %swap3A_291, %swap3A_292] : memref<1x8x128xf32, #tpu.memory_space<vmem>>, vector<1x8x128xf32>
    %swap3A_294 = vector.shape_cast %swap3A_293 : vector<1x8x128xf32> to vector<8x128xf32>
    %swap3A_295 = vector.shape_cast %broadcast_in_dim3A_290 : vector<8x128xf32> to vector<1x8x128xf32>
    tpu.vector_store %arg6[%swap3A, %swap3A_291, %swap3A_292], %swap3A_295 {strides = array<i32>} : memref<1x8x128xf32, #tpu.memory_space<vmem>>, vector<1x8x128xf32>,
    return
  }
  func.func @transform_0(%arg0: i32) -> (i32, i32, i32) {
    %c0_i32 = arith.constant 0 : i32
    %c0_i32_0 = arith.constant 0 : i32
    %c0_i32_1 = arith.constant 0 : i32
    return %arg0, %c0_i32, %c0_i32_0 : i32, i32, i32
  }
  func.func @transform_1(%arg0: i32) -> (i32, i32, i32) {
    %c0_i32 = arith.constant 0 : i32
    %c0_i32_0 = arith.constant 0 : i32
    %c0_i32_1 = arith.constant 0 : i32
    %c0_i32_2 = arith.constant 0 : i32
    return %c0_i32, %c0_i32_0, %c0_i32_1 : i32, i32, i32
  }
  func.func @transform_2(%arg0: i32) -> (i32, i32) {
    %c0_i32 = arith.constant 0 : i32
    %c0_i32_0 = arith.constant 0 : i32
    %c0_i32_1 = arith.constant 0 : i32
    return %c0_i32, %c0_i32_0 : i32, i32
  }
  func.func @transform_3(%arg0: i32) -> (i32, i32) {
    %c0_i32 = arith.constant 0 : i32
    %c0_i32_0 = arith.constant 0 : i32
    %c0_i32_1 = arith.constant 0 : i32
    return %c0_i32, %c0_i32_0 : i32, i32
  }
  func.func @transform_4(%arg0: i32) -> (i32, i32) {
    %c0_i32 = arith.constant 0 : i32
    %c0_i32_0 = arith.constant 0 : i32
    %c0_i32_1 = arith.constant 0 : i32
    return %c0_i32, %c0_i32_0 : i32, i32
  }
  func.func @transform_5(%arg0: i32) -> (i32, i32, i32) {
    %c0_i32 = arith.constant 0 : i32
    %c0_i32_0 = arith.constant 0 : i32
    %c0_i32_1 = arith.constant 0 : i32
    return %arg0, %c0_i32, %c0_i32_0 : i32, i32, i32
  }
}

</mosaic_0001>

<sc_bundles>
// kernel: kernel.6.cloned.1.call-start
scs
__scs_entry_jumppad:
0x0: {  	(pc) =	sbr.rel $0x88, $3  }
0x1: {  	(tag) =	ssettag $0x0;
	lr =	simm.s32 $0x1  }
0x2: {  	[smem:$0x3F98] =	sst lr;
	_ =	strace $0xD0000000  }
0x3: {  	_ = 	snop  }
0x4: {  	_ = 	snop  }
0x5: {  	_ = 	snop  }
0x6: {  	_ = 	snop  }
0x7: {  	_ = 	snop  }
__scs_overlays_trampoline_lowered:
0x8: {  	[smem:$0x3FA7] =	sst s0  }
0x9: {  	[smem:$0x3FA8] =	sst s1  }
0xa: {  	[smem:$0x3FA9] =	sst s2  }
0xb: {  	[smem:$0x3FAA] =	sst s3  }
0xc: {  	[smem:$0x3FAB] =	sst s4  }
0xd: {  	[smem:$0x3FAC] =	sst s5  }
0xe: {  	[smem:$0x3FAD] =	sst s6  }
0xf: {  	[smem:$0x3FAE] =	sst s7  }
0x10: {  	[smem:$0x3FAF] =	sst s8  }
0x11: {  	[smem:$0x3FB0] =	sst s9;
	s0 =	simm.s32 @!p0 $0x0  }
0x12: {  	s1 =	sld [smem:$0x3F96];
	s0 =	simm.s32 @p0 $0x1  }
0x13: {  	[smem:$0x3FB1] =	sst s0;
	s0 =	simm.s32 @!p1 $0x0  }
0x14: {  	s2 =	sld [smem:$0x3F95];
	s0 =	simm.s32 @p1 $0x1  }
0x15: {  	[smem:$0x3FB2] =	sst s0;
	s0 =	simm.s32 @!p2 $0x0  }
0x16: {  	s3 =	sld [smem:$0x3FDB];
	s0 =	simm.s32 @p2 $0x1  }
0x17: {  	s4 =	simm.s32 $0x1BF5;
	[smem:$0x3FB4] =	sst s0  }
0x18: {  	s0 =	sld [smem:$0x3F97];
	_ =	swait.ge [sflag:s4], $0x0  }
0x19: {  	s7 =	sld [smem:$0x3F98]  }
0x1a: {  	s8 =	sadd.s32 $0xFFFFE003, lr  }
0x1b: {  	s9 =	sadd.s32 $0xFFFFFEF7, lr;
	s5 =	simm.s32 $0xFFFFFFFF;
	p2 =	slt.u32 s8, $0xFFFFF086  }
0x1c: {  	p1 =	slt.u32 s9, $0xF7A;
	s5 =	simm.s32 @!p2 $0x0  }
0x1d: {  	s5 =	simm.s32 @p1 $0x1;
	p0 =	seq.s32 s7, s2  }
0x1e: {  	s7 =	smul.u32 @!p0 $0xF7A, s2;
	p2 =	seq.s32 @!p0 s5, $0x0  }
0x1f: {  	s9 =	smul.u32 $0xF7A, s1;
	s8 =	simm.s32 @!p0 $0x1BF5;
	p2 =	por !p2, p0  }
0x20: {  	[sflag:s8] =	ssyncset.s32 @!p0 $0xFFFFF086;
	s6 =	sadd.s32 @!p0 s3, s7;
	s7 =	simm.s32 @!p0 $0x108  }
0x21: {  	s3 =	sadd.s32 s3, s9;
	s6 =	sadd.s32 @!p0 $0x88, s6;
	s7 =	simm.s32 @p2 $0x1082  }
0x22: {  	[simem:s7], [sflag:s8] =	dma.local @!p0 [hbm:s6], $0xF7A  }
0x23: {  	s9 =	sor.u32 $0xD0000000, s2;
	s6 =	simm.s32 $0x108;
	_ =	swait.ge @!p0 [sflag:s8], $0x0  }
0x24: {  	s3 =	sadd.s32 $0x88, s3;
	s6 =	simm.s32 @!p1 $0x1082;
	[sflag:s4] =	ssyncset.s32 $0xFFFFF086  }
0x25: {  	[simem:s6], [sflag:s4] =	dma.local [hbm:s3], $0xF7A  }
0x26: {  	[smem:$0x3F98] =	sst s1;
	(tag) =	ssettag s2;
	_ =	strace s9  }
0x27: {  	s1 =	sld [smem:$0x3FA8]  }
0x28: {  	s2 =	sld [smem:$0x3FA9]  }
0x29: {  	s4 =	sld [smem:$0x3FAB]  }
0x2a: {  	p0 =	seq.s32 s5, $0x0;
	s5 =	sld [smem:$0x3FAC]  }
0x2b: {  	s6 =	sld [smem:$0x3FAD]  }
0x2c: {  	s7 =	sld [smem:$0x3FAE]  }
0x2d: {  	s3 =	simm.s32 $0x108;
	s8 =	sld [smem:$0x3FAF]  }
0x2e: {  	s3 =	simm.s32 @!p0 $0x1082;
	s9 =	sld [smem:$0x3FB0]  }
0x2f: {  	lr =	sadd.s32 s0, s3;
	s0 =	sld [smem:$0x3FA7]  }
0x30: {  	s3 =	sld [smem:$0x3FAA]  }
0x31: {  	[smem:$0x3FB3] =	sst s10  }
0x32: {  	s10 =	sld [smem:$0x3FB1];
	_ =	sdelay $0x3  }
0x33: {  	p0 =	seq.s32 s10, $0x1;
	s10 =	sld [smem:$0x3FB3];
	_ =	sdelay $0x3  }
0x34: {  	[smem:$0x3FB3] =	sst s10  }
0x35: {  	s10 =	sld [smem:$0x3FB2];
	_ =	sdelay $0x3  }
0x36: {  	p1 =	seq.s32 s10, $0x1;
	s10 =	sld [smem:$0x3FB3];
	_ =	sdelay $0x3  }
0x37: {  	[smem:$0x3FB3] =	sst s10  }
0x38: {  	s10 =	sld [smem:$0x3FB4]  }
0x39: {  	_ = 	snop;
	(pc) =	sbr.ind lr, $3  }
0x3a: {  	_ = 	snop  }
0x3b: {  	_ = 	snop  }
0x3c: {  	p2 =	seq.s32 s10, $0x1;
	s10 =	sld [smem:$0x3FB3]  }
0x3d: {  	_ =	shalt  }
0x3e: {  	_ =	shalt  }
0x3f: {  	_ =	shalt  }
0x40: {  	_ =	shalt  }
0x41: {  	_ =	shalt  }
0x42: {  	_ =	shalt  }
0x43: {  	_ =	shalt  }
0x44: {  	_ =	shalt  }
0x45: {  	_ =	shalt  }
0x46: {  	_ =	shalt  }
0x47: {  	_ =	shalt  }
0x48: {  	_ =	shalt  }
0x49: {  	_ =	shalt  }
0x4a: {  	_ =	shalt  }
0x4b: {  	_ =	shalt  }
0x4c: {  	_ =	shalt  }
0x4d: {  	_ =	shalt  }
0x4e: {  	_ =	shalt  }
0x4f: {  	_ =	shalt  }
0x50: {  	_ =	shalt  }
0x51: {  	_ =	shalt  }
0x52: {  	_ =	shalt  }
0x53: {  	_ =	shalt  }
0x54: {  	_ =	shalt  }
0x55: {  	_ =	shalt  }
0x56: {  	_ =	shalt  }
0x57: {  	_ =	shalt  }
0x58: {  	_ =	shalt  }
0x59: {  	_ =	shalt  }
0x5a: {  	_ =	shalt  }
0x5b: {  	_ =	shalt  }
0x5c: {  	_ =	shalt  }
0x5d: {  	_ =	shalt  }
0x5e: {  	_ =	shalt  }
0x5f: {  	_ =	shalt  }
0x60: {  	_ =	shalt  }
0x61: {  	_ =	shalt  }
0x62: {  	_ =	shalt  }
0x63: {  	_ =	shalt  }
0x64: {  	_ =	shalt  }
0x65: {  	_ =	shalt  }
0x66: {  	_ =	shalt  }
0x67: {  	_ =	shalt  }
0x68: {  	_ =	shalt  }
0x69: {  	_ =	shalt  }
0x6a: {  	_ =	shalt  }
0x6b: {  	_ =	shalt  }
0x6c: {  	_ =	shalt  }
0x6d: {  	_ =	shalt  }
0x6e: {  	_ =	shalt  }
0x6f: {  	_ =	shalt  }
0x70: {  	_ =	shalt  }
0x71: {  	_ =	shalt  }
0x72: {  	_ =	shalt  }
0x73: {  	_ =	shalt  }
0x74: {  	_ =	shalt  }
0x75: {  	_ =	shalt  }
0x76: {  	_ =	shalt  }
0x77: {  	_ =	shalt  }
0x78: {  	_ =	shalt  }
0x79: {  	_ =	shalt  }
0x7a: {  	_ =	shalt  }
0x7b: {  	_ =	shalt  }
0x7c: {  	_ =	shalt  }
0x7d: {  	_ =	shalt  }
0x7e: {  	_ =	shalt  }
0x7f: {  	_ =	shalt  }
0x80: {  	_ =	shalt  }
0x81: {  	_ =	shalt  }
0x82: {  	_ =	shalt  }
0x83: {  	_ =	shalt  }
0x84: {  	_ =	shalt  }
0x85: {  	_ =	shalt  }
0x86: {  	_ =	shalt  }
0x87: {  	_ =	shalt  }
.Lfunc_end0:
.L_simem_size_0:
called_computation_lowered:
.L_overlay_start_0:
0x88: {  	s2 =	sld [smem:$0x3FD9]  }
0x89: {  	s3 =	sld [smem:$0x3FFE];
	_ =	sdelay $0x1  }
0x8a: {  	s1 =	srdreg.scid  }
0x8b: {  	s0 =	sand.u32 $0x1, s1  }
0x8c: {  	s16 =	sshll.u32 s0, $0xA;
	s2 =	sadd.s32 s3, s2  }
0x8d: {  	s2 =	sadd.s32 s2, s16  }
0x8e: {  	[smem:$0x3FBF] =	sst s2  }
0x8f: {  	_ = 	snop  }
0x90: {  	(tm) =	ssettm $0x1  }
0x91: {  	s17 =	sld [smem:$0x3FFB];
	_ =	sdelay $0x3  }
0x92: {  	_ =	strace s17  }
0x93: {  	s2 =	sld [smem:$0x3FFC];
	_ =	sdelay $0x3  }
0x94: {  	_ =	strace s2  }
0x95: {  	s2 =	sld [smem:$0x3FFD];
	_ =	sdelay $0x3  }
0x96: {  	_ =	strace s2  }
0x97: {  	_ =	strace $0x8FFFFFFF  }
0x98: {  	s18 =	sld [smem:$0x3FDB];
	_ =	sdelay $0x1  }
0x99: {  	s19 =	simm.s32 $_scs_section_size  }
0x9a: {  	s4 =	simm.s32 $_size__tile_overlayer_lowered;
	s5 =	simm.s32 $_tile_overlayer_lowered  }
0x9b: {  	s22 =	simm.s32 $0x1BFF;
	s21 =	sshll.u32 s5, $0x1;
	s2 =	sadd.s32 s19, s18  }
0x9c: {  	s6 =	simm.s32 $0x0;
	s20 =	sshll.u32 s4, $0x1;
	s4 =	sadd.s32 s21, s2  }
0x9d: {  	[timem:s6], [sflag:s22] =	dma.local [hbm:s4], s20  }
0x9e: {  	_ =	swait.ge [sflag:s22], s20  }
0x9f: {  	s3 =	ssub.s32 $0x0, s20;
	[sflag:s22] =	ssyncset.done $0x0  }
0xa0: {  	[sflag:s22] =	ssyncadd.s32 s3;
	_ =	sdelay $0x1  }
0xa1: {  	s23 =	simm.s32 $0x1B8B  }
0xa2: {  	_ =	swait.ge [sflag:s23], $0x1  }
0xa3: {  	[sflag:s23] =	ssyncset.done $0x0  }
0xa4: {  	s25 =	simm.s32 $0x1B8E;
	s24 =	sld [smem:$0x3FFE];
	[sflag:s23] =	ssyncadd.s32 $0xFFFFFFFF  }
0xa5: {  	s26 =	simm.s32 $execute0_lowered;
	[smem:$0x3FD2] =	sst s25  }
0xa6: {  	s4 =	sshll.u32 s26, $0x1;
	_ =	strace $0x80000046;
	[dreg:$0x1] =	wrdreg $0xFFFFFFFF  }
0xa7: {  	s28 =	simm.s32 $_size_execute0_lowered;
	s2 =	sadd.s32 s2, s4;
	[dreg:$0x0] =	wrdreg $0x0  }
0xa8: {  	s4 =	sshll.u32 s28, $0x1;
	[dreg:$0x2] =	wrdreg s2  }
0xa9: {  	[dreg:$0x3] =	wrdreg s4  }
0xaa: {  	[dreg:$0x4] =	wrdreg $0xC0  }
0xab: {  	_ =	task [dreg:s6], $0x5FFFF  }
0xac: {  	[dreg:$0x1] =	wrdreg $0xFFFFFFFF  }
0xad: {  	[dreg:$0x0] =	wrdreg $0x60  }
0xae: {  	[dreg:$0x2] =	wrdreg s24  }
0xaf: {  	[dreg:$0x3] =	wrdreg $0x9  }
0xb0: {  	_ =	task.clear_ibuf [dreg:s6], $0x4FFFF;
	_ =	strace $0x90000046  }
0xb1: {  	s29 =	simm.s32 $0x9;
	_ =	strace $0x80000048  }
0xb2: {  	_ =	swait.ge [sflag:s29], $0x1  }
0xb3: {  	[sflag:s29] =	ssyncadd.s32 $0xFFFFFFFF  }
0xb4: {  	_ =	strace $0x90000048  }
0xb5: {  	_ =	sfence  }
0xb6: {  	s30 =	sld [smem:$0x0];
	_ =	sdelay $0x2  }
0xb7: {  	s31 =	sshll.u32 s1, $0xD;
	s1 =	sshrl.u32 s1, $0x2  }
0xb8: {  	s3 =	sand.u32 $0x4000, s31;
	s1 =	sadd.s32 s1, s30  }
0xb9: {  	s0 =	sor.u32 s3, s0;
	s1 =	sshll.u32 s1, $0x11  }
0xba: {  	s0 =	sor.u32 s1, s0  }
0xbb: {  	s0 =	sadd.s32 $0x8F2B, s0  }
0xbc: {  	[sflag:s0] =	ssyncadd.remote.s32 $0x1  }
0xbd: {  	_ =	sfence.sel $0xFFFF  }
0xbe: {  	[dreg:$0x0] =	wrdreg $0xFFFFFFFF;
	(pc) =	sbr.abs _section_cstart, $3  }
0xbf: {  	[dreg:$0x1] =	wrdreg $0xFFFFFFFF  }
0xc0: {  	_ =	task.clear_ibuf [dreg:s6], $0x2FFFF;
	_ =	strace $0x9FFFFFFF  }
0xc1: {  	(tm) =	ssettm $0x7FFFFFFF  }
tec
execute0_lowered:
.L_overlay_start_1:
0x0: {  	(tag) =	ssettag $0x1  }
0x1: {  	s0 =	srdreg.scid;
	s1 =	stileid.u32  }
0x2: {  	s9 =	sand.u32 $0x1, s0;
	s24 =	sshll.u32 s1, $0x1  }
0x3: {  	s0 =	sor.u32 s9, s24  }
0x4: {  	s4 =	rddreg [dreg:$0x0];
	s2 =	simm.s32 $0x0;
	s8 =	smul.u32 $0xC80, s0  }
0x5: {  	[smem:$0x7FF] =	sst s2;
	s0 =	smul.u32 $0xC800, s0  }
0x6: {  	s6 =	sadd.s32 $0x1E00, s4;
	s7 =	sadd.s32 $0x5000, s4;
	s1 =	sadd.s32 $0x2FC00, s4  }
0x7: {  	s5 =	sadd.s32 $0x1BFC00, s4;
	_ =	strace $0x80000047;
	s25 =	sadd.s32 s1, s0  }
0x8: {  	s3 =	sshrl.u32 s8, $0x3;
	s0 =	sadd.s32 s5, s0;
	[dreg:$0x4] =	wrdreg s25  }
0x9: {  	s26 =	sadd.s32 $0xA0, s8;
	s10 =	sadd.s32 s6, s3;
	[dreg:$0x5] =	wrdreg s0  }
0xa: {  	s3 =	sadd.s32 s7, s3;
	s11 =	sshrl.u32 s26, $0x3;
	[dreg:$0x2] =	wrdreg s10  }
0xb: {  	[dreg:$0x3] =	wrdreg s3;
	s12 =	sadd.s32 s6, s11  }
0xc: {  	s14 =	sshll.u32 s26, $0x4;
	s13 =	sadd.s32 s7, s11;
	[dreg:$0x6] =	wrdreg s12  }
0xd: {  	s16 =	sadd.s32 $0x140, s8;
	s15 =	sadd.s32 s1, s14;
	[dreg:$0x7] =	wrdreg s13  }
0xe: {  	s18 =	sshrl.u32 s16, $0x3;
	s17 =	sadd.s32 s5, s14;
	[dreg:$0x8] =	wrdreg s15  }
0xf: {  	s19 =	sadd.s32 s6, s18;
	[dreg:$0x9] =	wrdreg s17  }
0x10: {  	s21 =	sshll.u32 s16, $0x4;
	s20 =	sadd.s32 s7, s18;
	[dreg:$0xa] =	wrdreg s19  }
0x11: {  	s23 =	sadd.s32 $0x1E0, s8;
	s22 =	sadd.s32 s1, s21;
	[dreg:$0xb] =	wrdreg s20  }
0x12: {  	s25 =	sshrl.u32 s23, $0x3;
	s24 =	sadd.s32 s5, s21;
	[dreg:$0xc] =	wrdreg s22  }
0x13: {  	s26 =	sadd.s32 s6, s25;
	[dreg:$0xd] =	wrdreg s24  }
0x14: {  	s3 =	sadd.s32 s7, s25;
	s10 =	sshll.u32 s23, $0x4;
	[dreg:$0xe] =	wrdreg s26  }
0x15: {  	[dreg:$0xf] =	wrdreg s3;
	s11 =	sadd.s32 s1, s10;
	s12 =	sadd.s32 $0x280, s8  }
0x16: {  	s13 =	sadd.s32 s5, s10;
	[dreg:$0x10] =	wrdreg s11;
	s14 =	sshrl.u32 s12, $0x3  }
0x17: {  	[dreg:$0x11] =	wrdreg s13;
	s15 =	sadd.s32 s6, s14  }
0x18: {  	s17 =	sshll.u32 s12, $0x4;
	s16 =	sadd.s32 s7, s14;
	[dreg:$0x12] =	wrdreg s15  }
0x19: {  	s19 =	sadd.s32 $0x320, s8;
	s18 =	sadd.s32 s1, s17;
	[dreg:$0x13] =	wrdreg s16  }
0x1a: {  	s21 =	sshrl.u32 s19, $0x3;
	s20 =	sadd.s32 s5, s17;
	[dreg:$0x14] =	wrdreg s18  }
0x1b: {  	s22 =	sadd.s32 s6, s21;
	[dreg:$0x15] =	wrdreg s20  }
0x1c: {  	s24 =	sshll.u32 s19, $0x4;
	s23 =	sadd.s32 s7, s21;
	[dreg:$0x16] =	wrdreg s22  }
0x1d: {  	s26 =	sadd.s32 $0x3C0, s8;
	s25 =	sadd.s32 s1, s24;
	[dreg:$0x17] =	wrdreg s23  }
0x1e: {  	s11 =	sshrl.u32 s26, $0x3;
	s3 =	sadd.s32 s5, s24;
	[dreg:$0x18] =	wrdreg s25  }
0x1f: {  	s12 =	sadd.s32 s6, s11;
	[dreg:$0x19] =	wrdreg s3  }
0x20: {  	s13 =	sadd.s32 s7, s11;
	s14 =	sshll.u32 s26, $0x4;
	[dreg:$0x1a] =	wrdreg s12  }
0x21: {  	[dreg:$0x1b] =	wrdreg s13;
	s15 =	sadd.s32 s1, s14;
	s16 =	sadd.s32 $0x460, s8  }
0x22: {  	s17 =	sadd.s32 s5, s14;
	[dreg:$0x1c] =	wrdreg s15;
	s18 =	sshrl.u32 s16, $0x3  }
0x23: {  	[dreg:$0x1d] =	wrdreg s17;
	s19 =	sadd.s32 s6, s18  }
0x24: {  	s21 =	sshll.u32 s16, $0x4;
	s20 =	sadd.s32 s7, s18;
	[dreg:$0x1e] =	wrdreg s19  }
0x25: {  	s23 =	sadd.s32 $0x500, s8;
	s22 =	sadd.s32 s1, s21;
	[dreg:$0x1f] =	wrdreg s20  }
0x26: {  	s25 =	sshrl.u32 s23, $0x3;
	s24 =	sadd.s32 s5, s21;
	[smem:$0x7DF] =	sst s22  }
0x27: {  	s26 =	sadd.s32 s6, s25;
	[smem:$0x7E0] =	sst s24  }
0x28: {  	s10 =	sshll.u32 s23, $0x4;
	s3 =	sadd.s32 s7, s25;
	[smem:$0x7E1] =	sst s26  }
0x29: {  	s12 =	sadd.s32 $0x5A0, s8;
	s11 =	sadd.s32 s1, s10;
	[smem:$0x7E2] =	sst s3  }
0x2a: {  	s14 =	sshrl.u32 s12, $0x3;
	s13 =	sadd.s32 s5, s10;
	[smem:$0x7E3] =	sst s11  }
0x2b: {  	s15 =	sadd.s32 s6, s14;
	[smem:$0x7E4] =	sst s13  }
0x2c: {  	s17 =	sshll.u32 s12, $0x4;
	s16 =	sadd.s32 s7, s14;
	[smem:$0x7E5] =	sst s15  }
0x2d: {  	s18 =	sadd.s32 s1, s17;
	[smem:$0x7E6] =	sst s16;
	s19 =	sadd.s32 $0x640, s8  }
0x2e: {  	[smem:$0x7E7] =	sst s18;
	s20 =	sadd.s32 s5, s17;
	s21 =	sshrl.u32 s19, $0x3  }
0x2f: {  	p0 =	por $0x0, $0x0;
	[smem:$0x7E8] =	sst s20;
	s22 =	sadd.s32 s6, s21  }
0x30: {  	s24 =	sshll.u32 s19, $0x4;
	s23 =	sadd.s32 s7, s21;
	[smem:$0x7E9] =	sst s22  }
0x31: {  	s26 =	sadd.s32 $0x6E0, s8;
	s25 =	sadd.s32 s1, s24;
	[smem:$0x7EA] =	sst s23  }
0x32: {  	s11 =	sshrl.u32 s26, $0x3;
	s12 =	sadd.s32 s5, s24;
	[smem:$0x7EB] =	sst s25  }
0x33: {  	s9 =	ssub.s32 $0x2, s9;
	s13 =	sadd.s32 s6, s11;
	[smem:$0x7EC] =	sst s12  }
0x34: {  	s10 =	sshll.u32 s26, $0x4;
	s14 =	sadd.s32 s7, s11;
	[smem:$0x7ED] =	sst s13  }
0x35: {  	s16 =	sadd.s32 $0x780, s8;
	s15 =	sadd.s32 s1, s10;
	[smem:$0x7EE] =	sst s14  }
0x36: {  	s18 =	sshrl.u32 s16, $0x3;
	s17 =	sadd.s32 s5, s10;
	[smem:$0x7EF] =	sst s15  }
0x37: {  	s3 =	sadd.s32 $0x2F400, s4;
	s19 =	sadd.s32 s6, s18;
	[smem:$0x7F0] =	sst s17  }
0x38: {  	s20 =	sadd.s32 s7, s18;
	s21 =	sshll.u32 s16, $0x4;
	[smem:$0x7F1] =	sst s19  }
0x39: {  	s4 =	sadd.s32 $0x8200, s4;
	[smem:$0x7F2] =	sst s20;
	s22 =	sadd.s32 s1, s21  }
0x3a: {  	s23 =	sadd.s32 $0x820, s8;
	s24 =	sadd.s32 s5, s21;
	s13 =	sadd.s32 $0x8C0, s8  }
0x3b: {  	s20 =	sadd.s32 $0x960, s8;
	[smem:$0x7F3] =	sst s22;
	s25 =	sshrl.u32 s23, $0x3  }
0x3c: {  	[smem:$0x7F4] =	sst s24;
	s11 =	sshll.u32 s23, $0x4;
	s15 =	sshrl.u32 s13, $0x3  }
0x3d: {  	s18 =	sshll.u32 s13, $0x4;
	s22 =	sshrl.u32 s20, $0x3;
	s26 =	sadd.s32 s6, s25  }
0x3e: {  	s24 =	sshll.u32 s20, $0x4;
	s10 =	sadd.s32 s7, s25;
	[smem:$0x7F5] =	sst s26  }
0x3f: {  	s13 =	sadd.s32 $0xAA0, s8;
	s12 =	sadd.s32 s1, s11;
	[smem:$0x7F6] =	sst s10  }
0x40: {  	s14 =	sadd.s32 s5, s11;
	s16 =	sadd.s32 s6, s15;
	[smem:$0x7F7] =	sst s12  }
0x41: {  	s17 =	sadd.s32 s7, s15;
	s19 =	sadd.s32 s1, s18;
	[smem:$0x7F8] =	sst s14  }
0x42: {  	s21 =	sadd.s32 s5, s18;
	s23 =	sadd.s32 s6, s22;
	[smem:$0x7F9] =	sst s16  }
0x43: {  	s25 =	sadd.s32 $0xA00, s8;
	s31 =	sadd.s32 s7, s22;
	[smem:$0x7FA] =	sst s17  }
0x44: {  	s30 =	sadd.s32 s1, s24;
	s29 =	sadd.s32 s5, s24;
	[smem:$0x7FB] =	sst s19  }
0x45: {  	s0 =	sshll.u32 s13, $0x4;
	s15 =	sadd.s32 $0xB40, s8;
	[smem:$0x7FC] =	sst s21  }
0x46: {  	s8 =	sadd.s32 $0xBE0, s8;
	s12 =	sshrl.u32 s9, $0x1;
	[smem:$0x7FD] =	sst s23  }
0x47: {  	s11 =	sshrl.u32 s25, $0x3;
	s14 =	sshrl.u32 s13, $0x3;
	s21 =	sadd.s32 s1, s0  }
0x48: {  	s16 =	sshrl.u32 s15, $0x3;
	s20 =	sadd.s32 s5, s0;
	s17 =	sshrl.u32 s8, $0x3  }
0x49: {  	s13 =	sshll.u32 s15, $0x4;
	s10 =	simm.s32 $0x2;
	s0 =	rddreg [dreg:$0x2]  }
0x4a: {  	s12 =	ssub.s32 s9, s12;
	s28 =	sadd.s32 s6, s11;
	s26 =	sadd.s32 s7, s11  }
0x4b: {  	s9 =	sshll.u32 s25, $0x4;
	s23 =	sadd.s32 s6, s14;
	s22 =	sadd.s32 s7, s14  }
0x4c: {  	s19 =	sadd.s32 s6, s16;
	s18 =	sadd.s32 s7, s16;
	s15 =	smax.u32 s12, $0x1  }
0x4d: {  	s11 =	sadd.s32 s6, s17;
	s14 =	sshll.u32 s8, $0x4;
	p1 =	sne.s32 s15, $0x1  }
.Ltmp0:
0x4e: {  	s16 =	sadd.s32 s5, s13;
	s8 =	simm.s32 $0x5200;
	(pc) =	sbr.rel @!p1 .LBB2_3-.Ltmp0, $4  }
0x4f: {  	s25 =	sadd.s32 s1, s9;
	s24 =	sadd.s32 s5, s9;
	s9 =	sadd.s32 s7, s17  }
0x50: {  	s17 =	sadd.s32 s1, s13;
	s7 =	sadd.s32 s1, s14;
	s6 =	sadd.s32 s5, s14  }
0x51: {  	s5 =	simm.s32 $0x3;
	s13 =	simm.s32 $0x100;
	s14 =	simm.s32 $0xA0  }
0x52: {  	s12 =	simm.s32 $0x200;
	s1 =	sadd.s32 $0xFFFFFFFF, s15;
	s15 =	simm.s32 $0x1  }
0x53: {  	[tilespmem:s2], [sflag:$0x3] =	stream.linear.gather [hbm4b:s0+s2], $0xA0, $0x38;
	[tilespmem:$0xA200] =	vst v63  }
0x54: {  	_ =	swait.ge [sflag:s5], $0xA0  }
0x55: {  	[sflag:s5] =	ssyncset.done $0x0  }
0x56: {  	s0 =	rddreg [dreg:$0x3];
	[sflag:s5] =	ssyncadd.s32 $0xFFFFFF60  }
0x57: {  	[tilespmem:s13], [sflag:$0x3] =	stream.linear.gather [hbm4b:s0+s2], $0xA0, $0x38;
	[tilespmem:$0xA200] =	vst v63  }
0x58: {  	_ =	swait.ge [sflag:s5], $0xA0  }
0x59: {  	[sflag:s5] =	ssyncset.done $0x0  }
0x5a: {  	[sflag:s5] =	ssyncadd.s32 $0xFFFFFF60  }
0x5b: {  	[tilespmem:s12], [sflag:$0x1] =	stream.indirect.gather [hbm4b:s3+s14], $0x80, s2, s14, $0xb8;
	[tilespmem:$0xA200] =	vst v63  }
0x5c: {  	_ = 	snop  }
0x5d: {  	[tilespmem:s8], [sflag:$0x2] =	stream.indirect.gather [hbm4b:s4+s14], $0x80, s13, s14, $0xb8;
	[tilespmem:$0xA200] =	vst v63  }
0x5e: {  	_ =	swait.ge [sflag:s15], $0x5000  }
0x5f: {  	[sflag:s15] =	ssyncset.done $0x0  }
0x60: {  	s0 =	rddreg [dreg:$0x4];
	[sflag:s15] =	ssyncadd.s32 $0xFFFFB000  }
0x61: {  	[hbm4b:s0+s2] =	stream.linear.scatter [tilespmem:s12], [sflag:$0x3], $0x5000, $0x38;
	[tilespmem:$0xA200] =	vst v63  }
0x62: {  	_ =	swait.ge [sflag:s5], $0x5000  }
0x63: {  	[sflag:s5] =	ssyncset.done $0x0  }
0x64: {  	[sflag:s5] =	ssyncadd.s32 $0xFFFFB000  }
0x65: {  	_ =	swait.ge [sflag:s10], $0x5000  }
0x66: {  	[sflag:s10] =	ssyncset.done $0x0  }
0x67: {  	s0 =	rddreg [dreg:$0x5];
	[sflag:s10] =	ssyncadd.s32 $0xFFFFB000  }
0x68: {  	[hbm4b:s0+s2] =	stream.linear.scatter [tilespmem:s8], [sflag:$0x3], $0x5000, $0x38;
	[tilespmem:$0xA200] =	vst v63  }
0x69: {  	_ =	swait.ge [sflag:s5], $0x5000  }
0x6a: {  	[sflag:s5] =	ssyncset.done $0x0  }
0x6b: {  	s0 =	rddreg [dreg:$0x6];
	[sflag:s5] =	ssyncadd.s32 $0xFFFFB000  }
0x6c: {  	[tilespmem:s2], [sflag:$0x3] =	stream.linear.gather [hbm4b:s0+s2], $0xA0, $0x38;
	[tilespmem:$0xA200] =	vst v63  }
0x6d: {  	_ =	swait.ge [sflag:s5], $0xA0  }
0x6e: {  	[sflag:s5] =	ssyncset.done $0x0  }
0x6f: {  	s0 =	rddreg [dreg:$0x7];
	[sflag:s5] =	ssyncadd.s32 $0xFFFFFF60  }
0x70: {  	[tilespmem:s13], [sflag:$0x3] =	stream.linear.gather [hbm4b:s0+s2], $0xA0, $0x38;
	[tilespmem:$0xA200] =	vst v63  }
0x71: {  	_ =	swait.ge [sflag:s5], $0xA0  }
0x72: {  	[sflag:s5] =	ssyncset.done $0x0  }
0x73: {  	[sflag:s5] =	ssyncadd.s32 $0xFFFFFF60  }
0x74: {  	[tilespmem:s12], [sflag:$0x1] =	stream.indirect.gather [hbm4b:s3+s14], $0x80, s2, s14, $0xb8;
	[tilespmem:$0xA200] =	vst v63  }
0x75: {  	_ = 	snop  }
0x76: {  	[tilespmem:s8], [sflag:$0x2] =	stream.indirect.gather [hbm4b:s4+s14], $0x80, s13, s14, $0xb8;
	[tilespmem:$0xA200] =	vst v63  }
0x77: {  	_ =	swait.ge [sflag:s15], $0x5000  }
0x78: {  	[sflag:s15] =	ssyncset.done $0x0  }
0x79: {  	s0 =	rddreg [dreg:$0x8];
	[sflag:s15] =	ssyncadd.s32 $0xFFFFB000  }
0x7a: {  	[hbm4b:s0+s2] =	stream.linear.scatter [tilespmem:s12], [sflag:$0x3], $0x5000, $0x38;
	[tilespmem:$0xA200] =	vst v63  }
0x7b: {  	_ =	swait.ge [sflag:s5], $0x5000  }
0x7c: {  	[sflag:s5] =	ssyncset.done $0x0  }
0x7d: {  	[sflag:s5] =	ssyncadd.s32 $0xFFFFB000  }
0x7e: {  	_ =	swait.ge [sflag:s10], $0x5000  }
0x7f: {  	[sflag:s10] =	ssyncset.done $0x0  }
0x80: {  	s0 =	rddreg [dreg:$0x9];
	[sflag:s10] =	ssyncadd.s32 $0xFFFFB000  }
0x81: {  	[hbm4b:s0+s2] =	stream.linear.scatter [tilespmem:s8], [sflag:$0x3], $0x5000, $0x38;
	[tilespmem:$0xA200] =	vst v63  }
0x82: {  	_ =	swait.ge [sflag:s5], $0x5000  }
0x83: {  	[sflag:s5] =	ssyncset.done $0x0  }
0x84: {  	s0 =	rddreg [dreg:$0xa];
	[sflag:s5] =	ssyncadd.s32 $0xFFFFB000  }
0x85: {  	[tilespmem:s2], [sflag:$0x3] =	stream.linear.gather [hbm4b:s0+s2], $0xA0, $0x38;
	[tilespmem:$0xA200] =	vst v63  }
0x86: {  	_ =	swait.ge [sflag:s5], $0xA0  }
0x87: {  	[sflag:s5] =	ssyncset.done $0x0  }
0x88: {  	s0 =	rddreg [dreg:$0xb];
	[sflag:s5] =	ssyncadd.s32 $0xFFFFFF60  }
0x89: {  	[tilespmem:s13], [sflag:$0x3] =	stream.linear.gather [hbm4b:s0+s2], $0xA0, $0x38;
	[tilespmem:$0xA200] =	vst v63  }
0x8a: {  	_ =	swait.ge [sflag:s5], $0xA0  }
0x8b: {  	[sflag:s5] =	ssyncset.done $0x0  }
0x8c: {  	[sflag:s5] =	ssyncadd.s32 $0xFFFFFF60  }
0x8d: {  	[tilespmem:s12], [sflag:$0x1] =	stream.indirect.gather [hbm4b:s3+s14], $0x80, s2, s14, $0xb8;
	[tilespmem:$0xA200] =	vst v63  }
0x8e: {  	_ = 	snop  }
0x8f: {  	[tilespmem:s8], [sflag:$0x2] =	stream.indirect.gather [hbm4b:s4+s14], $0x80, s13, s14, $0xb8;
	[tilespmem:$0xA200] =	vst v63  }
0x90: {  	_ =	swait.ge [sflag:s15], $0x5000  }
0x91: {  	[sflag:s15] =	ssyncset.done $0x0  }
0x92: {  	s0 =	rddreg [dreg:$0xc];
	[sflag:s15] =	ssyncadd.s32 $0xFFFFB000  }
0x93: {  	[hbm4b:s0+s2] =	stream.linear.scatter [tilespmem:s12], [sflag:$0x3], $0x5000, $0x38;
	[tilespmem:$0xA200] =	vst v63  }
0x94: {  	_ =	swait.ge [sflag:s5], $0x5000  }
0x95: {  	[sflag:s5] =	ssyncset.done $0x0  }
0x96: {  	[sflag:s5] =	ssyncadd.s32 $0xFFFFB000  }
0x97: {  	_ =	swait.ge [sflag:s10], $0x5000  }
0x98: {  	[sflag:s10] =	ssyncset.done $0x0  }
0x99: {  	s0 =	rddreg [dreg:$0xd];
	[sflag:s10] =	ssyncadd.s32 $0xFFFFB000  }
0x9a: {  	[hbm4b:s0+s2] =	stream.linear.scatter [tilespmem:s8], [sflag:$0x3], $0x5000, $0x38;
	[tilespmem:$0xA200] =	vst v63  }
0x9b: {  	_ =	swait.ge [sflag:s5], $0x5000  }
0x9c: {  	[sflag:s5] =	ssyncset.done $0x0  }
0x9d: {  	s0 =	rddreg [dreg:$0xe];
	[sflag:s5] =	ssyncadd.s32 $0xFFFFB000  }
0x9e: {  	[tilespmem:s2], [sflag:$0x3] =	stream.linear.gather [hbm4b:s0+s2], $0xA0, $0x38;
	[tilespmem:$0xA200] =	vst v63  }
0x9f: {  	_ =	swait.ge [sflag:s5], $0xA0  }
0xa0: {  	[sflag:s5] =	ssyncset.done $0x0  }
0xa1: {  	s0 =	rddreg [dreg:$0xf];
	[sflag:s5] =	ssyncadd.s32 $0xFFFFFF60  }
0xa2: {  	[tilespmem:s13], [sflag:$0x3] =	stream.linear.gather [hbm4b:s0+s2], $0xA0, $0x38;
	[tilespmem:$0xA200] =	vst v63  }
0xa3: {  	_ =	swait.ge [sflag:s5], $0xA0  }
0xa4: {  	[sflag:s5] =	ssyncset.done $0x0  }
0xa5: {  	[sflag:s5] =	ssyncadd.s32 $0xFFFFFF60  }
0xa6: {  	[tilespmem:s12], [sflag:$0x1] =	stream.indirect.gather [hbm4b:s3+s14], $0x80, s2, s14, $0xb8;
	[tilespmem:$0xA200] =	vst v63  }
0xa7: {  	_ = 	snop  }
0xa8: {  	[tilespmem:s8], [sflag:$0x2] =	stream.indirect.gather [hbm4b:s4+s14], $0x80, s13, s14, $0xb8;
	[tilespmem:$0xA200] =	vst v63  }
0xa9: {  	_ =	swait.ge [sflag:s15], $0x5000  }
0xaa: {  	[sflag:s15] =	ssyncset.done $0x0  }
0xab: {  	s0 =	rddreg [dreg:$0x10];
	[sflag:s15] =	ssyncadd.s32 $0xFFFFB000  }
0xac: {  	[hbm4b:s0+s2] =	stream.linear.scatter [tilespmem:s12], [sflag:$0x3], $0x5000, $0x38;
	[tilespmem:$0xA200] =	vst v63  }
0xad: {  	_ =	swait.ge [sflag:s5], $0x5000  }
0xae: {  	[sflag:s5] =	ssyncset.done $0x0  }
0xaf: {  	[sflag:s5] =	ssyncadd.s32 $0xFFFFB000  }
0xb0: {  	_ =	swait.ge [sflag:s10], $0x5000  }
0xb1: {  	[sflag:s10] =	ssyncset.done $0x0  }
0xb2: {  	s0 =	rddreg [dreg:$0x11];
	[sflag:s10] =	ssyncadd.s32 $0xFFFFB000  }
0xb3: {  	[hbm4b:s0+s2] =	stream.linear.scatter [tilespmem:s8], [sflag:$0x3], $0x5000, $0x38;
	[tilespmem:$0xA200] =	vst v63  }
0xb4: {  	_ =	swait.ge [sflag:s5], $0x5000  }
0xb5: {  	[sflag:s5] =	ssyncset.done $0x0  }
0xb6: {  	s0 =	rddreg [dreg:$0x12];
	[sflag:s5] =	ssyncadd.s32 $0xFFFFB000  }
0xb7: {  	[tilespmem:s2], [sflag:$0x3] =	stream.linear.gather [hbm4b:s0+s2], $0xA0, $0x38;
	[tilespmem:$0xA200] =	vst v63  }
0xb8: {  	_ =	swait.ge [sflag:s5], $0xA0  }
0xb9: {  	[sflag:s5] =	ssyncset.done $0x0  }
0xba: {  	s0 =	rddreg [dreg:$0x13];
	[sflag:s5] =	ssyncadd.s32 $0xFFFFFF60  }
0xbb: {  	[tilespmem:s13], [sflag:$0x3] =	stream.linear.gather [hbm4b:s0+s2], $0xA0, $0x38;
	[tilespmem:$0xA200] =	vst v63  }
0xbc: {  	_ =	swait.ge [sflag:s5], $0xA0  }
0xbd: {  	[sflag:s5] =	ssyncset.done $0x0  }
0xbe: {  	[sflag:s5] =	ssyncadd.s32 $0xFFFFFF60  }
0xbf: {  	[tilespmem:s12], [sflag:$0x1] =	stream.indirect.gather [hbm4b:s3+s14], $0x80, s2, s14, $0xb8;
	[tilespmem:$0xA200] =	vst v63  }
0xc0: {  	_ = 	snop  }
0xc1: {  	[tilespmem:s8], [sflag:$0x2] =	stream.indirect.gather [hbm4b:s4+s14], $0x80, s13, s14, $0xb8;
	[tilespmem:$0xA200] =	vst v63  }
0xc2: {  	_ =	swait.ge [sflag:s15], $0x5000  }
0xc3: {  	[sflag:s15] =	ssyncset.done $0x0  }
0xc4: {  	s0 =	rddreg [dreg:$0x14];
	[sflag:s15] =	ssyncadd.s32 $0xFFFFB000  }
0xc5: {  	[hbm4b:s0+s2] =	stream.linear.scatter [tilespmem:s12], [sflag:$0x3], $0x5000, $0x38;
	[tilespmem:$0xA200] =	vst v63  }
0xc6: {  	_ =	swait.ge [sflag:s5], $0x5000  }
0xc7: {  	[sflag:s5] =	ssyncset.done $0x0  }
0xc8: {  	[sflag:s5] =	ssyncadd.s32 $0xFFFFB000  }
0xc9: {  	_ =	swait.ge [sflag:s10], $0x5000  }
0xca: {  	[sflag:s10] =	ssyncset.done $0x0  }
0xcb: {  	s0 =	rddreg [dreg:$0x15];
	[sflag:s10] =	ssyncadd.s32 $0xFFFFB000  }
0xcc: {  	[hbm4b:s0+s2] =	stream.linear.scatter [tilespmem:s8], [sflag:$0x3], $0x5000, $0x38;
	[tilespmem:$0xA200] =	vst v63  }
0xcd: {  	_ =	swait.ge [sflag:s5], $0x5000  }
0xce: {  	[sflag:s5] =	ssyncset.done $0x0  }
0xcf: {  	s0 =	rddreg [dreg:$0x16];
	[sflag:s5] =	ssyncadd.s32 $0xFFFFB000  }
0xd0: {  	[tilespmem:s2], [sflag:$0x3] =	stream.linear.gather [hbm4b:s0+s2], $0xA0, $0x38;
	[tilespmem:$0xA200] =	vst v63  }
0xd1: {  	_ =	swait.ge [sflag:s5], $0xA0  }
0xd2: {  	[sflag:s5] =	ssyncset.done $0x0  }
0xd3: {  	s0 =	rddreg [dreg:$0x17];
	[sflag:s5] =	ssyncadd.s32 $0xFFFFFF60  }
0xd4: {  	[tilespmem:s13], [sflag:$0x3] =	stream.linear.gather [hbm4b:s0+s2], $0xA0, $0x38;
	[tilespmem:$0xA200] =	vst v63  }
0xd5: {  	_ =	swait.ge [sflag:s5], $0xA0  }
0xd6: {  	[sflag:s5] =	ssyncset.done $0x0  }
0xd7: {  	[sflag:s5] =	ssyncadd.s32 $0xFFFFFF60  }
0xd8: {  	[tilespmem:s12], [sflag:$0x1] =	stream.indirect.gather [hbm4b:s3+s14], $0x80, s2, s14, $0xb8;
	[tilespmem:$0xA200] =	vst v63  }
0xd9: {  	_ = 	snop  }
0xda: {  	[tilespmem:s8], [sflag:$0x2] =	stream.indirect.gather [hbm4b:s4+s14], $0x80, s13, s14, $0xb8;
	[tilespmem:$0xA200] =	vst v63  }
0xdb: {  	_ =	swait.ge [sflag:s15], $0x5000  }
0xdc: {  	[sflag:s15] =	ssyncset.done $0x0  }
0xdd: {  	s0 =	rddreg [dreg:$0x18];
	[sflag:s15] =	ssyncadd.s32 $0xFFFFB000  }
0xde: {  	[hbm4b:s0+s2] =	stream.linear.scatter [tilespmem:s12], [sflag:$0x3], $0x5000, $0x38;
	[tilespmem:$0xA200] =	vst v63  }
0xdf: {  	_ =	swait.ge [sflag:s5], $0x5000  }
0xe0: {  	[sflag:s5] =	ssyncset.done $0x0  }
0xe1: {  	[sflag:s5] =	ssyncadd.s32 $0xFFFFB000  }
0xe2: {  	_ =	swait.ge [sflag:s10], $0x5000  }
0xe3: {  	[sflag:s10] =	ssyncset.done $0x0  }
0xe4: {  	s0 =	rddreg [dreg:$0x19];
	[sflag:s10] =	ssyncadd.s32 $0xFFFFB000  }
0xe5: {  	[hbm4b:s0+s2] =	stream.linear.scatter [tilespmem:s8], [sflag:$0x3], $0x5000, $0x38;
	[tilespmem:$0xA200] =	vst v63  }
0xe6: {  	_ =	swait.ge [sflag:s5], $0x5000  }
0xe7: {  	[sflag:s5] =	ssyncset.done $0x0  }
0xe8: {  	s0 =	rddreg [dreg:$0x1a];
	[sflag:s5] =	ssyncadd.s32 $0xFFFFB000  }
0xe9: {  	[tilespmem:s2], [sflag:$0x3] =	stream.linear.gather [hbm4b:s0+s2], $0xA0, $0x38;
	[tilespmem:$0xA200] =	vst v63  }
0xea: {  	_ =	swait.ge [sflag:s5], $0xA0  }
0xeb: {  	[sflag:s5] =	ssyncset.done $0x0  }
0xec: {  	s0 =	rddreg [dreg:$0x1b];
	[sflag:s5] =	ssyncadd.s32 $0xFFFFFF60  }
0xed: {  	[tilespmem:s13], [sflag:$0x3] =	stream.linear.gather [hbm4b:s0+s2], $0xA0, $0x38;
	[tilespmem:$0xA200] =	vst v63  }
0xee: {  	_ =	swait.ge [sflag:s5], $0xA0  }
0xef: {  	[sflag:s5] =	ssyncset.done $0x0  }
0xf0: {  	[sflag:s5] =	ssyncadd.s32 $0xFFFFFF60  }
0xf1: {  	[tilespmem:s12], [sflag:$0x1] =	stream.indirect.gather [hbm4b:s3+s14], $0x80, s2, s14, $0xb8;
	[tilespmem:$0xA200] =	vst v63  }
0xf2: {  	_ = 	snop  }
0xf3: {  	[tilespmem:s8], [sflag:$0x2] =	stream.indirect.gather [hbm4b:s4+s14], $0x80, s13, s14, $0xb8;
	[tilespmem:$0xA200] =	vst v63  }
0xf4: {  	_ =	swait.ge [sflag:s15], $0x5000  }
0xf5: {  	[sflag:s15] =	ssyncset.done $0x0  }
0xf6: {  	s0 =	rddreg [dreg:$0x1c];
	[sflag:s15] =	ssyncadd.s32 $0xFFFFB000  }
0xf7: {  	[hbm4b:s0+s2] =	stream.linear.scatter [tilespmem:s12], [sflag:$0x3], $0x5000, $0x38;
	[tilespmem:$0xA200] =	vst v63  }
0xf8: {  	_ =	swait.ge [sflag:s5], $0x5000  }
0xf9: {  	[sflag:s5] =	ssyncset.done $0x0  }
0xfa: {  	[sflag:s5] =	ssyncadd.s32 $0xFFFFB000  }
0xfb: {  	_ =	swait.ge [sflag:s10], $0x5000  }
0xfc: {  	[sflag:s10] =	ssyncset.done $0x0  }
0xfd: {  	s0 =	rddreg [dreg:$0x1d];
	[sflag:s10] =	ssyncadd.s32 $0xFFFFB000  }
0xfe: {  	[hbm4b:s0+s2] =	stream.linear.scatter [tilespmem:s8], [sflag:$0x3], $0x5000, $0x38;
	[tilespmem:$0xA200] =	vst v63  }
0xff: {  	_ =	swait.ge [sflag:s5], $0x5000  }
0x100: {  	[sflag:s5] =	ssyncset.done $0x0  }
0x101: {  	s0 =	rddreg [dreg:$0x1e];
	[sflag:s5] =	ssyncadd.s32 $0xFFFFB000  }
0x102: {  	[tilespmem:s2], [sflag:$0x3] =	stream.linear.gather [hbm4b:s0+s2], $0xA0, $0x38;
	[tilespmem:$0xA200] =	vst v63  }
0x103: {  	_ =	swait.ge [sflag:s5], $0xA0  }
0x104: {  	[sflag:s5] =	ssyncset.done $0x0  }
0x105: {  	s0 =	rddreg [dreg:$0x1f];
	[sflag:s5] =	ssyncadd.s32 $0xFFFFFF60  }
0x106: {  	[tilespmem:s13], [sflag:$0x3] =	stream.linear.gather [hbm4b:s0+s2], $0xA0, $0x38;
	[tilespmem:$0xA200] =	vst v63  }
0x107: {  	_ =	swait.ge [sflag:s5], $0xA0  }
0x108: {  	[sflag:s5] =	ssyncset.done $0x0  }
0x109: {  	[sflag:s5] =	ssyncadd.s32 $0xFFFFFF60  }
0x10a: {  	[tilespmem:s12], [sflag:$0x1] =	stream.indirect.gather [hbm4b:s3+s14], $0x80, s2, s14, $0xb8;
	[tilespmem:$0xA200] =	vst v63  }
0x10b: {  	_ = 	snop  }
0x10c: {  	[tilespmem:s8], [sflag:$0x2] =	stream.indirect.gather [hbm4b:s4+s14], $0x80, s13, s14, $0xb8;
	[tilespmem:$0xA200] =	vst v63  }
0x10d: {  	_ =	swait.ge [sflag:s15], $0x5000  }
0x10e: {  	s0 =	sld [smem:$0x7DF]  }
0x10f: {  	[sflag:s15] =	ssyncset.done $0x0  }
0x110: {  	[sflag:s15] =	ssyncadd.s32 $0xFFFFB000  }
0x111: {  	[hbm4b:s0+s2] =	stream.linear.scatter [tilespmem:s12], [sflag:$0x3], $0x5000, $0x38;
	[tilespmem:$0xA200] =	vst v63  }
0x112: {  	_ =	swait.ge [sflag:s5], $0x5000  }
0x113: {  	[sflag:s5] =	ssyncset.done $0x0  }
0x114: {  	[sflag:s5] =	ssyncadd.s32 $0xFFFFB000  }
0x115: {  	_ =	swait.ge [sflag:s10], $0x5000  }
0x116: {  	s0 =	sld [smem:$0x7E0]  }
0x117: {  	[sflag:s10] =	ssyncset.done $0x0  }
0x118: {  	[sflag:s10] =	ssyncadd.s32 $0xFFFFB000  }
0x119: {  	[hbm4b:s0+s2] =	stream.linear.scatter [tilespmem:s8], [sflag:$0x3], $0x5000, $0x38;
	[tilespmem:$0xA200] =	vst v63  }
0x11a: {  	_ =	swait.ge [sflag:s5], $0x5000  }
0x11b: {  	s0 =	sld [smem:$0x7E1]  }
0x11c: {  	[sflag:s5] =	ssyncset.done $0x0  }
0x11d: {  	[sflag:s5] =	ssyncadd.s32 $0xFFFFB000  }
0x11e: {  	[tilespmem:s2], [sflag:$0x3] =	stream.linear.gather [hbm4b:s0+s2], $0xA0, $0x38;
	[tilespmem:$0xA200] =	vst v63  }
0x11f: {  	_ =	swait.ge [sflag:s5], $0xA0  }
0x120: {  	s0 =	sld [smem:$0x7E2]  }
0x121: {  	[sflag:s5] =	ssyncset.done $0x0  }
0x122: {  	[sflag:s5] =	ssyncadd.s32 $0xFFFFFF60  }
0x123: {  	[tilespmem:s13], [sflag:$0x3] =	stream.linear.gather [hbm4b:s0+s2], $0xA0, $0x38;
	[tilespmem:$0xA200] =	vst v63  }
0x124: {  	_ =	swait.ge [sflag:s5], $0xA0  }
0x125: {  	[sflag:s5] =	ssyncset.done $0x0  }
0x126: {  	[sflag:s5] =	ssyncadd.s32 $0xFFFFFF60  }
0x127: {  	[tilespmem:s12], [sflag:$0x1] =	stream.indirect.gather [hbm4b:s3+s14], $0x80, s2, s14, $0xb8;
	[tilespmem:$0xA200] =	vst v63  }
0x128: {  	_ = 	snop  }
0x129: {  	[tilespmem:s8], [sflag:$0x2] =	stream.indirect.gather [hbm4b:s4+s14], $0x80, s13, s14, $0xb8;
	[tilespmem:$0xA200] =	vst v63  }
0x12a: {  	_ =	swait.ge [sflag:s15], $0x5000  }
0x12b: {  	s0 =	sld [smem:$0x7E3]  }
0x12c: {  	[sflag:s15] =	ssyncset.done $0x0  }
0x12d: {  	[sflag:s15] =	ssyncadd.s32 $0xFFFFB000  }
0x12e: {  	[hbm4b:s0+s2] =	stream.linear.scatter [tilespmem:s12], [sflag:$0x3], $0x5000, $0x38;
	[tilespmem:$0xA200] =	vst v63  }
0x12f: {  	_ =	swait.ge [sflag:s5], $0x5000  }
0x130: {  	[sflag:s5] =	ssyncset.done $0x0  }
0x131: {  	[sflag:s5] =	ssyncadd.s32 $0xFFFFB000  }
0x132: {  	_ =	swait.ge [sflag:s10], $0x5000  }
0x133: {  	s0 =	sld [smem:$0x7E4]  }
0x134: {  	[sflag:s10] =	ssyncset.done $0x0  }
0x135: {  	[sflag:s10] =	ssyncadd.s32 $0xFFFFB000  }
0x136: {  	[hbm4b:s0+s2] =	stream.linear.scatter [tilespmem:s8], [sflag:$0x3], $0x5000, $0x38;
	[tilespmem:$0xA200] =	vst v63  }
0x137: {  	_ =	swait.ge [sflag:s5], $0x5000  }
0x138: {  	s0 =	sld [smem:$0x7E5]  }
0x139: {  	[sflag:s5] =	ssyncset.done $0x0  }
0x13a: {  	[sflag:s5] =	ssyncadd.s32 $0xFFFFB000  }
0x13b: {  	[tilespmem:s2], [sflag:$0x3] =	stream.linear.gather [hbm4b:s0+s2], $0xA0, $0x38;
	[tilespmem:$0xA200] =	vst v63  }
0x13c: {  	_ =	swait.ge [sflag:s5], $0xA0  }
0x13d: {  	s0 =	sld [smem:$0x7E6]  }
0x13e: {  	[sflag:s5] =	ssyncset.done $0x0  }
0x13f: {  	[sflag:s5] =	ssyncadd.s32 $0xFFFFFF60  }
0x140: {  	[tilespmem:s13], [sflag:$0x3] =	stream.linear.gather [hbm4b:s0+s2], $0xA0, $0x38;
	[tilespmem:$0xA200] =	vst v63  }
0x141: {  	_ =	swait.ge [sflag:s5], $0xA0  }
0x142: {  	[sflag:s5] =	ssyncset.done $0x0  }
0x143: {  	[sflag:s5] =	ssyncadd.s32 $0xFFFFFF60  }
0x144: {  	[tilespmem:s12], [sflag:$0x1] =	stream.indirect.gather [hbm4b:s3+s14], $0x80, s2, s14, $0xb8;
	[tilespmem:$0xA200] =	vst v63  }
0x145: {  	_ = 	snop  }
0x146: {  	[tilespmem:s8], [sflag:$0x2] =	stream.indirect.gather [hbm4b:s4+s14], $0x80, s13, s14, $0xb8;
	[tilespmem:$0xA200] =	vst v63  }
0x147: {  	_ =	swait.ge [sflag:s15], $0x5000  }
0x148: {  	s0 =	sld [smem:$0x7E7]  }
0x149: {  	[sflag:s15] =	ssyncset.done $0x0  }
0x14a: {  	[sflag:s15] =	ssyncadd.s32 $0xFFFFB000  }
0x14b: {  	[hbm4b:s0+s2] =	stream.linear.scatter [tilespmem:s12], [sflag:$0x3], $0x5000, $0x38;
	[tilespmem:$0xA200] =	vst v63  }
0x14c: {  	_ =	swait.ge [sflag:s5], $0x5000  }
0x14d: {  	[sflag:s5] =	ssyncset.done $0x0  }
0x14e: {  	[sflag:s5] =	ssyncadd.s32 $0xFFFFB000  }
0x14f: {  	_ =	swait.ge [sflag:s10], $0x5000  }
0x150: {  	s0 =	sld [smem:$0x7E8]  }
0x151: {  	[sflag:s10] =	ssyncset.done $0x0  }
0x152: {  	[sflag:s10] =	ssyncadd.s32 $0xFFFFB000  }
0x153: {  	[hbm4b:s0+s2] =	stream.linear.scatter [tilespmem:s8], [sflag:$0x3], $0x5000, $0x38;
	[tilespmem:$0xA200] =	vst v63  }
0x154: {  	_ =	swait.ge [sflag:s5], $0x5000  }
0x155: {  	s0 =	sld [smem:$0x7E9]  }
0x156: {  	[sflag:s5] =	ssyncset.done $0x0  }
0x157: {  	[sflag:s5] =	ssyncadd.s32 $0xFFFFB000  }
0x158: {  	[tilespmem:s2], [sflag:$0x3] =	stream.linear.gather [hbm4b:s0+s2], $0xA0, $0x38;
	[tilespmem:$0xA200] =	vst v63  }
0x159: {  	_ =	swait.ge [sflag:s5], $0xA0  }
0x15a: {  	s0 =	sld [smem:$0x7EA]  }
0x15b: {  	[sflag:s5] =	ssyncset.done $0x0  }
0x15c: {  	[sflag:s5] =	ssyncadd.s32 $0xFFFFFF60  }
0x15d: {  	[tilespmem:s13], [sflag:$0x3] =	stream.linear.gather [hbm4b:s0+s2], $0xA0, $0x38;
	[tilespmem:$0xA200] =	vst v63  }
0x15e: {  	_ =	swait.ge [sflag:s5], $0xA0  }
0x15f: {  	[sflag:s5] =	ssyncset.done $0x0  }
0x160: {  	[sflag:s5] =	ssyncadd.s32 $0xFFFFFF60  }
0x161: {  	[tilespmem:s12], [sflag:$0x1] =	stream.indirect.gather [hbm4b:s3+s14], $0x80, s2, s14, $0xb8;
	[tilespmem:$0xA200] =	vst v63  }
0x162: {  	_ = 	snop  }
0x163: {  	[tilespmem:s8], [sflag:$0x2] =	stream.indirect.gather [hbm4b:s4+s14], $0x80, s13, s14, $0xb8;
	[tilespmem:$0xA200] =	vst v63  }
0x164: {  	_ =	swait.ge [sflag:s15], $0x5000  }
0x165: {  	s0 =	sld [smem:$0x7EB]  }
0x166: {  	[sflag:s15] =	ssyncset.done $0x0  }
0x167: {  	[sflag:s15] =	ssyncadd.s32 $0xFFFFB000  }
0x168: {  	[hbm4b:s0+s2] =	stream.linear.scatter [tilespmem:s12], [sflag:$0x3], $0x5000, $0x38;
	[tilespmem:$0xA200] =	vst v63  }
0x169: {  	_ =	swait.ge [sflag:s5], $0x5000  }
0x16a: {  	[sflag:s5] =	ssyncset.done $0x0  }
0x16b: {  	[sflag:s5] =	ssyncadd.s32 $0xFFFFB000  }
0x16c: {  	_ =	swait.ge [sflag:s10], $0x5000  }
0x16d: {  	s0 =	sld [smem:$0x7EC]  }
0x16e: {  	[sflag:s10] =	ssyncset.done $0x0  }
0x16f: {  	[sflag:s10] =	ssyncadd.s32 $0xFFFFB000  }
0x170: {  	[hbm4b:s0+s2] =	stream.linear.scatter [tilespmem:s8], [sflag:$0x3], $0x5000, $0x38;
	[tilespmem:$0xA200] =	vst v63  }
0x171: {  	_ =	swait.ge [sflag:s5], $0x5000  }
0x172: {  	s0 =	sld [smem:$0x7ED]  }
0x173: {  	[sflag:s5] =	ssyncset.done $0x0  }
0x174: {  	[sflag:s5] =	ssyncadd.s32 $0xFFFFB000  }
0x175: {  	[tilespmem:s2], [sflag:$0x3] =	stream.linear.gather [hbm4b:s0+s2], $0xA0, $0x38;
	[tilespmem:$0xA200] =	vst v63  }
0x176: {  	_ =	swait.ge [sflag:s5], $0xA0  }
0x177: {  	s0 =	sld [smem:$0x7EE]  }
0x178: {  	[sflag:s5] =	ssyncset.done $0x0  }
0x179: {  	[sflag:s5] =	ssyncadd.s32 $0xFFFFFF60  }
0x17a: {  	[tilespmem:s13], [sflag:$0x3] =	stream.linear.gather [hbm4b:s0+s2], $0xA0, $0x38;
	[tilespmem:$0xA200] =	vst v63  }
0x17b: {  	_ =	swait.ge [sflag:s5], $0xA0  }
0x17c: {  	[sflag:s5] =	ssyncset.done $0x0  }
0x17d: {  	[sflag:s5] =	ssyncadd.s32 $0xFFFFFF60  }
0x17e: {  	[tilespmem:s12], [sflag:$0x1] =	stream.indirect.gather [hbm4b:s3+s14], $0x80, s2, s14, $0xb8;
	[tilespmem:$0xA200] =	vst v63  }
0x17f: {  	_ = 	snop  }
0x180: {  	[tilespmem:s8], [sflag:$0x2] =	stream.indirect.gather [hbm4b:s4+s14], $0x80, s13, s14, $0xb8;
	[tilespmem:$0xA200] =	vst v63  }
0x181: {  	_ =	swait.ge [sflag:s15], $0x5000  }
0x182: {  	s0 =	sld [smem:$0x7EF]  }
0x183: {  	[sflag:s15] =	ssyncset.done $0x0  }
0x184: {  	[sflag:s15] =	ssyncadd.s32 $0xFFFFB000  }
0x185: {  	[hbm4b:s0+s2] =	stream.linear.scatter [tilespmem:s12], [sflag:$0x3], $0x5000, $0x38;
	[tilespmem:$0xA200] =	vst v63  }
0x186: {  	_ =	swait.ge [sflag:s5], $0x5000  }
0x187: {  	[sflag:s5] =	ssyncset.done $0x0  }
0x188: {  	[sflag:s5] =	ssyncadd.s32 $0xFFFFB000  }
0x189: {  	_ =	swait.ge [sflag:s10], $0x5000  }
0x18a: {  	s0 =	sld [smem:$0x7F0]  }
0x18b: {  	[sflag:s10] =	ssyncset.done $0x0  }
0x18c: {  	[sflag:s10] =	ssyncadd.s32 $0xFFFFB000  }
0x18d: {  	[hbm4b:s0+s2] =	stream.linear.scatter [tilespmem:s8], [sflag:$0x3], $0x5000, $0x38;
	[tilespmem:$0xA200] =	vst v63  }
0x18e: {  	_ =	swait.ge [sflag:s5], $0x5000  }
0x18f: {  	s0 =	sld [smem:$0x7F1]  }
0x190: {  	[sflag:s5] =	ssyncset.done $0x0  }
0x191: {  	[sflag:s5] =	ssyncadd.s32 $0xFFFFB000  }
0x192: {  	[tilespmem:s2], [sflag:$0x3] =	stream.linear.gather [hbm4b:s0+s2], $0xA0, $0x38;
	[tilespmem:$0xA200] =	vst v63  }
0x193: {  	_ =	swait.ge [sflag:s5], $0xA0  }
0x194: {  	s0 =	sld [smem:$0x7F2]  }
0x195: {  	[sflag:s5] =	ssyncset.done $0x0  }
0x196: {  	[sflag:s5] =	ssyncadd.s32 $0xFFFFFF60  }
0x197: {  	[tilespmem:s13], [sflag:$0x3] =	stream.linear.gather [hbm4b:s0+s2], $0xA0, $0x38;
	[tilespmem:$0xA200] =	vst v63  }
0x198: {  	_ =	swait.ge [sflag:s5], $0xA0  }
0x199: {  	[sflag:s5] =	ssyncset.done $0x0  }
0x19a: {  	[sflag:s5] =	ssyncadd.s32 $0xFFFFFF60  }
0x19b: {  	[tilespmem:s12], [sflag:$0x1] =	stream.indirect.gather [hbm4b:s3+s14], $0x80, s2, s14, $0xb8;
	[tilespmem:$0xA200] =	vst v63  }
0x19c: {  	_ = 	snop  }
0x19d: {  	[tilespmem:s8], [sflag:$0x2] =	stream.indirect.gather [hbm4b:s4+s14], $0x80, s13, s14, $0xb8;
	[tilespmem:$0xA200] =	vst v63  }
0x19e: {  	_ =	swait.ge [sflag:s15], $0x5000  }
0x19f: {  	s0 =	sld [smem:$0x7F3]  }
0x1a0: {  	[sflag:s15] =	ssyncset.done $0x0  }
0x1a1: {  	[sflag:s15] =	ssyncadd.s32 $0xFFFFB000  }
0x1a2: {  	[hbm4b:s0+s2] =	stream.linear.scatter [tilespmem:s12], [sflag:$0x3], $0x5000, $0x38;
	[tilespmem:$0xA200] =	vst v63  }
0x1a3: {  	_ =	swait.ge [sflag:s5], $0x5000  }
0x1a4: {  	[sflag:s5] =	ssyncset.done $0x0  }
0x1a5: {  	[sflag:s5] =	ssyncadd.s32 $0xFFFFB000  }
0x1a6: {  	_ =	swait.ge [sflag:s10], $0x5000  }
0x1a7: {  	s0 =	sld [smem:$0x7F4]  }
0x1a8: {  	[sflag:s10] =	ssyncset.done $0x0  }
0x1a9: {  	[sflag:s10] =	ssyncadd.s32 $0xFFFFB000  }
0x1aa: {  	[hbm4b:s0+s2] =	stream.linear.scatter [tilespmem:s8], [sflag:$0x3], $0x5000, $0x38;
	[tilespmem:$0xA200] =	vst v63  }
0x1ab: {  	_ =	swait.ge [sflag:s5], $0x5000  }
0x1ac: {  	s0 =	sld [smem:$0x7F5]  }
0x1ad: {  	[sflag:s5] =	ssyncset.done $0x0  }
0x1ae: {  	[sflag:s5] =	ssyncadd.s32 $0xFFFFB000  }
0x1af: {  	[tilespmem:s2], [sflag:$0x3] =	stream.linear.gather [hbm4b:s0+s2], $0xA0, $0x38;
	[tilespmem:$0xA200] =	vst v63  }
0x1b0: {  	_ =	swait.ge [sflag:s5], $0xA0  }
0x1b1: {  	s0 =	sld [smem:$0x7F6]  }
0x1b2: {  	[sflag:s5] =	ssyncset.done $0x0  }
0x1b3: {  	[sflag:s5] =	ssyncadd.s32 $0xFFFFFF60  }
0x1b4: {  	[tilespmem:s13], [sflag:$0x3] =	stream.linear.gather [hbm4b:s0+s2], $0xA0, $0x38;
	[tilespmem:$0xA200] =	vst v63  }
0x1b5: {  	_ =	swait.ge [sflag:s5], $0xA0  }
0x1b6: {  	[sflag:s5] =	ssyncset.done $0x0  }
0x1b7: {  	[sflag:s5] =	ssyncadd.s32 $0xFFFFFF60  }
0x1b8: {  	[tilespmem:s12], [sflag:$0x1] =	stream.indirect.gather [hbm4b:s3+s14], $0x80, s2, s14, $0xb8;
	[tilespmem:$0xA200] =	vst v63  }
0x1b9: {  	_ = 	snop  }
0x1ba: {  	[tilespmem:s8], [sflag:$0x2] =	stream.indirect.gather [hbm4b:s4+s14], $0x80, s13, s14, $0xb8;
	[tilespmem:$0xA200] =	vst v63  }
0x1bb: {  	_ =	swait.ge [sflag:s15], $0x5000  }
0x1bc: {  	s0 =	sld [smem:$0x7F7]  }
0x1bd: {  	[sflag:s15] =	ssyncset.done $0x0  }
0x1be: {  	[sflag:s15] =	ssyncadd.s32 $0xFFFFB000  }
0x1bf: {  	[hbm4b:s0+s2] =	stream.linear.scatter [tilespmem:s12], [sflag:$0x3], $0x5000, $0x38;
	[tilespmem:$0xA200] =	vst v63  }
0x1c0: {  	_ =	swait.ge [sflag:s5], $0x5000  }
0x1c1: {  	[sflag:s5] =	ssyncset.done $0x0  }
0x1c2: {  	[sflag:s5] =	ssyncadd.s32 $0xFFFFB000  }
0x1c3: {  	_ =	swait.ge [sflag:s10], $0x5000  }
0x1c4: {  	s0 =	sld [smem:$0x7F8]  }
0x1c5: {  	[sflag:s10] =	ssyncset.done $0x0  }
0x1c6: {  	[sflag:s10] =	ssyncadd.s32 $0xFFFFB000  }
0x1c7: {  	[hbm4b:s0+s2] =	stream.linear.scatter [tilespmem:s8], [sflag:$0x3], $0x5000, $0x38;
	[tilespmem:$0xA200] =	vst v63  }
0x1c8: {  	_ =	swait.ge [sflag:s5], $0x5000  }
0x1c9: {  	s0 =	sld [smem:$0x7F9]  }
0x1ca: {  	[sflag:s5] =	ssyncset.done $0x0  }
0x1cb: {  	[sflag:s5] =	ssyncadd.s32 $0xFFFFB000  }
0x1cc: {  	[tilespmem:s2], [sflag:$0x3] =	stream.linear.gather [hbm4b:s0+s2], $0xA0, $0x38;
	[tilespmem:$0xA200] =	vst v63  }
0x1cd: {  	_ =	swait.ge [sflag:s5], $0xA0  }
0x1ce: {  	s0 =	sld [smem:$0x7FA]  }
0x1cf: {  	[sflag:s5] =	ssyncset.done $0x0  }
0x1d0: {  	[sflag:s5] =	ssyncadd.s32 $0xFFFFFF60  }
0x1d1: {  	[tilespmem:s13], [sflag:$0x3] =	stream.linear.gather [hbm4b:s0+s2], $0xA0, $0x38;
	[tilespmem:$0xA200] =	vst v63  }
0x1d2: {  	_ =	swait.ge [sflag:s5], $0xA0  }
0x1d3: {  	[sflag:s5] =	ssyncset.done $0x0  }
0x1d4: {  	[sflag:s5] =	ssyncadd.s32 $0xFFFFFF60  }
0x1d5: {  	[tilespmem:s12], [sflag:$0x1] =	stream.indirect.gather [hbm4b:s3+s14], $0x80, s2, s14, $0xb8;
	[tilespmem:$0xA200] =	vst v63  }
0x1d6: {  	_ = 	snop  }
0x1d7: {  	[tilespmem:s8], [sflag:$0x2] =	stream.indirect.gather [hbm4b:s4+s14], $0x80, s13, s14, $0xb8;
	[tilespmem:$0xA200] =	vst v63  }
0x1d8: {  	_ =	swait.ge [sflag:s15], $0x5000  }
0x1d9: {  	s0 =	sld [smem:$0x7FB]  }
0x1da: {  	[sflag:s15] =	ssyncset.done $0x0  }
0x1db: {  	[sflag:s15] =	ssyncadd.s32 $0xFFFFB000  }
0x1dc: {  	[hbm4b:s0+s2] =	stream.linear.scatter [tilespmem:s12], [sflag:$0x3], $0x5000, $0x38;
	[tilespmem:$0xA200] =	vst v63  }
0x1dd: {  	_ =	swait.ge [sflag:s5], $0x5000  }
0x1de: {  	[sflag:s5] =	ssyncset.done $0x0  }
0x1df: {  	[sflag:s5] =	ssyncadd.s32 $0xFFFFB000  }
0x1e0: {  	_ =	swait.ge [sflag:s10], $0x5000  }
0x1e1: {  	s0 =	sld [smem:$0x7FC]  }
0x1e2: {  	[sflag:s10] =	ssyncset.done $0x0  }
0x1e3: {  	[sflag:s10] =	ssyncadd.s32 $0xFFFFB000  }
0x1e4: {  	[hbm4b:s0+s2] =	stream.linear.scatter [tilespmem:s8], [sflag:$0x3], $0x5000, $0x38;
	[tilespmem:$0xA200] =	vst v63  }
0x1e5: {  	_ =	swait.ge [sflag:s5], $0x5000  }
0x1e6: {  	s0 =	sld [smem:$0x7FD]  }
0x1e7: {  	[sflag:s5] =	ssyncset.done $0x0  }
0x1e8: {  	[sflag:s5] =	ssyncadd.s32 $0xFFFFB000  }
0x1e9: {  	[tilespmem:s2], [sflag:$0x3] =	stream.linear.gather [hbm4b:s0+s2], $0xA0, $0x38;
	[tilespmem:$0xA200] =	vst v63  }
0x1ea: {  	_ =	swait.ge [sflag:s5], $0xA0  }
0x1eb: {  	[sflag:s5] =	ssyncset.done $0x0  }
0x1ec: {  	[sflag:s5] =	ssyncadd.s32 $0xFFFFFF60  }
0x1ed: {  	[tilespmem:s13], [sflag:$0x3] =	stream.linear.gather [hbm4b:s31+s2], $0xA0, $0x38;
	[tilespmem:$0xA200] =	vst v63  }
0x1ee: {  	_ =	swait.ge [sflag:s5], $0xA0  }
0x1ef: {  	[sflag:s5] =	ssyncset.done $0x0  }
0x1f0: {  	[sflag:s5] =	ssyncadd.s32 $0xFFFFFF60  }
0x1f1: {  	[tilespmem:s12], [sflag:$0x1] =	stream.indirect.gather [hbm4b:s3+s14], $0x80, s2, s14, $0xb8;
	[tilespmem:$0xA200] =	vst v63  }
0x1f2: {  	_ = 	snop  }
0x1f3: {  	[tilespmem:s8], [sflag:$0x2] =	stream.indirect.gather [hbm4b:s4+s14], $0x80, s13, s14, $0xb8;
	[tilespmem:$0xA200] =	vst v63  }
0x1f4: {  	_ =	swait.ge [sflag:s15], $0x5000  }
0x1f5: {  	[sflag:s15] =	ssyncset.done $0x0  }
0x1f6: {  	[sflag:s15] =	ssyncadd.s32 $0xFFFFB000  }
0x1f7: {  	[hbm4b:s30+s2] =	stream.linear.scatter [tilespmem:s12], [sflag:$0x3], $0x5000, $0x38;
	[tilespmem:$0xA200] =	vst v63  }
0x1f8: {  	_ =	swait.ge [sflag:s5], $0x5000  }
0x1f9: {  	[sflag:s5] =	ssyncset.done $0x0  }
0x1fa: {  	[sflag:s5] =	ssyncadd.s32 $0xFFFFB000  }
0x1fb: {  	_ =	swait.ge [sflag:s10], $0x5000  }
0x1fc: {  	[sflag:s10] =	ssyncset.done $0x0  }
0x1fd: {  	[sflag:s10] =	ssyncadd.s32 $0xFFFFB000  }
0x1fe: {  	[hbm4b:s29+s2] =	stream.linear.scatter [tilespmem:s8], [sflag:$0x3], $0x5000, $0x38;
	[tilespmem:$0xA200] =	vst v63  }
0x1ff: {  	_ =	swait.ge [sflag:s5], $0x5000  }
0x200: {  	[sflag:s5] =	ssyncset.done $0x0  }
0x201: {  	[sflag:s5] =	ssyncadd.s32 $0xFFFFB000  }
0x202: {  	[tilespmem:s2], [sflag:$0x3] =	stream.linear.gather [hbm4b:s28+s2], $0xA0, $0x38;
	[tilespmem:$0xA200] =	vst v63  }
0x203: {  	_ =	swait.ge [sflag:s5], $0xA0  }
0x204: {  	[sflag:s5] =	ssyncset.done $0x0  }
0x205: {  	[sflag:s5] =	ssyncadd.s32 $0xFFFFFF60  }
0x206: {  	[tilespmem:s13], [sflag:$0x3] =	stream.linear.gather [hbm4b:s26+s2], $0xA0, $0x38;
	[tilespmem:$0xA200] =	vst v63  }
0x207: {  	_ =	swait.ge [sflag:s5], $0xA0  }
0x208: {  	[sflag:s5] =	ssyncset.done $0x0  }
0x209: {  	[sflag:s5] =	ssyncadd.s32 $0xFFFFFF60  }
0x20a: {  	[tilespmem:s12], [sflag:$0x1] =	stream.indirect.gather [hbm4b:s3+s14], $0x80, s2, s14, $0xb8;
	[tilespmem:$0xA200] =	vst v63  }
0x20b: {  	_ = 	snop  }
0x20c: {  	[tilespmem:s8], [sflag:$0x2] =	stream.indirect.gather [hbm4b:s4+s14], $0x80, s13, s14, $0xb8;
	[tilespmem:$0xA200] =	vst v63  }
0x20d: {  	_ =	swait.ge [sflag:s15], $0x5000  }
0x20e: {  	[sflag:s15] =	ssyncset.done $0x0  }
0x20f: {  	[sflag:s15] =	ssyncadd.s32 $0xFFFFB000  }
0x210: {  	[hbm4b:s25+s2] =	stream.linear.scatter [tilespmem:s12], [sflag:$0x3], $0x5000, $0x38;
	[tilespmem:$0xA200] =	vst v63  }
0x211: {  	_ =	swait.ge [sflag:s5], $0x5000  }
0x212: {  	[sflag:s5] =	ssyncset.done $0x0  }
0x213: {  	[sflag:s5] =	ssyncadd.s32 $0xFFFFB000  }
0x214: {  	_ =	swait.ge [sflag:s10], $0x5000  }
0x215: {  	[sflag:s10] =	ssyncset.done $0x0  }
0x216: {  	[sflag:s10] =	ssyncadd.s32 $0xFFFFB000  }
0x217: {  	[hbm4b:s24+s2] =	stream.linear.scatter [tilespmem:s8], [sflag:$0x3], $0x5000, $0x38;
	[tilespmem:$0xA200] =	vst v63  }
0x218: {  	_ =	swait.ge [sflag:s5], $0x5000  }
0x219: {  	[sflag:s5] =	ssyncset.done $0x0  }
0x21a: {  	[sflag:s5] =	ssyncadd.s32 $0xFFFFB000  }
0x21b: {  	[tilespmem:s2], [sflag:$0x3] =	stream.linear.gather [hbm4b:s23+s2], $0xA0, $0x38;
	[tilespmem:$0xA200] =	vst v63  }
0x21c: {  	_ =	swait.ge [sflag:s5], $0xA0  }
0x21d: {  	[sflag:s5] =	ssyncset.done $0x0  }
0x21e: {  	[sflag:s5] =	ssyncadd.s32 $0xFFFFFF60  }
0x21f: {  	[tilespmem:s13], [sflag:$0x3] =	stream.linear.gather [hbm4b:s22+s2], $0xA0, $0x38;
	[tilespmem:$0xA200] =	vst v63  }
0x220: {  	_ =	swait.ge [sflag:s5], $0xA0  }
0x221: {  	[sflag:s5] =	ssyncset.done $0x0  }
0x222: {  	[sflag:s5] =	ssyncadd.s32 $0xFFFFFF60  }
0x223: {  	[tilespmem:s12], [sflag:$0x1] =	stream.indirect.gather [hbm4b:s3+s14], $0x80, s2, s14, $0xb8;
	[tilespmem:$0xA200] =	vst v63  }
0x224: {  	_ = 	snop  }
0x225: {  	[tilespmem:s8], [sflag:$0x2] =	stream.indirect.gather [hbm4b:s4+s14], $0x80, s13, s14, $0xb8;
	[tilespmem:$0xA200] =	vst v63  }
0x226: {  	_ =	swait.ge [sflag:s15], $0x5000  }
0x227: {  	[sflag:s15] =	ssyncset.done $0x0  }
0x228: {  	[sflag:s15] =	ssyncadd.s32 $0xFFFFB000  }
0x229: {  	[hbm4b:s21+s2] =	stream.linear.scatter [tilespmem:s12], [sflag:$0x3], $0x5000, $0x38;
	[tilespmem:$0xA200] =	vst v63  }
0x22a: {  	_ =	swait.ge [sflag:s5], $0x5000  }
0x22b: {  	[sflag:s5] =	ssyncset.done $0x0  }
0x22c: {  	[sflag:s5] =	ssyncadd.s32 $0xFFFFB000  }
0x22d: {  	_ =	swait.ge [sflag:s10], $0x5000  }
0x22e: {  	[sflag:s10] =	ssyncset.done $0x0  }
0x22f: {  	[sflag:s10] =	ssyncadd.s32 $0xFFFFB000  }
0x230: {  	[hbm4b:s20+s2] =	stream.linear.scatter [tilespmem:s8], [sflag:$0x3], $0x5000, $0x38;
	[tilespmem:$0xA200] =	vst v63  }
0x231: {  	_ =	swait.ge [sflag:s5], $0x5000  }
0x232: {  	[sflag:s5] =	ssyncset.done $0x0  }
0x233: {  	[sflag:s5] =	ssyncadd.s32 $0xFFFFB000  }
0x234: {  	[tilespmem:s2], [sflag:$0x3] =	stream.linear.gather [hbm4b:s19+s2], $0xA0, $0x38;
	[tilespmem:$0xA200] =	vst v63  }
0x235: {  	_ =	swait.ge [sflag:s5], $0xA0  }
0x236: {  	[sflag:s5] =	ssyncset.done $0x0  }
0x237: {  	[sflag:s5] =	ssyncadd.s32 $0xFFFFFF60  }
0x238: {  	[tilespmem:s13], [sflag:$0x3] =	stream.linear.gather [hbm4b:s18+s2], $0xA0, $0x38;
	[tilespmem:$0xA200] =	vst v63  }
0x239: {  	_ =	swait.ge [sflag:s5], $0xA0  }
0x23a: {  	[sflag:s5] =	ssyncset.done $0x0  }
0x23b: {  	[sflag:s5] =	ssyncadd.s32 $0xFFFFFF60  }
0x23c: {  	[tilespmem:s12], [sflag:$0x1] =	stream.indirect.gather [hbm4b:s3+s14], $0x80, s2, s14, $0xb8;
	[tilespmem:$0xA200] =	vst v63  }
0x23d: {  	_ = 	snop  }
0x23e: {  	[tilespmem:s8], [sflag:$0x2] =	stream.indirect.gather [hbm4b:s4+s14], $0x80, s13, s14, $0xb8;
	[tilespmem:$0xA200] =	vst v63  }
0x23f: {  	_ =	swait.ge [sflag:s15], $0x5000  }
0x240: {  	[sflag:s15] =	ssyncset.done $0x0  }
0x241: {  	[sflag:s15] =	ssyncadd.s32 $0xFFFFB000  }
0x242: {  	[hbm4b:s17+s2] =	stream.linear.scatter [tilespmem:s12], [sflag:$0x3], $0x5000, $0x38;
	[tilespmem:$0xA200] =	vst v63  }
0x243: {  	_ =	swait.ge [sflag:s5], $0x5000  }
0x244: {  	[sflag:s5] =	ssyncset.done $0x0  }
0x245: {  	[sflag:s5] =	ssyncadd.s32 $0xFFFFB000  }
0x246: {  	_ =	swait.ge [sflag:s10], $0x5000  }
0x247: {  	[sflag:s10] =	ssyncset.done $0x0  }
0x248: {  	[sflag:s10] =	ssyncadd.s32 $0xFFFFB000  }
0x249: {  	[hbm4b:s16+s2] =	stream.linear.scatter [tilespmem:s8], [sflag:$0x3], $0x5000, $0x38;
	[tilespmem:$0xA200] =	vst v63  }
0x24a: {  	_ =	swait.ge [sflag:s5], $0x5000  }
0x24b: {  	[sflag:s5] =	ssyncset.done $0x0  }
0x24c: {  	[sflag:s5] =	ssyncadd.s32 $0xFFFFB000  }
0x24d: {  	[tilespmem:s2], [sflag:$0x3] =	stream.linear.gather [hbm4b:s11+s2], $0xA0, $0x38;
	[tilespmem:$0xA200] =	vst v63  }
0x24e: {  	_ =	swait.ge [sflag:s5], $0xA0  }
0x24f: {  	[sflag:s5] =	ssyncset.done $0x0  }
0x250: {  	[sflag:s5] =	ssyncadd.s32 $0xFFFFFF60  }
0x251: {  	[tilespmem:s13], [sflag:$0x3] =	stream.linear.gather [hbm4b:s9+s2], $0xA0, $0x38;
	[tilespmem:$0xA200] =	vst v63  }
0x252: {  	_ =	swait.ge [sflag:s5], $0xA0  }
0x253: {  	[sflag:s5] =	ssyncset.done $0x0  }
0x254: {  	[sflag:s5] =	ssyncadd.s32 $0xFFFFFF60  }
0x255: {  	[tilespmem:s12], [sflag:$0x1] =	stream.indirect.gather [hbm4b:s3+s14], $0x80, s2, s14, $0xb8;
	[tilespmem:$0xA200] =	vst v63  }
0x256: {  	_ = 	snop  }
0x257: {  	[tilespmem:s8], [sflag:$0x2] =	stream.indirect.gather [hbm4b:s4+s14], $0x80, s13, s14, $0xb8;
	[tilespmem:$0xA200] =	vst v63  }
0x258: {  	_ =	swait.ge [sflag:s15], $0x5000  }
0x259: {  	[sflag:s15] =	ssyncset.done $0x0  }
0x25a: {  	[sflag:s15] =	ssyncadd.s32 $0xFFFFB000  }
0x25b: {  	[hbm4b:s7+s2] =	stream.linear.scatter [tilespmem:s12], [sflag:$0x3], $0x5000, $0x38;
	[tilespmem:$0xA200] =	vst v63  }
0x25c: {  	_ =	swait.ge [sflag:s5], $0x5000  }
0x25d: {  	[sflag:s5] =	ssyncset.done $0x0  }
0x25e: {  	[sflag:s5] =	ssyncadd.s32 $0xFFFFB000  }
0x25f: {  	p1 =	sne.s32 s1, $0x1;
	_ =	swait.ge [sflag:s10], $0x5000  }
.Ltmp1:
0x260: {  	[sflag:s10] =	ssyncset.done $0x0;
	(pc) =	sbr.rel @!p1 .LBB2_3-.Ltmp1, $4  }
0x261: {  	[sflag:s10] =	ssyncadd.s32 $0xFFFFB000  }
0x262: {  	[hbm4b:s6+s2] =	stream.linear.scatter [tilespmem:s8], [sflag:$0x3], $0x5000, $0x38;
	[tilespmem:$0xA200] =	vst v63  }
0x263: {  	s1 =	sadd.s32 $0xFFFFFFFF, s1;
	_ =	swait.ge [sflag:s5], $0x5000  }
0x264: {  	p0 =	por $0x1, $0x1;
	s0 =	rddreg [dreg:$0x2];
	[sflag:s5] =	ssyncset.done $0x0  }
.LBB2_2:
0x265: {  	[sflag:s5] =	ssyncadd.s32 $0xFFFFB000  }
0x266: {  	[tilespmem:s2], [sflag:$0x3] =	stream.linear.gather [hbm4b:s0+s2], $0xA0, $0x38;
	[tilespmem:$0xA200] =	vst v63  }
0x267: {  	_ =	swait.ge [sflag:s5], $0xA0  }
0x268: {  	[sflag:s5] =	ssyncset.done $0x0  }
0x269: {  	s0 =	rddreg [dreg:$0x3];
	[sflag:s5] =	ssyncadd.s32 $0xFFFFFF60  }
0x26a: {  	[tilespmem:s13], [sflag:$0x3] =	stream.linear.gather [hbm4b:s0+s2], $0xA0, $0x38;
	[tilespmem:$0xA200] =	vst v63  }
0x26b: {  	_ =	swait.ge [sflag:s5], $0xA0  }
0x26c: {  	[sflag:s5] =	ssyncset.done $0x0  }
0x26d: {  	[sflag:s5] =	ssyncadd.s32 $0xFFFFFF60  }
0x26e: {  	[tilespmem:s12], [sflag:$0x1] =	stream.indirect.gather [hbm4b:s3+s14], $0x80, s2, s14, $0xb8;
	[tilespmem:$0xA200] =	vst v63  }
0x26f: {  	_ = 	snop  }
0x270: {  	[tilespmem:s8], [sflag:$0x2] =	stream.indirect.gather [hbm4b:s4+s14], $0x80, s13, s14, $0xb8;
	[tilespmem:$0xA200] =	vst v63  }
0x271: {  	_ =	swait.ge [sflag:s15], $0x5000  }
0x272: {  	[sflag:s15] =	ssyncset.done $0x0  }
0x273: {  	s0 =	rddreg [dreg:$0x4];
	[sflag:s15] =	ssyncadd.s32 $0xFFFFB000  }
0x274: {  	[hbm4b:s0+s2] =	stream.linear.scatter [tilespmem:s12], [sflag:$0x3], $0x5000, $0x38;
	[tilespmem:$0xA200] =	vst v63  }
0x275: {  	_ =	swait.ge [sflag:s5], $0x5000  }
0x276: {  	[sflag:s5] =	ssyncset.done $0x0  }
0x277: {  	[sflag:s5] =	ssyncadd.s32 $0xFFFFB000  }
0x278: {  	_ =	swait.ge [sflag:s10], $0x5000  }
0x279: {  	[sflag:s10] =	ssyncset.done $0x0  }
0x27a: {  	s0 =	rddreg [dreg:$0x5];
	[sflag:s10] =	ssyncadd.s32 $0xFFFFB000  }
0x27b: {  	[hbm4b:s0+s2] =	stream.linear.scatter [tilespmem:s8], [sflag:$0x3], $0x5000, $0x38;
	[tilespmem:$0xA200] =	vst v63  }
0x27c: {  	_ =	swait.ge [sflag:s5], $0x5000  }
0x27d: {  	[sflag:s5] =	ssyncset.done $0x0  }
0x27e: {  	s0 =	rddreg [dreg:$0x6];
	[sflag:s5] =	ssyncadd.s32 $0xFFFFB000  }
0x27f: {  	[tilespmem:s2], [sflag:$0x3] =	stream.linear.gather [hbm4b:s0+s2], $0xA0, $0x38;
	[tilespmem:$0xA200] =	vst v63  }
0x280: {  	_ =	swait.ge [sflag:s5], $0xA0  }
0x281: {  	[sflag:s5] =	ssyncset.done $0x0  }
0x282: {  	s0 =	rddreg [dreg:$0x7];
	[sflag:s5] =	ssyncadd.s32 $0xFFFFFF60  }
0x283: {  	[tilespmem:s13], [sflag:$0x3] =	stream.linear.gather [hbm4b:s0+s2], $0xA0, $0x38;
	[tilespmem:$0xA200] =	vst v63  }
0x284: {  	_ =	swait.ge [sflag:s5], $0xA0  }
0x285: {  	[sflag:s5] =	ssyncset.done $0x0  }
0x286: {  	[sflag:s5] =	ssyncadd.s32 $0xFFFFFF60  }
0x287: {  	[tilespmem:s12], [sflag:$0x1] =	stream.indirect.gather [hbm4b:s3+s14], $0x80, s2, s14, $0xb8;
	[tilespmem:$0xA200] =	vst v63  }
0x288: {  	_ = 	snop  }
0x289: {  	[tilespmem:s8], [sflag:$0x2] =	stream.indirect.gather [hbm4b:s4+s14], $0x80, s13, s14, $0xb8;
	[tilespmem:$0xA200] =	vst v63  }
0x28a: {  	_ =	swait.ge [sflag:s15], $0x5000  }
0x28b: {  	[sflag:s15] =	ssyncset.done $0x0  }
0x28c: {  	s0 =	rddreg [dreg:$0x8];
	[sflag:s15] =	ssyncadd.s32 $0xFFFFB000  }
0x28d: {  	[hbm4b:s0+s2] =	stream.linear.scatter [tilespmem:s12], [sflag:$0x3], $0x5000, $0x38;
	[tilespmem:$0xA200] =	vst v63  }
0x28e: {  	_ =	swait.ge [sflag:s5], $0x5000  }
0x28f: {  	[sflag:s5] =	ssyncset.done $0x0  }
0x290: {  	[sflag:s5] =	ssyncadd.s32 $0xFFFFB000  }
0x291: {  	_ =	swait.ge [sflag:s10], $0x5000  }
0x292: {  	[sflag:s10] =	ssyncset.done $0x0  }
0x293: {  	s0 =	rddreg [dreg:$0x9];
	[sflag:s10] =	ssyncadd.s32 $0xFFFFB000  }
0x294: {  	[hbm4b:s0+s2] =	stream.linear.scatter [tilespmem:s8], [sflag:$0x3], $0x5000, $0x38;
	[tilespmem:$0xA200] =	vst v63  }
0x295: {  	_ =	swait.ge [sflag:s5], $0x5000  }
0x296: {  	[sflag:s5] =	ssyncset.done $0x0  }
0x297: {  	s0 =	rddreg [dreg:$0xa];
	[sflag:s5] =	ssyncadd.s32 $0xFFFFB000  }
0x298: {  	[tilespmem:s2], [sflag:$0x3] =	stream.linear.gather [hbm4b:s0+s2], $0xA0, $0x38;
	[tilespmem:$0xA200] =	vst v63  }
0x299: {  	_ =	swait.ge [sflag:s5], $0xA0  }
0x29a: {  	[sflag:s5] =	ssyncset.done $0x0  }
0x29b: {  	s0 =	rddreg [dreg:$0xb];
	[sflag:s5] =	ssyncadd.s32 $0xFFFFFF60  }
0x29c: {  	[tilespmem:s13], [sflag:$0x3] =	stream.linear.gather [hbm4b:s0+s2], $0xA0, $0x38;
	[tilespmem:$0xA200] =	vst v63  }
0x29d: {  	_ =	swait.ge [sflag:s5], $0xA0  }
0x29e: {  	[sflag:s5] =	ssyncset.done $0x0  }
0x29f: {  	[sflag:s5] =	ssyncadd.s32 $0xFFFFFF60  }
0x2a0: {  	[tilespmem:s12], [sflag:$0x1] =	stream.indirect.gather [hbm4b:s3+s14], $0x80, s2, s14, $0xb8;
	[tilespmem:$0xA200] =	vst v63  }
0x2a1: {  	_ = 	snop  }
0x2a2: {  	[tilespmem:s8], [sflag:$0x2] =	stream.indirect.gather [hbm4b:s4+s14], $0x80, s13, s14, $0xb8;
	[tilespmem:$0xA200] =	vst v63  }
0x2a3: {  	_ =	swait.ge [sflag:s15], $0x5000  }
0x2a4: {  	[sflag:s15] =	ssyncset.done $0x0  }
0x2a5: {  	s0 =	rddreg [dreg:$0xc];
	[sflag:s15] =	ssyncadd.s32 $0xFFFFB000  }
0x2a6: {  	[hbm4b:s0+s2] =	stream.linear.scatter [tilespmem:s12], [sflag:$0x3], $0x5000, $0x38;
	[tilespmem:$0xA200] =	vst v63  }
0x2a7: {  	_ =	swait.ge [sflag:s5], $0x5000  }
0x2a8: {  	[sflag:s5] =	ssyncset.done $0x0  }
0x2a9: {  	[sflag:s5] =	ssyncadd.s32 $0xFFFFB000  }
0x2aa: {  	_ =	swait.ge [sflag:s10], $0x5000  }
0x2ab: {  	[sflag:s10] =	ssyncset.done $0x0  }
0x2ac: {  	s0 =	rddreg [dreg:$0xd];
	[sflag:s10] =	ssyncadd.s32 $0xFFFFB000  }
0x2ad: {  	[hbm4b:s0+s2] =	stream.linear.scatter [tilespmem:s8], [sflag:$0x3], $0x5000, $0x38;
	[tilespmem:$0xA200] =	vst v63  }
0x2ae: {  	_ =	swait.ge [sflag:s5], $0x5000  }
0x2af: {  	[sflag:s5] =	ssyncset.done $0x0  }
0x2b0: {  	s0 =	rddreg [dreg:$0xe];
	[sflag:s5] =	ssyncadd.s32 $0xFFFFB000  }
0x2b1: {  	[tilespmem:s2], [sflag:$0x3] =	stream.linear.gather [hbm4b:s0+s2], $0xA0, $0x38;
	[tilespmem:$0xA200] =	vst v63  }
0x2b2: {  	_ =	swait.ge [sflag:s5], $0xA0  }
0x2b3: {  	[sflag:s5] =	ssyncset.done $0x0  }
0x2b4: {  	s0 =	rddreg [dreg:$0xf];
	[sflag:s5] =	ssyncadd.s32 $0xFFFFFF60  }
0x2b5: {  	[tilespmem:s13], [sflag:$0x3] =	stream.linear.gather [hbm4b:s0+s2], $0xA0, $0x38;
	[tilespmem:$0xA200] =	vst v63  }
0x2b6: {  	_ =	swait.ge [sflag:s5], $0xA0  }
0x2b7: {  	[sflag:s5] =	ssyncset.done $0x0  }
0x2b8: {  	[sflag:s5] =	ssyncadd.s32 $0xFFFFFF60  }
0x2b9: {  	[tilespmem:s12], [sflag:$0x1] =	stream.indirect.gather [hbm4b:s3+s14], $0x80, s2, s14, $0xb8;
	[tilespmem:$0xA200] =	vst v63  }
0x2ba: {  	_ = 	snop  }
0x2bb: {  	[tilespmem:s8], [sflag:$0x2] =	stream.indirect.gather [hbm4b:s4+s14], $0x80, s13, s14, $0xb8;
	[tilespmem:$0xA200] =	vst v63  }
0x2bc: {  	_ =	swait.ge [sflag:s15], $0x5000  }
0x2bd: {  	[sflag:s15] =	ssyncset.done $0x0  }
0x2be: {  	s0 =	rddreg [dreg:$0x10];
	[sflag:s15] =	ssyncadd.s32 $0xFFFFB000  }
0x2bf: {  	[hbm4b:s0+s2] =	stream.linear.scatter [tilespmem:s12], [sflag:$0x3], $0x5000, $0x38;
	[tilespmem:$0xA200] =	vst v63  }
0x2c0: {  	_ =	swait.ge [sflag:s5], $0x5000  }
0x2c1: {  	[sflag:s5] =	ssyncset.done $0x0  }
0x2c2: {  	[sflag:s5] =	ssyncadd.s32 $0xFFFFB000  }
0x2c3: {  	_ =	swait.ge [sflag:s10], $0x5000  }
0x2c4: {  	[sflag:s10] =	ssyncset.done $0x0  }
0x2c5: {  	s0 =	rddreg [dreg:$0x11];
	[sflag:s10] =	ssyncadd.s32 $0xFFFFB000  }
0x2c6: {  	[hbm4b:s0+s2] =	stream.linear.scatter [tilespmem:s8], [sflag:$0x3], $0x5000, $0x38;
	[tilespmem:$0xA200] =	vst v63  }
0x2c7: {  	_ =	swait.ge [sflag:s5], $0x5000  }
0x2c8: {  	[sflag:s5] =	ssyncset.done $0x0  }
0x2c9: {  	s0 =	rddreg [dreg:$0x12];
	[sflag:s5] =	ssyncadd.s32 $0xFFFFB000  }
0x2ca: {  	[tilespmem:s2], [sflag:$0x3] =	stream.linear.gather [hbm4b:s0+s2], $0xA0, $0x38;
	[tilespmem:$0xA200] =	vst v63  }
0x2cb: {  	_ =	swait.ge [sflag:s5], $0xA0  }
0x2cc: {  	[sflag:s5] =	ssyncset.done $0x0  }
0x2cd: {  	s0 =	rddreg [dreg:$0x13];
	[sflag:s5] =	ssyncadd.s32 $0xFFFFFF60  }
0x2ce: {  	[tilespmem:s13], [sflag:$0x3] =	stream.linear.gather [hbm4b:s0+s2], $0xA0, $0x38;
	[tilespmem:$0xA200] =	vst v63  }
0x2cf: {  	_ =	swait.ge [sflag:s5], $0xA0  }
0x2d0: {  	[sflag:s5] =	ssyncset.done $0x0  }
0x2d1: {  	[sflag:s5] =	ssyncadd.s32 $0xFFFFFF60  }
0x2d2: {  	[tilespmem:s12], [sflag:$0x1] =	stream.indirect.gather [hbm4b:s3+s14], $0x80, s2, s14, $0xb8;
	[tilespmem:$0xA200] =	vst v63  }
0x2d3: {  	_ = 	snop  }
0x2d4: {  	[tilespmem:s8], [sflag:$0x2] =	stream.indirect.gather [hbm4b:s4+s14], $0x80, s13, s14, $0xb8;
	[tilespmem:$0xA200] =	vst v63  }
0x2d5: {  	_ =	swait.ge [sflag:s15], $0x5000  }
0x2d6: {  	[sflag:s15] =	ssyncset.done $0x0  }
0x2d7: {  	s0 =	rddreg [dreg:$0x14];
	[sflag:s15] =	ssyncadd.s32 $0xFFFFB000  }
0x2d8: {  	[hbm4b:s0+s2] =	stream.linear.scatter [tilespmem:s12], [sflag:$0x3], $0x5000, $0x38;
	[tilespmem:$0xA200] =	vst v63  }
0x2d9: {  	_ =	swait.ge [sflag:s5], $0x5000  }
0x2da: {  	[sflag:s5] =	ssyncset.done $0x0  }
0x2db: {  	[sflag:s5] =	ssyncadd.s32 $0xFFFFB000  }
0x2dc: {  	_ =	swait.ge [sflag:s10], $0x5000  }
0x2dd: {  	[sflag:s10] =	ssyncset.done $0x0  }
0x2de: {  	s0 =	rddreg [dreg:$0x15];
	[sflag:s10] =	ssyncadd.s32 $0xFFFFB000  }
0x2df: {  	[hbm4b:s0+s2] =	stream.linear.scatter [tilespmem:s8], [sflag:$0x3], $0x5000, $0x38;
	[tilespmem:$0xA200] =	vst v63  }
0x2e0: {  	_ =	swait.ge [sflag:s5], $0x5000  }
0x2e1: {  	[sflag:s5] =	ssyncset.done $0x0  }
0x2e2: {  	s0 =	rddreg [dreg:$0x16];
	[sflag:s5] =	ssyncadd.s32 $0xFFFFB000  }
0x2e3: {  	[tilespmem:s2], [sflag:$0x3] =	stream.linear.gather [hbm4b:s0+s2], $0xA0, $0x38;
	[tilespmem:$0xA200] =	vst v63  }
0x2e4: {  	_ =	swait.ge [sflag:s5], $0xA0  }
0x2e5: {  	[sflag:s5] =	ssyncset.done $0x0  }
0x2e6: {  	s0 =	rddreg [dreg:$0x17];
	[sflag:s5] =	ssyncadd.s32 $0xFFFFFF60  }
0x2e7: {  	[tilespmem:s13], [sflag:$0x3] =	stream.linear.gather [hbm4b:s0+s2], $0xA0, $0x38;
	[tilespmem:$0xA200] =	vst v63  }
0x2e8: {  	_ =	swait.ge [sflag:s5], $0xA0  }
0x2e9: {  	[sflag:s5] =	ssyncset.done $0x0  }
0x2ea: {  	[sflag:s5] =	ssyncadd.s32 $0xFFFFFF60  }
0x2eb: {  	[tilespmem:s12], [sflag:$0x1] =	stream.indirect.gather [hbm4b:s3+s14], $0x80, s2, s14, $0xb8;
	[tilespmem:$0xA200] =	vst v63  }
0x2ec: {  	_ = 	snop  }
0x2ed: {  	[tilespmem:s8], [sflag:$0x2] =	stream.indirect.gather [hbm4b:s4+s14], $0x80, s13, s14, $0xb8;
	[tilespmem:$0xA200] =	vst v63  }
0x2ee: {  	_ =	swait.ge [sflag:s15], $0x5000  }
0x2ef: {  	[sflag:s15] =	ssyncset.done $0x0  }
0x2f0: {  	s0 =	rddreg [dreg:$0x18];
	[sflag:s15] =	ssyncadd.s32 $0xFFFFB000  }
0x2f1: {  	[hbm4b:s0+s2] =	stream.linear.scatter [tilespmem:s12], [sflag:$0x3], $0x5000, $0x38;
	[tilespmem:$0xA200] =	vst v63  }
0x2f2: {  	_ =	swait.ge [sflag:s5], $0x5000  }
0x2f3: {  	[sflag:s5] =	ssyncset.done $0x0  }
0x2f4: {  	[sflag:s5] =	ssyncadd.s32 $0xFFFFB000  }
0x2f5: {  	_ =	swait.ge [sflag:s10], $0x5000  }
0x2f6: {  	[sflag:s10] =	ssyncset.done $0x0  }
0x2f7: {  	s0 =	rddreg [dreg:$0x19];
	[sflag:s10] =	ssyncadd.s32 $0xFFFFB000  }
0x2f8: {  	[hbm4b:s0+s2] =	stream.linear.scatter [tilespmem:s8], [sflag:$0x3], $0x5000, $0x38;
	[tilespmem:$0xA200] =	vst v63  }
0x2f9: {  	_ =	swait.ge [sflag:s5], $0x5000  }
0x2fa: {  	[sflag:s5] =	ssyncset.done $0x0  }
0x2fb: {  	s0 =	rddreg [dreg:$0x1a];
	[sflag:s5] =	ssyncadd.s32 $0xFFFFB000  }
0x2fc: {  	[tilespmem:s2], [sflag:$0x3] =	stream.linear.gather [hbm4b:s0+s2], $0xA0, $0x38;
	[tilespmem:$0xA200] =	vst v63  }
0x2fd: {  	_ =	swait.ge [sflag:s5], $0xA0  }
0x2fe: {  	[sflag:s5] =	ssyncset.done $0x0  }
0x2ff: {  	s0 =	rddreg [dreg:$0x1b];
	[sflag:s5] =	ssyncadd.s32 $0xFFFFFF60  }
0x300: {  	[tilespmem:s13], [sflag:$0x3] =	stream.linear.gather [hbm4b:s0+s2], $0xA0, $0x38;
	[tilespmem:$0xA200] =	vst v63  }
0x301: {  	_ =	swait.ge [sflag:s5], $0xA0  }
0x302: {  	[sflag:s5] =	ssyncset.done $0x0  }
0x303: {  	[sflag:s5] =	ssyncadd.s32 $0xFFFFFF60  }
0x304: {  	[tilespmem:s12], [sflag:$0x1] =	stream.indirect.gather [hbm4b:s3+s14], $0x80, s2, s14, $0xb8;
	[tilespmem:$0xA200] =	vst v63  }
0x305: {  	_ = 	snop  }
0x306: {  	[tilespmem:s8], [sflag:$0x2] =	stream.indirect.gather [hbm4b:s4+s14], $0x80, s13, s14, $0xb8;
	[tilespmem:$0xA200] =	vst v63  }
0x307: {  	_ =	swait.ge [sflag:s15], $0x5000  }
0x308: {  	[sflag:s15] =	ssyncset.done $0x0  }
0x309: {  	s0 =	rddreg [dreg:$0x1c];
	[sflag:s15] =	ssyncadd.s32 $0xFFFFB000  }
0x30a: {  	[hbm4b:s0+s2] =	stream.linear.scatter [tilespmem:s12], [sflag:$0x3], $0x5000, $0x38;
	[tilespmem:$0xA200] =	vst v63  }
0x30b: {  	_ =	swait.ge [sflag:s5], $0x5000  }
0x30c: {  	[sflag:s5] =	ssyncset.done $0x0  }
0x30d: {  	[sflag:s5] =	ssyncadd.s32 $0xFFFFB000  }
0x30e: {  	_ =	swait.ge [sflag:s10], $0x5000  }
0x30f: {  	[sflag:s10] =	ssyncset.done $0x0  }
0x310: {  	s0 =	rddreg [dreg:$0x1d];
	[sflag:s10] =	ssyncadd.s32 $0xFFFFB000  }
0x311: {  	[hbm4b:s0+s2] =	stream.linear.scatter [tilespmem:s8], [sflag:$0x3], $0x5000, $0x38;
	[tilespmem:$0xA200] =	vst v63  }
0x312: {  	_ =	swait.ge [sflag:s5], $0x5000  }
0x313: {  	[sflag:s5] =	ssyncset.done $0x0  }
0x314: {  	s0 =	rddreg [dreg:$0x1e];
	[sflag:s5] =	ssyncadd.s32 $0xFFFFB000  }
0x315: {  	[tilespmem:s2], [sflag:$0x3] =	stream.linear.gather [hbm4b:s0+s2], $0xA0, $0x38;
	[tilespmem:$0xA200] =	vst v63  }
0x316: {  	_ =	swait.ge [sflag:s5], $0xA0  }
0x317: {  	[sflag:s5] =	ssyncset.done $0x0  }
0x318: {  	s0 =	rddreg [dreg:$0x1f];
	[sflag:s5] =	ssyncadd.s32 $0xFFFFFF60  }
0x319: {  	[tilespmem:s13], [sflag:$0x3] =	stream.linear.gather [hbm4b:s0+s2], $0xA0, $0x38;
	[tilespmem:$0xA200] =	vst v63  }
0x31a: {  	_ =	swait.ge [sflag:s5], $0xA0  }
0x31b: {  	[sflag:s5] =	ssyncset.done $0x0  }
0x31c: {  	[sflag:s5] =	ssyncadd.s32 $0xFFFFFF60  }
0x31d: {  	[tilespmem:s12], [sflag:$0x1] =	stream.indirect.gather [hbm4b:s3+s14], $0x80, s2, s14, $0xb8;
	[tilespmem:$0xA200] =	vst v63  }
0x31e: {  	_ = 	snop  }
0x31f: {  	[tilespmem:s8], [sflag:$0x2] =	stream.indirect.gather [hbm4b:s4+s14], $0x80, s13, s14, $0xb8;
	[tilespmem:$0xA200] =	vst v63  }
0x320: {  	_ =	swait.ge [sflag:s15], $0x5000  }
0x321: {  	s0 =	sld [smem:$0x7DF]  }
0x322: {  	[sflag:s15] =	ssyncset.done $0x0  }
0x323: {  	[sflag:s15] =	ssyncadd.s32 $0xFFFFB000  }
0x324: {  	[hbm4b:s0+s2] =	stream.linear.scatter [tilespmem:s12], [sflag:$0x3], $0x5000, $0x38;
	[tilespmem:$0xA200] =	vst v63  }
0x325: {  	_ =	swait.ge [sflag:s5], $0x5000  }
0x326: {  	[sflag:s5] =	ssyncset.done $0x0  }
0x327: {  	[sflag:s5] =	ssyncadd.s32 $0xFFFFB000  }
0x328: {  	_ =	swait.ge [sflag:s10], $0x5000  }
0x329: {  	s0 =	sld [smem:$0x7E0]  }
0x32a: {  	[sflag:s10] =	ssyncset.done $0x0  }
0x32b: {  	[sflag:s10] =	ssyncadd.s32 $0xFFFFB000  }
0x32c: {  	[hbm4b:s0+s2] =	stream.linear.scatter [tilespmem:s8], [sflag:$0x3], $0x5000, $0x38;
	[tilespmem:$0xA200] =	vst v63  }
0x32d: {  	_ =	swait.ge [sflag:s5], $0x5000  }
0x32e: {  	s0 =	sld [smem:$0x7E1]  }
0x32f: {  	[sflag:s5] =	ssyncset.done $0x0  }
0x330: {  	[sflag:s5] =	ssyncadd.s32 $0xFFFFB000  }
0x331: {  	[tilespmem:s2], [sflag:$0x3] =	stream.linear.gather [hbm4b:s0+s2], $0xA0, $0x38;
	[tilespmem:$0xA200] =	vst v63  }
0x332: {  	_ =	swait.ge [sflag:s5], $0xA0  }
0x333: {  	s0 =	sld [smem:$0x7E2]  }
0x334: {  	[sflag:s5] =	ssyncset.done $0x0  }
0x335: {  	[sflag:s5] =	ssyncadd.s32 $0xFFFFFF60  }
0x336: {  	[tilespmem:s13], [sflag:$0x3] =	stream.linear.gather [hbm4b:s0+s2], $0xA0, $0x38;
	[tilespmem:$0xA200] =	vst v63  }
0x337: {  	_ =	swait.ge [sflag:s5], $0xA0  }
0x338: {  	[sflag:s5] =	ssyncset.done $0x0  }
0x339: {  	[sflag:s5] =	ssyncadd.s32 $0xFFFFFF60  }
0x33a: {  	[tilespmem:s12], [sflag:$0x1] =	stream.indirect.gather [hbm4b:s3+s14], $0x80, s2, s14, $0xb8;
	[tilespmem:$0xA200] =	vst v63  }
0x33b: {  	_ = 	snop  }
0x33c: {  	[tilespmem:s8], [sflag:$0x2] =	stream.indirect.gather [hbm4b:s4+s14], $0x80, s13, s14, $0xb8;
	[tilespmem:$0xA200] =	vst v63  }
0x33d: {  	_ =	swait.ge [sflag:s15], $0x5000  }
0x33e: {  	s0 =	sld [smem:$0x7E3]  }
0x33f: {  	[sflag:s15] =	ssyncset.done $0x0  }
0x340: {  	[sflag:s15] =	ssyncadd.s32 $0xFFFFB000  }
0x341: {  	[hbm4b:s0+s2] =	stream.linear.scatter [tilespmem:s12], [sflag:$0x3], $0x5000, $0x38;
	[tilespmem:$0xA200] =	vst v63  }
0x342: {  	_ =	swait.ge [sflag:s5], $0x5000  }
0x343: {  	[sflag:s5] =	ssyncset.done $0x0  }
0x344: {  	[sflag:s5] =	ssyncadd.s32 $0xFFFFB000  }
0x345: {  	_ =	swait.ge [sflag:s10], $0x5000  }
0x346: {  	s0 =	sld [smem:$0x7E4]  }
0x347: {  	[sflag:s10] =	ssyncset.done $0x0  }
0x348: {  	[sflag:s10] =	ssyncadd.s32 $0xFFFFB000  }
0x349: {  	[hbm4b:s0+s2] =	stream.linear.scatter [tilespmem:s8], [sflag:$0x3], $0x5000, $0x38;
	[tilespmem:$0xA200] =	vst v63  }
0x34a: {  	_ =	swait.ge [sflag:s5], $0x5000  }
0x34b: {  	s0 =	sld [smem:$0x7E5]  }
0x34c: {  	[sflag:s5] =	ssyncset.done $0x0  }
0x34d: {  	[sflag:s5] =	ssyncadd.s32 $0xFFFFB000  }
0x34e: {  	[tilespmem:s2], [sflag:$0x3] =	stream.linear.gather [hbm4b:s0+s2], $0xA0, $0x38;
	[tilespmem:$0xA200] =	vst v63  }
0x34f: {  	_ =	swait.ge [sflag:s5], $0xA0  }
0x350: {  	s0 =	sld [smem:$0x7E6]  }
0x351: {  	[sflag:s5] =	ssyncset.done $0x0  }
0x352: {  	[sflag:s5] =	ssyncadd.s32 $0xFFFFFF60  }
0x353: {  	[tilespmem:s13], [sflag:$0x3] =	stream.linear.gather [hbm4b:s0+s2], $0xA0, $0x38;
	[tilespmem:$0xA200] =	vst v63  }
0x354: {  	_ =	swait.ge [sflag:s5], $0xA0  }
0x355: {  	[sflag:s5] =	ssyncset.done $0x0  }
0x356: {  	[sflag:s5] =	ssyncadd.s32 $0xFFFFFF60  }
0x357: {  	[tilespmem:s12], [sflag:$0x1] =	stream.indirect.gather [hbm4b:s3+s14], $0x80, s2, s14, $0xb8;
	[tilespmem:$0xA200] =	vst v63  }
0x358: {  	_ = 	snop  }
0x359: {  	[tilespmem:s8], [sflag:$0x2] =	stream.indirect.gather [hbm4b:s4+s14], $0x80, s13, s14, $0xb8;
	[tilespmem:$0xA200] =	vst v63  }
0x35a: {  	_ =	swait.ge [sflag:s15], $0x5000  }
0x35b: {  	s0 =	sld [smem:$0x7E7]  }
0x35c: {  	[sflag:s15] =	ssyncset.done $0x0  }
0x35d: {  	[sflag:s15] =	ssyncadd.s32 $0xFFFFB000  }
0x35e: {  	[hbm4b:s0+s2] =	stream.linear.scatter [tilespmem:s12], [sflag:$0x3], $0x5000, $0x38;
	[tilespmem:$0xA200] =	vst v63  }
0x35f: {  	_ =	swait.ge [sflag:s5], $0x5000  }
0x360: {  	[sflag:s5] =	ssyncset.done $0x0  }
0x361: {  	[sflag:s5] =	ssyncadd.s32 $0xFFFFB000  }
0x362: {  	_ =	swait.ge [sflag:s10], $0x5000  }
0x363: {  	s0 =	sld [smem:$0x7E8]  }
0x364: {  	[sflag:s10] =	ssyncset.done $0x0  }
0x365: {  	[sflag:s10] =	ssyncadd.s32 $0xFFFFB000  }
0x366: {  	[hbm4b:s0+s2] =	stream.linear.scatter [tilespmem:s8], [sflag:$0x3], $0x5000, $0x38;
	[tilespmem:$0xA200] =	vst v63  }
0x367: {  	_ =	swait.ge [sflag:s5], $0x5000  }
0x368: {  	s0 =	sld [smem:$0x7E9]  }
0x369: {  	[sflag:s5] =	ssyncset.done $0x0  }
0x36a: {  	[sflag:s5] =	ssyncadd.s32 $0xFFFFB000  }
0x36b: {  	[tilespmem:s2], [sflag:$0x3] =	stream.linear.gather [hbm4b:s0+s2], $0xA0, $0x38;
	[tilespmem:$0xA200] =	vst v63  }
0x36c: {  	_ =	swait.ge [sflag:s5], $0xA0  }
0x36d: {  	s0 =	sld [smem:$0x7EA]  }
0x36e: {  	[sflag:s5] =	ssyncset.done $0x0  }
0x36f: {  	[sflag:s5] =	ssyncadd.s32 $0xFFFFFF60  }
0x370: {  	[tilespmem:s13], [sflag:$0x3] =	stream.linear.gather [hbm4b:s0+s2], $0xA0, $0x38;
	[tilespmem:$0xA200] =	vst v63  }
0x371: {  	_ =	swait.ge [sflag:s5], $0xA0  }
0x372: {  	[sflag:s5] =	ssyncset.done $0x0  }
0x373: {  	[sflag:s5] =	ssyncadd.s32 $0xFFFFFF60  }
0x374: {  	[tilespmem:s12], [sflag:$0x1] =	stream.indirect.gather [hbm4b:s3+s14], $0x80, s2, s14, $0xb8;
	[tilespmem:$0xA200] =	vst v63  }
0x375: {  	_ = 	snop  }
0x376: {  	[tilespmem:s8], [sflag:$0x2] =	stream.indirect.gather [hbm4b:s4+s14], $0x80, s13, s14, $0xb8;
	[tilespmem:$0xA200] =	vst v63  }
0x377: {  	_ =	swait.ge [sflag:s15], $0x5000  }
0x378: {  	s0 =	sld [smem:$0x7EB]  }
0x379: {  	[sflag:s15] =	ssyncset.done $0x0  }
0x37a: {  	[sflag:s15] =	ssyncadd.s32 $0xFFFFB000  }
0x37b: {  	[hbm4b:s0+s2] =	stream.linear.scatter [tilespmem:s12], [sflag:$0x3], $0x5000, $0x38;
	[tilespmem:$0xA200] =	vst v63  }
0x37c: {  	_ =	swait.ge [sflag:s5], $0x5000  }
0x37d: {  	[sflag:s5] =	ssyncset.done $0x0  }
0x37e: {  	[sflag:s5] =	ssyncadd.s32 $0xFFFFB000  }
0x37f: {  	_ =	swait.ge [sflag:s10], $0x5000  }
0x380: {  	s0 =	sld [smem:$0x7EC]  }
0x381: {  	[sflag:s10] =	ssyncset.done $0x0  }
0x382: {  	[sflag:s10] =	ssyncadd.s32 $0xFFFFB000  }
0x383: {  	[hbm4b:s0+s2] =	stream.linear.scatter [tilespmem:s8], [sflag:$0x3], $0x5000, $0x38;
	[tilespmem:$0xA200] =	vst v63  }
0x384: {  	_ =	swait.ge [sflag:s5], $0x5000  }
0x385: {  	s0 =	sld [smem:$0x7ED]  }
0x386: {  	[sflag:s5] =	ssyncset.done $0x0  }
0x387: {  	[sflag:s5] =	ssyncadd.s32 $0xFFFFB000  }
0x388: {  	[tilespmem:s2], [sflag:$0x3] =	stream.linear.gather [hbm4b:s0+s2], $0xA0, $0x38;
	[tilespmem:$0xA200] =	vst v63  }
0x389: {  	_ =	swait.ge [sflag:s5], $0xA0  }
0x38a: {  	s0 =	sld [smem:$0x7EE]  }
0x38b: {  	[sflag:s5] =	ssyncset.done $0x0  }
0x38c: {  	[sflag:s5] =	ssyncadd.s32 $0xFFFFFF60  }
0x38d: {  	[tilespmem:s13], [sflag:$0x3] =	stream.linear.gather [hbm4b:s0+s2], $0xA0, $0x38;
	[tilespmem:$0xA200] =	vst v63  }
0x38e: {  	_ =	swait.ge [sflag:s5], $0xA0  }
0x38f: {  	[sflag:s5] =	ssyncset.done $0x0  }
0x390: {  	[sflag:s5] =	ssyncadd.s32 $0xFFFFFF60  }
0x391: {  	[tilespmem:s12], [sflag:$0x1] =	stream.indirect.gather [hbm4b:s3+s14], $0x80, s2, s14, $0xb8;
	[tilespmem:$0xA200] =	vst v63  }
0x392: {  	_ = 	snop  }
0x393: {  	[tilespmem:s8], [sflag:$0x2] =	stream.indirect.gather [hbm4b:s4+s14], $0x80, s13, s14, $0xb8;
	[tilespmem:$0xA200] =	vst v63  }
0x394: {  	_ =	swait.ge [sflag:s15], $0x5000  }
0x395: {  	s0 =	sld [smem:$0x7EF]  }
0x396: {  	[sflag:s15] =	ssyncset.done $0x0  }
0x397: {  	[sflag:s15] =	ssyncadd.s32 $0xFFFFB000  }
0x398: {  	[hbm4b:s0+s2] =	stream.linear.scatter [tilespmem:s12], [sflag:$0x3], $0x5000, $0x38;
	[tilespmem:$0xA200] =	vst v63  }
0x399: {  	_ =	swait.ge [sflag:s5], $0x5000  }
0x39a: {  	[sflag:s5] =	ssyncset.done $0x0  }
0x39b: {  	[sflag:s5] =	ssyncadd.s32 $0xFFFFB000  }
0x39c: {  	_ =	swait.ge [sflag:s10], $0x5000  }
0x39d: {  	s0 =	sld [smem:$0x7F0]  }
0x39e: {  	[sflag:s10] =	ssyncset.done $0x0  }
0x39f: {  	[sflag:s10] =	ssyncadd.s32 $0xFFFFB000  }
0x3a0: {  	[hbm4b:s0+s2] =	stream.linear.scatter [tilespmem:s8], [sflag:$0x3], $0x5000, $0x38;
	[tilespmem:$0xA200] =	vst v63  }
0x3a1: {  	_ =	swait.ge [sflag:s5], $0x5000  }
0x3a2: {  	s0 =	sld [smem:$0x7F1]  }
0x3a3: {  	[sflag:s5] =	ssyncset.done $0x0  }
0x3a4: {  	[sflag:s5] =	ssyncadd.s32 $0xFFFFB000  }
0x3a5: {  	[tilespmem:s2], [sflag:$0x3] =	stream.linear.gather [hbm4b:s0+s2], $0xA0, $0x38;
	[tilespmem:$0xA200] =	vst v63  }
0x3a6: {  	_ =	swait.ge [sflag:s5], $0xA0  }
0x3a7: {  	s0 =	sld [smem:$0x7F2]  }
0x3a8: {  	[sflag:s5] =	ssyncset.done $0x0  }
0x3a9: {  	[sflag:s5] =	ssyncadd.s32 $0xFFFFFF60  }
0x3aa: {  	[tilespmem:s13], [sflag:$0x3] =	stream.linear.gather [hbm4b:s0+s2], $0xA0, $0x38;
	[tilespmem:$0xA200] =	vst v63  }
0x3ab: {  	_ =	swait.ge [sflag:s5], $0xA0  }
0x3ac: {  	[sflag:s5] =	ssyncset.done $0x0  }
0x3ad: {  	[sflag:s5] =	ssyncadd.s32 $0xFFFFFF60  }
0x3ae: {  	[tilespmem:s12], [sflag:$0x1] =	stream.indirect.gather [hbm4b:s3+s14], $0x80, s2, s14, $0xb8;
	[tilespmem:$0xA200] =	vst v63  }
0x3af: {  	_ = 	snop  }
0x3b0: {  	[tilespmem:s8], [sflag:$0x2] =	stream.indirect.gather [hbm4b:s4+s14], $0x80, s13, s14, $0xb8;
	[tilespmem:$0xA200] =	vst v63  }
0x3b1: {  	_ =	swait.ge [sflag:s15], $0x5000  }
0x3b2: {  	s0 =	sld [smem:$0x7F3]  }
0x3b3: {  	[sflag:s15] =	ssyncset.done $0x0  }
0x3b4: {  	[sflag:s15] =	ssyncadd.s32 $0xFFFFB000  }
0x3b5: {  	[hbm4b:s0+s2] =	stream.linear.scatter [tilespmem:s12], [sflag:$0x3], $0x5000, $0x38;
	[tilespmem:$0xA200] =	vst v63  }
0x3b6: {  	_ =	swait.ge [sflag:s5], $0x5000  }
0x3b7: {  	[sflag:s5] =	ssyncset.done $0x0  }
0x3b8: {  	[sflag:s5] =	ssyncadd.s32 $0xFFFFB000  }
0x3b9: {  	_ =	swait.ge [sflag:s10], $0x5000  }
0x3ba: {  	s0 =	sld [smem:$0x7F4]  }
0x3bb: {  	[sflag:s10] =	ssyncset.done $0x0  }
0x3bc: {  	[sflag:s10] =	ssyncadd.s32 $0xFFFFB000  }
0x3bd: {  	[hbm4b:s0+s2] =	stream.linear.scatter [tilespmem:s8], [sflag:$0x3], $0x5000, $0x38;
	[tilespmem:$0xA200] =	vst v63  }
0x3be: {  	_ =	swait.ge [sflag:s5], $0x5000  }
0x3bf: {  	s0 =	sld [smem:$0x7F5]  }
0x3c0: {  	[sflag:s5] =	ssyncset.done $0x0  }
0x3c1: {  	[sflag:s5] =	ssyncadd.s32 $0xFFFFB000  }
0x3c2: {  	[tilespmem:s2], [sflag:$0x3] =	stream.linear.gather [hbm4b:s0+s2], $0xA0, $0x38;
	[tilespmem:$0xA200] =	vst v63  }
0x3c3: {  	_ =	swait.ge [sflag:s5], $0xA0  }
0x3c4: {  	s0 =	sld [smem:$0x7F6]  }
0x3c5: {  	[sflag:s5] =	ssyncset.done $0x0  }
0x3c6: {  	[sflag:s5] =	ssyncadd.s32 $0xFFFFFF60  }
0x3c7: {  	[tilespmem:s13], [sflag:$0x3] =	stream.linear.gather [hbm4b:s0+s2], $0xA0, $0x38;
	[tilespmem:$0xA200] =	vst v63  }
0x3c8: {  	_ =	swait.ge [sflag:s5], $0xA0  }
0x3c9: {  	[sflag:s5] =	ssyncset.done $0x0  }
0x3ca: {  	[sflag:s5] =	ssyncadd.s32 $0xFFFFFF60  }
0x3cb: {  	[tilespmem:s12], [sflag:$0x1] =	stream.indirect.gather [hbm4b:s3+s14], $0x80, s2, s14, $0xb8;
	[tilespmem:$0xA200] =	vst v63  }
0x3cc: {  	_ = 	snop  }
0x3cd: {  	[tilespmem:s8], [sflag:$0x2] =	stream.indirect.gather [hbm4b:s4+s14], $0x80, s13, s14, $0xb8;
	[tilespmem:$0xA200] =	vst v63  }
0x3ce: {  	_ =	swait.ge [sflag:s15], $0x5000  }
0x3cf: {  	s0 =	sld [smem:$0x7F7]  }
0x3d0: {  	[sflag:s15] =	ssyncset.done $0x0  }
0x3d1: {  	[sflag:s15] =	ssyncadd.s32 $0xFFFFB000  }
0x3d2: {  	[hbm4b:s0+s2] =	stream.linear.scatter [tilespmem:s12], [sflag:$0x3], $0x5000, $0x38;
	[tilespmem:$0xA200] =	vst v63  }
0x3d3: {  	_ =	swait.ge [sflag:s5], $0x5000  }
0x3d4: {  	[sflag:s5] =	ssyncset.done $0x0  }
0x3d5: {  	[sflag:s5] =	ssyncadd.s32 $0xFFFFB000  }
0x3d6: {  	_ =	swait.ge [sflag:s10], $0x5000  }
0x3d7: {  	s0 =	sld [smem:$0x7F8]  }
0x3d8: {  	[sflag:s10] =	ssyncset.done $0x0  }
0x3d9: {  	[sflag:s10] =	ssyncadd.s32 $0xFFFFB000  }
0x3da: {  	[hbm4b:s0+s2] =	stream.linear.scatter [tilespmem:s8], [sflag:$0x3], $0x5000, $0x38;
	[tilespmem:$0xA200] =	vst v63  }
0x3db: {  	_ =	swait.ge [sflag:s5], $0x5000  }
0x3dc: {  	s0 =	sld [smem:$0x7F9]  }
0x3dd: {  	[sflag:s5] =	ssyncset.done $0x0  }
0x3de: {  	[sflag:s5] =	ssyncadd.s32 $0xFFFFB000  }
0x3df: {  	[tilespmem:s2], [sflag:$0x3] =	stream.linear.gather [hbm4b:s0+s2], $0xA0, $0x38;
	[tilespmem:$0xA200] =	vst v63  }
0x3e0: {  	_ =	swait.ge [sflag:s5], $0xA0  }
0x3e1: {  	s0 =	sld [smem:$0x7FA]  }
0x3e2: {  	[sflag:s5] =	ssyncset.done $0x0  }
0x3e3: {  	[sflag:s5] =	ssyncadd.s32 $0xFFFFFF60  }
0x3e4: {  	[tilespmem:s13], [sflag:$0x3] =	stream.linear.gather [hbm4b:s0+s2], $0xA0, $0x38;
	[tilespmem:$0xA200] =	vst v63  }
0x3e5: {  	_ =	swait.ge [sflag:s5], $0xA0  }
0x3e6: {  	[sflag:s5] =	ssyncset.done $0x0  }
0x3e7: {  	[sflag:s5] =	ssyncadd.s32 $0xFFFFFF60  }
0x3e8: {  	[tilespmem:s12], [sflag:$0x1] =	stream.indirect.gather [hbm4b:s3+s14], $0x80, s2, s14, $0xb8;
	[tilespmem:$0xA200] =	vst v63  }
0x3e9: {  	_ = 	snop  }
0x3ea: {  	[tilespmem:s8], [sflag:$0x2] =	stream.indirect.gather [hbm4b:s4+s14], $0x80, s13, s14, $0xb8;
	[tilespmem:$0xA200] =	vst v63  }
0x3eb: {  	_ =	swait.ge [sflag:s15], $0x5000  }
0x3ec: {  	s0 =	sld [smem:$0x7FB]  }
0x3ed: {  	[sflag:s15] =	ssyncset.done $0x0  }
0x3ee: {  	[sflag:s15] =	ssyncadd.s32 $0xFFFFB000  }
0x3ef: {  	[hbm4b:s0+s2] =	stream.linear.scatter [tilespmem:s12], [sflag:$0x3], $0x5000, $0x38;
	[tilespmem:$0xA200] =	vst v63  }
0x3f0: {  	_ =	swait.ge [sflag:s5], $0x5000  }
0x3f1: {  	[sflag:s5] =	ssyncset.done $0x0  }
0x3f2: {  	[sflag:s5] =	ssyncadd.s32 $0xFFFFB000  }
0x3f3: {  	_ =	swait.ge [sflag:s10], $0x5000  }
0x3f4: {  	s0 =	sld [smem:$0x7FC]  }
0x3f5: {  	[sflag:s10] =	ssyncset.done $0x0  }
0x3f6: {  	[sflag:s10] =	ssyncadd.s32 $0xFFFFB000  }
0x3f7: {  	[hbm4b:s0+s2] =	stream.linear.scatter [tilespmem:s8], [sflag:$0x3], $0x5000, $0x38;
	[tilespmem:$0xA200] =	vst v63  }
0x3f8: {  	_ =	swait.ge [sflag:s5], $0x5000  }
0x3f9: {  	s0 =	sld [smem:$0x7FD]  }
0x3fa: {  	[sflag:s5] =	ssyncset.done $0x0  }
0x3fb: {  	[sflag:s5] =	ssyncadd.s32 $0xFFFFB000  }
0x3fc: {  	[tilespmem:s2], [sflag:$0x3] =	stream.linear.gather [hbm4b:s0+s2], $0xA0, $0x38;
	[tilespmem:$0xA200] =	vst v63  }
0x3fd: {  	_ =	swait.ge [sflag:s5], $0xA0  }
0x3fe: {  	[sflag:s5] =	ssyncset.done $0x0  }
0x3ff: {  	[sflag:s5] =	ssyncadd.s32 $0xFFFFFF60  }
0x400: {  	[tilespmem:s13], [sflag:$0x3] =	stream.linear.gather [hbm4b:s31+s2], $0xA0, $0x38;
	[tilespmem:$0xA200] =	vst v63  }
0x401: {  	_ =	swait.ge [sflag:s5], $0xA0  }
0x402: {  	[sflag:s5] =	ssyncset.done $0x0  }
0x403: {  	[sflag:s5] =	ssyncadd.s32 $0xFFFFFF60  }
0x404: {  	[tilespmem:s12], [sflag:$0x1] =	stream.indirect.gather [hbm4b:s3+s14], $0x80, s2, s14, $0xb8;
	[tilespmem:$0xA200] =	vst v63  }
0x405: {  	_ = 	snop  }
0x406: {  	[tilespmem:s8], [sflag:$0x2] =	stream.indirect.gather [hbm4b:s4+s14], $0x80, s13, s14, $0xb8;
	[tilespmem:$0xA200] =	vst v63  }
0x407: {  	_ =	swait.ge [sflag:s15], $0x5000  }
0x408: {  	[sflag:s15] =	ssyncset.done $0x0  }
0x409: {  	[sflag:s15] =	ssyncadd.s32 $0xFFFFB000  }
0x40a: {  	[hbm4b:s30+s2] =	stream.linear.scatter [tilespmem:s12], [sflag:$0x3], $0x5000, $0x38;
	[tilespmem:$0xA200] =	vst v63  }
0x40b: {  	_ =	swait.ge [sflag:s5], $0x5000  }
0x40c: {  	[sflag:s5] =	ssyncset.done $0x0  }
0x40d: {  	[sflag:s5] =	ssyncadd.s32 $0xFFFFB000  }
0x40e: {  	_ =	swait.ge [sflag:s10], $0x5000  }
0x40f: {  	[sflag:s10] =	ssyncset.done $0x0  }
0x410: {  	[sflag:s10] =	ssyncadd.s32 $0xFFFFB000  }
0x411: {  	[hbm4b:s29+s2] =	stream.linear.scatter [tilespmem:s8], [sflag:$0x3], $0x5000, $0x38;
	[tilespmem:$0xA200] =	vst v63  }
0x412: {  	_ =	swait.ge [sflag:s5], $0x5000  }
0x413: {  	[sflag:s5] =	ssyncset.done $0x0  }
0x414: {  	[sflag:s5] =	ssyncadd.s32 $0xFFFFB000  }
0x415: {  	[tilespmem:s2], [sflag:$0x3] =	stream.linear.gather [hbm4b:s28+s2], $0xA0, $0x38;
	[tilespmem:$0xA200] =	vst v63  }
0x416: {  	_ =	swait.ge [sflag:s5], $0xA0  }
0x417: {  	[sflag:s5] =	ssyncset.done $0x0  }
0x418: {  	[sflag:s5] =	ssyncadd.s32 $0xFFFFFF60  }
0x419: {  	[tilespmem:s13], [sflag:$0x3] =	stream.linear.gather [hbm4b:s26+s2], $0xA0, $0x38;
	[tilespmem:$0xA200] =	vst v63  }
0x41a: {  	_ =	swait.ge [sflag:s5], $0xA0  }
0x41b: {  	[sflag:s5] =	ssyncset.done $0x0  }
0x41c: {  	[sflag:s5] =	ssyncadd.s32 $0xFFFFFF60  }
0x41d: {  	[tilespmem:s12], [sflag:$0x1] =	stream.indirect.gather [hbm4b:s3+s14], $0x80, s2, s14, $0xb8;
	[tilespmem:$0xA200] =	vst v63  }
0x41e: {  	_ = 	snop  }
0x41f: {  	[tilespmem:s8], [sflag:$0x2] =	stream.indirect.gather [hbm4b:s4+s14], $0x80, s13, s14, $0xb8;
	[tilespmem:$0xA200] =	vst v63  }
0x420: {  	_ =	swait.ge [sflag:s15], $0x5000  }
0x421: {  	[sflag:s15] =	ssyncset.done $0x0  }
0x422: {  	[sflag:s15] =	ssyncadd.s32 $0xFFFFB000  }
0x423: {  	[hbm4b:s25+s2] =	stream.linear.scatter [tilespmem:s12], [sflag:$0x3], $0x5000, $0x38;
	[tilespmem:$0xA200] =	vst v63  }
0x424: {  	_ =	swait.ge [sflag:s5], $0x5000  }
0x425: {  	[sflag:s5] =	ssyncset.done $0x0  }
0x426: {  	[sflag:s5] =	ssyncadd.s32 $0xFFFFB000  }
0x427: {  	_ =	swait.ge [sflag:s10], $0x5000  }
0x428: {  	[sflag:s10] =	ssyncset.done $0x0  }
0x429: {  	[sflag:s10] =	ssyncadd.s32 $0xFFFFB000  }
0x42a: {  	[hbm4b:s24+s2] =	stream.linear.scatter [tilespmem:s8], [sflag:$0x3], $0x5000, $0x38;
	[tilespmem:$0xA200] =	vst v63  }
0x42b: {  	_ =	swait.ge [sflag:s5], $0x5000  }
0x42c: {  	[sflag:s5] =	ssyncset.done $0x0  }
0x42d: {  	[sflag:s5] =	ssyncadd.s32 $0xFFFFB000  }
0x42e: {  	[tilespmem:s2], [sflag:$0x3] =	stream.linear.gather [hbm4b:s23+s2], $0xA0, $0x38;
	[tilespmem:$0xA200] =	vst v63  }
0x42f: {  	_ =	swait.ge [sflag:s5], $0xA0  }
0x430: {  	[sflag:s5] =	ssyncset.done $0x0  }
0x431: {  	[sflag:s5] =	ssyncadd.s32 $0xFFFFFF60  }
0x432: {  	[tilespmem:s13], [sflag:$0x3] =	stream.linear.gather [hbm4b:s22+s2], $0xA0, $0x38;
	[tilespmem:$0xA200] =	vst v63  }
0x433: {  	_ =	swait.ge [sflag:s5], $0xA0  }
0x434: {  	[sflag:s5] =	ssyncset.done $0x0  }
0x435: {  	[sflag:s5] =	ssyncadd.s32 $0xFFFFFF60  }
0x436: {  	[tilespmem:s12], [sflag:$0x1] =	stream.indirect.gather [hbm4b:s3+s14], $0x80, s2, s14, $0xb8;
	[tilespmem:$0xA200] =	vst v63  }
0x437: {  	_ = 	snop  }
0x438: {  	[tilespmem:s8], [sflag:$0x2] =	stream.indirect.gather [hbm4b:s4+s14], $0x80, s13, s14, $0xb8;
	[tilespmem:$0xA200] =	vst v63  }
0x439: {  	_ =	swait.ge [sflag:s15], $0x5000  }
0x43a: {  	[sflag:s15] =	ssyncset.done $0x0  }
0x43b: {  	[sflag:s15] =	ssyncadd.s32 $0xFFFFB000  }
0x43c: {  	[hbm4b:s21+s2] =	stream.linear.scatter [tilespmem:s12], [sflag:$0x3], $0x5000, $0x38;
	[tilespmem:$0xA200] =	vst v63  }
0x43d: {  	_ =	swait.ge [sflag:s5], $0x5000  }
0x43e: {  	[sflag:s5] =	ssyncset.done $0x0  }
0x43f: {  	[sflag:s5] =	ssyncadd.s32 $0xFFFFB000  }
0x440: {  	_ =	swait.ge [sflag:s10], $0x5000  }
0x441: {  	[sflag:s10] =	ssyncset.done $0x0  }
0x442: {  	[sflag:s10] =	ssyncadd.s32 $0xFFFFB000  }
0x443: {  	[hbm4b:s20+s2] =	stream.linear.scatter [tilespmem:s8], [sflag:$0x3], $0x5000, $0x38;
	[tilespmem:$0xA200] =	vst v63  }
0x444: {  	_ =	swait.ge [sflag:s5], $0x5000  }
0x445: {  	[sflag:s5] =	ssyncset.done $0x0  }
0x446: {  	[sflag:s5] =	ssyncadd.s32 $0xFFFFB000  }
0x447: {  	[tilespmem:s2], [sflag:$0x3] =	stream.linear.gather [hbm4b:s19+s2], $0xA0, $0x38;
	[tilespmem:$0xA200] =	vst v63  }
0x448: {  	_ =	swait.ge [sflag:s5], $0xA0  }
0x449: {  	[sflag:s5] =	ssyncset.done $0x0  }
0x44a: {  	[sflag:s5] =	ssyncadd.s32 $0xFFFFFF60  }
0x44b: {  	[tilespmem:s13], [sflag:$0x3] =	stream.linear.gather [hbm4b:s18+s2], $0xA0, $0x38;
	[tilespmem:$0xA200] =	vst v63  }
0x44c: {  	_ =	swait.ge [sflag:s5], $0xA0  }
0x44d: {  	[sflag:s5] =	ssyncset.done $0x0  }
0x44e: {  	[sflag:s5] =	ssyncadd.s32 $0xFFFFFF60  }
0x44f: {  	[tilespmem:s12], [sflag:$0x1] =	stream.indirect.gather [hbm4b:s3+s14], $0x80, s2, s14, $0xb8;
	[tilespmem:$0xA200] =	vst v63  }
0x450: {  	_ = 	snop  }
0x451: {  	[tilespmem:s8], [sflag:$0x2] =	stream.indirect.gather [hbm4b:s4+s14], $0x80, s13, s14, $0xb8;
	[tilespmem:$0xA200] =	vst v63  }
0x452: {  	_ =	swait.ge [sflag:s15], $0x5000  }
0x453: {  	[sflag:s15] =	ssyncset.done $0x0  }
0x454: {  	[sflag:s15] =	ssyncadd.s32 $0xFFFFB000  }
0x455: {  	[hbm4b:s17+s2] =	stream.linear.scatter [tilespmem:s12], [sflag:$0x3], $0x5000, $0x38;
	[tilespmem:$0xA200] =	vst v63  }
0x456: {  	_ =	swait.ge [sflag:s5], $0x5000  }
0x457: {  	[sflag:s5] =	ssyncset.done $0x0  }
0x458: {  	[sflag:s5] =	ssyncadd.s32 $0xFFFFB000  }
0x459: {  	_ =	swait.ge [sflag:s10], $0x5000  }
0x45a: {  	[sflag:s10] =	ssyncset.done $0x0  }
0x45b: {  	[sflag:s10] =	ssyncadd.s32 $0xFFFFB000  }
0x45c: {  	[hbm4b:s16+s2] =	stream.linear.scatter [tilespmem:s8], [sflag:$0x3], $0x5000, $0x38;
	[tilespmem:$0xA200] =	vst v63  }
0x45d: {  	_ =	swait.ge [sflag:s5], $0x5000  }
0x45e: {  	[sflag:s5] =	ssyncset.done $0x0  }
0x45f: {  	[sflag:s5] =	ssyncadd.s32 $0xFFFFB000  }
0x460: {  	[tilespmem:s2], [sflag:$0x3] =	stream.linear.gather [hbm4b:s11+s2], $0xA0, $0x38;
	[tilespmem:$0xA200] =	vst v63  }
0x461: {  	_ =	swait.ge [sflag:s5], $0xA0  }
0x462: {  	[sflag:s5] =	ssyncset.done $0x0  }
0x463: {  	[sflag:s5] =	ssyncadd.s32 $0xFFFFFF60  }
0x464: {  	[tilespmem:s13], [sflag:$0x3] =	stream.linear.gather [hbm4b:s9+s2], $0xA0, $0x38;
	[tilespmem:$0xA200] =	vst v63  }
0x465: {  	_ =	swait.ge [sflag:s5], $0xA0  }
0x466: {  	[sflag:s5] =	ssyncset.done $0x0  }
0x467: {  	[sflag:s5] =	ssyncadd.s32 $0xFFFFFF60  }
0x468: {  	[tilespmem:s12], [sflag:$0x1] =	stream.indirect.gather [hbm4b:s3+s14], $0x80, s2, s14, $0xb8;
	[tilespmem:$0xA200] =	vst v63  }
0x469: {  	_ = 	snop  }
0x46a: {  	[tilespmem:s8], [sflag:$0x2] =	stream.indirect.gather [hbm4b:s4+s14], $0x80, s13, s14, $0xb8;
	[tilespmem:$0xA200] =	vst v63  }
0x46b: {  	_ =	swait.ge [sflag:s15], $0x5000  }
0x46c: {  	[sflag:s15] =	ssyncset.done $0x0  }
0x46d: {  	[sflag:s15] =	ssyncadd.s32 $0xFFFFB000  }
0x46e: {  	[hbm4b:s7+s2] =	stream.linear.scatter [tilespmem:s12], [sflag:$0x3], $0x5000, $0x38;
	[tilespmem:$0xA200] =	vst v63  }
0x46f: {  	_ =	swait.ge [sflag:s5], $0x5000  }
0x470: {  	[sflag:s5] =	ssyncset.done $0x0  }
0x471: {  	[sflag:s5] =	ssyncadd.s32 $0xFFFFB000  }
0x472: {  	p1 =	sne.s32 s1, $0x1;
	_ =	swait.ge [sflag:s10], $0x5000  }
.Ltmp2:
0x473: {  	[sflag:s10] =	ssyncset.done $0x0;
	(pc) =	sbr.rel @p1 .LBB2_2-.Ltmp2, $4  }
0x474: {  	[sflag:s10] =	ssyncadd.s32 $0xFFFFB000  }
0x475: {  	[hbm4b:s6+s2] =	stream.linear.scatter [tilespmem:s8], [sflag:$0x3], $0x5000, $0x38;
	[tilespmem:$0xA200] =	vst v63  }
0x476: {  	_ =	swait.ge [sflag:s5], $0x5000  }
0x477: {  	s1 =	sadd.s32 $0xFFFFFFFF, s1;
	s0 =	rddreg [dreg:$0x2];
	[sflag:s5] =	ssyncset.done $0x0  }
.LBB2_3:
0x478: {  	[sflag:s5] =	ssyncadd.s32 @p0 $0xFFFFB000  }
0x479: {  	[tilespmem:s2], [sflag:$0x3] =	stream.linear.gather [hbm4b:s0+s2], $0xA0, $0x38;
	[tilespmem:$0xA200] =	vst v63  }
0x47a: {  	_ =	swait.ge [sflag:s5], $0xA0  }
0x47b: {  	[sflag:s5] =	ssyncset.done $0x0  }
0x47c: {  	s1 =	rddreg [dreg:$0x3];
	[sflag:s5] =	ssyncadd.s32 $0xFFFFFF60  }
0x47d: {  	[tilespmem:s13], [sflag:$0x3] =	stream.linear.gather [hbm4b:s1+s2], $0xA0, $0x38;
	[tilespmem:$0xA200] =	vst v63  }
0x47e: {  	_ =	swait.ge [sflag:s5], $0xA0  }
0x47f: {  	[sflag:s5] =	ssyncset.done $0x0  }
0x480: {  	[sflag:s5] =	ssyncadd.s32 $0xFFFFFF60  }
0x481: {  	[tilespmem:s12], [sflag:$0x1] =	stream.indirect.gather [hbm4b:s3+s14], $0x80, s2, s14, $0xb8;
	[tilespmem:$0xA200] =	vst v63  }
0x482: {  	_ = 	snop  }
0x483: {  	[tilespmem:s8], [sflag:$0x2] =	stream.indirect.gather [hbm4b:s4+s14], $0x80, s13, s14, $0xb8;
	[tilespmem:$0xA200] =	vst v63  }
0x484: {  	_ =	swait.ge [sflag:s15], $0x5000  }
0x485: {  	[sflag:s15] =	ssyncset.done $0x0  }
0x486: {  	s1 =	rddreg [dreg:$0x4];
	[sflag:s15] =	ssyncadd.s32 $0xFFFFB000  }
0x487: {  	[hbm4b:s1+s2] =	stream.linear.scatter [tilespmem:s12], [sflag:$0x3], $0x5000, $0x38;
	[tilespmem:$0xA200] =	vst v63  }
0x488: {  	_ =	swait.ge [sflag:s5], $0x5000  }
0x489: {  	[sflag:s5] =	ssyncset.done $0x0  }
0x48a: {  	[sflag:s5] =	ssyncadd.s32 $0xFFFFB000  }
0x48b: {  	_ =	swait.ge [sflag:s10], $0x5000  }
0x48c: {  	[sflag:s10] =	ssyncset.done $0x0  }
0x48d: {  	s1 =	rddreg [dreg:$0x5];
	[sflag:s10] =	ssyncadd.s32 $0xFFFFB000  }
0x48e: {  	[hbm4b:s1+s2] =	stream.linear.scatter [tilespmem:s8], [sflag:$0x3], $0x5000, $0x38;
	[tilespmem:$0xA200] =	vst v63  }
0x48f: {  	_ =	swait.ge [sflag:s5], $0x5000  }
0x490: {  	[sflag:s5] =	ssyncset.done $0x0  }
0x491: {  	s1 =	rddreg [dreg:$0x6];
	[sflag:s5] =	ssyncadd.s32 $0xFFFFB000  }
0x492: {  	[tilespmem:s2], [sflag:$0x3] =	stream.linear.gather [hbm4b:s1+s2], $0xA0, $0x38;
	[tilespmem:$0xA200] =	vst v63  }
0x493: {  	_ =	swait.ge [sflag:s5], $0xA0  }
0x494: {  	[sflag:s5] =	ssyncset.done $0x0  }
0x495: {  	s1 =	rddreg [dreg:$0x7];
	[sflag:s5] =	ssyncadd.s32 $0xFFFFFF60  }
0x496: {  	[tilespmem:s13], [sflag:$0x3] =	stream.linear.gather [hbm4b:s1+s2], $0xA0, $0x38;
	[tilespmem:$0xA200] =	vst v63  }
0x497: {  	_ =	swait.ge [sflag:s5], $0xA0  }
0x498: {  	[sflag:s5] =	ssyncset.done $0x0  }
0x499: {  	[sflag:s5] =	ssyncadd.s32 $0xFFFFFF60  }
0x49a: {  	[tilespmem:s12], [sflag:$0x1] =	stream.indirect.gather [hbm4b:s3+s14], $0x80, s2, s14, $0xb8;
	[tilespmem:$0xA200] =	vst v63  }
0x49b: {  	_ = 	snop  }
0x49c: {  	[tilespmem:s8], [sflag:$0x2] =	stream.indirect.gather [hbm4b:s4+s14], $0x80, s13, s14, $0xb8;
	[tilespmem:$0xA200] =	vst v63  }
0x49d: {  	_ =	swait.ge [sflag:s15], $0x5000  }
0x49e: {  	[sflag:s15] =	ssyncset.done $0x0  }
0x49f: {  	s1 =	rddreg [dreg:$0x8];
	[sflag:s15] =	ssyncadd.s32 $0xFFFFB000  }
0x4a0: {  	[hbm4b:s1+s2] =	stream.linear.scatter [tilespmem:s12], [sflag:$0x3], $0x5000, $0x38;
	[tilespmem:$0xA200] =	vst v63  }
0x4a1: {  	_ =	swait.ge [sflag:s5], $0x5000  }
0x4a2: {  	[sflag:s5] =	ssyncset.done $0x0  }
0x4a3: {  	[sflag:s5] =	ssyncadd.s32 $0xFFFFB000  }
0x4a4: {  	_ =	swait.ge [sflag:s10], $0x5000  }
0x4a5: {  	[sflag:s10] =	ssyncset.done $0x0  }
0x4a6: {  	s1 =	rddreg [dreg:$0x9];
	[sflag:s10] =	ssyncadd.s32 $0xFFFFB000  }
0x4a7: {  	[hbm4b:s1+s2] =	stream.linear.scatter [tilespmem:s8], [sflag:$0x3], $0x5000, $0x38;
	[tilespmem:$0xA200] =	vst v63  }
0x4a8: {  	_ =	swait.ge [sflag:s5], $0x5000  }
0x4a9: {  	[sflag:s5] =	ssyncset.done $0x0  }
0x4aa: {  	s1 =	rddreg [dreg:$0xa];
	[sflag:s5] =	ssyncadd.s32 $0xFFFFB000  }
0x4ab: {  	[tilespmem:s2], [sflag:$0x3] =	stream.linear.gather [hbm4b:s1+s2], $0xA0, $0x38;
	[tilespmem:$0xA200] =	vst v63  }
0x4ac: {  	_ =	swait.ge [sflag:s5], $0xA0  }
0x4ad: {  	[sflag:s5] =	ssyncset.done $0x0  }
0x4ae: {  	s1 =	rddreg [dreg:$0xb];
	[sflag:s5] =	ssyncadd.s32 $0xFFFFFF60  }
0x4af: {  	[tilespmem:s13], [sflag:$0x3] =	stream.linear.gather [hbm4b:s1+s2], $0xA0, $0x38;
	[tilespmem:$0xA200] =	vst v63  }
0x4b0: {  	_ =	swait.ge [sflag:s5], $0xA0  }
0x4b1: {  	[sflag:s5] =	ssyncset.done $0x0  }
0x4b2: {  	[sflag:s5] =	ssyncadd.s32 $0xFFFFFF60  }
0x4b3: {  	[tilespmem:s12], [sflag:$0x1] =	stream.indirect.gather [hbm4b:s3+s14], $0x80, s2, s14, $0xb8;
	[tilespmem:$0xA200] =	vst v63  }
0x4b4: {  	_ = 	snop  }
0x4b5: {  	[tilespmem:s8], [sflag:$0x2] =	stream.indirect.gather [hbm4b:s4+s14], $0x80, s13, s14, $0xb8;
	[tilespmem:$0xA200] =	vst v63  }
0x4b6: {  	_ =	swait.ge [sflag:s15], $0x5000  }
0x4b7: {  	[sflag:s15] =	ssyncset.done $0x0  }
0x4b8: {  	s1 =	rddreg [dreg:$0xc];
	[sflag:s15] =	ssyncadd.s32 $0xFFFFB000  }
0x4b9: {  	[hbm4b:s1+s2] =	stream.linear.scatter [tilespmem:s12], [sflag:$0x3], $0x5000, $0x38;
	[tilespmem:$0xA200] =	vst v63  }
0x4ba: {  	_ =	swait.ge [sflag:s5], $0x5000  }
0x4bb: {  	[sflag:s5] =	ssyncset.done $0x0  }
0x4bc: {  	[sflag:s5] =	ssyncadd.s32 $0xFFFFB000  }
0x4bd: {  	_ =	swait.ge [sflag:s10], $0x5000  }
0x4be: {  	[sflag:s10] =	ssyncset.done $0x0  }
0x4bf: {  	s1 =	rddreg [dreg:$0xd];
	[sflag:s10] =	ssyncadd.s32 $0xFFFFB000  }
0x4c0: {  	[hbm4b:s1+s2] =	stream.linear.scatter [tilespmem:s8], [sflag:$0x3], $0x5000, $0x38;
	[tilespmem:$0xA200] =	vst v63  }
0x4c1: {  	_ =	swait.ge [sflag:s5], $0x5000  }
0x4c2: {  	[sflag:s5] =	ssyncset.done $0x0  }
0x4c3: {  	s1 =	rddreg [dreg:$0xe];
	[sflag:s5] =	ssyncadd.s32 $0xFFFFB000  }
0x4c4: {  	[tilespmem:s2], [sflag:$0x3] =	stream.linear.gather [hbm4b:s1+s2], $0xA0, $0x38;
	[tilespmem:$0xA200] =	vst v63  }
0x4c5: {  	_ =	swait.ge [sflag:s5], $0xA0  }
0x4c6: {  	[sflag:s5] =	ssyncset.done $0x0  }
0x4c7: {  	s1 =	rddreg [dreg:$0xf];
	[sflag:s5] =	ssyncadd.s32 $0xFFFFFF60  }
0x4c8: {  	[tilespmem:s13], [sflag:$0x3] =	stream.linear.gather [hbm4b:s1+s2], $0xA0, $0x38;
	[tilespmem:$0xA200] =	vst v63  }
0x4c9: {  	_ =	swait.ge [sflag:s5], $0xA0  }
0x4ca: {  	[sflag:s5] =	ssyncset.done $0x0  }
0x4cb: {  	[sflag:s5] =	ssyncadd.s32 $0xFFFFFF60  }
0x4cc: {  	[tilespmem:s12], [sflag:$0x1] =	stream.indirect.gather [hbm4b:s3+s14], $0x80, s2, s14, $0xb8;
	[tilespmem:$0xA200] =	vst v63  }
0x4cd: {  	_ = 	snop  }
0x4ce: {  	[tilespmem:s8], [sflag:$0x2] =	stream.indirect.gather [hbm4b:s4+s14], $0x80, s13, s14, $0xb8;
	[tilespmem:$0xA200] =	vst v63  }
0x4cf: {  	_ =	swait.ge [sflag:s15], $0x5000  }
0x4d0: {  	[sflag:s15] =	ssyncset.done $0x0  }
0x4d1: {  	s1 =	rddreg [dreg:$0x10];
	[sflag:s15] =	ssyncadd.s32 $0xFFFFB000  }
0x4d2: {  	[hbm4b:s1+s2] =	stream.linear.scatter [tilespmem:s12], [sflag:$0x3], $0x5000, $0x38;
	[tilespmem:$0xA200] =	vst v63  }
0x4d3: {  	_ =	swait.ge [sflag:s5], $0x5000  }
0x4d4: {  	[sflag:s5] =	ssyncset.done $0x0  }
0x4d5: {  	[sflag:s5] =	ssyncadd.s32 $0xFFFFB000  }
0x4d6: {  	_ =	swait.ge [sflag:s10], $0x5000  }
0x4d7: {  	[sflag:s10] =	ssyncset.done $0x0  }
0x4d8: {  	s1 =	rddreg [dreg:$0x11];
	[sflag:s10] =	ssyncadd.s32 $0xFFFFB000  }
0x4d9: {  	[hbm4b:s1+s2] =	stream.linear.scatter [tilespmem:s8], [sflag:$0x3], $0x5000, $0x38;
	[tilespmem:$0xA200] =	vst v63  }
0x4da: {  	_ =	swait.ge [sflag:s5], $0x5000  }
0x4db: {  	[sflag:s5] =	ssyncset.done $0x0  }
0x4dc: {  	s1 =	rddreg [dreg:$0x12];
	[sflag:s5] =	ssyncadd.s32 $0xFFFFB000  }
0x4dd: {  	[tilespmem:s2], [sflag:$0x3] =	stream.linear.gather [hbm4b:s1+s2], $0xA0, $0x38;
	[tilespmem:$0xA200] =	vst v63  }
0x4de: {  	_ =	swait.ge [sflag:s5], $0xA0  }
0x4df: {  	[sflag:s5] =	ssyncset.done $0x0  }
0x4e0: {  	s1 =	rddreg [dreg:$0x13];
	[sflag:s5] =	ssyncadd.s32 $0xFFFFFF60  }
0x4e1: {  	[tilespmem:s13], [sflag:$0x3] =	stream.linear.gather [hbm4b:s1+s2], $0xA0, $0x38;
	[tilespmem:$0xA200] =	vst v63  }
0x4e2: {  	_ =	swait.ge [sflag:s5], $0xA0  }
0x4e3: {  	[sflag:s5] =	ssyncset.done $0x0  }
0x4e4: {  	[sflag:s5] =	ssyncadd.s32 $0xFFFFFF60  }
0x4e5: {  	[tilespmem:s12], [sflag:$0x1] =	stream.indirect.gather [hbm4b:s3+s14], $0x80, s2, s14, $0xb8;
	[tilespmem:$0xA200] =	vst v63  }
0x4e6: {  	_ = 	snop  }
0x4e7: {  	[tilespmem:s8], [sflag:$0x2] =	stream.indirect.gather [hbm4b:s4+s14], $0x80, s13, s14, $0xb8;
	[tilespmem:$0xA200] =	vst v63  }
0x4e8: {  	_ =	swait.ge [sflag:s15], $0x5000  }
0x4e9: {  	[sflag:s15] =	ssyncset.done $0x0  }
0x4ea: {  	s1 =	rddreg [dreg:$0x14];
	[sflag:s15] =	ssyncadd.s32 $0xFFFFB000  }
0x4eb: {  	[hbm4b:s1+s2] =	stream.linear.scatter [tilespmem:s12], [sflag:$0x3], $0x5000, $0x38;
	[tilespmem:$0xA200] =	vst v63  }
0x4ec: {  	_ =	swait.ge [sflag:s5], $0x5000  }
0x4ed: {  	[sflag:s5] =	ssyncset.done $0x0  }
0x4ee: {  	[sflag:s5] =	ssyncadd.s32 $0xFFFFB000  }
0x4ef: {  	_ =	swait.ge [sflag:s10], $0x5000  }
0x4f0: {  	[sflag:s10] =	ssyncset.done $0x0  }
0x4f1: {  	s1 =	rddreg [dreg:$0x15];
	[sflag:s10] =	ssyncadd.s32 $0xFFFFB000  }
0x4f2: {  	[hbm4b:s1+s2] =	stream.linear.scatter [tilespmem:s8], [sflag:$0x3], $0x5000, $0x38;
	[tilespmem:$0xA200] =	vst v63  }
0x4f3: {  	_ =	swait.ge [sflag:s5], $0x5000  }
0x4f4: {  	[sflag:s5] =	ssyncset.done $0x0  }
0x4f5: {  	s1 =	rddreg [dreg:$0x16];
	[sflag:s5] =	ssyncadd.s32 $0xFFFFB000  }
0x4f6: {  	[tilespmem:s2], [sflag:$0x3] =	stream.linear.gather [hbm4b:s1+s2], $0xA0, $0x38;
	[tilespmem:$0xA200] =	vst v63  }
0x4f7: {  	_ =	swait.ge [sflag:s5], $0xA0  }
0x4f8: {  	[sflag:s5] =	ssyncset.done $0x0  }
0x4f9: {  	s1 =	rddreg [dreg:$0x17];
	[sflag:s5] =	ssyncadd.s32 $0xFFFFFF60  }
0x4fa: {  	[tilespmem:s13], [sflag:$0x3] =	stream.linear.gather [hbm4b:s1+s2], $0xA0, $0x38;
	[tilespmem:$0xA200] =	vst v63  }
0x4fb: {  	_ =	swait.ge [sflag:s5], $0xA0  }
0x4fc: {  	[sflag:s5] =	ssyncset.done $0x0  }
0x4fd: {  	[sflag:s5] =	ssyncadd.s32 $0xFFFFFF60  }
0x4fe: {  	[tilespmem:s12], [sflag:$0x1] =	stream.indirect.gather [hbm4b:s3+s14], $0x80, s2, s14, $0xb8;
	[tilespmem:$0xA200] =	vst v63  }
0x4ff: {  	_ = 	snop  }
0x500: {  	[tilespmem:s8], [sflag:$0x2] =	stream.indirect.gather [hbm4b:s4+s14], $0x80, s13, s14, $0xb8;
	[tilespmem:$0xA200] =	vst v63  }
0x501: {  	_ =	swait.ge [sflag:s15], $0x5000  }
0x502: {  	[sflag:s15] =	ssyncset.done $0x0  }
0x503: {  	s1 =	rddreg [dreg:$0x18];
	[sflag:s15] =	ssyncadd.s32 $0xFFFFB000  }
0x504: {  	[hbm4b:s1+s2] =	stream.linear.scatter [tilespmem:s12], [sflag:$0x3], $0x5000, $0x38;
	[tilespmem:$0xA200] =	vst v63  }
0x505: {  	_ =	swait.ge [sflag:s5], $0x5000  }
0x506: {  	[sflag:s5] =	ssyncset.done $0x0  }
0x507: {  	[sflag:s5] =	ssyncadd.s32 $0xFFFFB000  }
0x508: {  	_ =	swait.ge [sflag:s10], $0x5000  }
0x509: {  	[sflag:s10] =	ssyncset.done $0x0  }
0x50a: {  	s1 =	rddreg [dreg:$0x19];
	[sflag:s10] =	ssyncadd.s32 $0xFFFFB000  }
0x50b: {  	[hbm4b:s1+s2] =	stream.linear.scatter [tilespmem:s8], [sflag:$0x3], $0x5000, $0x38;
	[tilespmem:$0xA200] =	vst v63  }
0x50c: {  	_ =	swait.ge [sflag:s5], $0x5000  }
0x50d: {  	[sflag:s5] =	ssyncset.done $0x0  }
0x50e: {  	s1 =	rddreg [dreg:$0x1a];
	[sflag:s5] =	ssyncadd.s32 $0xFFFFB000  }
0x50f: {  	[tilespmem:s2], [sflag:$0x3] =	stream.linear.gather [hbm4b:s1+s2], $0xA0, $0x38;
	[tilespmem:$0xA200] =	vst v63  }
0x510: {  	_ =	swait.ge [sflag:s5], $0xA0  }
0x511: {  	[sflag:s5] =	ssyncset.done $0x0  }
0x512: {  	s1 =	rddreg [dreg:$0x1b];
	[sflag:s5] =	ssyncadd.s32 $0xFFFFFF60  }
0x513: {  	[tilespmem:s13], [sflag:$0x3] =	stream.linear.gather [hbm4b:s1+s2], $0xA0, $0x38;
	[tilespmem:$0xA200] =	vst v63  }
0x514: {  	_ =	swait.ge [sflag:s5], $0xA0  }
0x515: {  	[sflag:s5] =	ssyncset.done $0x0  }
0x516: {  	[sflag:s5] =	ssyncadd.s32 $0xFFFFFF60  }
0x517: {  	[tilespmem:s12], [sflag:$0x1] =	stream.indirect.gather [hbm4b:s3+s14], $0x80, s2, s14, $0xb8;
	[tilespmem:$0xA200] =	vst v63  }
0x518: {  	_ = 	snop  }
0x519: {  	[tilespmem:s8], [sflag:$0x2] =	stream.indirect.gather [hbm4b:s4+s14], $0x80, s13, s14, $0xb8;
	[tilespmem:$0xA200] =	vst v63  }
0x51a: {  	_ =	swait.ge [sflag:s15], $0x5000  }
0x51b: {  	[sflag:s15] =	ssyncset.done $0x0  }
0x51c: {  	s1 =	rddreg [dreg:$0x1c];
	[sflag:s15] =	ssyncadd.s32 $0xFFFFB000  }
0x51d: {  	[hbm4b:s1+s2] =	stream.linear.scatter [tilespmem:s12], [sflag:$0x3], $0x5000, $0x38;
	[tilespmem:$0xA200] =	vst v63  }
0x51e: {  	_ =	swait.ge [sflag:s5], $0x5000  }
0x51f: {  	[sflag:s5] =	ssyncset.done $0x0  }
0x520: {  	[sflag:s5] =	ssyncadd.s32 $0xFFFFB000  }
0x521: {  	_ =	swait.ge [sflag:s10], $0x5000  }
0x522: {  	[sflag:s10] =	ssyncset.done $0x0  }
0x523: {  	s1 =	rddreg [dreg:$0x1d];
	[sflag:s10] =	ssyncadd.s32 $0xFFFFB000  }
0x524: {  	[hbm4b:s1+s2] =	stream.linear.scatter [tilespmem:s8], [sflag:$0x3], $0x5000, $0x38;
	[tilespmem:$0xA200] =	vst v63  }
0x525: {  	_ =	swait.ge [sflag:s5], $0x5000  }
0x526: {  	[sflag:s5] =	ssyncset.done $0x0  }
0x527: {  	s1 =	rddreg [dreg:$0x1e];
	[sflag:s5] =	ssyncadd.s32 $0xFFFFB000  }
0x528: {  	[tilespmem:s2], [sflag:$0x3] =	stream.linear.gather [hbm4b:s1+s2], $0xA0, $0x38;
	[tilespmem:$0xA200] =	vst v63  }
0x529: {  	_ =	swait.ge [sflag:s5], $0xA0  }
0x52a: {  	[sflag:s5] =	ssyncset.done $0x0  }
0x52b: {  	s1 =	rddreg [dreg:$0x1f];
	[sflag:s5] =	ssyncadd.s32 $0xFFFFFF60  }
0x52c: {  	[tilespmem:s13], [sflag:$0x3] =	stream.linear.gather [hbm4b:s1+s2], $0xA0, $0x38;
	[tilespmem:$0xA200] =	vst v63  }
0x52d: {  	_ =	swait.ge [sflag:s5], $0xA0  }
0x52e: {  	[sflag:s5] =	ssyncset.done $0x0  }
0x52f: {  	[sflag:s5] =	ssyncadd.s32 $0xFFFFFF60  }
0x530: {  	[tilespmem:s12], [sflag:$0x1] =	stream.indirect.gather [hbm4b:s3+s14], $0x80, s2, s14, $0xb8;
	[tilespmem:$0xA200] =	vst v63  }
0x531: {  	_ = 	snop  }
0x532: {  	[tilespmem:s8], [sflag:$0x2] =	stream.indirect.gather [hbm4b:s4+s14], $0x80, s13, s14, $0xb8;
	[tilespmem:$0xA200] =	vst v63  }
0x533: {  	_ =	swait.ge [sflag:s15], $0x5000  }
0x534: {  	s1 =	sld [smem:$0x7DF]  }
0x535: {  	[sflag:s15] =	ssyncset.done $0x0  }
0x536: {  	[sflag:s15] =	ssyncadd.s32 $0xFFFFB000  }
0x537: {  	[hbm4b:s1+s2] =	stream.linear.scatter [tilespmem:s12], [sflag:$0x3], $0x5000, $0x38;
	[tilespmem:$0xA200] =	vst v63  }
0x538: {  	_ =	swait.ge [sflag:s5], $0x5000  }
0x539: {  	[sflag:s5] =	ssyncset.done $0x0  }
0x53a: {  	[sflag:s5] =	ssyncadd.s32 $0xFFFFB000  }
0x53b: {  	_ =	swait.ge [sflag:s10], $0x5000  }
0x53c: {  	s1 =	sld [smem:$0x7E0]  }
0x53d: {  	[sflag:s10] =	ssyncset.done $0x0  }
0x53e: {  	[sflag:s10] =	ssyncadd.s32 $0xFFFFB000  }
0x53f: {  	[hbm4b:s1+s2] =	stream.linear.scatter [tilespmem:s8], [sflag:$0x3], $0x5000, $0x38;
	[tilespmem:$0xA200] =	vst v63  }
0x540: {  	_ =	swait.ge [sflag:s5], $0x5000  }
0x541: {  	s1 =	sld [smem:$0x7E1]  }
0x542: {  	[sflag:s5] =	ssyncset.done $0x0  }
0x543: {  	[sflag:s5] =	ssyncadd.s32 $0xFFFFB000  }
0x544: {  	[tilespmem:s2], [sflag:$0x3] =	stream.linear.gather [hbm4b:s1+s2], $0xA0, $0x38;
	[tilespmem:$0xA200] =	vst v63  }
0x545: {  	_ =	swait.ge [sflag:s5], $0xA0  }
0x546: {  	s1 =	sld [smem:$0x7E2]  }
0x547: {  	[sflag:s5] =	ssyncset.done $0x0  }
0x548: {  	[sflag:s5] =	ssyncadd.s32 $0xFFFFFF60  }
0x549: {  	[tilespmem:s13], [sflag:$0x3] =	stream.linear.gather [hbm4b:s1+s2], $0xA0, $0x38;
	[tilespmem:$0xA200] =	vst v63  }
0x54a: {  	_ =	swait.ge [sflag:s5], $0xA0  }
0x54b: {  	[sflag:s5] =	ssyncset.done $0x0  }
0x54c: {  	[sflag:s5] =	ssyncadd.s32 $0xFFFFFF60  }
0x54d: {  	[tilespmem:s12], [sflag:$0x1] =	stream.indirect.gather [hbm4b:s3+s14], $0x80, s2, s14, $0xb8;
	[tilespmem:$0xA200] =	vst v63  }
0x54e: {  	_ = 	snop  }
0x54f: {  	[tilespmem:s8], [sflag:$0x2] =	stream.indirect.gather [hbm4b:s4+s14], $0x80, s13, s14, $0xb8;
	[tilespmem:$0xA200] =	vst v63  }
0x550: {  	_ =	swait.ge [sflag:s15], $0x5000  }
0x551: {  	s1 =	sld [smem:$0x7E3]  }
0x552: {  	[sflag:s15] =	ssyncset.done $0x0  }
0x553: {  	[sflag:s15] =	ssyncadd.s32 $0xFFFFB000  }
0x554: {  	[hbm4b:s1+s2] =	stream.linear.scatter [tilespmem:s12], [sflag:$0x3], $0x5000, $0x38;
	[tilespmem:$0xA200] =	vst v63  }
0x555: {  	_ =	swait.ge [sflag:s5], $0x5000  }
0x556: {  	[sflag:s5] =	ssyncset.done $0x0  }
0x557: {  	[sflag:s5] =	ssyncadd.s32 $0xFFFFB000  }
0x558: {  	_ =	swait.ge [sflag:s10], $0x5000  }
0x559: {  	s1 =	sld [smem:$0x7E4]  }
0x55a: {  	[sflag:s10] =	ssyncset.done $0x0  }
0x55b: {  	[sflag:s10] =	ssyncadd.s32 $0xFFFFB000  }
0x55c: {  	[hbm4b:s1+s2] =	stream.linear.scatter [tilespmem:s8], [sflag:$0x3], $0x5000, $0x38;
	[tilespmem:$0xA200] =	vst v63  }
0x55d: {  	_ =	swait.ge [sflag:s5], $0x5000  }
0x55e: {  	s1 =	sld [smem:$0x7E5]  }
0x55f: {  	[sflag:s5] =	ssyncset.done $0x0  }
0x560: {  	[sflag:s5] =	ssyncadd.s32 $0xFFFFB000  }
0x561: {  	[tilespmem:s2], [sflag:$0x3] =	stream.linear.gather [hbm4b:s1+s2], $0xA0, $0x38;
	[tilespmem:$0xA200] =	vst v63  }
0x562: {  	_ =	swait.ge [sflag:s5], $0xA0  }
0x563: {  	s1 =	sld [smem:$0x7E6]  }
0x564: {  	[sflag:s5] =	ssyncset.done $0x0  }
0x565: {  	[sflag:s5] =	ssyncadd.s32 $0xFFFFFF60  }
0x566: {  	[tilespmem:s13], [sflag:$0x3] =	stream.linear.gather [hbm4b:s1+s2], $0xA0, $0x38;
	[tilespmem:$0xA200] =	vst v63  }
0x567: {  	_ =	swait.ge [sflag:s5], $0xA0  }
0x568: {  	[sflag:s5] =	ssyncset.done $0x0  }
0x569: {  	[sflag:s5] =	ssyncadd.s32 $0xFFFFFF60  }
0x56a: {  	[tilespmem:s12], [sflag:$0x1] =	stream.indirect.gather [hbm4b:s3+s14], $0x80, s2, s14, $0xb8;
	[tilespmem:$0xA200] =	vst v63  }
0x56b: {  	_ = 	snop  }
0x56c: {  	[tilespmem:s8], [sflag:$0x2] =	stream.indirect.gather [hbm4b:s4+s14], $0x80, s13, s14, $0xb8;
	[tilespmem:$0xA200] =	vst v63  }
0x56d: {  	_ =	swait.ge [sflag:s15], $0x5000  }
0x56e: {  	s1 =	sld [smem:$0x7E7]  }
0x56f: {  	[sflag:s15] =	ssyncset.done $0x0  }
0x570: {  	[sflag:s15] =	ssyncadd.s32 $0xFFFFB000  }
0x571: {  	[hbm4b:s1+s2] =	stream.linear.scatter [tilespmem:s12], [sflag:$0x3], $0x5000, $0x38;
	[tilespmem:$0xA200] =	vst v63  }
0x572: {  	_ =	swait.ge [sflag:s5], $0x5000  }
0x573: {  	[sflag:s5] =	ssyncset.done $0x0  }
0x574: {  	[sflag:s5] =	ssyncadd.s32 $0xFFFFB000  }
0x575: {  	_ =	swait.ge [sflag:s10], $0x5000  }
0x576: {  	s1 =	sld [smem:$0x7E8]  }
0x577: {  	[sflag:s10] =	ssyncset.done $0x0  }
0x578: {  	[sflag:s10] =	ssyncadd.s32 $0xFFFFB000  }
0x579: {  	[hbm4b:s1+s2] =	stream.linear.scatter [tilespmem:s8], [sflag:$0x3], $0x5000, $0x38;
	[tilespmem:$0xA200] =	vst v63  }
0x57a: {  	_ =	swait.ge [sflag:s5], $0x5000  }
0x57b: {  	s1 =	sld [smem:$0x7E9]  }
0x57c: {  	[sflag:s5] =	ssyncset.done $0x0  }
0x57d: {  	[sflag:s5] =	ssyncadd.s32 $0xFFFFB000  }
0x57e: {  	[tilespmem:s2], [sflag:$0x3] =	stream.linear.gather [hbm4b:s1+s2], $0xA0, $0x38;
	[tilespmem:$0xA200] =	vst v63  }
0x57f: {  	_ =	swait.ge [sflag:s5], $0xA0  }
0x580: {  	s1 =	sld [smem:$0x7EA]  }
0x581: {  	[sflag:s5] =	ssyncset.done $0x0  }
0x582: {  	[sflag:s5] =	ssyncadd.s32 $0xFFFFFF60  }
0x583: {  	[tilespmem:s13], [sflag:$0x3] =	stream.linear.gather [hbm4b:s1+s2], $0xA0, $0x38;
	[tilespmem:$0xA200] =	vst v63  }
0x584: {  	_ =	swait.ge [sflag:s5], $0xA0  }
0x585: {  	[sflag:s5] =	ssyncset.done $0x0  }
0x586: {  	[sflag:s5] =	ssyncadd.s32 $0xFFFFFF60  }
0x587: {  	[tilespmem:s12], [sflag:$0x1] =	stream.indirect.gather [hbm4b:s3+s14], $0x80, s2, s14, $0xb8;
	[tilespmem:$0xA200] =	vst v63  }
0x588: {  	_ = 	snop  }
0x589: {  	[tilespmem:s8], [sflag:$0x2] =	stream.indirect.gather [hbm4b:s4+s14], $0x80, s13, s14, $0xb8;
	[tilespmem:$0xA200] =	vst v63  }
0x58a: {  	_ =	swait.ge [sflag:s15], $0x5000  }
0x58b: {  	s1 =	sld [smem:$0x7EB]  }
0x58c: {  	[sflag:s15] =	ssyncset.done $0x0  }
0x58d: {  	[sflag:s15] =	ssyncadd.s32 $0xFFFFB000  }
0x58e: {  	[hbm4b:s1+s2] =	stream.linear.scatter [tilespmem:s12], [sflag:$0x3], $0x5000, $0x38;
	[tilespmem:$0xA200] =	vst v63  }
0x58f: {  	_ =	swait.ge [sflag:s5], $0x5000  }
0x590: {  	[sflag:s5] =	ssyncset.done $0x0  }
0x591: {  	[sflag:s5] =	ssyncadd.s32 $0xFFFFB000  }
0x592: {  	_ =	swait.ge [sflag:s10], $0x5000  }
0x593: {  	s1 =	sld [smem:$0x7EC]  }
0x594: {  	[sflag:s10] =	ssyncset.done $0x0  }
0x595: {  	[sflag:s10] =	ssyncadd.s32 $0xFFFFB000  }
0x596: {  	[hbm4b:s1+s2] =	stream.linear.scatter [tilespmem:s8], [sflag:$0x3], $0x5000, $0x38;
	[tilespmem:$0xA200] =	vst v63  }
0x597: {  	_ =	swait.ge [sflag:s5], $0x5000  }
0x598: {  	s1 =	sld [smem:$0x7ED]  }
0x599: {  	[sflag:s5] =	ssyncset.done $0x0  }
0x59a: {  	[sflag:s5] =	ssyncadd.s32 $0xFFFFB000  }
0x59b: {  	[tilespmem:s2], [sflag:$0x3] =	stream.linear.gather [hbm4b:s1+s2], $0xA0, $0x38;
	[tilespmem:$0xA200] =	vst v63  }
0x59c: {  	_ =	swait.ge [sflag:s5], $0xA0  }
0x59d: {  	s1 =	sld [smem:$0x7EE]  }
0x59e: {  	[sflag:s5] =	ssyncset.done $0x0  }
0x59f: {  	[sflag:s5] =	ssyncadd.s32 $0xFFFFFF60  }
0x5a0: {  	[tilespmem:s13], [sflag:$0x3] =	stream.linear.gather [hbm4b:s1+s2], $0xA0, $0x38;
	[tilespmem:$0xA200] =	vst v63  }
0x5a1: {  	_ =	swait.ge [sflag:s5], $0xA0  }
0x5a2: {  	[sflag:s5] =	ssyncset.done $0x0  }
0x5a3: {  	[sflag:s5] =	ssyncadd.s32 $0xFFFFFF60  }
0x5a4: {  	[tilespmem:s12], [sflag:$0x1] =	stream.indirect.gather [hbm4b:s3+s14], $0x80, s2, s14, $0xb8;
	[tilespmem:$0xA200] =	vst v63  }
0x5a5: {  	_ = 	snop  }
0x5a6: {  	[tilespmem:s8], [sflag:$0x2] =	stream.indirect.gather [hbm4b:s4+s14], $0x80, s13, s14, $0xb8;
	[tilespmem:$0xA200] =	vst v63  }
0x5a7: {  	_ =	swait.ge [sflag:s15], $0x5000  }
0x5a8: {  	s1 =	sld [smem:$0x7EF]  }
0x5a9: {  	[sflag:s15] =	ssyncset.done $0x0  }
0x5aa: {  	[sflag:s15] =	ssyncadd.s32 $0xFFFFB000  }
0x5ab: {  	[hbm4b:s1+s2] =	stream.linear.scatter [tilespmem:s12], [sflag:$0x3], $0x5000, $0x38;
	[tilespmem:$0xA200] =	vst v63  }
0x5ac: {  	_ =	swait.ge [sflag:s5], $0x5000  }
0x5ad: {  	[sflag:s5] =	ssyncset.done $0x0  }
0x5ae: {  	[sflag:s5] =	ssyncadd.s32 $0xFFFFB000  }
0x5af: {  	_ =	swait.ge [sflag:s10], $0x5000  }
0x5b0: {  	s1 =	sld [smem:$0x7F0]  }
0x5b1: {  	[sflag:s10] =	ssyncset.done $0x0  }
0x5b2: {  	[sflag:s10] =	ssyncadd.s32 $0xFFFFB000  }
0x5b3: {  	[hbm4b:s1+s2] =	stream.linear.scatter [tilespmem:s8], [sflag:$0x3], $0x5000, $0x38;
	[tilespmem:$0xA200] =	vst v63  }
0x5b4: {  	_ =	swait.ge [sflag:s5], $0x5000  }
0x5b5: {  	s1 =	sld [smem:$0x7F1]  }
0x5b6: {  	[sflag:s5] =	ssyncset.done $0x0  }
0x5b7: {  	[sflag:s5] =	ssyncadd.s32 $0xFFFFB000  }
0x5b8: {  	[tilespmem:s2], [sflag:$0x3] =	stream.linear.gather [hbm4b:s1+s2], $0xA0, $0x38;
	[tilespmem:$0xA200] =	vst v63  }
0x5b9: {  	_ =	swait.ge [sflag:s5], $0xA0  }
0x5ba: {  	s1 =	sld [smem:$0x7F2]  }
0x5bb: {  	[sflag:s5] =	ssyncset.done $0x0  }
0x5bc: {  	[sflag:s5] =	ssyncadd.s32 $0xFFFFFF60  }
0x5bd: {  	[tilespmem:s13], [sflag:$0x3] =	stream.linear.gather [hbm4b:s1+s2], $0xA0, $0x38;
	[tilespmem:$0xA200] =	vst v63  }
0x5be: {  	_ =	swait.ge [sflag:s5], $0xA0  }
0x5bf: {  	[sflag:s5] =	ssyncset.done $0x0  }
0x5c0: {  	[sflag:s5] =	ssyncadd.s32 $0xFFFFFF60  }
0x5c1: {  	[tilespmem:s12], [sflag:$0x1] =	stream.indirect.gather [hbm4b:s3+s14], $0x80, s2, s14, $0xb8;
	[tilespmem:$0xA200] =	vst v63  }
0x5c2: {  	_ = 	snop  }
0x5c3: {  	[tilespmem:s8], [sflag:$0x2] =	stream.indirect.gather [hbm4b:s4+s14], $0x80, s13, s14, $0xb8;
	[tilespmem:$0xA200] =	vst v63  }
0x5c4: {  	_ =	swait.ge [sflag:s15], $0x5000  }
0x5c5: {  	s1 =	sld [smem:$0x7F3]  }
0x5c6: {  	[sflag:s15] =	ssyncset.done $0x0  }
0x5c7: {  	[sflag:s15] =	ssyncadd.s32 $0xFFFFB000  }
0x5c8: {  	[hbm4b:s1+s2] =	stream.linear.scatter [tilespmem:s12], [sflag:$0x3], $0x5000, $0x38;
	[tilespmem:$0xA200] =	vst v63  }
0x5c9: {  	_ =	swait.ge [sflag:s5], $0x5000  }
0x5ca: {  	[sflag:s5] =	ssyncset.done $0x0  }
0x5cb: {  	[sflag:s5] =	ssyncadd.s32 $0xFFFFB000  }
0x5cc: {  	_ =	swait.ge [sflag:s10], $0x5000  }
0x5cd: {  	s1 =	sld [smem:$0x7F4]  }
0x5ce: {  	[sflag:s10] =	ssyncset.done $0x0  }
0x5cf: {  	[sflag:s10] =	ssyncadd.s32 $0xFFFFB000  }
0x5d0: {  	[hbm4b:s1+s2] =	stream.linear.scatter [tilespmem:s8], [sflag:$0x3], $0x5000, $0x38;
	[tilespmem:$0xA200] =	vst v63  }
0x5d1: {  	_ =	swait.ge [sflag:s5], $0x5000  }
0x5d2: {  	s1 =	sld [smem:$0x7F5]  }
0x5d3: {  	[sflag:s5] =	ssyncset.done $0x0  }
0x5d4: {  	[sflag:s5] =	ssyncadd.s32 $0xFFFFB000  }
0x5d5: {  	[tilespmem:s2], [sflag:$0x3] =	stream.linear.gather [hbm4b:s1+s2], $0xA0, $0x38;
	[tilespmem:$0xA200] =	vst v63  }
0x5d6: {  	_ =	swait.ge [sflag:s5], $0xA0  }
0x5d7: {  	s1 =	sld [smem:$0x7F6]  }
0x5d8: {  	[sflag:s5] =	ssyncset.done $0x0  }
0x5d9: {  	[sflag:s5] =	ssyncadd.s32 $0xFFFFFF60  }
0x5da: {  	[tilespmem:s13], [sflag:$0x3] =	stream.linear.gather [hbm4b:s1+s2], $0xA0, $0x38;
	[tilespmem:$0xA200] =	vst v63  }
0x5db: {  	_ =	swait.ge [sflag:s5], $0xA0  }
0x5dc: {  	[sflag:s5] =	ssyncset.done $0x0  }
0x5dd: {  	[sflag:s5] =	ssyncadd.s32 $0xFFFFFF60  }
0x5de: {  	[tilespmem:s12], [sflag:$0x1] =	stream.indirect.gather [hbm4b:s3+s14], $0x80, s2, s14, $0xb8;
	[tilespmem:$0xA200] =	vst v63  }
0x5df: {  	_ = 	snop  }
0x5e0: {  	[tilespmem:s8], [sflag:$0x2] =	stream.indirect.gather [hbm4b:s4+s14], $0x80, s13, s14, $0xb8;
	[tilespmem:$0xA200] =	vst v63  }
0x5e1: {  	_ =	swait.ge [sflag:s15], $0x5000  }
0x5e2: {  	s1 =	sld [smem:$0x7F7]  }
0x5e3: {  	[sflag:s15] =	ssyncset.done $0x0  }
0x5e4: {  	[sflag:s15] =	ssyncadd.s32 $0xFFFFB000  }
0x5e5: {  	[hbm4b:s1+s2] =	stream.linear.scatter [tilespmem:s12], [sflag:$0x3], $0x5000, $0x38;
	[tilespmem:$0xA200] =	vst v63  }
0x5e6: {  	_ =	swait.ge [sflag:s5], $0x5000  }
0x5e7: {  	[sflag:s5] =	ssyncset.done $0x0  }
0x5e8: {  	[sflag:s5] =	ssyncadd.s32 $0xFFFFB000  }
0x5e9: {  	_ =	swait.ge [sflag:s10], $0x5000  }
0x5ea: {  	s1 =	sld [smem:$0x7F8]  }
0x5eb: {  	[sflag:s10] =	ssyncset.done $0x0  }
0x5ec: {  	[sflag:s10] =	ssyncadd.s32 $0xFFFFB000  }
0x5ed: {  	[hbm4b:s1+s2] =	stream.linear.scatter [tilespmem:s8], [sflag:$0x3], $0x5000, $0x38;
	[tilespmem:$0xA200] =	vst v63  }
0x5ee: {  	_ =	swait.ge [sflag:s5], $0x5000  }
0x5ef: {  	s1 =	sld [smem:$0x7F9]  }
0x5f0: {  	[sflag:s5] =	ssyncset.done $0x0  }
0x5f1: {  	[sflag:s5] =	ssyncadd.s32 $0xFFFFB000  }
0x5f2: {  	[tilespmem:s2], [sflag:$0x3] =	stream.linear.gather [hbm4b:s1+s2], $0xA0, $0x38;
	[tilespmem:$0xA200] =	vst v63  }
0x5f3: {  	_ =	swait.ge [sflag:s5], $0xA0  }
0x5f4: {  	s1 =	sld [smem:$0x7FA]  }
0x5f5: {  	[sflag:s5] =	ssyncset.done $0x0  }
0x5f6: {  	[sflag:s5] =	ssyncadd.s32 $0xFFFFFF60  }
0x5f7: {  	[tilespmem:s13], [sflag:$0x3] =	stream.linear.gather [hbm4b:s1+s2], $0xA0, $0x38;
	[tilespmem:$0xA200] =	vst v63  }
0x5f8: {  	_ =	swait.ge [sflag:s5], $0xA0  }
0x5f9: {  	[sflag:s5] =	ssyncset.done $0x0  }
0x5fa: {  	[sflag:s5] =	ssyncadd.s32 $0xFFFFFF60  }
0x5fb: {  	[tilespmem:s12], [sflag:$0x1] =	stream.indirect.gather [hbm4b:s3+s14], $0x80, s2, s14, $0xb8;
	[tilespmem:$0xA200] =	vst v63  }
0x5fc: {  	_ = 	snop  }
0x5fd: {  	[tilespmem:s8], [sflag:$0x2] =	stream.indirect.gather [hbm4b:s4+s14], $0x80, s13, s14, $0xb8;
	[tilespmem:$0xA200] =	vst v63  }
0x5fe: {  	_ =	swait.ge [sflag:s15], $0x5000  }
0x5ff: {  	s1 =	sld [smem:$0x7FB]  }
0x600: {  	[sflag:s15] =	ssyncset.done $0x0  }
0x601: {  	[sflag:s15] =	ssyncadd.s32 $0xFFFFB000  }
0x602: {  	[hbm4b:s1+s2] =	stream.linear.scatter [tilespmem:s12], [sflag:$0x3], $0x5000, $0x38;
	[tilespmem:$0xA200] =	vst v63  }
0x603: {  	_ =	swait.ge [sflag:s5], $0x5000  }
0x604: {  	[sflag:s5] =	ssyncset.done $0x0  }
0x605: {  	[sflag:s5] =	ssyncadd.s32 $0xFFFFB000  }
0x606: {  	_ =	swait.ge [sflag:s10], $0x5000  }
0x607: {  	s1 =	sld [smem:$0x7FC]  }
0x608: {  	[sflag:s10] =	ssyncset.done $0x0  }
0x609: {  	[sflag:s10] =	ssyncadd.s32 $0xFFFFB000  }
0x60a: {  	[hbm4b:s1+s2] =	stream.linear.scatter [tilespmem:s8], [sflag:$0x3], $0x5000, $0x38;
	[tilespmem:$0xA200] =	vst v63  }
0x60b: {  	_ =	swait.ge [sflag:s5], $0x5000  }
0x60c: {  	s1 =	sld [smem:$0x7FD]  }
0x60d: {  	[sflag:s5] =	ssyncset.done $0x0  }
0x60e: {  	[sflag:s5] =	ssyncadd.s32 $0xFFFFB000  }
0x60f: {  	[tilespmem:s2], [sflag:$0x3] =	stream.linear.gather [hbm4b:s1+s2], $0xA0, $0x38;
	[tilespmem:$0xA200] =	vst v63  }
0x610: {  	_ =	swait.ge [sflag:s5], $0xA0  }
0x611: {  	[sflag:s5] =	ssyncset.done $0x0  }
0x612: {  	[sflag:s5] =	ssyncadd.s32 $0xFFFFFF60  }
0x613: {  	[tilespmem:s13], [sflag:$0x3] =	stream.linear.gather [hbm4b:s31+s2], $0xA0, $0x38;
	[tilespmem:$0xA200] =	vst v63  }
0x614: {  	_ =	swait.ge [sflag:s5], $0xA0  }
0x615: {  	[sflag:s5] =	ssyncset.done $0x0  }
0x616: {  	[sflag:s5] =	ssyncadd.s32 $0xFFFFFF60  }
0x617: {  	[tilespmem:s12], [sflag:$0x1] =	stream.indirect.gather [hbm4b:s3+s14], $0x80, s2, s14, $0xb8;
	[tilespmem:$0xA200] =	vst v63  }
0x618: {  	_ = 	snop  }
0x619: {  	[tilespmem:s8], [sflag:$0x2] =	stream.indirect.gather [hbm4b:s4+s14], $0x80, s13, s14, $0xb8;
	[tilespmem:$0xA200] =	vst v63  }
0x61a: {  	_ =	swait.ge [sflag:s15], $0x5000  }
0x61b: {  	[sflag:s15] =	ssyncset.done $0x0  }
0x61c: {  	[sflag:s15] =	ssyncadd.s32 $0xFFFFB000  }
0x61d: {  	[hbm4b:s30+s2] =	stream.linear.scatter [tilespmem:s12], [sflag:$0x3], $0x5000, $0x38;
	[tilespmem:$0xA200] =	vst v63  }
0x61e: {  	_ =	swait.ge [sflag:s5], $0x5000  }
0x61f: {  	[sflag:s5] =	ssyncset.done $0x0  }
0x620: {  	[sflag:s5] =	ssyncadd.s32 $0xFFFFB000  }
0x621: {  	_ =	swait.ge [sflag:s10], $0x5000  }
0x622: {  	[sflag:s10] =	ssyncset.done $0x0  }
0x623: {  	[sflag:s10] =	ssyncadd.s32 $0xFFFFB000  }
0x624: {  	[hbm4b:s29+s2] =	stream.linear.scatter [tilespmem:s8], [sflag:$0x3], $0x5000, $0x38;
	[tilespmem:$0xA200] =	vst v63  }
0x625: {  	_ =	swait.ge [sflag:s5], $0x5000  }
0x626: {  	[sflag:s5] =	ssyncset.done $0x0  }
0x627: {  	[sflag:s5] =	ssyncadd.s32 $0xFFFFB000  }
0x628: {  	[tilespmem:s2], [sflag:$0x3] =	stream.linear.gather [hbm4b:s28+s2], $0xA0, $0x38;
	[tilespmem:$0xA200] =	vst v63  }
0x629: {  	_ =	swait.ge [sflag:s5], $0xA0  }
0x62a: {  	[sflag:s5] =	ssyncset.done $0x0  }
0x62b: {  	[sflag:s5] =	ssyncadd.s32 $0xFFFFFF60  }
0x62c: {  	[tilespmem:s13], [sflag:$0x3] =	stream.linear.gather [hbm4b:s26+s2], $0xA0, $0x38;
	[tilespmem:$0xA200] =	vst v63  }
0x62d: {  	_ =	swait.ge [sflag:s5], $0xA0  }
0x62e: {  	[sflag:s5] =	ssyncset.done $0x0  }
0x62f: {  	[sflag:s5] =	ssyncadd.s32 $0xFFFFFF60  }
0x630: {  	[tilespmem:s12], [sflag:$0x1] =	stream.indirect.gather [hbm4b:s3+s14], $0x80, s2, s14, $0xb8;
	[tilespmem:$0xA200] =	vst v63  }
0x631: {  	_ = 	snop  }
0x632: {  	[tilespmem:s8], [sflag:$0x2] =	stream.indirect.gather [hbm4b:s4+s14], $0x80, s13, s14, $0xb8;
	[tilespmem:$0xA200] =	vst v63  }
0x633: {  	_ =	swait.ge [sflag:s15], $0x5000  }
0x634: {  	[sflag:s15] =	ssyncset.done $0x0  }
0x635: {  	[sflag:s15] =	ssyncadd.s32 $0xFFFFB000  }
0x636: {  	[hbm4b:s25+s2] =	stream.linear.scatter [tilespmem:s12], [sflag:$0x3], $0x5000, $0x38;
	[tilespmem:$0xA200] =	vst v63  }
0x637: {  	_ =	swait.ge [sflag:s5], $0x5000  }
0x638: {  	[sflag:s5] =	ssyncset.done $0x0  }
0x639: {  	[sflag:s5] =	ssyncadd.s32 $0xFFFFB000  }
0x63a: {  	_ =	swait.ge [sflag:s10], $0x5000  }
0x63b: {  	[sflag:s10] =	ssyncset.done $0x0  }
0x63c: {  	[sflag:s10] =	ssyncadd.s32 $0xFFFFB000  }
0x63d: {  	[hbm4b:s24+s2] =	stream.linear.scatter [tilespmem:s8], [sflag:$0x3], $0x5000, $0x38;
	[tilespmem:$0xA200] =	vst v63  }
0x63e: {  	_ =	swait.ge [sflag:s5], $0x5000  }
0x63f: {  	[sflag:s5] =	ssyncset.done $0x0  }
0x640: {  	[sflag:s5] =	ssyncadd.s32 $0xFFFFB000  }
0x641: {  	[tilespmem:s2], [sflag:$0x3] =	stream.linear.gather [hbm4b:s23+s2], $0xA0, $0x38;
	[tilespmem:$0xA200] =	vst v63  }
0x642: {  	_ =	swait.ge [sflag:s5], $0xA0  }
0x643: {  	[sflag:s5] =	ssyncset.done $0x0  }
0x644: {  	[sflag:s5] =	ssyncadd.s32 $0xFFFFFF60  }
0x645: {  	[tilespmem:s13], [sflag:$0x3] =	stream.linear.gather [hbm4b:s22+s2], $0xA0, $0x38;
	[tilespmem:$0xA200] =	vst v63  }
0x646: {  	_ =	swait.ge [sflag:s5], $0xA0  }
0x647: {  	[sflag:s5] =	ssyncset.done $0x0  }
0x648: {  	[sflag:s5] =	ssyncadd.s32 $0xFFFFFF60  }
0x649: {  	[tilespmem:s12], [sflag:$0x1] =	stream.indirect.gather [hbm4b:s3+s14], $0x80, s2, s14, $0xb8;
	[tilespmem:$0xA200] =	vst v63  }
0x64a: {  	_ = 	snop  }
0x64b: {  	[tilespmem:s8], [sflag:$0x2] =	stream.indirect.gather [hbm4b:s4+s14], $0x80, s13, s14, $0xb8;
	[tilespmem:$0xA200] =	vst v63  }
0x64c: {  	_ =	swait.ge [sflag:s15], $0x5000  }
0x64d: {  	[sflag:s15] =	ssyncset.done $0x0  }
0x64e: {  	[sflag:s15] =	ssyncadd.s32 $0xFFFFB000  }
0x64f: {  	[hbm4b:s21+s2] =	stream.linear.scatter [tilespmem:s12], [sflag:$0x3], $0x5000, $0x38;
	[tilespmem:$0xA200] =	vst v63  }
0x650: {  	_ =	swait.ge [sflag:s5], $0x5000  }
0x651: {  	[sflag:s5] =	ssyncset.done $0x0  }
0x652: {  	[sflag:s5] =	ssyncadd.s32 $0xFFFFB000  }
0x653: {  	_ =	swait.ge [sflag:s10], $0x5000  }
0x654: {  	[sflag:s10] =	ssyncset.done $0x0  }
0x655: {  	[sflag:s10] =	ssyncadd.s32 $0xFFFFB000  }
0x656: {  	[hbm4b:s20+s2] =	stream.linear.scatter [tilespmem:s8], [sflag:$0x3], $0x5000, $0x38;
	[tilespmem:$0xA200] =	vst v63  }
0x657: {  	_ =	swait.ge [sflag:s5], $0x5000  }
0x658: {  	[sflag:s5] =	ssyncset.done $0x0  }
0x659: {  	[sflag:s5] =	ssyncadd.s32 $0xFFFFB000  }
0x65a: {  	[tilespmem:s2], [sflag:$0x3] =	stream.linear.gather [hbm4b:s19+s2], $0xA0, $0x38;
	[tilespmem:$0xA200] =	vst v63  }
0x65b: {  	_ =	swait.ge [sflag:s5], $0xA0  }
0x65c: {  	[sflag:s5] =	ssyncset.done $0x0  }
0x65d: {  	[sflag:s5] =	ssyncadd.s32 $0xFFFFFF60  }
0x65e: {  	[tilespmem:s13], [sflag:$0x3] =	stream.linear.gather [hbm4b:s18+s2], $0xA0, $0x38;
	[tilespmem:$0xA200] =	vst v63  }
0x65f: {  	_ =	swait.ge [sflag:s5], $0xA0  }
0x660: {  	[sflag:s5] =	ssyncset.done $0x0  }
0x661: {  	[sflag:s5] =	ssyncadd.s32 $0xFFFFFF60  }
0x662: {  	[tilespmem:s12], [sflag:$0x1] =	stream.indirect.gather [hbm4b:s3+s14], $0x80, s2, s14, $0xb8;
	[tilespmem:$0xA200] =	vst v63  }
0x663: {  	_ = 	snop  }
0x664: {  	[tilespmem:s8], [sflag:$0x2] =	stream.indirect.gather [hbm4b:s4+s14], $0x80, s13, s14, $0xb8;
	[tilespmem:$0xA200] =	vst v63  }
0x665: {  	_ =	swait.ge [sflag:s15], $0x5000  }
0x666: {  	[sflag:s15] =	ssyncset.done $0x0  }
0x667: {  	[sflag:s15] =	ssyncadd.s32 $0xFFFFB000  }
0x668: {  	[hbm4b:s17+s2] =	stream.linear.scatter [tilespmem:s12], [sflag:$0x3], $0x5000, $0x38;
	[tilespmem:$0xA200] =	vst v63  }
0x669: {  	_ =	swait.ge [sflag:s5], $0x5000  }
0x66a: {  	[sflag:s5] =	ssyncset.done $0x0  }
0x66b: {  	[sflag:s5] =	ssyncadd.s32 $0xFFFFB000  }
0x66c: {  	_ =	swait.ge [sflag:s10], $0x5000  }
0x66d: {  	[sflag:s10] =	ssyncset.done $0x0  }
0x66e: {  	[sflag:s10] =	ssyncadd.s32 $0xFFFFB000  }
0x66f: {  	[hbm4b:s16+s2] =	stream.linear.scatter [tilespmem:s8], [sflag:$0x3], $0x5000, $0x38;
	[tilespmem:$0xA200] =	vst v63  }
0x670: {  	_ =	swait.ge [sflag:s5], $0x5000  }
0x671: {  	[sflag:s5] =	ssyncset.done $0x0  }
0x672: {  	[sflag:s5] =	ssyncadd.s32 $0xFFFFB000  }
0x673: {  	[tilespmem:s2], [sflag:$0x3] =	stream.linear.gather [hbm4b:s11+s2], $0xA0, $0x38;
	[tilespmem:$0xA200] =	vst v63  }
0x674: {  	_ =	swait.ge [sflag:s5], $0xA0  }
0x675: {  	[sflag:s5] =	ssyncset.done $0x0  }
0x676: {  	[sflag:s5] =	ssyncadd.s32 $0xFFFFFF60  }
0x677: {  	[tilespmem:s13], [sflag:$0x3] =	stream.linear.gather [hbm4b:s9+s2], $0xA0, $0x38;
	[tilespmem:$0xA200] =	vst v63  }
0x678: {  	_ =	swait.ge [sflag:s5], $0xA0  }
0x679: {  	[sflag:s5] =	ssyncset.done $0x0  }
0x67a: {  	[sflag:s5] =	ssyncadd.s32 $0xFFFFFF60  }
0x67b: {  	[tilespmem:s12], [sflag:$0x1] =	stream.indirect.gather [hbm4b:s3+s14], $0x80, s2, s14, $0xb8;
	[tilespmem:$0xA200] =	vst v63  }
0x67c: {  	_ = 	snop  }
0x67d: {  	[tilespmem:s8], [sflag:$0x2] =	stream.indirect.gather [hbm4b:s4+s14], $0x80, s13, s14, $0xb8;
	[tilespmem:$0xA200] =	vst v63  }
0x67e: {  	_ =	swait.ge [sflag:s15], $0x5000  }
0x67f: {  	[sflag:s15] =	ssyncset.done $0x0  }
0x680: {  	[sflag:s15] =	ssyncadd.s32 $0xFFFFB000  }
0x681: {  	[hbm4b:s7+s2] =	stream.linear.scatter [tilespmem:s12], [sflag:$0x3], $0x5000, $0x38;
	[tilespmem:$0xA200] =	vst v63  }
0x682: {  	_ =	swait.ge [sflag:s5], $0x5000  }
0x683: {  	[sflag:s5] =	ssyncset.done $0x0  }
0x684: {  	[sflag:s5] =	ssyncadd.s32 $0xFFFFB000  }
0x685: {  	_ =	swait.ge [sflag:s10], $0x5000  }
0x686: {  	[sflag:s10] =	ssyncset.done $0x0  }
0x687: {  	[sflag:s10] =	ssyncadd.s32 $0xFFFFB000  }
0x688: {  	[hbm4b:s6+s2] =	stream.linear.scatter [tilespmem:s8], [sflag:$0x3], $0x5000, $0x38;
	[tilespmem:$0xA200] =	vst v63  }
0x689: {  	_ =	swait.ge [sflag:s5], $0x5000  }
0x68a: {  	[sflag:s5] =	ssyncset.done $0x0  }
0x68b: {  	[sflag:s5] =	ssyncadd.s32 $0xFFFFB000  }
0x68c: {  	_ =	sfence.sel $0x180000  }
0x68d: {  	[bflag:$0x0] =	sbarrier.arrive $0xFFFF  }
0x68e: {  	_ =	strace $0x90000047  }
0x68f: {  	s31 =	stileid.u32;
	[bflag:$0x2] =	sbarrier.arrive $0xFFFF  }
0x690: {  	p0 =	sne.s32 s31, $0x0;
	s0 =	rddreg [dreg:$0x1]  }
0x691: {  	s0 =	sadd.s32 @!p0 $0x100000, s0  }
0x692: {  	[sflag:s0] =	ssyncadd.tile.s32 @!p0 $0x1;
	_ =	shalt  }
.Lfunc_end2:
_tile_overlayer_lowered:
.L_overlay_start_2:
0x693: {  	(tag) =	ssettag $0x2  }
0x694: {  	s0 =	rddreg [dreg:$0x0];
	s2 =	stileid.u32  }
0x695: {  	s1 =	rddreg [dreg:$0x1];
	p0 =	sne.s32 s2, $0x0  }
0x696: {  	s3 =	rddreg [dreg:$0x2];
	[bflag:$0x3] =	sbarrier.arrive $0xFFFF;
	s2 =	simm.s32 @!p0 $0x1C03  }
0x697: {  	[timem:s3], [sflag:s2] =	dma.local @!p0 [hbm:s0], s1  }
0x698: {  	s0 =	simm.s32 @!p0 $0x3  }
0x699: {  	_ =	swait.ge @!p0 [sflag:s0], s1  }
0x69a: {  	s1 =	ssub.s32 @!p0 $0x0, s1;
	[sflag:s0] =	ssyncset.done @!p0 $0x0  }
0x69b: {  	[sflag:s0] =	ssyncadd.s32 @!p0 s1  }
0x69c: {  	[bflag:$0x3] =	sbarrier.arrive $0xFFFF  }
0x69d: {  	_ =	shalt  }

</sc_bundles>
